<compile_context>
chip_gen: v7x
topology: tpu7x:2x2x1
jax: 0.10.2.dev20260603
libtpu: 0.0.44.dev20260713+nightly
codegen_flags: <defaults>
</compile_context>

<pallas_src>
import functools

import jax
import jax.numpy as jnp
from jax import lax
from jax.experimental import pallas as pl
from jax.experimental.pallas import tpu as pltpu
from jax.experimental.pallas import tpu_sc as plsc

N = 10000
E = 320000
D_NODE = 128
D_EDGE = 16

NC = 2
NS = 16
NW = NC * NS
E2 = 327680
EPW = E2 // NW
NP = 10240
RPT = NP // NS
ZR = 40


def _make_edge_kernel(C, packed_elin):
    D = D_NODE
    G = EPW // C
    CE = C // 4 if packed_elin else C
    mesh = plsc.VectorSubcoreMesh(core_axis_name="c", subcore_axis_name="s",
                                  num_cores=NC, num_subcores=NS)

    scratch = [
        pltpu.VMEM((C,), jnp.int32),
        pltpu.VMEM((C,), jnp.int32),
        pltpu.VMEM((C,), jnp.int32),
        pltpu.VMEM((C,), jnp.int32),
        pltpu.VMEM((C, D), jnp.float32),
        pltpu.VMEM((C, D), jnp.float32),
        pltpu.VMEM((CE, D), jnp.float32),
        pltpu.VMEM((CE, D), jnp.float32),
        pltpu.VMEM((ZR, D), jnp.float32),
        pltpu.VMEM_SHARED((NP, D), jnp.float32),
        pltpu.SemaphoreType.DMA,
        pltpu.SemaphoreType.DMA,
        pltpu.SemaphoreType.DMA,
        pltpu.SemaphoreType.DMA,
        pltpu.SemaphoreType.DMA,
        pltpu.SemaphoreType.DMA,
    ]

    @functools.partial(
        pl.kernel,
        out_type=jax.ShapeDtypeStruct((NC * NP, D), jnp.float32),
        mesh=mesh,
        scratch_types=scratch,
    )
    def edge_kernel(x_hbm, src_hbm, dst_hbm, elin_hbm, out_hbm,
                    src_v0, src_v1, dst_v0, dst_v1, rows_v0, rows_v1,
                    elin_v0, elin_v1, zero_v, aggr_sh,
                    si0, si1, se0, se1, sg0, sg1):
        c = lax.axis_index("c")
        s = lax.axis_index("s")
        nv = D // 16
        src_v = (src_v0, src_v1)
        dst_v = (dst_v0, dst_v1)
        rows_v = (rows_v0, rows_v1)
        elin_v = (elin_v0, elin_v1)
        sem_i = (si0, si1)
        sem_e = (se0, se1)
        sem_g = (sg0, sg1)

        row0 = s * RPT

        def zbody(i, carry):
            for j in range(nv):
                zero_v[i, pl.ds(j * 16, 16)] = jnp.zeros((16,), jnp.float32)
            return carry

        lax.fori_loop(0, ZR, zbody, 0)
        for k in range(RPT // ZR):
            pltpu.sync_copy(zero_v, aggr_sh.at[pl.ds(row0 + k * ZR, ZR)])
        plsc.subcore_barrier()

        wid = c * NS + s
        e0 = wid * EPW
        ee0 = wid * (EPW // 4) if packed_elin else e0
        GL = G - 1

        def fire_idx(b, g):
            base = e0 + g * C
            pltpu.async_copy(src_hbm.at[pl.ds(base, C)], src_v[b], sem_i[b])
            pltpu.async_copy(dst_hbm.at[pl.ds(base, C)], dst_v[b], sem_i[b])

        def wait_idx(b):
            pltpu.make_async_copy(src_hbm.at[pl.ds(0, C)], src_v[b],
                                  sem_i[b]).wait()
            pltpu.make_async_copy(dst_hbm.at[pl.ds(0, C)], dst_v[b],
                                  sem_i[b]).wait()

        def fire_elin(b, g):
            base = ee0 + g * CE
            pltpu.async_copy(elin_hbm.at[pl.ds(base, CE)], elin_v[b],
                             sem_e[b])

        def wait_elin(b):
            pltpu.make_async_copy(elin_hbm.at[pl.ds(0, CE)], elin_v[b],
                                  sem_e[b]).wait()

        def fire_gather(b):
            pltpu.async_copy(x_hbm.at[src_v[b]], rows_v[b], sem_g[b])

        def wait_gather(b):
            pltpu.make_async_copy(x_hbm.at[src_v[b]], rows_v[b],
                                  sem_g[b]).wait()

        def relu_scatter(b):
            if packed_elin:
                def rbody(r4, carry2):
                    for q in range(4):
                        r = r4 * 4 + q
                        for j in range(2):
                            slr = pl.ds(j * 16, 16)
                            sle = pl.ds(q * 32 + j * 16, 16)
                            rows_v[b][r, slr] = jnp.maximum(
                                rows_v[b][r, slr] + elin_v[b][r4, sle], 0.0)
                    return carry2

                lax.fori_loop(0, C // 4, rbody, 0)
            else:
                def rbody(r, carry2):
                    for j in range(nv):
                        sl = pl.ds(j * 16, 16)
                        rows_v[b][r, sl] = jnp.maximum(
                            rows_v[b][r, sl] + elin_v[b][r, sl], 0.0)
                    return carry2

                lax.fori_loop(0, C, rbody, 0)
            pltpu.sync_copy(rows_v[b], aggr_sh.at[dst_v[b]], add=True)

        fire_idx(0, 0)
        fire_idx(1, 1)
        fire_elin(0, 0)
        fire_elin(1, 1)
        wait_idx(0)
        fire_gather(0)

        def step(b, g):
            nb = 1 - b
            wait_gather(b)
            wait_elin(b)
            wait_idx(nb)
            fire_gather(nb)
            relu_scatter(b)
            nxt = lax.min(g + 2, GL)
            fire_idx(b, nxt)
            fire_elin(b, nxt)

        def pbody(k, carry):
            g = 2 * k
            step(0, g)
            step(1, g + 1)
            return carry

        lax.fori_loop(0, G // 2, pbody, 0)

        wait_gather(0)
        wait_idx(1)
        wait_elin(0)
        wait_elin(1)

        plsc.subcore_barrier()

        for k in range(RPT // ZR):
            pltpu.sync_copy(aggr_sh.at[pl.ds(row0 + k * ZR, ZR)], zero_v)
            pltpu.sync_copy(zero_v,
                            out_hbm.at[pl.ds(c * NP + row0 + k * ZR, ZR)])

    return edge_kernel


_edge_kernel_wide = _make_edge_kernel(80, packed_elin=False)



_BE = 5120


def _elin_body(ea_ref, We1_ref, be1_ref, W2p_ref, b2p_ref, o1_ref, o2_ref):
    o1_ref[...] = (jnp.dot(ea_ref[...], We1_ref[...],
                           preferred_element_type=jnp.float32)
                   + be1_ref[...])
    o2_ref[...] = (jnp.dot(ea_ref[...], W2p_ref[...],
                           preferred_element_type=jnp.float32)
                   + b2p_ref[...])


def _elin(ea, We1, be1, We2, be2):
    W2p = jnp.pad(We2, ((0, 0), (0, D_NODE - 32)))
    b2p = jnp.pad(be2, (0, D_NODE - 32))
    grid = (E2 // _BE,)
    return pl.pallas_call(
        _elin_body,
        grid=grid,
        in_specs=[
            pl.BlockSpec((_BE, D_EDGE), lambda i: (i, 0)),
            pl.BlockSpec((D_EDGE, D_NODE), lambda i: (0, 0)),
            pl.BlockSpec((1, D_NODE), lambda i: (0, 0)),
            pl.BlockSpec((D_EDGE, D_NODE), lambda i: (0, 0)),
            pl.BlockSpec((1, D_NODE), lambda i: (0, 0)),
        ],
        out_specs=[
            pl.BlockSpec((_BE, D_NODE), lambda i: (i, 0)),
            pl.BlockSpec((_BE, D_NODE), lambda i: (i, 0)),
        ],
        out_shape=[
            jax.ShapeDtypeStruct((E2, D_NODE), jnp.float32),
            jax.ShapeDtypeStruct((E2, D_NODE), jnp.float32),
        ],
    )(ea, We1, be1.reshape(1, -1), W2p, b2p.reshape(1, -1))


def _bn_gelu(t, g, b):
    mu = jnp.mean(t, axis=0, keepdims=True)
    var = jnp.mean(jnp.square(t), axis=0, keepdims=True) - jnp.square(mu)
    t = (t - mu) * lax.rsqrt(var + 1e-5) * g + b
    return 0.5 * t * (1.0 + lax.erf(t * 0.7071067811865476))


def _node1_body(x_ref, p_ref, eps_ref, W1a_ref, b1a_ref, g1a_ref, bt1a_ref,
                W1b_ref, b1b_ref, gbn1_ref, bbn1_ref, o_ref):
    x = x_ref[...]
    z = (1.0 + eps_ref[0]) * x + p_ref[0:N] + p_ref[NP:NP + N]
    t = jnp.dot(z, W1a_ref[...], preferred_element_type=jnp.float32)
    t = t + b1a_ref[...]
    t = _bn_gelu(t, g1a_ref[...], bt1a_ref[...])
    t = jnp.dot(t, W1b_ref[...], preferred_element_type=jnp.float32)
    t = t + b1b_ref[...]
    r = _bn_gelu(t, gbn1_ref[...], bbn1_ref[...])
    r = jnp.concatenate([r, jnp.zeros((N, D_NODE - 32), jnp.float32)], axis=1)
    o_ref[...] = jnp.concatenate(
        [r, jnp.zeros((NP - N, D_NODE), jnp.float32)], axis=0)


def _node1(x, p, eps1, W1a, b1a, g1a, bt1a, W1b, b1b, gbn1, bbn1):
    return pl.pallas_call(
        _node1_body,
        in_specs=[
            pl.BlockSpec(memory_space=pltpu.VMEM),
            pl.BlockSpec(memory_space=pltpu.VMEM),
            pl.BlockSpec(memory_space=pltpu.SMEM),
            pl.BlockSpec(memory_space=pltpu.VMEM),
            pl.BlockSpec(memory_space=pltpu.VMEM),
            pl.BlockSpec(memory_space=pltpu.VMEM),
            pl.BlockSpec(memory_space=pltpu.VMEM),
            pl.BlockSpec(memory_space=pltpu.VMEM),
            pl.BlockSpec(memory_space=pltpu.VMEM),
            pl.BlockSpec(memory_space=pltpu.VMEM),
            pl.BlockSpec(memory_space=pltpu.VMEM),
        ],
        out_shape=jax.ShapeDtypeStruct((NP, D_NODE), jnp.float32),
    )(x, p, eps1.reshape(1), W1a, b1a.reshape(1, -1), g1a.reshape(1, -1),
      bt1a.reshape(1, -1), W1b, b1b.reshape(1, -1), gbn1.reshape(1, -1),
      bbn1.reshape(1, -1))


def _node2_body(h_ref, p_ref, eps_ref, W2a_ref, b2a_ref, g2a_ref, bt2a_ref,
                W2b_ref, b2b_ref, gbn2_ref, bbn2_ref, W3_ref, b3_ref, o_ref):
    h = h_ref[0:N, 0:32]
    z = (1.0 + eps_ref[0]) * h + p_ref[0:N, 0:32] + p_ref[NP:NP + N, 0:32]
    t = jnp.dot(z, W2a_ref[...], preferred_element_type=jnp.float32)
    t = t + b2a_ref[...]
    t = _bn_gelu(t, g2a_ref[...], bt2a_ref[...])
    t = jnp.dot(t, W2b_ref[...], preferred_element_type=jnp.float32)
    t = t + b2b_ref[...]
    t = _bn_gelu(t, gbn2_ref[...], bbn2_ref[...])
    o_ref[...] = (jnp.dot(t, W3_ref[...],
                          preferred_element_type=jnp.float32)
                  + b3_ref[...])


def _node2(h, p, eps2, W2a, b2a, g2a, bt2a, W2b, b2b, gbn2, bbn2, W3, b3):
    return pl.pallas_call(
        _node2_body,
        in_specs=[pl.BlockSpec(memory_space=pltpu.VMEM),
                  pl.BlockSpec(memory_space=pltpu.VMEM),
                  pl.BlockSpec(memory_space=pltpu.SMEM)] +
                 [pl.BlockSpec(memory_space=pltpu.VMEM)] * 10,
        out_shape=jax.ShapeDtypeStruct((N, 64), jnp.float32),
    )(h, p, eps2.reshape(1), W2a, b2a.reshape(1, -1), g2a.reshape(1, -1),
      bt2a.reshape(1, -1), W2b, b2b.reshape(1, -1), gbn2.reshape(1, -1),
      bbn2.reshape(1, -1), W3, b3.reshape(1, -1))


def kernel(x, edge_index, edge_attr, eps1, We1, be1, W1a, b1a, g1a, bt1a,
           W1b, b1b, gbn1, bbn1, eps2, We2, be2, W2a, b2a, g2a, bt2a,
           W2b, b2b, gbn2, bbn2, W3, b3):
    pad = E2 - E
    ar = jnp.arange(pad, dtype=jnp.int32)
    src = jnp.concatenate([edge_index[0], ar % N])
    dst = jnp.concatenate([edge_index[1], N + ar % (NP - N)])
    ea = jnp.pad(edge_attr, ((0, pad), (0, 0)))

    elin1, elin2 = _elin(ea, We1, be1, We2, be2)

    p1 = _edge_kernel_wide(x, src, dst, elin1)
    h = _node1(x, p1, eps1, W1a, b1a, g1a, bt1a, W1b, b1b, gbn1, bbn1)

    p2 = _edge_kernel_wide(h, src, dst, elin2)
    return _node2(h, p2, eps2, W2a, b2a, g2a, bt2a, W2b, b2b, gbn2, bbn2,
                  W3, b3)

# --- scband reference (transcript-rebuilt; emitter-appended) ---
"""Pipeline reference for scband-gnnlatent-net-27797028339767 (READ-ONLY COPY).

The authoritative reference and input builder live on the scoring server;
editing this copy changes nothing except your own understanding.
"""

import jax, jax.numpy as jnp
import numpy as np

N = 10000
E = 320000
D_NODE = 128
D_EDGE = 16


def setup_inputs(seed: int = 0) -> dict:
    key = jax.random.key(seed)
    ks = jax.random.split(key, 16)
    inp = {}
    inp["x"] = jax.random.normal(ks[0], (N, D_NODE), dtype=jnp.float32)
    inp["edge_index"] = jax.random.randint(ks[1], (2, E), 0, N, dtype=jnp.int32)
    inp["edge_attr"] = jax.random.normal(ks[2], (E, D_EDGE), dtype=jnp.float32)
    # GINEConv layer 1 (in=128 -> nn1: 128->32->32)
    inp["eps1"] = jnp.zeros((), dtype=jnp.float32)
    inp["We1"] = jax.random.normal(ks[3], (D_EDGE, D_NODE), dtype=jnp.float32) * 0.1
    inp["be1"] = jnp.zeros((D_NODE,), dtype=jnp.float32)
    inp["W1a"] = jax.random.normal(ks[4], (D_NODE, 32), dtype=jnp.float32) * 0.1
    inp["b1a"] = jnp.zeros((32,), dtype=jnp.float32)
    inp["g1a"] = jnp.ones((32,), dtype=jnp.float32)
    inp["bt1a"] = jnp.zeros((32,), dtype=jnp.float32)
    inp["W1b"] = jax.random.normal(ks[5], (32, 32), dtype=jnp.float32) * 0.1
    inp["b1b"] = jnp.zeros((32,), dtype=jnp.float32)
    inp["gbn1"] = jnp.ones((32,), dtype=jnp.float32)
    inp["bbn1"] = jnp.zeros((32,), dtype=jnp.float32)
    # GINEConv layer 2 (in=32 -> nn2: 32->64->64)
    inp["eps2"] = jnp.zeros((), dtype=jnp.float32)
    inp["We2"] = jax.random.normal(ks[6], (D_EDGE, 32), dtype=jnp.float32) * 0.1
    inp["be2"] = jnp.zeros((32,), dtype=jnp.float32)
    inp["W2a"] = jax.random.normal(ks[7], (32, 64), dtype=jnp.float32) * 0.1
    inp["b2a"] = jnp.zeros((64,), dtype=jnp.float32)
    inp["g2a"] = jnp.ones((64,), dtype=jnp.float32)
    inp["bt2a"] = jnp.zeros((64,), dtype=jnp.float32)
    inp["W2b"] = jax.random.normal(ks[8], (64, 64), dtype=jnp.float32) * 0.1
    inp["b2b"] = jnp.zeros((64,), dtype=jnp.float32)
    inp["gbn2"] = jnp.ones((64,), dtype=jnp.float32)
    inp["bbn2"] = jnp.zeros((64,), dtype=jnp.float32)
    # final linear 64->64
    inp["W3"] = jax.random.normal(ks[9], (64, 64), dtype=jnp.float32) * 0.1
    inp["b3"] = jnp.zeros((64,), dtype=jnp.float32)
    return inp


def _bn(x, g, b):
    # BatchNorm1d in training mode: batch statistics, biased variance, eps=1e-5
    mu = jnp.mean(x, axis=0)
    var = jnp.var(x, axis=0)
    return (x - mu) / jnp.sqrt(var + 1e-5) * g + b


def _gine(x, src, dst, edge_attr, eps, We, be, nn_fn):
    # GINEConv: out = nn((1+eps)*x + sum_j relu(x_j + edge_lin(e_ij)))
    m = jax.nn.relu(x[src] + edge_attr @ We + be)
    aggr = jax.ops.segment_sum(m, dst, num_segments=N)
    return nn_fn((1.0 + eps) * x + aggr)


def reference(x, edge_index, edge_attr, eps1, We1, be1, W1a, b1a, g1a, bt1a, W1b, b1b, gbn1, bbn1, eps2, We2, be2, W2a, b2a, g2a, bt2a, W2b, b2b, gbn2, bbn2, W3, b3):
    src = edge_index[0]
    dst = edge_index[1]

    def nn1(h):
        h = h @ W1a + b1a
        h = _bn(h, g1a, bt1a)
        h = jax.nn.gelu(h, approximate=False)
        return h @ W1b + b1b

    def nn2(h):
        h = h @ W2a + b2a
        h = _bn(h, g2a, bt2a)
        h = jax.nn.gelu(h, approximate=False)
        return h @ W2b + b2b

    h = _gine(x, src, dst, edge_attr, eps1, We1, be1, nn1)
    h = _bn(h, gbn1, bbn1)
    h = jax.nn.gelu(h, approximate=False)
    h = _gine(h, src, dst, edge_attr, eps2, We2, be2, nn2)
    h = _bn(h, gbn2, bbn2)
    h = jax.nn.gelu(h, approximate=False)
    h = h @ W3 + b3
    return h

if __name__ == "__main__":
    import jax
    _d = setup_inputs()
    print(jax.jit(kernel)(*tuple(_d.values())))

</pallas_src>

<mosaic_0001>
#map = affine_map<(d0, d1) -> (0, 0)>
#map1 = affine_map<(d0, d1) -> (0)>
module attributes {stable_mosaic.version = 14 : i64} {
  func.func @edge_kernel(%arg0: i32, %arg1: i32, %arg2: memref<10240x128xf32, #tpu.memory_space<hbm>>, %arg3: memref<327680xi32, #tpu.memory_space<hbm>>, %arg4: memref<327680xi32, #tpu.memory_space<hbm>>, %arg5: memref<327680x128xf32, #tpu.memory_space<hbm>>, %arg6: memref<20480x128xf32, #tpu.memory_space<hbm>>, %arg7: memref<80xi32, #tpu.memory_space<vmem>>, %arg8: memref<80xi32, #tpu.memory_space<vmem>>, %arg9: memref<80xi32, #tpu.memory_space<vmem>>, %arg10: memref<80xi32, #tpu.memory_space<vmem>>, %arg11: memref<80x128xf32, #tpu.memory_space<vmem>>, %arg12: memref<80x128xf32, #tpu.memory_space<vmem>>, %arg13: memref<80x128xf32, #tpu.memory_space<vmem>>, %arg14: memref<80x128xf32, #tpu.memory_space<vmem>>, %arg15: memref<40x128xf32, #tpu.memory_space<vmem>>, %arg16: memref<10240x128xf32, #tpu.memory_space<vmem_shared>>, %arg17: memref<!tpu.dma_semaphore, #tpu.memory_space<semaphore_mem>>, %arg18: memref<!tpu.dma_semaphore, #tpu.memory_space<semaphore_mem>>, %arg19: memref<!tpu.dma_semaphore, #tpu.memory_space<semaphore_mem>>, %arg20: memref<!tpu.dma_semaphore, #tpu.memory_space<semaphore_mem>>, %arg21: memref<!tpu.dma_semaphore, #tpu.memory_space<semaphore_mem>>, %arg22: memref<!tpu.dma_semaphore, #tpu.memory_space<semaphore_mem>>) attributes {dimension_semantics = [#tpu.dimension_semantics<core_parallel>, #tpu.dimension_semantics<subcore_parallel>], iteration_bounds = array<i64: 2, 16>, scalar_prefetch = 0 : i64, scratch_operands = 16 : i64, tpu.core_type = #tpu.core_type<sc_vector_subcore>, window_params = [{transform_indices = #map}, {transform_indices = #map1}, {transform_indices = #map1}, {transform_indices = #map}, {transform_indices = #map}]} {
    %mul3A = arith.constant 640 : i32
    %mul3A_0 = arith.muli %arg1, %mul3A : i32
    %scan3A = arith.constant 0 : i32
    %scan3A_1 = arith.constant 0 : i32
    %scan3A_2 = arith.constant 40 : i32
    %scan3A_3 = arith.addi %scan3A_1, %scan3A_2 : i32
    %scan3A_4 = arith.constant 1 : i32
    scf.for %scan3A_217 = %scan3A_1 to %scan3A_3 step %scan3A_4  : i32 {
      %broadcast_in_dim3A = arith.constant 0.000000e+00 : f32
      %broadcast_in_dim3A_218 = vector.broadcast %broadcast_in_dim3A : f32 to vector<16xf32>
      %swap3A = arith.index_cast %scan3A_217 : i32 to index
      %swap3A_219 = arith.constant 0 : index
      %swap3A_220 = tpu.vector_load %arg15[%swap3A, %swap3A_219] {strides = array<i32>} : memref<40x128xf32, #tpu.memory_space<vmem>>, vector<1x16xf32>,
      %swap3A_221 = vector.shape_cast %swap3A_220 : vector<1x16xf32> to vector<16xf32>
      %swap3A_222 = vector.shape_cast %broadcast_in_dim3A_218 : vector<16xf32> to vector<1x16xf32>
      tpu.vector_store %arg15[%swap3A, %swap3A_219], %swap3A_222 {strides = array<i32>} : memref<40x128xf32, #tpu.memory_space<vmem>>, vector<1x16xf32>,
      %broadcast_in_dim3A_223 = arith.constant 0.000000e+00 : f32
      %broadcast_in_dim3A_224 = vector.broadcast %broadcast_in_dim3A_223 : f32 to vector<16xf32>
      %swap3A_225 = arith.index_cast %scan3A_217 : i32 to index
      %swap3A_226 = arith.constant 16 : index
      %swap3A_227 = tpu.vector_load %arg15[%swap3A_225, %swap3A_226] {strides = array<i32>} : memref<40x128xf32, #tpu.memory_space<vmem>>, vector<1x16xf32>,
      %swap3A_228 = vector.shape_cast %swap3A_227 : vector<1x16xf32> to vector<16xf32>
      %swap3A_229 = vector.shape_cast %broadcast_in_dim3A_224 : vector<16xf32> to vector<1x16xf32>
      tpu.vector_store %arg15[%swap3A_225, %swap3A_226], %swap3A_229 {strides = array<i32>} : memref<40x128xf32, #tpu.memory_space<vmem>>, vector<1x16xf32>,
      %broadcast_in_dim3A_230 = arith.constant 0.000000e+00 : f32
      %broadcast_in_dim3A_231 = vector.broadcast %broadcast_in_dim3A_230 : f32 to vector<16xf32>
      %swap3A_232 = arith.index_cast %scan3A_217 : i32 to index
      %swap3A_233 = arith.constant 32 : index
      %swap3A_234 = tpu.vector_load %arg15[%swap3A_232, %swap3A_233] {strides = array<i32>} : memref<40x128xf32, #tpu.memory_space<vmem>>, vector<1x16xf32>,
      %swap3A_235 = vector.shape_cast %swap3A_234 : vector<1x16xf32> to vector<16xf32>
      %swap3A_236 = vector.shape_cast %broadcast_in_dim3A_231 : vector<16xf32> to vector<1x16xf32>
      tpu.vector_store %arg15[%swap3A_232, %swap3A_233], %swap3A_236 {strides = array<i32>} : memref<40x128xf32, #tpu.memory_space<vmem>>, vector<1x16xf32>,
      %broadcast_in_dim3A_237 = arith.constant 0.000000e+00 : f32
      %broadcast_in_dim3A_238 = vector.broadcast %broadcast_in_dim3A_237 : f32 to vector<16xf32>
      %swap3A_239 = arith.index_cast %scan3A_217 : i32 to index
      %swap3A_240 = arith.constant 48 : index
      %swap3A_241 = tpu.vector_load %arg15[%swap3A_239, %swap3A_240] {strides = array<i32>} : memref<40x128xf32, #tpu.memory_space<vmem>>, vector<1x16xf32>,
      %swap3A_242 = vector.shape_cast %swap3A_241 : vector<1x16xf32> to vector<16xf32>
      %swap3A_243 = vector.shape_cast %broadcast_in_dim3A_238 : vector<16xf32> to vector<1x16xf32>
      tpu.vector_store %arg15[%swap3A_239, %swap3A_240], %swap3A_243 {strides = array<i32>} : memref<40x128xf32, #tpu.memory_space<vmem>>, vector<1x16xf32>,
      %broadcast_in_dim3A_244 = arith.constant 0.000000e+00 : f32
      %broadcast_in_dim3A_245 = vector.broadcast %broadcast_in_dim3A_244 : f32 to vector<16xf32>
      %swap3A_246 = arith.index_cast %scan3A_217 : i32 to index
      %swap3A_247 = arith.constant 64 : index
      %swap3A_248 = tpu.vector_load %arg15[%swap3A_246, %swap3A_247] {strides = array<i32>} : memref<40x128xf32, #tpu.memory_space<vmem>>, vector<1x16xf32>,
      %swap3A_249 = vector.shape_cast %swap3A_248 : vector<1x16xf32> to vector<16xf32>
      %swap3A_250 = vector.shape_cast %broadcast_in_dim3A_245 : vector<16xf32> to vector<1x16xf32>
      tpu.vector_store %arg15[%swap3A_246, %swap3A_247], %swap3A_250 {strides = array<i32>} : memref<40x128xf32, #tpu.memory_space<vmem>>, vector<1x16xf32>,
      %broadcast_in_dim3A_251 = arith.constant 0.000000e+00 : f32
      %broadcast_in_dim3A_252 = vector.broadcast %broadcast_in_dim3A_251 : f32 to vector<16xf32>
      %swap3A_253 = arith.index_cast %scan3A_217 : i32 to index
      %swap3A_254 = arith.constant 80 : index
      %swap3A_255 = tpu.vector_load %arg15[%swap3A_253, %swap3A_254] {strides = array<i32>} : memref<40x128xf32, #tpu.memory_space<vmem>>, vector<1x16xf32>,
      %swap3A_256 = vector.shape_cast %swap3A_255 : vector<1x16xf32> to vector<16xf32>
      %swap3A_257 = vector.shape_cast %broadcast_in_dim3A_252 : vector<16xf32> to vector<1x16xf32>
      tpu.vector_store %arg15[%swap3A_253, %swap3A_254], %swap3A_257 {strides = array<i32>} : memref<40x128xf32, #tpu.memory_space<vmem>>, vector<1x16xf32>,
      %broadcast_in_dim3A_258 = arith.constant 0.000000e+00 : f32
      %broadcast_in_dim3A_259 = vector.broadcast %broadcast_in_dim3A_258 : f32 to vector<16xf32>
      %swap3A_260 = arith.index_cast %scan3A_217 : i32 to index
      %swap3A_261 = arith.constant 96 : index
      %swap3A_262 = tpu.vector_load %arg15[%swap3A_260, %swap3A_261] {strides = array<i32>} : memref<40x128xf32, #tpu.memory_space<vmem>>, vector<1x16xf32>,
      %swap3A_263 = vector.shape_cast %swap3A_262 : vector<1x16xf32> to vector<16xf32>
      %swap3A_264 = vector.shape_cast %broadcast_in_dim3A_259 : vector<16xf32> to vector<1x16xf32>
      tpu.vector_store %arg15[%swap3A_260, %swap3A_261], %swap3A_264 {strides = array<i32>} : memref<40x128xf32, #tpu.memory_space<vmem>>, vector<1x16xf32>,
      %broadcast_in_dim3A_265 = arith.constant 0.000000e+00 : f32
      %broadcast_in_dim3A_266 = vector.broadcast %broadcast_in_dim3A_265 : f32 to vector<16xf32>
      %swap3A_267 = arith.index_cast %scan3A_217 : i32 to index
      %swap3A_268 = arith.constant 112 : index
      %swap3A_269 = tpu.vector_load %arg15[%swap3A_267, %swap3A_268] {strides = array<i32>} : memref<40x128xf32, #tpu.memory_space<vmem>>, vector<1x16xf32>,
      %swap3A_270 = vector.shape_cast %swap3A_269 : vector<1x16xf32> to vector<16xf32>
      %swap3A_271 = vector.shape_cast %broadcast_in_dim3A_266 : vector<16xf32> to vector<1x16xf32>
      tpu.vector_store %arg15[%swap3A_267, %swap3A_268], %swap3A_271 {strides = array<i32>} : memref<40x128xf32, #tpu.memory_space<vmem>>, vector<1x16xf32>,
    }
    %scan3A_5 = arith.constant 40 : i32
    %add3A = arith.constant 0 : i32
    %add3A_6 = arith.addi %mul3A_0, %add3A : i32
    "tpu.region"() ({
      %run_scoped3A = tpu.sem_alloc : memref<!tpu.dma_semaphore, #tpu.memory_space<semaphore_mem>>
      %dma_start3A_217 = arith.constant 0 : i32
      %dma_start3A_218 = tpu.memref_slice %arg16[%add3A_6, %dma_start3A_217] : memref<10240x128xf32, #tpu.memory_space<vmem_shared>> -> memref<40x128xf32, #tpu.memory_space<vmem_shared>>
      %dma_start3A_219 = arith.constant 0 : i32
      %dma_start3A_220 = tpu.memref_slice %arg16[%add3A_6, %dma_start3A_219] : memref<10240x128xf32, #tpu.memory_space<vmem_shared>> -> memref<40x128xf32, #tpu.memory_space<vmem_shared>>
      tpu.enqueue_dma source(%arg15 : memref<40x128xf32, #tpu.memory_space<vmem>>) target(%dma_start3A_220 : memref<40x128xf32, #tpu.memory_space<vmem_shared>>) target_semaphore(%run_scoped3A : memref<!tpu.dma_semaphore, #tpu.memory_space<semaphore_mem>>)
      %dma_wait3A_221 = arith.constant 0 : i32
      %dma_wait3A_222 = tpu.memref_slice %arg16[%add3A_6, %dma_wait3A_221] : memref<10240x128xf32, #tpu.memory_space<vmem_shared>> -> memref<40x128xf32, #tpu.memory_space<vmem_shared>>
      %dma_wait3A_223 = arith.constant 0 : i32
      %dma_wait3A_224 = tpu.memref_slice %arg16[%add3A_6, %dma_wait3A_223] : memref<10240x128xf32, #tpu.memory_space<vmem_shared>> -> memref<40x128xf32, #tpu.memory_space<vmem_shared>>
      tpu.wait_dma2 semaphore(%run_scoped3A : memref<!tpu.dma_semaphore, #tpu.memory_space<semaphore_mem>>) src(%arg15 : memref<40x128xf32, #tpu.memory_space<vmem>>) dst(%dma_wait3A_224 : memref<40x128xf32, #tpu.memory_space<vmem_shared>>)
      tpu.yield
    }) : () -> ()
    %add3A_7 = arith.constant 40 : i32
    %add3A_8 = arith.addi %mul3A_0, %add3A_7 : i32
    "tpu.region"() ({
      %run_scoped3A = tpu.sem_alloc : memref<!tpu.dma_semaphore, #tpu.memory_space<semaphore_mem>>
      %dma_start3A_217 = arith.constant 0 : i32
      %dma_start3A_218 = tpu.memref_slice %arg16[%add3A_8, %dma_start3A_217] : memref<10240x128xf32, #tpu.memory_space<vmem_shared>> -> memref<40x128xf32, #tpu.memory_space<vmem_shared>>
      %dma_start3A_219 = arith.constant 0 : i32
      %dma_start3A_220 = tpu.memref_slice %arg16[%add3A_8, %dma_start3A_219] : memref<10240x128xf32, #tpu.memory_space<vmem_shared>> -> memref<40x128xf32, #tpu.memory_space<vmem_shared>>
      tpu.enqueue_dma source(%arg15 : memref<40x128xf32, #tpu.memory_space<vmem>>) target(%dma_start3A_220 : memref<40x128xf32, #tpu.memory_space<vmem_shared>>) target_semaphore(%run_scoped3A : memref<!tpu.dma_semaphore, #tpu.memory_space<semaphore_mem>>)
      %dma_wait3A_221 = arith.constant 0 : i32
      %dma_wait3A_222 = tpu.memref_slice %arg16[%add3A_8, %dma_wait3A_221] : memref<10240x128xf32, #tpu.memory_space<vmem_shared>> -> memref<40x128xf32, #tpu.memory_space<vmem_shared>>
      %dma_wait3A_223 = arith.constant 0 : i32
      %dma_wait3A_224 = tpu.memref_slice %arg16[%add3A_8, %dma_wait3A_223] : memref<10240x128xf32, #tpu.memory_space<vmem_shared>> -> memref<40x128xf32, #tpu.memory_space<vmem_shared>>
      tpu.wait_dma2 semaphore(%run_scoped3A : memref<!tpu.dma_semaphore, #tpu.memory_space<semaphore_mem>>) src(%arg15 : memref<40x128xf32, #tpu.memory_space<vmem>>) dst(%dma_wait3A_224 : memref<40x128xf32, #tpu.memory_space<vmem_shared>>)
      tpu.yield
    }) : () -> ()
    %add3A_9 = arith.constant 80 : i32
    %add3A_10 = arith.addi %mul3A_0, %add3A_9 : i32
    "tpu.region"() ({
      %run_scoped3A = tpu.sem_alloc : memref<!tpu.dma_semaphore, #tpu.memory_space<semaphore_mem>>
      %dma_start3A_217 = arith.constant 0 : i32
      %dma_start3A_218 = tpu.memref_slice %arg16[%add3A_10, %dma_start3A_217] : memref<10240x128xf32, #tpu.memory_space<vmem_shared>> -> memref<40x128xf32, #tpu.memory_space<vmem_shared>>
      %dma_start3A_219 = arith.constant 0 : i32
      %dma_start3A_220 = tpu.memref_slice %arg16[%add3A_10, %dma_start3A_219] : memref<10240x128xf32, #tpu.memory_space<vmem_shared>> -> memref<40x128xf32, #tpu.memory_space<vmem_shared>>
      tpu.enqueue_dma source(%arg15 : memref<40x128xf32, #tpu.memory_space<vmem>>) target(%dma_start3A_220 : memref<40x128xf32, #tpu.memory_space<vmem_shared>>) target_semaphore(%run_scoped3A : memref<!tpu.dma_semaphore, #tpu.memory_space<semaphore_mem>>)
      %dma_wait3A_221 = arith.constant 0 : i32
      %dma_wait3A_222 = tpu.memref_slice %arg16[%add3A_10, %dma_wait3A_221] : memref<10240x128xf32, #tpu.memory_space<vmem_shared>> -> memref<40x128xf32, #tpu.memory_space<vmem_shared>>
      %dma_wait3A_223 = arith.constant 0 : i32
      %dma_wait3A_224 = tpu.memref_slice %arg16[%add3A_10, %dma_wait3A_223] : memref<10240x128xf32, #tpu.memory_space<vmem_shared>> -> memref<40x128xf32, #tpu.memory_space<vmem_shared>>
      tpu.wait_dma2 semaphore(%run_scoped3A : memref<!tpu.dma_semaphore, #tpu.memory_space<semaphore_mem>>) src(%arg15 : memref<40x128xf32, #tpu.memory_space<vmem>>) dst(%dma_wait3A_224 : memref<40x128xf32, #tpu.memory_space<vmem_shared>>)
      tpu.yield
    }) : () -> ()
    %add3A_11 = arith.constant 120 : i32
    %add3A_12 = arith.addi %mul3A_0, %add3A_11 : i32
    "tpu.region"() ({
      %run_scoped3A = tpu.sem_alloc : memref<!tpu.dma_semaphore, #tpu.memory_space<semaphore_mem>>
      %dma_start3A_217 = arith.constant 0 : i32
      %dma_start3A_218 = tpu.memref_slice %arg16[%add3A_12, %dma_start3A_217] : memref<10240x128xf32, #tpu.memory_space<vmem_shared>> -> memref<40x128xf32, #tpu.memory_space<vmem_shared>>
      %dma_start3A_219 = arith.constant 0 : i32
      %dma_start3A_220 = tpu.memref_slice %arg16[%add3A_12, %dma_start3A_219] : memref<10240x128xf32, #tpu.memory_space<vmem_shared>> -> memref<40x128xf32, #tpu.memory_space<vmem_shared>>
      tpu.enqueue_dma source(%arg15 : memref<40x128xf32, #tpu.memory_space<vmem>>) target(%dma_start3A_220 : memref<40x128xf32, #tpu.memory_space<vmem_shared>>) target_semaphore(%run_scoped3A : memref<!tpu.dma_semaphore, #tpu.memory_space<semaphore_mem>>)
      %dma_wait3A_221 = arith.constant 0 : i32
      %dma_wait3A_222 = tpu.memref_slice %arg16[%add3A_12, %dma_wait3A_221] : memref<10240x128xf32, #tpu.memory_space<vmem_shared>> -> memref<40x128xf32, #tpu.memory_space<vmem_shared>>
      %dma_wait3A_223 = arith.constant 0 : i32
      %dma_wait3A_224 = tpu.memref_slice %arg16[%add3A_12, %dma_wait3A_223] : memref<10240x128xf32, #tpu.memory_space<vmem_shared>> -> memref<40x128xf32, #tpu.memory_space<vmem_shared>>
      tpu.wait_dma2 semaphore(%run_scoped3A : memref<!tpu.dma_semaphore, #tpu.memory_space<semaphore_mem>>) src(%arg15 : memref<40x128xf32, #tpu.memory_space<vmem>>) dst(%dma_wait3A_224 : memref<40x128xf32, #tpu.memory_space<vmem_shared>>)
      tpu.yield
    }) : () -> ()
    %add3A_13 = arith.constant 160 : i32
    %add3A_14 = arith.addi %mul3A_0, %add3A_13 : i32
    "tpu.region"() ({
      %run_scoped3A = tpu.sem_alloc : memref<!tpu.dma_semaphore, #tpu.memory_space<semaphore_mem>>
      %dma_start3A_217 = arith.constant 0 : i32
      %dma_start3A_218 = tpu.memref_slice %arg16[%add3A_14, %dma_start3A_217] : memref<10240x128xf32, #tpu.memory_space<vmem_shared>> -> memref<40x128xf32, #tpu.memory_space<vmem_shared>>
      %dma_start3A_219 = arith.constant 0 : i32
      %dma_start3A_220 = tpu.memref_slice %arg16[%add3A_14, %dma_start3A_219] : memref<10240x128xf32, #tpu.memory_space<vmem_shared>> -> memref<40x128xf32, #tpu.memory_space<vmem_shared>>
      tpu.enqueue_dma source(%arg15 : memref<40x128xf32, #tpu.memory_space<vmem>>) target(%dma_start3A_220 : memref<40x128xf32, #tpu.memory_space<vmem_shared>>) target_semaphore(%run_scoped3A : memref<!tpu.dma_semaphore, #tpu.memory_space<semaphore_mem>>)
      %dma_wait3A_221 = arith.constant 0 : i32
      %dma_wait3A_222 = tpu.memref_slice %arg16[%add3A_14, %dma_wait3A_221] : memref<10240x128xf32, #tpu.memory_space<vmem_shared>> -> memref<40x128xf32, #tpu.memory_space<vmem_shared>>
      %dma_wait3A_223 = arith.constant 0 : i32
      %dma_wait3A_224 = tpu.memref_slice %arg16[%add3A_14, %dma_wait3A_223] : memref<10240x128xf32, #tpu.memory_space<vmem_shared>> -> memref<40x128xf32, #tpu.memory_space<vmem_shared>>
      tpu.wait_dma2 semaphore(%run_scoped3A : memref<!tpu.dma_semaphore, #tpu.memory_space<semaphore_mem>>) src(%arg15 : memref<40x128xf32, #tpu.memory_space<vmem>>) dst(%dma_wait3A_224 : memref<40x128xf32, #tpu.memory_space<vmem_shared>>)
      tpu.yield
    }) : () -> ()
    %add3A_15 = arith.constant 200 : i32
    %add3A_16 = arith.addi %mul3A_0, %add3A_15 : i32
    "tpu.region"() ({
      %run_scoped3A = tpu.sem_alloc : memref<!tpu.dma_semaphore, #tpu.memory_space<semaphore_mem>>
      %dma_start3A_217 = arith.constant 0 : i32
      %dma_start3A_218 = tpu.memref_slice %arg16[%add3A_16, %dma_start3A_217] : memref<10240x128xf32, #tpu.memory_space<vmem_shared>> -> memref<40x128xf32, #tpu.memory_space<vmem_shared>>
      %dma_start3A_219 = arith.constant 0 : i32
      %dma_start3A_220 = tpu.memref_slice %arg16[%add3A_16, %dma_start3A_219] : memref<10240x128xf32, #tpu.memory_space<vmem_shared>> -> memref<40x128xf32, #tpu.memory_space<vmem_shared>>
      tpu.enqueue_dma source(%arg15 : memref<40x128xf32, #tpu.memory_space<vmem>>) target(%dma_start3A_220 : memref<40x128xf32, #tpu.memory_space<vmem_shared>>) target_semaphore(%run_scoped3A : memref<!tpu.dma_semaphore, #tpu.memory_space<semaphore_mem>>)
      %dma_wait3A_221 = arith.constant 0 : i32
      %dma_wait3A_222 = tpu.memref_slice %arg16[%add3A_16, %dma_wait3A_221] : memref<10240x128xf32, #tpu.memory_space<vmem_shared>> -> memref<40x128xf32, #tpu.memory_space<vmem_shared>>
      %dma_wait3A_223 = arith.constant 0 : i32
      %dma_wait3A_224 = tpu.memref_slice %arg16[%add3A_16, %dma_wait3A_223] : memref<10240x128xf32, #tpu.memory_space<vmem_shared>> -> memref<40x128xf32, #tpu.memory_space<vmem_shared>>
      tpu.wait_dma2 semaphore(%run_scoped3A : memref<!tpu.dma_semaphore, #tpu.memory_space<semaphore_mem>>) src(%arg15 : memref<40x128xf32, #tpu.memory_space<vmem>>) dst(%dma_wait3A_224 : memref<40x128xf32, #tpu.memory_space<vmem_shared>>)
      tpu.yield
    }) : () -> ()
    %add3A_17 = arith.constant 240 : i32
    %add3A_18 = arith.addi %mul3A_0, %add3A_17 : i32
    "tpu.region"() ({
      %run_scoped3A = tpu.sem_alloc : memref<!tpu.dma_semaphore, #tpu.memory_space<semaphore_mem>>
      %dma_start3A_217 = arith.constant 0 : i32
      %dma_start3A_218 = tpu.memref_slice %arg16[%add3A_18, %dma_start3A_217] : memref<10240x128xf32, #tpu.memory_space<vmem_shared>> -> memref<40x128xf32, #tpu.memory_space<vmem_shared>>
      %dma_start3A_219 = arith.constant 0 : i32
      %dma_start3A_220 = tpu.memref_slice %arg16[%add3A_18, %dma_start3A_219] : memref<10240x128xf32, #tpu.memory_space<vmem_shared>> -> memref<40x128xf32, #tpu.memory_space<vmem_shared>>
      tpu.enqueue_dma source(%arg15 : memref<40x128xf32, #tpu.memory_space<vmem>>) target(%dma_start3A_220 : memref<40x128xf32, #tpu.memory_space<vmem_shared>>) target_semaphore(%run_scoped3A : memref<!tpu.dma_semaphore, #tpu.memory_space<semaphore_mem>>)
      %dma_wait3A_221 = arith.constant 0 : i32
      %dma_wait3A_222 = tpu.memref_slice %arg16[%add3A_18, %dma_wait3A_221] : memref<10240x128xf32, #tpu.memory_space<vmem_shared>> -> memref<40x128xf32, #tpu.memory_space<vmem_shared>>
      %dma_wait3A_223 = arith.constant 0 : i32
      %dma_wait3A_224 = tpu.memref_slice %arg16[%add3A_18, %dma_wait3A_223] : memref<10240x128xf32, #tpu.memory_space<vmem_shared>> -> memref<40x128xf32, #tpu.memory_space<vmem_shared>>
      tpu.wait_dma2 semaphore(%run_scoped3A : memref<!tpu.dma_semaphore, #tpu.memory_space<semaphore_mem>>) src(%arg15 : memref<40x128xf32, #tpu.memory_space<vmem>>) dst(%dma_wait3A_224 : memref<40x128xf32, #tpu.memory_space<vmem_shared>>)
      tpu.yield
    }) : () -> ()
    %add3A_19 = arith.constant 280 : i32
    %add3A_20 = arith.addi %mul3A_0, %add3A_19 : i32
    "tpu.region"() ({
      %run_scoped3A = tpu.sem_alloc : memref<!tpu.dma_semaphore, #tpu.memory_space<semaphore_mem>>
      %dma_start3A_217 = arith.constant 0 : i32
      %dma_start3A_218 = tpu.memref_slice %arg16[%add3A_20, %dma_start3A_217] : memref<10240x128xf32, #tpu.memory_space<vmem_shared>> -> memref<40x128xf32, #tpu.memory_space<vmem_shared>>
      %dma_start3A_219 = arith.constant 0 : i32
      %dma_start3A_220 = tpu.memref_slice %arg16[%add3A_20, %dma_start3A_219] : memref<10240x128xf32, #tpu.memory_space<vmem_shared>> -> memref<40x128xf32, #tpu.memory_space<vmem_shared>>
      tpu.enqueue_dma source(%arg15 : memref<40x128xf32, #tpu.memory_space<vmem>>) target(%dma_start3A_220 : memref<40x128xf32, #tpu.memory_space<vmem_shared>>) target_semaphore(%run_scoped3A : memref<!tpu.dma_semaphore, #tpu.memory_space<semaphore_mem>>)
      %dma_wait3A_221 = arith.constant 0 : i32
      %dma_wait3A_222 = tpu.memref_slice %arg16[%add3A_20, %dma_wait3A_221] : memref<10240x128xf32, #tpu.memory_space<vmem_shared>> -> memref<40x128xf32, #tpu.memory_space<vmem_shared>>
      %dma_wait3A_223 = arith.constant 0 : i32
      %dma_wait3A_224 = tpu.memref_slice %arg16[%add3A_20, %dma_wait3A_223] : memref<10240x128xf32, #tpu.memory_space<vmem_shared>> -> memref<40x128xf32, #tpu.memory_space<vmem_shared>>
      tpu.wait_dma2 semaphore(%run_scoped3A : memref<!tpu.dma_semaphore, #tpu.memory_space<semaphore_mem>>) src(%arg15 : memref<40x128xf32, #tpu.memory_space<vmem>>) dst(%dma_wait3A_224 : memref<40x128xf32, #tpu.memory_space<vmem_shared>>)
      tpu.yield
    }) : () -> ()
    %add3A_21 = arith.constant 320 : i32
    %add3A_22 = arith.addi %mul3A_0, %add3A_21 : i32
    "tpu.region"() ({
      %run_scoped3A = tpu.sem_alloc : memref<!tpu.dma_semaphore, #tpu.memory_space<semaphore_mem>>
      %dma_start3A_217 = arith.constant 0 : i32
      %dma_start3A_218 = tpu.memref_slice %arg16[%add3A_22, %dma_start3A_217] : memref<10240x128xf32, #tpu.memory_space<vmem_shared>> -> memref<40x128xf32, #tpu.memory_space<vmem_shared>>
      %dma_start3A_219 = arith.constant 0 : i32
      %dma_start3A_220 = tpu.memref_slice %arg16[%add3A_22, %dma_start3A_219] : memref<10240x128xf32, #tpu.memory_space<vmem_shared>> -> memref<40x128xf32, #tpu.memory_space<vmem_shared>>
      tpu.enqueue_dma source(%arg15 : memref<40x128xf32, #tpu.memory_space<vmem>>) target(%dma_start3A_220 : memref<40x128xf32, #tpu.memory_space<vmem_shared>>) target_semaphore(%run_scoped3A : memref<!tpu.dma_semaphore, #tpu.memory_space<semaphore_mem>>)
      %dma_wait3A_221 = arith.constant 0 : i32
      %dma_wait3A_222 = tpu.memref_slice %arg16[%add3A_22, %dma_wait3A_221] : memref<10240x128xf32, #tpu.memory_space<vmem_shared>> -> memref<40x128xf32, #tpu.memory_space<vmem_shared>>
      %dma_wait3A_223 = arith.constant 0 : i32
      %dma_wait3A_224 = tpu.memref_slice %arg16[%add3A_22, %dma_wait3A_223] : memref<10240x128xf32, #tpu.memory_space<vmem_shared>> -> memref<40x128xf32, #tpu.memory_space<vmem_shared>>
      tpu.wait_dma2 semaphore(%run_scoped3A : memref<!tpu.dma_semaphore, #tpu.memory_space<semaphore_mem>>) src(%arg15 : memref<40x128xf32, #tpu.memory_space<vmem>>) dst(%dma_wait3A_224 : memref<40x128xf32, #tpu.memory_space<vmem_shared>>)
      tpu.yield
    }) : () -> ()
    %add3A_23 = arith.constant 360 : i32
    %add3A_24 = arith.addi %mul3A_0, %add3A_23 : i32
    "tpu.region"() ({
      %run_scoped3A = tpu.sem_alloc : memref<!tpu.dma_semaphore, #tpu.memory_space<semaphore_mem>>
      %dma_start3A_217 = arith.constant 0 : i32
      %dma_start3A_218 = tpu.memref_slice %arg16[%add3A_24, %dma_start3A_217] : memref<10240x128xf32, #tpu.memory_space<vmem_shared>> -> memref<40x128xf32, #tpu.memory_space<vmem_shared>>
      %dma_start3A_219 = arith.constant 0 : i32
      %dma_start3A_220 = tpu.memref_slice %arg16[%add3A_24, %dma_start3A_219] : memref<10240x128xf32, #tpu.memory_space<vmem_shared>> -> memref<40x128xf32, #tpu.memory_space<vmem_shared>>
      tpu.enqueue_dma source(%arg15 : memref<40x128xf32, #tpu.memory_space<vmem>>) target(%dma_start3A_220 : memref<40x128xf32, #tpu.memory_space<vmem_shared>>) target_semaphore(%run_scoped3A : memref<!tpu.dma_semaphore, #tpu.memory_space<semaphore_mem>>)
      %dma_wait3A_221 = arith.constant 0 : i32
      %dma_wait3A_222 = tpu.memref_slice %arg16[%add3A_24, %dma_wait3A_221] : memref<10240x128xf32, #tpu.memory_space<vmem_shared>> -> memref<40x128xf32, #tpu.memory_space<vmem_shared>>
      %dma_wait3A_223 = arith.constant 0 : i32
      %dma_wait3A_224 = tpu.memref_slice %arg16[%add3A_24, %dma_wait3A_223] : memref<10240x128xf32, #tpu.memory_space<vmem_shared>> -> memref<40x128xf32, #tpu.memory_space<vmem_shared>>
      tpu.wait_dma2 semaphore(%run_scoped3A : memref<!tpu.dma_semaphore, #tpu.memory_space<semaphore_mem>>) src(%arg15 : memref<40x128xf32, #tpu.memory_space<vmem>>) dst(%dma_wait3A_224 : memref<40x128xf32, #tpu.memory_space<vmem_shared>>)
      tpu.yield
    }) : () -> ()
    %add3A_25 = arith.constant 400 : i32
    %add3A_26 = arith.addi %mul3A_0, %add3A_25 : i32
    "tpu.region"() ({
      %run_scoped3A = tpu.sem_alloc : memref<!tpu.dma_semaphore, #tpu.memory_space<semaphore_mem>>
      %dma_start3A_217 = arith.constant 0 : i32
      %dma_start3A_218 = tpu.memref_slice %arg16[%add3A_26, %dma_start3A_217] : memref<10240x128xf32, #tpu.memory_space<vmem_shared>> -> memref<40x128xf32, #tpu.memory_space<vmem_shared>>
      %dma_start3A_219 = arith.constant 0 : i32
      %dma_start3A_220 = tpu.memref_slice %arg16[%add3A_26, %dma_start3A_219] : memref<10240x128xf32, #tpu.memory_space<vmem_shared>> -> memref<40x128xf32, #tpu.memory_space<vmem_shared>>
      tpu.enqueue_dma source(%arg15 : memref<40x128xf32, #tpu.memory_space<vmem>>) target(%dma_start3A_220 : memref<40x128xf32, #tpu.memory_space<vmem_shared>>) target_semaphore(%run_scoped3A : memref<!tpu.dma_semaphore, #tpu.memory_space<semaphore_mem>>)
      %dma_wait3A_221 = arith.constant 0 : i32
      %dma_wait3A_222 = tpu.memref_slice %arg16[%add3A_26, %dma_wait3A_221] : memref<10240x128xf32, #tpu.memory_space<vmem_shared>> -> memref<40x128xf32, #tpu.memory_space<vmem_shared>>
      %dma_wait3A_223 = arith.constant 0 : i32
      %dma_wait3A_224 = tpu.memref_slice %arg16[%add3A_26, %dma_wait3A_223] : memref<10240x128xf32, #tpu.memory_space<vmem_shared>> -> memref<40x128xf32, #tpu.memory_space<vmem_shared>>
      tpu.wait_dma2 semaphore(%run_scoped3A : memref<!tpu.dma_semaphore, #tpu.memory_space<semaphore_mem>>) src(%arg15 : memref<40x128xf32, #tpu.memory_space<vmem>>) dst(%dma_wait3A_224 : memref<40x128xf32, #tpu.memory_space<vmem_shared>>)
      tpu.yield
    }) : () -> ()
    %add3A_27 = arith.constant 440 : i32
    %add3A_28 = arith.addi %mul3A_0, %add3A_27 : i32
    "tpu.region"() ({
      %run_scoped3A = tpu.sem_alloc : memref<!tpu.dma_semaphore, #tpu.memory_space<semaphore_mem>>
      %dma_start3A_217 = arith.constant 0 : i32
      %dma_start3A_218 = tpu.memref_slice %arg16[%add3A_28, %dma_start3A_217] : memref<10240x128xf32, #tpu.memory_space<vmem_shared>> -> memref<40x128xf32, #tpu.memory_space<vmem_shared>>
      %dma_start3A_219 = arith.constant 0 : i32
      %dma_start3A_220 = tpu.memref_slice %arg16[%add3A_28, %dma_start3A_219] : memref<10240x128xf32, #tpu.memory_space<vmem_shared>> -> memref<40x128xf32, #tpu.memory_space<vmem_shared>>
      tpu.enqueue_dma source(%arg15 : memref<40x128xf32, #tpu.memory_space<vmem>>) target(%dma_start3A_220 : memref<40x128xf32, #tpu.memory_space<vmem_shared>>) target_semaphore(%run_scoped3A : memref<!tpu.dma_semaphore, #tpu.memory_space<semaphore_mem>>)
      %dma_wait3A_221 = arith.constant 0 : i32
      %dma_wait3A_222 = tpu.memref_slice %arg16[%add3A_28, %dma_wait3A_221] : memref<10240x128xf32, #tpu.memory_space<vmem_shared>> -> memref<40x128xf32, #tpu.memory_space<vmem_shared>>
      %dma_wait3A_223 = arith.constant 0 : i32
      %dma_wait3A_224 = tpu.memref_slice %arg16[%add3A_28, %dma_wait3A_223] : memref<10240x128xf32, #tpu.memory_space<vmem_shared>> -> memref<40x128xf32, #tpu.memory_space<vmem_shared>>
      tpu.wait_dma2 semaphore(%run_scoped3A : memref<!tpu.dma_semaphore, #tpu.memory_space<semaphore_mem>>) src(%arg15 : memref<40x128xf32, #tpu.memory_space<vmem>>) dst(%dma_wait3A_224 : memref<40x128xf32, #tpu.memory_space<vmem_shared>>)
      tpu.yield
    }) : () -> ()
    %add3A_29 = arith.constant 480 : i32
    %add3A_30 = arith.addi %mul3A_0, %add3A_29 : i32
    "tpu.region"() ({
      %run_scoped3A = tpu.sem_alloc : memref<!tpu.dma_semaphore, #tpu.memory_space<semaphore_mem>>
      %dma_start3A_217 = arith.constant 0 : i32
      %dma_start3A_218 = tpu.memref_slice %arg16[%add3A_30, %dma_start3A_217] : memref<10240x128xf32, #tpu.memory_space<vmem_shared>> -> memref<40x128xf32, #tpu.memory_space<vmem_shared>>
      %dma_start3A_219 = arith.constant 0 : i32
      %dma_start3A_220 = tpu.memref_slice %arg16[%add3A_30, %dma_start3A_219] : memref<10240x128xf32, #tpu.memory_space<vmem_shared>> -> memref<40x128xf32, #tpu.memory_space<vmem_shared>>
      tpu.enqueue_dma source(%arg15 : memref<40x128xf32, #tpu.memory_space<vmem>>) target(%dma_start3A_220 : memref<40x128xf32, #tpu.memory_space<vmem_shared>>) target_semaphore(%run_scoped3A : memref<!tpu.dma_semaphore, #tpu.memory_space<semaphore_mem>>)
      %dma_wait3A_221 = arith.constant 0 : i32
      %dma_wait3A_222 = tpu.memref_slice %arg16[%add3A_30, %dma_wait3A_221] : memref<10240x128xf32, #tpu.memory_space<vmem_shared>> -> memref<40x128xf32, #tpu.memory_space<vmem_shared>>
      %dma_wait3A_223 = arith.constant 0 : i32
      %dma_wait3A_224 = tpu.memref_slice %arg16[%add3A_30, %dma_wait3A_223] : memref<10240x128xf32, #tpu.memory_space<vmem_shared>> -> memref<40x128xf32, #tpu.memory_space<vmem_shared>>
      tpu.wait_dma2 semaphore(%run_scoped3A : memref<!tpu.dma_semaphore, #tpu.memory_space<semaphore_mem>>) src(%arg15 : memref<40x128xf32, #tpu.memory_space<vmem>>) dst(%dma_wait3A_224 : memref<40x128xf32, #tpu.memory_space<vmem_shared>>)
      tpu.yield
    }) : () -> ()
    %add3A_31 = arith.constant 520 : i32
    %add3A_32 = arith.addi %mul3A_0, %add3A_31 : i32
    "tpu.region"() ({
      %run_scoped3A = tpu.sem_alloc : memref<!tpu.dma_semaphore, #tpu.memory_space<semaphore_mem>>
      %dma_start3A_217 = arith.constant 0 : i32
      %dma_start3A_218 = tpu.memref_slice %arg16[%add3A_32, %dma_start3A_217] : memref<10240x128xf32, #tpu.memory_space<vmem_shared>> -> memref<40x128xf32, #tpu.memory_space<vmem_shared>>
      %dma_start3A_219 = arith.constant 0 : i32
      %dma_start3A_220 = tpu.memref_slice %arg16[%add3A_32, %dma_start3A_219] : memref<10240x128xf32, #tpu.memory_space<vmem_shared>> -> memref<40x128xf32, #tpu.memory_space<vmem_shared>>
      tpu.enqueue_dma source(%arg15 : memref<40x128xf32, #tpu.memory_space<vmem>>) target(%dma_start3A_220 : memref<40x128xf32, #tpu.memory_space<vmem_shared>>) target_semaphore(%run_scoped3A : memref<!tpu.dma_semaphore, #tpu.memory_space<semaphore_mem>>)
      %dma_wait3A_221 = arith.constant 0 : i32
      %dma_wait3A_222 = tpu.memref_slice %arg16[%add3A_32, %dma_wait3A_221] : memref<10240x128xf32, #tpu.memory_space<vmem_shared>> -> memref<40x128xf32, #tpu.memory_space<vmem_shared>>
      %dma_wait3A_223 = arith.constant 0 : i32
      %dma_wait3A_224 = tpu.memref_slice %arg16[%add3A_32, %dma_wait3A_223] : memref<10240x128xf32, #tpu.memory_space<vmem_shared>> -> memref<40x128xf32, #tpu.memory_space<vmem_shared>>
      tpu.wait_dma2 semaphore(%run_scoped3A : memref<!tpu.dma_semaphore, #tpu.memory_space<semaphore_mem>>) src(%arg15 : memref<40x128xf32, #tpu.memory_space<vmem>>) dst(%dma_wait3A_224 : memref<40x128xf32, #tpu.memory_space<vmem_shared>>)
      tpu.yield
    }) : () -> ()
    %add3A_33 = arith.constant 560 : i32
    %add3A_34 = arith.addi %mul3A_0, %add3A_33 : i32
    "tpu.region"() ({
      %run_scoped3A = tpu.sem_alloc : memref<!tpu.dma_semaphore, #tpu.memory_space<semaphore_mem>>
      %dma_start3A_217 = arith.constant 0 : i32
      %dma_start3A_218 = tpu.memref_slice %arg16[%add3A_34, %dma_start3A_217] : memref<10240x128xf32, #tpu.memory_space<vmem_shared>> -> memref<40x128xf32, #tpu.memory_space<vmem_shared>>
      %dma_start3A_219 = arith.constant 0 : i32
      %dma_start3A_220 = tpu.memref_slice %arg16[%add3A_34, %dma_start3A_219] : memref<10240x128xf32, #tpu.memory_space<vmem_shared>> -> memref<40x128xf32, #tpu.memory_space<vmem_shared>>
      tpu.enqueue_dma source(%arg15 : memref<40x128xf32, #tpu.memory_space<vmem>>) target(%dma_start3A_220 : memref<40x128xf32, #tpu.memory_space<vmem_shared>>) target_semaphore(%run_scoped3A : memref<!tpu.dma_semaphore, #tpu.memory_space<semaphore_mem>>)
      %dma_wait3A_221 = arith.constant 0 : i32
      %dma_wait3A_222 = tpu.memref_slice %arg16[%add3A_34, %dma_wait3A_221] : memref<10240x128xf32, #tpu.memory_space<vmem_shared>> -> memref<40x128xf32, #tpu.memory_space<vmem_shared>>
      %dma_wait3A_223 = arith.constant 0 : i32
      %dma_wait3A_224 = tpu.memref_slice %arg16[%add3A_34, %dma_wait3A_223] : memref<10240x128xf32, #tpu.memory_space<vmem_shared>> -> memref<40x128xf32, #tpu.memory_space<vmem_shared>>
      tpu.wait_dma2 semaphore(%run_scoped3A : memref<!tpu.dma_semaphore, #tpu.memory_space<semaphore_mem>>) src(%arg15 : memref<40x128xf32, #tpu.memory_space<vmem>>) dst(%dma_wait3A_224 : memref<40x128xf32, #tpu.memory_space<vmem_shared>>)
      tpu.yield
    }) : () -> ()
    %add3A_35 = arith.constant 600 : i32
    %add3A_36 = arith.addi %mul3A_0, %add3A_35 : i32
    "tpu.region"() ({
      %run_scoped3A = tpu.sem_alloc : memref<!tpu.dma_semaphore, #tpu.memory_space<semaphore_mem>>
      %dma_start3A_217 = arith.constant 0 : i32
      %dma_start3A_218 = tpu.memref_slice %arg16[%add3A_36, %dma_start3A_217] : memref<10240x128xf32, #tpu.memory_space<vmem_shared>> -> memref<40x128xf32, #tpu.memory_space<vmem_shared>>
      %dma_start3A_219 = arith.constant 0 : i32
      %dma_start3A_220 = tpu.memref_slice %arg16[%add3A_36, %dma_start3A_219] : memref<10240x128xf32, #tpu.memory_space<vmem_shared>> -> memref<40x128xf32, #tpu.memory_space<vmem_shared>>
      tpu.enqueue_dma source(%arg15 : memref<40x128xf32, #tpu.memory_space<vmem>>) target(%dma_start3A_220 : memref<40x128xf32, #tpu.memory_space<vmem_shared>>) target_semaphore(%run_scoped3A : memref<!tpu.dma_semaphore, #tpu.memory_space<semaphore_mem>>)
      %dma_wait3A_221 = arith.constant 0 : i32
      %dma_wait3A_222 = tpu.memref_slice %arg16[%add3A_36, %dma_wait3A_221] : memref<10240x128xf32, #tpu.memory_space<vmem_shared>> -> memref<40x128xf32, #tpu.memory_space<vmem_shared>>
      %dma_wait3A_223 = arith.constant 0 : i32
      %dma_wait3A_224 = tpu.memref_slice %arg16[%add3A_36, %dma_wait3A_223] : memref<10240x128xf32, #tpu.memory_space<vmem_shared>> -> memref<40x128xf32, #tpu.memory_space<vmem_shared>>
      tpu.wait_dma2 semaphore(%run_scoped3A : memref<!tpu.dma_semaphore, #tpu.memory_space<semaphore_mem>>) src(%arg15 : memref<40x128xf32, #tpu.memory_space<vmem>>) dst(%dma_wait3A_224 : memref<40x128xf32, #tpu.memory_space<vmem_shared>>)
      tpu.yield
    }) : () -> ()
    %barrier3A = arith.constant 0 : index
    tpu.barrier barrier_id(%barrier3A)
    %mul3A_37 = arith.constant 16 : i32
    %mul3A_38 = arith.muli %arg0, %mul3A_37 : i32
    %add3A_39 = arith.addi %mul3A_38, %arg1 : i32
    %mul3A_40 = arith.constant 10240 : i32
    %mul3A_41 = arith.muli %add3A_39, %mul3A_40 : i32
    %add3A_42 = arith.constant 0 : i32
    %add3A_43 = arith.addi %mul3A_41, %add3A_42 : i32
    %dma_start3A = tpu.memref_slice %arg3[%add3A_43] : memref<327680xi32, #tpu.memory_space<hbm>> -> memref<80xi32, #tpu.memory_space<hbm>>
    %dma_start3A_44 = tpu.memref_slice %arg3[%add3A_43] : memref<327680xi32, #tpu.memory_space<hbm>> -> memref<80xi32, #tpu.memory_space<hbm>>
    tpu.enqueue_dma source(%dma_start3A_44 : memref<80xi32, #tpu.memory_space<hbm>>) target(%arg7 : memref<80xi32, #tpu.memory_space<vmem>>) target_semaphore(%arg17 : memref<!tpu.dma_semaphore, #tpu.memory_space<semaphore_mem>>)
    %dma_start3A_45 = tpu.memref_slice %arg4[%add3A_43] : memref<327680xi32, #tpu.memory_space<hbm>> -> memref<80xi32, #tpu.memory_space<hbm>>
    %dma_start3A_46 = tpu.memref_slice %arg4[%add3A_43] : memref<327680xi32, #tpu.memory_space<hbm>> -> memref<80xi32, #tpu.memory_space<hbm>>
    tpu.enqueue_dma source(%dma_start3A_46 : memref<80xi32, #tpu.memory_space<hbm>>) target(%arg9 : memref<80xi32, #tpu.memory_space<vmem>>) target_semaphore(%arg17 : memref<!tpu.dma_semaphore, #tpu.memory_space<semaphore_mem>>)
    %add3A_47 = arith.constant 80 : i32
    %add3A_48 = arith.addi %mul3A_41, %add3A_47 : i32
    %dma_start3A_49 = tpu.memref_slice %arg3[%add3A_48] : memref<327680xi32, #tpu.memory_space<hbm>> -> memref<80xi32, #tpu.memory_space<hbm>>
    %dma_start3A_50 = tpu.memref_slice %arg3[%add3A_48] : memref<327680xi32, #tpu.memory_space<hbm>> -> memref<80xi32, #tpu.memory_space<hbm>>
    tpu.enqueue_dma source(%dma_start3A_50 : memref<80xi32, #tpu.memory_space<hbm>>) target(%arg8 : memref<80xi32, #tpu.memory_space<vmem>>) target_semaphore(%arg18 : memref<!tpu.dma_semaphore, #tpu.memory_space<semaphore_mem>>)
    %dma_start3A_51 = tpu.memref_slice %arg4[%add3A_48] : memref<327680xi32, #tpu.memory_space<hbm>> -> memref<80xi32, #tpu.memory_space<hbm>>
    %dma_start3A_52 = tpu.memref_slice %arg4[%add3A_48] : memref<327680xi32, #tpu.memory_space<hbm>> -> memref<80xi32, #tpu.memory_space<hbm>>
    tpu.enqueue_dma source(%dma_start3A_52 : memref<80xi32, #tpu.memory_space<hbm>>) target(%arg10 : memref<80xi32, #tpu.memory_space<vmem>>) target_semaphore(%arg18 : memref<!tpu.dma_semaphore, #tpu.memory_space<semaphore_mem>>)
    %add3A_53 = arith.constant 0 : i32
    %add3A_54 = arith.addi %mul3A_41, %add3A_53 : i32
    %dma_start3A_55 = arith.constant 0 : i32
    %dma_start3A_56 = tpu.memref_slice %arg5[%add3A_54, %dma_start3A_55] : memref<327680x128xf32, #tpu.memory_space<hbm>> -> memref<80x128xf32, #tpu.memory_space<hbm>>
    %dma_start3A_57 = arith.constant 0 : i32
    %dma_start3A_58 = tpu.memref_slice %arg5[%add3A_54, %dma_start3A_57] : memref<327680x128xf32, #tpu.memory_space<hbm>> -> memref<80x128xf32, #tpu.memory_space<hbm>>
    tpu.enqueue_dma source(%dma_start3A_58 : memref<80x128xf32, #tpu.memory_space<hbm>>) target(%arg13 : memref<80x128xf32, #tpu.memory_space<vmem>>) target_semaphore(%arg19 : memref<!tpu.dma_semaphore, #tpu.memory_space<semaphore_mem>>)
    %add3A_59 = arith.constant 80 : i32
    %add3A_60 = arith.addi %mul3A_41, %add3A_59 : i32
    %dma_start3A_61 = arith.constant 0 : i32
    %dma_start3A_62 = tpu.memref_slice %arg5[%add3A_60, %dma_start3A_61] : memref<327680x128xf32, #tpu.memory_space<hbm>> -> memref<80x128xf32, #tpu.memory_space<hbm>>
    %dma_start3A_63 = arith.constant 0 : i32
    %dma_start3A_64 = tpu.memref_slice %arg5[%add3A_60, %dma_start3A_63] : memref<327680x128xf32, #tpu.memory_space<hbm>> -> memref<80x128xf32, #tpu.memory_space<hbm>>
    tpu.enqueue_dma source(%dma_start3A_64 : memref<80x128xf32, #tpu.memory_space<hbm>>) target(%arg14 : memref<80x128xf32, #tpu.memory_space<vmem>>) target_semaphore(%arg20 : memref<!tpu.dma_semaphore, #tpu.memory_space<semaphore_mem>>)
    %dma_wait3A = arith.constant 0 : i32
    %dma_wait3A_65 = tpu.memref_slice %arg3[%dma_wait3A] : memref<327680xi32, #tpu.memory_space<hbm>> -> memref<80xi32, #tpu.memory_space<hbm>>
    %dma_wait3A_66 = arith.constant 0 : i32
    %dma_wait3A_67 = tpu.memref_slice %arg3[%dma_wait3A_66] : memref<327680xi32, #tpu.memory_space<hbm>> -> memref<80xi32, #tpu.memory_space<hbm>>
    tpu.wait_dma2 semaphore(%arg17 : memref<!tpu.dma_semaphore, #tpu.memory_space<semaphore_mem>>) src(%dma_wait3A_67 : memref<80xi32, #tpu.memory_space<hbm>>) dst(%arg7 : memref<80xi32, #tpu.memory_space<vmem>>)
    %dma_wait3A_68 = arith.constant 0 : i32
    %dma_wait3A_69 = tpu.memref_slice %arg4[%dma_wait3A_68] : memref<327680xi32, #tpu.memory_space<hbm>> -> memref<80xi32, #tpu.memory_space<hbm>>
    %dma_wait3A_70 = arith.constant 0 : i32
    %dma_wait3A_71 = tpu.memref_slice %arg4[%dma_wait3A_70] : memref<327680xi32, #tpu.memory_space<hbm>> -> memref<80xi32, #tpu.memory_space<hbm>>
    tpu.wait_dma2 semaphore(%arg17 : memref<!tpu.dma_semaphore, #tpu.memory_space<semaphore_mem>>) src(%dma_wait3A_71 : memref<80xi32, #tpu.memory_space<hbm>>) dst(%arg9 : memref<80xi32, #tpu.memory_space<vmem>>)
    %dma_start3A_72 = arith.constant 0 : i32
    %dma_start3A_73 = arith.constant 0 : i32
    %dma_start3A_74 = tpu.memref_slice %arg2[%dma_start3A_72, %dma_start3A_73] : memref<10240x128xf32, #tpu.memory_space<hbm>> -> memref<10240x128xf32, #tpu.memory_space<hbm>>
    tpu.enqueue_indirect_dma source(%dma_start3A_74 : memref<10240x128xf32, #tpu.memory_space<hbm>>) target(%arg11 : memref<80x128xf32, #tpu.memory_space<vmem>>) offsets(%arg7 : memref<80xi32, #tpu.memory_space<vmem>>) semaphore(%arg21 : memref<!tpu.dma_semaphore, #tpu.memory_space<semaphore_mem>>)
    %scan3A_75 = arith.constant 0 : i32
    %scan3A_76 = arith.constant 0 : i32
    %scan3A_77 = arith.constant 64 : i32
    %scan3A_78 = arith.addi %scan3A_76, %scan3A_77 : i32
    %scan3A_79 = arith.constant 1 : i32
    scf.for %scan3A_217 = %scan3A_76 to %scan3A_78 step %scan3A_79  : i32 {
      %mul3A_218 = arith.constant 2 : i32
      %mul3A_219 = arith.muli %mul3A_218, %scan3A_217 : i32
      %dma_wait3A_220 = arith.constant 0 : i32
      %dma_wait3A_221 = arith.constant 0 : i32
      %dma_wait3A_222 = tpu.memref_slice %arg2[%dma_wait3A_220, %dma_wait3A_221] : memref<10240x128xf32, #tpu.memory_space<hbm>> -> memref<10240x128xf32, #tpu.memory_space<hbm>>
      tpu.wait_indirect_dma semaphore(%arg21 : memref<!tpu.dma_semaphore, #tpu.memory_space<semaphore_mem>>) src(%dma_wait3A_222 : memref<10240x128xf32, #tpu.memory_space<hbm>>) dst(%arg11 : memref<80x128xf32, #tpu.memory_space<vmem>>)
      %dma_wait3A_223 = arith.constant 0 : i32
      %dma_wait3A_224 = arith.constant 0 : i32
      %dma_wait3A_225 = tpu.memref_slice %arg5[%dma_wait3A_223, %dma_wait3A_224] : memref<327680x128xf32, #tpu.memory_space<hbm>> -> memref<80x128xf32, #tpu.memory_space<hbm>>
      %dma_wait3A_226 = arith.constant 0 : i32
      %dma_wait3A_227 = arith.constant 0 : i32
      %dma_wait3A_228 = tpu.memref_slice %arg5[%dma_wait3A_226, %dma_wait3A_227] : memref<327680x128xf32, #tpu.memory_space<hbm>> -> memref<80x128xf32, #tpu.memory_space<hbm>>
      tpu.wait_dma2 semaphore(%arg19 : memref<!tpu.dma_semaphore, #tpu.memory_space<semaphore_mem>>) src(%dma_wait3A_228 : memref<80x128xf32, #tpu.memory_space<hbm>>) dst(%arg13 : memref<80x128xf32, #tpu.memory_space<vmem>>)
      %dma_wait3A_229 = arith.constant 0 : i32
      %dma_wait3A_230 = tpu.memref_slice %arg3[%dma_wait3A_229] : memref<327680xi32, #tpu.memory_space<hbm>> -> memref<80xi32, #tpu.memory_space<hbm>>
      %dma_wait3A_231 = arith.constant 0 : i32
      %dma_wait3A_232 = tpu.memref_slice %arg3[%dma_wait3A_231] : memref<327680xi32, #tpu.memory_space<hbm>> -> memref<80xi32, #tpu.memory_space<hbm>>
      tpu.wait_dma2 semaphore(%arg18 : memref<!tpu.dma_semaphore, #tpu.memory_space<semaphore_mem>>) src(%dma_wait3A_232 : memref<80xi32, #tpu.memory_space<hbm>>) dst(%arg8 : memref<80xi32, #tpu.memory_space<vmem>>)
      %dma_wait3A_233 = arith.constant 0 : i32
      %dma_wait3A_234 = tpu.memref_slice %arg4[%dma_wait3A_233] : memref<327680xi32, #tpu.memory_space<hbm>> -> memref<80xi32, #tpu.memory_space<hbm>>
      %dma_wait3A_235 = arith.constant 0 : i32
      %dma_wait3A_236 = tpu.memref_slice %arg4[%dma_wait3A_235] : memref<327680xi32, #tpu.memory_space<hbm>> -> memref<80xi32, #tpu.memory_space<hbm>>
      tpu.wait_dma2 semaphore(%arg18 : memref<!tpu.dma_semaphore, #tpu.memory_space<semaphore_mem>>) src(%dma_wait3A_236 : memref<80xi32, #tpu.memory_space<hbm>>) dst(%arg10 : memref<80xi32, #tpu.memory_space<vmem>>)
      %dma_start3A_237 = arith.constant 0 : i32
      %dma_start3A_238 = arith.constant 0 : i32
      %dma_start3A_239 = tpu.memref_slice %arg2[%dma_start3A_237, %dma_start3A_238] : memref<10240x128xf32, #tpu.memory_space<hbm>> -> memref<10240x128xf32, #tpu.memory_space<hbm>>
      tpu.enqueue_indirect_dma source(%dma_start3A_239 : memref<10240x128xf32, #tpu.memory_space<hbm>>) target(%arg12 : memref<80x128xf32, #tpu.memory_space<vmem>>) offsets(%arg8 : memref<80xi32, #tpu.memory_space<vmem>>) semaphore(%arg22 : memref<!tpu.dma_semaphore, #tpu.memory_space<semaphore_mem>>)
      %scan3A_240 = arith.constant 0 : i32
      %scan3A_241 = arith.constant 0 : i32
      %scan3A_242 = arith.constant 80 : i32
      %scan3A_243 = arith.addi %scan3A_241, %scan3A_242 : i32
      %scan3A_244 = arith.constant 1 : i32
      scf.for %scan3A_309 = %scan3A_241 to %scan3A_243 step %scan3A_244  : i32 {
        %get3A = arith.index_cast %scan3A_309 : i32 to index
        %get3A_310 = arith.constant 0 : index
        %get3A_311 = tpu.vector_load %arg11[%get3A, %get3A_310] {strides = array<i32>} : memref<80x128xf32, #tpu.memory_space<vmem>>, vector<1x16xf32>,
        %get3A_312 = vector.shape_cast %get3A_311 : vector<1x16xf32> to vector<16xf32>
        %get3A_313 = arith.index_cast %scan3A_309 : i32 to index
        %get3A_314 = arith.constant 0 : index
        %get3A_315 = tpu.vector_load %arg13[%get3A_313, %get3A_314] {strides = array<i32>} : memref<80x128xf32, #tpu.memory_space<vmem>>, vector<1x16xf32>,
        %get3A_316 = vector.shape_cast %get3A_315 : vector<1x16xf32> to vector<16xf32>
        %add3A_317 = arith.addf %get3A_312, %get3A_316 : vector<16xf32>
        %max3A = arith.constant 0.000000e+00 : f32
        %max3A_318 = vector.broadcast %max3A : f32 to vector<16xf32>
        %max3A_319 = arith.maximumf %add3A_317, %max3A_318 : vector<16xf32>
        %swap3A = arith.index_cast %scan3A_309 : i32 to index
        %swap3A_320 = arith.constant 0 : index
        %swap3A_321 = tpu.vector_load %arg11[%swap3A, %swap3A_320] {strides = array<i32>} : memref<80x128xf32, #tpu.memory_space<vmem>>, vector<1x16xf32>,
        %swap3A_322 = vector.shape_cast %swap3A_321 : vector<1x16xf32> to vector<16xf32>
        %swap3A_323 = vector.shape_cast %max3A_319 : vector<16xf32> to vector<1x16xf32>
        tpu.vector_store %arg11[%swap3A, %swap3A_320], %swap3A_323 {strides = array<i32>} : memref<80x128xf32, #tpu.memory_space<vmem>>, vector<1x16xf32>,
        %get3A_324 = arith.index_cast %scan3A_309 : i32 to index
        %get3A_325 = arith.constant 16 : index
        %get3A_326 = tpu.vector_load %arg11[%get3A_324, %get3A_325] {strides = array<i32>} : memref<80x128xf32, #tpu.memory_space<vmem>>, vector<1x16xf32>,
        %get3A_327 = vector.shape_cast %get3A_326 : vector<1x16xf32> to vector<16xf32>
        %get3A_328 = arith.index_cast %scan3A_309 : i32 to index
        %get3A_329 = arith.constant 16 : index
        %get3A_330 = tpu.vector_load %arg13[%get3A_328, %get3A_329] {strides = array<i32>} : memref<80x128xf32, #tpu.memory_space<vmem>>, vector<1x16xf32>,
        %get3A_331 = vector.shape_cast %get3A_330 : vector<1x16xf32> to vector<16xf32>
        %add3A_332 = arith.addf %get3A_327, %get3A_331 : vector<16xf32>
        %max3A_333 = arith.constant 0.000000e+00 : f32
        %max3A_334 = vector.broadcast %max3A_333 : f32 to vector<16xf32>
        %max3A_335 = arith.maximumf %add3A_332, %max3A_334 : vector<16xf32>
        %swap3A_336 = arith.index_cast %scan3A_309 : i32 to index
        %swap3A_337 = arith.constant 16 : index
        %swap3A_338 = tpu.vector_load %arg11[%swap3A_336, %swap3A_337] {strides = array<i32>} : memref<80x128xf32, #tpu.memory_space<vmem>>, vector<1x16xf32>,
        %swap3A_339 = vector.shape_cast %swap3A_338 : vector<1x16xf32> to vector<16xf32>
        %swap3A_340 = vector.shape_cast %max3A_335 : vector<16xf32> to vector<1x16xf32>
        tpu.vector_store %arg11[%swap3A_336, %swap3A_337], %swap3A_340 {strides = array<i32>} : memref<80x128xf32, #tpu.memory_space<vmem>>, vector<1x16xf32>,
        %get3A_341 = arith.index_cast %scan3A_309 : i32 to index
        %get3A_342 = arith.constant 32 : index
        %get3A_343 = tpu.vector_load %arg11[%get3A_341, %get3A_342] {strides = array<i32>} : memref<80x128xf32, #tpu.memory_space<vmem>>, vector<1x16xf32>,
        %get3A_344 = vector.shape_cast %get3A_343 : vector<1x16xf32> to vector<16xf32>
        %get3A_345 = arith.index_cast %scan3A_309 : i32 to index
        %get3A_346 = arith.constant 32 : index
        %get3A_347 = tpu.vector_load %arg13[%get3A_345, %get3A_346] {strides = array<i32>} : memref<80x128xf32, #tpu.memory_space<vmem>>, vector<1x16xf32>,
        %get3A_348 = vector.shape_cast %get3A_347 : vector<1x16xf32> to vector<16xf32>
        %add3A_349 = arith.addf %get3A_344, %get3A_348 : vector<16xf32>
        %max3A_350 = arith.constant 0.000000e+00 : f32
        %max3A_351 = vector.broadcast %max3A_350 : f32 to vector<16xf32>
        %max3A_352 = arith.maximumf %add3A_349, %max3A_351 : vector<16xf32>
        %swap3A_353 = arith.index_cast %scan3A_309 : i32 to index
        %swap3A_354 = arith.constant 32 : index
        %swap3A_355 = tpu.vector_load %arg11[%swap3A_353, %swap3A_354] {strides = array<i32>} : memref<80x128xf32, #tpu.memory_space<vmem>>, vector<1x16xf32>,
        %swap3A_356 = vector.shape_cast %swap3A_355 : vector<1x16xf32> to vector<16xf32>
        %swap3A_357 = vector.shape_cast %max3A_352 : vector<16xf32> to vector<1x16xf32>
        tpu.vector_store %arg11[%swap3A_353, %swap3A_354], %swap3A_357 {strides = array<i32>} : memref<80x128xf32, #tpu.memory_space<vmem>>, vector<1x16xf32>,
        %get3A_358 = arith.index_cast %scan3A_309 : i32 to index
        %get3A_359 = arith.constant 48 : index
        %get3A_360 = tpu.vector_load %arg11[%get3A_358, %get3A_359] {strides = array<i32>} : memref<80x128xf32, #tpu.memory_space<vmem>>, vector<1x16xf32>,
        %get3A_361 = vector.shape_cast %get3A_360 : vector<1x16xf32> to vector<16xf32>
        %get3A_362 = arith.index_cast %scan3A_309 : i32 to index
        %get3A_363 = arith.constant 48 : index
        %get3A_364 = tpu.vector_load %arg13[%get3A_362, %get3A_363] {strides = array<i32>} : memref<80x128xf32, #tpu.memory_space<vmem>>, vector<1x16xf32>,
        %get3A_365 = vector.shape_cast %get3A_364 : vector<1x16xf32> to vector<16xf32>
        %add3A_366 = arith.addf %get3A_361, %get3A_365 : vector<16xf32>
        %max3A_367 = arith.constant 0.000000e+00 : f32
        %max3A_368 = vector.broadcast %max3A_367 : f32 to vector<16xf32>
        %max3A_369 = arith.maximumf %add3A_366, %max3A_368 : vector<16xf32>
        %swap3A_370 = arith.index_cast %scan3A_309 : i32 to index
        %swap3A_371 = arith.constant 48 : index
        %swap3A_372 = tpu.vector_load %arg11[%swap3A_370, %swap3A_371] {strides = array<i32>} : memref<80x128xf32, #tpu.memory_space<vmem>>, vector<1x16xf32>,
        %swap3A_373 = vector.shape_cast %swap3A_372 : vector<1x16xf32> to vector<16xf32>
        %swap3A_374 = vector.shape_cast %max3A_369 : vector<16xf32> to vector<1x16xf32>
        tpu.vector_store %arg11[%swap3A_370, %swap3A_371], %swap3A_374 {strides = array<i32>} : memref<80x128xf32, #tpu.memory_space<vmem>>, vector<1x16xf32>,
        %get3A_375 = arith.index_cast %scan3A_309 : i32 to index
        %get3A_376 = arith.constant 64 : index
        %get3A_377 = tpu.vector_load %arg11[%get3A_375, %get3A_376] {strides = array<i32>} : memref<80x128xf32, #tpu.memory_space<vmem>>, vector<1x16xf32>,
        %get3A_378 = vector.shape_cast %get3A_377 : vector<1x16xf32> to vector<16xf32>
        %get3A_379 = arith.index_cast %scan3A_309 : i32 to index
        %get3A_380 = arith.constant 64 : index
        %get3A_381 = tpu.vector_load %arg13[%get3A_379, %get3A_380] {strides = array<i32>} : memref<80x128xf32, #tpu.memory_space<vmem>>, vector<1x16xf32>,
        %get3A_382 = vector.shape_cast %get3A_381 : vector<1x16xf32> to vector<16xf32>
        %add3A_383 = arith.addf %get3A_378, %get3A_382 : vector<16xf32>
        %max3A_384 = arith.constant 0.000000e+00 : f32
        %max3A_385 = vector.broadcast %max3A_384 : f32 to vector<16xf32>
        %max3A_386 = arith.maximumf %add3A_383, %max3A_385 : vector<16xf32>
        %swap3A_387 = arith.index_cast %scan3A_309 : i32 to index
        %swap3A_388 = arith.constant 64 : index
        %swap3A_389 = tpu.vector_load %arg11[%swap3A_387, %swap3A_388] {strides = array<i32>} : memref<80x128xf32, #tpu.memory_space<vmem>>, vector<1x16xf32>,
        %swap3A_390 = vector.shape_cast %swap3A_389 : vector<1x16xf32> to vector<16xf32>
        %swap3A_391 = vector.shape_cast %max3A_386 : vector<16xf32> to vector<1x16xf32>
        tpu.vector_store %arg11[%swap3A_387, %swap3A_388], %swap3A_391 {strides = array<i32>} : memref<80x128xf32, #tpu.memory_space<vmem>>, vector<1x16xf32>,
        %get3A_392 = arith.index_cast %scan3A_309 : i32 to index
        %get3A_393 = arith.constant 80 : index
        %get3A_394 = tpu.vector_load %arg11[%get3A_392, %get3A_393] {strides = array<i32>} : memref<80x128xf32, #tpu.memory_space<vmem>>, vector<1x16xf32>,
        %get3A_395 = vector.shape_cast %get3A_394 : vector<1x16xf32> to vector<16xf32>
        %get3A_396 = arith.index_cast %scan3A_309 : i32 to index
        %get3A_397 = arith.constant 80 : index
        %get3A_398 = tpu.vector_load %arg13[%get3A_396, %get3A_397] {strides = array<i32>} : memref<80x128xf32, #tpu.memory_space<vmem>>, vector<1x16xf32>,
        %get3A_399 = vector.shape_cast %get3A_398 : vector<1x16xf32> to vector<16xf32>
        %add3A_400 = arith.addf %get3A_395, %get3A_399 : vector<16xf32>
        %max3A_401 = arith.constant 0.000000e+00 : f32
        %max3A_402 = vector.broadcast %max3A_401 : f32 to vector<16xf32>
        %max3A_403 = arith.maximumf %add3A_400, %max3A_402 : vector<16xf32>
        %swap3A_404 = arith.index_cast %scan3A_309 : i32 to index
        %swap3A_405 = arith.constant 80 : index
        %swap3A_406 = tpu.vector_load %arg11[%swap3A_404, %swap3A_405] {strides = array<i32>} : memref<80x128xf32, #tpu.memory_space<vmem>>, vector<1x16xf32>,
        %swap3A_407 = vector.shape_cast %swap3A_406 : vector<1x16xf32> to vector<16xf32>
        %swap3A_408 = vector.shape_cast %max3A_403 : vector<16xf32> to vector<1x16xf32>
        tpu.vector_store %arg11[%swap3A_404, %swap3A_405], %swap3A_408 {strides = array<i32>} : memref<80x128xf32, #tpu.memory_space<vmem>>, vector<1x16xf32>,
        %get3A_409 = arith.index_cast %scan3A_309 : i32 to index
        %get3A_410 = arith.constant 96 : index
        %get3A_411 = tpu.vector_load %arg11[%get3A_409, %get3A_410] {strides = array<i32>} : memref<80x128xf32, #tpu.memory_space<vmem>>, vector<1x16xf32>,
        %get3A_412 = vector.shape_cast %get3A_411 : vector<1x16xf32> to vector<16xf32>
        %get3A_413 = arith.index_cast %scan3A_309 : i32 to index
        %get3A_414 = arith.constant 96 : index
        %get3A_415 = tpu.vector_load %arg13[%get3A_413, %get3A_414] {strides = array<i32>} : memref<80x128xf32, #tpu.memory_space<vmem>>, vector<1x16xf32>,
        %get3A_416 = vector.shape_cast %get3A_415 : vector<1x16xf32> to vector<16xf32>
        %add3A_417 = arith.addf %get3A_412, %get3A_416 : vector<16xf32>
        %max3A_418 = arith.constant 0.000000e+00 : f32
        %max3A_419 = vector.broadcast %max3A_418 : f32 to vector<16xf32>
        %max3A_420 = arith.maximumf %add3A_417, %max3A_419 : vector<16xf32>
        %swap3A_421 = arith.index_cast %scan3A_309 : i32 to index
        %swap3A_422 = arith.constant 96 : index
        %swap3A_423 = tpu.vector_load %arg11[%swap3A_421, %swap3A_422] {strides = array<i32>} : memref<80x128xf32, #tpu.memory_space<vmem>>, vector<1x16xf32>,
        %swap3A_424 = vector.shape_cast %swap3A_423 : vector<1x16xf32> to vector<16xf32>
        %swap3A_425 = vector.shape_cast %max3A_420 : vector<16xf32> to vector<1x16xf32>
        tpu.vector_store %arg11[%swap3A_421, %swap3A_422], %swap3A_425 {strides = array<i32>} : memref<80x128xf32, #tpu.memory_space<vmem>>, vector<1x16xf32>,
        %get3A_426 = arith.index_cast %scan3A_309 : i32 to index
        %get3A_427 = arith.constant 112 : index
        %get3A_428 = tpu.vector_load %arg11[%get3A_426, %get3A_427] {strides = array<i32>} : memref<80x128xf32, #tpu.memory_space<vmem>>, vector<1x16xf32>,
        %get3A_429 = vector.shape_cast %get3A_428 : vector<1x16xf32> to vector<16xf32>
        %get3A_430 = arith.index_cast %scan3A_309 : i32 to index
        %get3A_431 = arith.constant 112 : index
        %get3A_432 = tpu.vector_load %arg13[%get3A_430, %get3A_431] {strides = array<i32>} : memref<80x128xf32, #tpu.memory_space<vmem>>, vector<1x16xf32>,
        %get3A_433 = vector.shape_cast %get3A_432 : vector<1x16xf32> to vector<16xf32>
        %add3A_434 = arith.addf %get3A_429, %get3A_433 : vector<16xf32>
        %max3A_435 = arith.constant 0.000000e+00 : f32
        %max3A_436 = vector.broadcast %max3A_435 : f32 to vector<16xf32>
        %max3A_437 = arith.maximumf %add3A_434, %max3A_436 : vector<16xf32>
        %swap3A_438 = arith.index_cast %scan3A_309 : i32 to index
        %swap3A_439 = arith.constant 112 : index
        %swap3A_440 = tpu.vector_load %arg11[%swap3A_438, %swap3A_439] {strides = array<i32>} : memref<80x128xf32, #tpu.memory_space<vmem>>, vector<1x16xf32>,
        %swap3A_441 = vector.shape_cast %swap3A_440 : vector<1x16xf32> to vector<16xf32>
        %swap3A_442 = vector.shape_cast %max3A_437 : vector<16xf32> to vector<1x16xf32>
        tpu.vector_store %arg11[%swap3A_438, %swap3A_439], %swap3A_442 {strides = array<i32>} : memref<80x128xf32, #tpu.memory_space<vmem>>, vector<1x16xf32>,
      }
      %scan3A_245 = arith.constant 80 : i32
      "tpu.region"() ({
        %run_scoped3A = tpu.sem_alloc : memref<!tpu.dma_semaphore, #tpu.memory_space<semaphore_mem>>
        %dma_start3A_309 = arith.constant 0 : i32
        %dma_start3A_310 = arith.constant 0 : i32
        %dma_start3A_311 = tpu.memref_slice %arg16[%dma_start3A_309, %dma_start3A_310] : memref<10240x128xf32, #tpu.memory_space<vmem_shared>> -> memref<10240x128xf32, #tpu.memory_space<vmem_shared>>
        tpu.enqueue_indirect_dma source(%arg11 : memref<80x128xf32, #tpu.memory_space<vmem>>) target(%dma_start3A_311 : memref<10240x128xf32, #tpu.memory_space<vmem_shared>>) offsets(%arg9 : memref<80xi32, #tpu.memory_space<vmem>>) semaphore(%run_scoped3A : memref<!tpu.dma_semaphore, #tpu.memory_space<semaphore_mem>>) {add = true}
        %dma_wait3A_312 = arith.constant 0 : i32
        %dma_wait3A_313 = arith.constant 0 : i32
        %dma_wait3A_314 = tpu.memref_slice %arg16[%dma_wait3A_312, %dma_wait3A_313] : memref<10240x128xf32, #tpu.memory_space<vmem_shared>> -> memref<10240x128xf32, #tpu.memory_space<vmem_shared>>
        tpu.wait_indirect_dma semaphore(%run_scoped3A : memref<!tpu.dma_semaphore, #tpu.memory_space<semaphore_mem>>) src(%arg11 : memref<80x128xf32, #tpu.memory_space<vmem>>) dst(%dma_wait3A_314 : memref<10240x128xf32, #tpu.memory_space<vmem_shared>>)
        tpu.yield
      }) : () -> ()
      %add3A_246 = arith.constant 2 : i32
      %add3A_247 = arith.addi %mul3A_219, %add3A_246 : i32
      %min3A = arith.constant 127 : i32
      %min3A_248 = arith.minsi %add3A_247, %min3A : i32
      %mul3A_249 = arith.constant 80 : i32
      %mul3A_250 = arith.muli %min3A_248, %mul3A_249 : i32
      %add3A_251 = arith.addi %mul3A_41, %mul3A_250 : i32
      %dma_start3A_252 = tpu.memref_slice %arg3[%add3A_251] : memref<327680xi32, #tpu.memory_space<hbm>> -> memref<80xi32, #tpu.memory_space<hbm>>
      %dma_start3A_253 = tpu.memref_slice %arg3[%add3A_251] : memref<327680xi32, #tpu.memory_space<hbm>> -> memref<80xi32, #tpu.memory_space<hbm>>
      tpu.enqueue_dma source(%dma_start3A_253 : memref<80xi32, #tpu.memory_space<hbm>>) target(%arg7 : memref<80xi32, #tpu.memory_space<vmem>>) target_semaphore(%arg17 : memref<!tpu.dma_semaphore, #tpu.memory_space<semaphore_mem>>)
      %dma_start3A_254 = tpu.memref_slice %arg4[%add3A_251] : memref<327680xi32, #tpu.memory_space<hbm>> -> memref<80xi32, #tpu.memory_space<hbm>>
      %dma_start3A_255 = tpu.memref_slice %arg4[%add3A_251] : memref<327680xi32, #tpu.memory_space<hbm>> -> memref<80xi32, #tpu.memory_space<hbm>>
      tpu.enqueue_dma source(%dma_start3A_255 : memref<80xi32, #tpu.memory_space<hbm>>) target(%arg9 : memref<80xi32, #tpu.memory_space<vmem>>) target_semaphore(%arg17 : memref<!tpu.dma_semaphore, #tpu.memory_space<semaphore_mem>>)
      %mul3A_256 = arith.constant 80 : i32
      %mul3A_257 = arith.muli %min3A_248, %mul3A_256 : i32
      %add3A_258 = arith.addi %mul3A_41, %mul3A_257 : i32
      %dma_start3A_259 = arith.constant 0 : i32
      %dma_start3A_260 = tpu.memref_slice %arg5[%add3A_258, %dma_start3A_259] : memref<327680x128xf32, #tpu.memory_space<hbm>> -> memref<80x128xf32, #tpu.memory_space<hbm>>
      %dma_start3A_261 = arith.constant 0 : i32
      %dma_start3A_262 = tpu.memref_slice %arg5[%add3A_258, %dma_start3A_261] : memref<327680x128xf32, #tpu.memory_space<hbm>> -> memref<80x128xf32, #tpu.memory_space<hbm>>
      tpu.enqueue_dma source(%dma_start3A_262 : memref<80x128xf32, #tpu.memory_space<hbm>>) target(%arg13 : memref<80x128xf32, #tpu.memory_space<vmem>>) target_semaphore(%arg19 : memref<!tpu.dma_semaphore, #tpu.memory_space<semaphore_mem>>)
      %add3A_263 = arith.constant 1 : i32
      %add3A_264 = arith.addi %mul3A_219, %add3A_263 : i32
      %dma_wait3A_265 = arith.constant 0 : i32
      %dma_wait3A_266 = arith.constant 0 : i32
      %dma_wait3A_267 = tpu.memref_slice %arg2[%dma_wait3A_265, %dma_wait3A_266] : memref<10240x128xf32, #tpu.memory_space<hbm>> -> memref<10240x128xf32, #tpu.memory_space<hbm>>
      tpu.wait_indirect_dma semaphore(%arg22 : memref<!tpu.dma_semaphore, #tpu.memory_space<semaphore_mem>>) src(%dma_wait3A_267 : memref<10240x128xf32, #tpu.memory_space<hbm>>) dst(%arg12 : memref<80x128xf32, #tpu.memory_space<vmem>>)
      %dma_wait3A_268 = arith.constant 0 : i32
      %dma_wait3A_269 = arith.constant 0 : i32
      %dma_wait3A_270 = tpu.memref_slice %arg5[%dma_wait3A_268, %dma_wait3A_269] : memref<327680x128xf32, #tpu.memory_space<hbm>> -> memref<80x128xf32, #tpu.memory_space<hbm>>
      %dma_wait3A_271 = arith.constant 0 : i32
      %dma_wait3A_272 = arith.constant 0 : i32
      %dma_wait3A_273 = tpu.memref_slice %arg5[%dma_wait3A_271, %dma_wait3A_272] : memref<327680x128xf32, #tpu.memory_space<hbm>> -> memref<80x128xf32, #tpu.memory_space<hbm>>
      tpu.wait_dma2 semaphore(%arg20 : memref<!tpu.dma_semaphore, #tpu.memory_space<semaphore_mem>>) src(%dma_wait3A_273 : memref<80x128xf32, #tpu.memory_space<hbm>>) dst(%arg14 : memref<80x128xf32, #tpu.memory_space<vmem>>)
      %dma_wait3A_274 = arith.constant 0 : i32
      %dma_wait3A_275 = tpu.memref_slice %arg3[%dma_wait3A_274] : memref<327680xi32, #tpu.memory_space<hbm>> -> memref<80xi32, #tpu.memory_space<hbm>>
      %dma_wait3A_276 = arith.constant 0 : i32
      %dma_wait3A_277 = tpu.memref_slice %arg3[%dma_wait3A_276] : memref<327680xi32, #tpu.memory_space<hbm>> -> memref<80xi32, #tpu.memory_space<hbm>>
      tpu.wait_dma2 semaphore(%arg17 : memref<!tpu.dma_semaphore, #tpu.memory_space<semaphore_mem>>) src(%dma_wait3A_277 : memref<80xi32, #tpu.memory_space<hbm>>) dst(%arg7 : memref<80xi32, #tpu.memory_space<vmem>>)
      %dma_wait3A_278 = arith.constant 0 : i32
      %dma_wait3A_279 = tpu.memref_slice %arg4[%dma_wait3A_278] : memref<327680xi32, #tpu.memory_space<hbm>> -> memref<80xi32, #tpu.memory_space<hbm>>
      %dma_wait3A_280 = arith.constant 0 : i32
      %dma_wait3A_281 = tpu.memref_slice %arg4[%dma_wait3A_280] : memref<327680xi32, #tpu.memory_space<hbm>> -> memref<80xi32, #tpu.memory_space<hbm>>
      tpu.wait_dma2 semaphore(%arg17 : memref<!tpu.dma_semaphore, #tpu.memory_space<semaphore_mem>>) src(%dma_wait3A_281 : memref<80xi32, #tpu.memory_space<hbm>>) dst(%arg9 : memref<80xi32, #tpu.memory_space<vmem>>)
      %dma_start3A_282 = arith.constant 0 : i32
      %dma_start3A_283 = arith.constant 0 : i32
      %dma_start3A_284 = tpu.memref_slice %arg2[%dma_start3A_282, %dma_start3A_283] : memref<10240x128xf32, #tpu.memory_space<hbm>> -> memref<10240x128xf32, #tpu.memory_space<hbm>>
      tpu.enqueue_indirect_dma source(%dma_start3A_284 : memref<10240x128xf32, #tpu.memory_space<hbm>>) target(%arg11 : memref<80x128xf32, #tpu.memory_space<vmem>>) offsets(%arg7 : memref<80xi32, #tpu.memory_space<vmem>>) semaphore(%arg21 : memref<!tpu.dma_semaphore, #tpu.memory_space<semaphore_mem>>)
      %scan3A_285 = arith.constant 0 : i32
      %scan3A_286 = arith.constant 0 : i32
      %scan3A_287 = arith.constant 80 : i32
      %scan3A_288 = arith.addi %scan3A_286, %scan3A_287 : i32
      %scan3A_289 = arith.constant 1 : i32
      scf.for %scan3A_309 = %scan3A_286 to %scan3A_288 step %scan3A_289  : i32 {
        %get3A = arith.index_cast %scan3A_309 : i32 to index
        %get3A_310 = arith.constant 0 : index
        %get3A_311 = tpu.vector_load %arg12[%get3A, %get3A_310] {strides = array<i32>} : memref<80x128xf32, #tpu.memory_space<vmem>>, vector<1x16xf32>,
        %get3A_312 = vector.shape_cast %get3A_311 : vector<1x16xf32> to vector<16xf32>
        %get3A_313 = arith.index_cast %scan3A_309 : i32 to index
        %get3A_314 = arith.constant 0 : index
        %get3A_315 = tpu.vector_load %arg14[%get3A_313, %get3A_314] {strides = array<i32>} : memref<80x128xf32, #tpu.memory_space<vmem>>, vector<1x16xf32>,
        %get3A_316 = vector.shape_cast %get3A_315 : vector<1x16xf32> to vector<16xf32>
        %add3A_317 = arith.addf %get3A_312, %get3A_316 : vector<16xf32>
        %max3A = arith.constant 0.000000e+00 : f32
        %max3A_318 = vector.broadcast %max3A : f32 to vector<16xf32>
        %max3A_319 = arith.maximumf %add3A_317, %max3A_318 : vector<16xf32>
        %swap3A = arith.index_cast %scan3A_309 : i32 to index
        %swap3A_320 = arith.constant 0 : index
        %swap3A_321 = tpu.vector_load %arg12[%swap3A, %swap3A_320] {strides = array<i32>} : memref<80x128xf32, #tpu.memory_space<vmem>>, vector<1x16xf32>,
        %swap3A_322 = vector.shape_cast %swap3A_321 : vector<1x16xf32> to vector<16xf32>
        %swap3A_323 = vector.shape_cast %max3A_319 : vector<16xf32> to vector<1x16xf32>
        tpu.vector_store %arg12[%swap3A, %swap3A_320], %swap3A_323 {strides = array<i32>} : memref<80x128xf32, #tpu.memory_space<vmem>>, vector<1x16xf32>,
        %get3A_324 = arith.index_cast %scan3A_309 : i32 to index
        %get3A_325 = arith.constant 16 : index
        %get3A_326 = tpu.vector_load %arg12[%get3A_324, %get3A_325] {strides = array<i32>} : memref<80x128xf32, #tpu.memory_space<vmem>>, vector<1x16xf32>,
        %get3A_327 = vector.shape_cast %get3A_326 : vector<1x16xf32> to vector<16xf32>
        %get3A_328 = arith.index_cast %scan3A_309 : i32 to index
        %get3A_329 = arith.constant 16 : index
        %get3A_330 = tpu.vector_load %arg14[%get3A_328, %get3A_329] {strides = array<i32>} : memref<80x128xf32, #tpu.memory_space<vmem>>, vector<1x16xf32>,
        %get3A_331 = vector.shape_cast %get3A_330 : vector<1x16xf32> to vector<16xf32>
        %add3A_332 = arith.addf %get3A_327, %get3A_331 : vector<16xf32>
        %max3A_333 = arith.constant 0.000000e+00 : f32
        %max3A_334 = vector.broadcast %max3A_333 : f32 to vector<16xf32>
        %max3A_335 = arith.maximumf %add3A_332, %max3A_334 : vector<16xf32>
        %swap3A_336 = arith.index_cast %scan3A_309 : i32 to index
        %swap3A_337 = arith.constant 16 : index
        %swap3A_338 = tpu.vector_load %arg12[%swap3A_336, %swap3A_337] {strides = array<i32>} : memref<80x128xf32, #tpu.memory_space<vmem>>, vector<1x16xf32>,
        %swap3A_339 = vector.shape_cast %swap3A_338 : vector<1x16xf32> to vector<16xf32>
        %swap3A_340 = vector.shape_cast %max3A_335 : vector<16xf32> to vector<1x16xf32>
        tpu.vector_store %arg12[%swap3A_336, %swap3A_337], %swap3A_340 {strides = array<i32>} : memref<80x128xf32, #tpu.memory_space<vmem>>, vector<1x16xf32>,
        %get3A_341 = arith.index_cast %scan3A_309 : i32 to index
        %get3A_342 = arith.constant 32 : index
        %get3A_343 = tpu.vector_load %arg12[%get3A_341, %get3A_342] {strides = array<i32>} : memref<80x128xf32, #tpu.memory_space<vmem>>, vector<1x16xf32>,
        %get3A_344 = vector.shape_cast %get3A_343 : vector<1x16xf32> to vector<16xf32>
        %get3A_345 = arith.index_cast %scan3A_309 : i32 to index
        %get3A_346 = arith.constant 32 : index
        %get3A_347 = tpu.vector_load %arg14[%get3A_345, %get3A_346] {strides = array<i32>} : memref<80x128xf32, #tpu.memory_space<vmem>>, vector<1x16xf32>,
        %get3A_348 = vector.shape_cast %get3A_347 : vector<1x16xf32> to vector<16xf32>
        %add3A_349 = arith.addf %get3A_344, %get3A_348 : vector<16xf32>
        %max3A_350 = arith.constant 0.000000e+00 : f32
        %max3A_351 = vector.broadcast %max3A_350 : f32 to vector<16xf32>
        %max3A_352 = arith.maximumf %add3A_349, %max3A_351 : vector<16xf32>
        %swap3A_353 = arith.index_cast %scan3A_309 : i32 to index
        %swap3A_354 = arith.constant 32 : index
        %swap3A_355 = tpu.vector_load %arg12[%swap3A_353, %swap3A_354] {strides = array<i32>} : memref<80x128xf32, #tpu.memory_space<vmem>>, vector<1x16xf32>,
        %swap3A_356 = vector.shape_cast %swap3A_355 : vector<1x16xf32> to vector<16xf32>
        %swap3A_357 = vector.shape_cast %max3A_352 : vector<16xf32> to vector<1x16xf32>
        tpu.vector_store %arg12[%swap3A_353, %swap3A_354], %swap3A_357 {strides = array<i32>} : memref<80x128xf32, #tpu.memory_space<vmem>>, vector<1x16xf32>,
        %get3A_358 = arith.index_cast %scan3A_309 : i32 to index
        %get3A_359 = arith.constant 48 : index
        %get3A_360 = tpu.vector_load %arg12[%get3A_358, %get3A_359] {strides = array<i32>} : memref<80x128xf32, #tpu.memory_space<vmem>>, vector<1x16xf32>,
        %get3A_361 = vector.shape_cast %get3A_360 : vector<1x16xf32> to vector<16xf32>
        %get3A_362 = arith.index_cast %scan3A_309 : i32 to index
        %get3A_363 = arith.constant 48 : index
        %get3A_364 = tpu.vector_load %arg14[%get3A_362, %get3A_363] {strides = array<i32>} : memref<80x128xf32, #tpu.memory_space<vmem>>, vector<1x16xf32>,
        %get3A_365 = vector.shape_cast %get3A_364 : vector<1x16xf32> to vector<16xf32>
        %add3A_366 = arith.addf %get3A_361, %get3A_365 : vector<16xf32>
        %max3A_367 = arith.constant 0.000000e+00 : f32
        %max3A_368 = vector.broadcast %max3A_367 : f32 to vector<16xf32>
        %max3A_369 = arith.maximumf %add3A_366, %max3A_368 : vector<16xf32>
        %swap3A_370 = arith.index_cast %scan3A_309 : i32 to index
        %swap3A_371 = arith.constant 48 : index
        %swap3A_372 = tpu.vector_load %arg12[%swap3A_370, %swap3A_371] {strides = array<i32>} : memref<80x128xf32, #tpu.memory_space<vmem>>, vector<1x16xf32>,
        %swap3A_373 = vector.shape_cast %swap3A_372 : vector<1x16xf32> to vector<16xf32>
        %swap3A_374 = vector.shape_cast %max3A_369 : vector<16xf32> to vector<1x16xf32>
        tpu.vector_store %arg12[%swap3A_370, %swap3A_371], %swap3A_374 {strides = array<i32>} : memref<80x128xf32, #tpu.memory_space<vmem>>, vector<1x16xf32>,
        %get3A_375 = arith.index_cast %scan3A_309 : i32 to index
        %get3A_376 = arith.constant 64 : index
        %get3A_377 = tpu.vector_load %arg12[%get3A_375, %get3A_376] {strides = array<i32>} : memref<80x128xf32, #tpu.memory_space<vmem>>, vector<1x16xf32>,
        %get3A_378 = vector.shape_cast %get3A_377 : vector<1x16xf32> to vector<16xf32>
        %get3A_379 = arith.index_cast %scan3A_309 : i32 to index
        %get3A_380 = arith.constant 64 : index
        %get3A_381 = tpu.vector_load %arg14[%get3A_379, %get3A_380] {strides = array<i32>} : memref<80x128xf32, #tpu.memory_space<vmem>>, vector<1x16xf32>,
        %get3A_382 = vector.shape_cast %get3A_381 : vector<1x16xf32> to vector<16xf32>
        %add3A_383 = arith.addf %get3A_378, %get3A_382 : vector<16xf32>
        %max3A_384 = arith.constant 0.000000e+00 : f32
        %max3A_385 = vector.broadcast %max3A_384 : f32 to vector<16xf32>
        %max3A_386 = arith.maximumf %add3A_383, %max3A_385 : vector<16xf32>
        %swap3A_387 = arith.index_cast %scan3A_309 : i32 to index
        %swap3A_388 = arith.constant 64 : index
        %swap3A_389 = tpu.vector_load %arg12[%swap3A_387, %swap3A_388] {strides = array<i32>} : memref<80x128xf32, #tpu.memory_space<vmem>>, vector<1x16xf32>,
        %swap3A_390 = vector.shape_cast %swap3A_389 : vector<1x16xf32> to vector<16xf32>
        %swap3A_391 = vector.shape_cast %max3A_386 : vector<16xf32> to vector<1x16xf32>
        tpu.vector_store %arg12[%swap3A_387, %swap3A_388], %swap3A_391 {strides = array<i32>} : memref<80x128xf32, #tpu.memory_space<vmem>>, vector<1x16xf32>,
        %get3A_392 = arith.index_cast %scan3A_309 : i32 to index
        %get3A_393 = arith.constant 80 : index
        %get3A_394 = tpu.vector_load %arg12[%get3A_392, %get3A_393] {strides = array<i32>} : memref<80x128xf32, #tpu.memory_space<vmem>>, vector<1x16xf32>,
        %get3A_395 = vector.shape_cast %get3A_394 : vector<1x16xf32> to vector<16xf32>
        %get3A_396 = arith.index_cast %scan3A_309 : i32 to index
        %get3A_397 = arith.constant 80 : index
        %get3A_398 = tpu.vector_load %arg14[%get3A_396, %get3A_397] {strides = array<i32>} : memref<80x128xf32, #tpu.memory_space<vmem>>, vector<1x16xf32>,
        %get3A_399 = vector.shape_cast %get3A_398 : vector<1x16xf32> to vector<16xf32>
        %add3A_400 = arith.addf %get3A_395, %get3A_399 : vector<16xf32>
        %max3A_401 = arith.constant 0.000000e+00 : f32
        %max3A_402 = vector.broadcast %max3A_401 : f32 to vector<16xf32>
        %max3A_403 = arith.maximumf %add3A_400, %max3A_402 : vector<16xf32>
        %swap3A_404 = arith.index_cast %scan3A_309 : i32 to index
        %swap3A_405 = arith.constant 80 : index
        %swap3A_406 = tpu.vector_load %arg12[%swap3A_404, %swap3A_405] {strides = array<i32>} : memref<80x128xf32, #tpu.memory_space<vmem>>, vector<1x16xf32>,
        %swap3A_407 = vector.shape_cast %swap3A_406 : vector<1x16xf32> to vector<16xf32>
        %swap3A_408 = vector.shape_cast %max3A_403 : vector<16xf32> to vector<1x16xf32>
        tpu.vector_store %arg12[%swap3A_404, %swap3A_405], %swap3A_408 {strides = array<i32>} : memref<80x128xf32, #tpu.memory_space<vmem>>, vector<1x16xf32>,
        %get3A_409 = arith.index_cast %scan3A_309 : i32 to index
        %get3A_410 = arith.constant 96 : index
        %get3A_411 = tpu.vector_load %arg12[%get3A_409, %get3A_410] {strides = array<i32>} : memref<80x128xf32, #tpu.memory_space<vmem>>, vector<1x16xf32>,
        %get3A_412 = vector.shape_cast %get3A_411 : vector<1x16xf32> to vector<16xf32>
        %get3A_413 = arith.index_cast %scan3A_309 : i32 to index
        %get3A_414 = arith.constant 96 : index
        %get3A_415 = tpu.vector_load %arg14[%get3A_413, %get3A_414] {strides = array<i32>} : memref<80x128xf32, #tpu.memory_space<vmem>>, vector<1x16xf32>,
        %get3A_416 = vector.shape_cast %get3A_415 : vector<1x16xf32> to vector<16xf32>
        %add3A_417 = arith.addf %get3A_412, %get3A_416 : vector<16xf32>
        %max3A_418 = arith.constant 0.000000e+00 : f32
        %max3A_419 = vector.broadcast %max3A_418 : f32 to vector<16xf32>
        %max3A_420 = arith.maximumf %add3A_417, %max3A_419 : vector<16xf32>
        %swap3A_421 = arith.index_cast %scan3A_309 : i32 to index
        %swap3A_422 = arith.constant 96 : index
        %swap3A_423 = tpu.vector_load %arg12[%swap3A_421, %swap3A_422] {strides = array<i32>} : memref<80x128xf32, #tpu.memory_space<vmem>>, vector<1x16xf32>,
        %swap3A_424 = vector.shape_cast %swap3A_423 : vector<1x16xf32> to vector<16xf32>
        %swap3A_425 = vector.shape_cast %max3A_420 : vector<16xf32> to vector<1x16xf32>
        tpu.vector_store %arg12[%swap3A_421, %swap3A_422], %swap3A_425 {strides = array<i32>} : memref<80x128xf32, #tpu.memory_space<vmem>>, vector<1x16xf32>,
        %get3A_426 = arith.index_cast %scan3A_309 : i32 to index
        %get3A_427 = arith.constant 112 : index
        %get3A_428 = tpu.vector_load %arg12[%get3A_426, %get3A_427] {strides = array<i32>} : memref<80x128xf32, #tpu.memory_space<vmem>>, vector<1x16xf32>,
        %get3A_429 = vector.shape_cast %get3A_428 : vector<1x16xf32> to vector<16xf32>
        %get3A_430 = arith.index_cast %scan3A_309 : i32 to index
        %get3A_431 = arith.constant 112 : index
        %get3A_432 = tpu.vector_load %arg14[%get3A_430, %get3A_431] {strides = array<i32>} : memref<80x128xf32, #tpu.memory_space<vmem>>, vector<1x16xf32>,
        %get3A_433 = vector.shape_cast %get3A_432 : vector<1x16xf32> to vector<16xf32>
        %add3A_434 = arith.addf %get3A_429, %get3A_433 : vector<16xf32>
        %max3A_435 = arith.constant 0.000000e+00 : f32
        %max3A_436 = vector.broadcast %max3A_435 : f32 to vector<16xf32>
        %max3A_437 = arith.maximumf %add3A_434, %max3A_436 : vector<16xf32>
        %swap3A_438 = arith.index_cast %scan3A_309 : i32 to index
        %swap3A_439 = arith.constant 112 : index
        %swap3A_440 = tpu.vector_load %arg12[%swap3A_438, %swap3A_439] {strides = array<i32>} : memref<80x128xf32, #tpu.memory_space<vmem>>, vector<1x16xf32>,
        %swap3A_441 = vector.shape_cast %swap3A_440 : vector<1x16xf32> to vector<16xf32>
        %swap3A_442 = vector.shape_cast %max3A_437 : vector<16xf32> to vector<1x16xf32>
        tpu.vector_store %arg12[%swap3A_438, %swap3A_439], %swap3A_442 {strides = array<i32>} : memref<80x128xf32, #tpu.memory_space<vmem>>, vector<1x16xf32>,
      }
      %scan3A_290 = arith.constant 80 : i32
      "tpu.region"() ({
        %run_scoped3A = tpu.sem_alloc : memref<!tpu.dma_semaphore, #tpu.memory_space<semaphore_mem>>
        %dma_start3A_309 = arith.constant 0 : i32
        %dma_start3A_310 = arith.constant 0 : i32
        %dma_start3A_311 = tpu.memref_slice %arg16[%dma_start3A_309, %dma_start3A_310] : memref<10240x128xf32, #tpu.memory_space<vmem_shared>> -> memref<10240x128xf32, #tpu.memory_space<vmem_shared>>
        tpu.enqueue_indirect_dma source(%arg12 : memref<80x128xf32, #tpu.memory_space<vmem>>) target(%dma_start3A_311 : memref<10240x128xf32, #tpu.memory_space<vmem_shared>>) offsets(%arg10 : memref<80xi32, #tpu.memory_space<vmem>>) semaphore(%run_scoped3A : memref<!tpu.dma_semaphore, #tpu.memory_space<semaphore_mem>>) {add = true}
        %dma_wait3A_312 = arith.constant 0 : i32
        %dma_wait3A_313 = arith.constant 0 : i32
        %dma_wait3A_314 = tpu.memref_slice %arg16[%dma_wait3A_312, %dma_wait3A_313] : memref<10240x128xf32, #tpu.memory_space<vmem_shared>> -> memref<10240x128xf32, #tpu.memory_space<vmem_shared>>
        tpu.wait_indirect_dma semaphore(%run_scoped3A : memref<!tpu.dma_semaphore, #tpu.memory_space<semaphore_mem>>) src(%arg12 : memref<80x128xf32, #tpu.memory_space<vmem>>) dst(%dma_wait3A_314 : memref<10240x128xf32, #tpu.memory_space<vmem_shared>>)
        tpu.yield
      }) : () -> ()
      %add3A_291 = arith.constant 2 : i32
      %add3A_292 = arith.addi %add3A_264, %add3A_291 : i32
      %min3A_293 = arith.constant 127 : i32
      %min3A_294 = arith.minsi %add3A_292, %min3A_293 : i32
      %mul3A_295 = arith.constant 80 : i32
      %mul3A_296 = arith.muli %min3A_294, %mul3A_295 : i32
      %add3A_297 = arith.addi %mul3A_41, %mul3A_296 : i32
      %dma_start3A_298 = tpu.memref_slice %arg3[%add3A_297] : memref<327680xi32, #tpu.memory_space<hbm>> -> memref<80xi32, #tpu.memory_space<hbm>>
      %dma_start3A_299 = tpu.memref_slice %arg3[%add3A_297] : memref<327680xi32, #tpu.memory_space<hbm>> -> memref<80xi32, #tpu.memory_space<hbm>>
      tpu.enqueue_dma source(%dma_start3A_299 : memref<80xi32, #tpu.memory_space<hbm>>) target(%arg8 : memref<80xi32, #tpu.memory_space<vmem>>) target_semaphore(%arg18 : memref<!tpu.dma_semaphore, #tpu.memory_space<semaphore_mem>>)
      %dma_start3A_300 = tpu.memref_slice %arg4[%add3A_297] : memref<327680xi32, #tpu.memory_space<hbm>> -> memref<80xi32, #tpu.memory_space<hbm>>
      %dma_start3A_301 = tpu.memref_slice %arg4[%add3A_297] : memref<327680xi32, #tpu.memory_space<hbm>> -> memref<80xi32, #tpu.memory_space<hbm>>
      tpu.enqueue_dma source(%dma_start3A_301 : memref<80xi32, #tpu.memory_space<hbm>>) target(%arg10 : memref<80xi32, #tpu.memory_space<vmem>>) target_semaphore(%arg18 : memref<!tpu.dma_semaphore, #tpu.memory_space<semaphore_mem>>)
      %mul3A_302 = arith.constant 80 : i32
      %mul3A_303 = arith.muli %min3A_294, %mul3A_302 : i32
      %add3A_304 = arith.addi %mul3A_41, %mul3A_303 : i32
      %dma_start3A_305 = arith.constant 0 : i32
      %dma_start3A_306 = tpu.memref_slice %arg5[%add3A_304, %dma_start3A_305] : memref<327680x128xf32, #tpu.memory_space<hbm>> -> memref<80x128xf32, #tpu.memory_space<hbm>>
      %dma_start3A_307 = arith.constant 0 : i32
      %dma_start3A_308 = tpu.memref_slice %arg5[%add3A_304, %dma_start3A_307] : memref<327680x128xf32, #tpu.memory_space<hbm>> -> memref<80x128xf32, #tpu.memory_space<hbm>>
      tpu.enqueue_dma source(%dma_start3A_308 : memref<80x128xf32, #tpu.memory_space<hbm>>) target(%arg14 : memref<80x128xf32, #tpu.memory_space<vmem>>) target_semaphore(%arg20 : memref<!tpu.dma_semaphore, #tpu.memory_space<semaphore_mem>>)
    }
    %scan3A_80 = arith.constant 64 : i32
    %dma_wait3A_81 = arith.constant 0 : i32
    %dma_wait3A_82 = arith.constant 0 : i32
    %dma_wait3A_83 = tpu.memref_slice %arg2[%dma_wait3A_81, %dma_wait3A_82] : memref<10240x128xf32, #tpu.memory_space<hbm>> -> memref<10240x128xf32, #tpu.memory_space<hbm>>
    tpu.wait_indirect_dma semaphore(%arg21 : memref<!tpu.dma_semaphore, #tpu.memory_space<semaphore_mem>>) src(%dma_wait3A_83 : memref<10240x128xf32, #tpu.memory_space<hbm>>) dst(%arg11 : memref<80x128xf32, #tpu.memory_space<vmem>>)
    %dma_wait3A_84 = arith.constant 0 : i32
    %dma_wait3A_85 = tpu.memref_slice %arg3[%dma_wait3A_84] : memref<327680xi32, #tpu.memory_space<hbm>> -> memref<80xi32, #tpu.memory_space<hbm>>
    %dma_wait3A_86 = arith.constant 0 : i32
    %dma_wait3A_87 = tpu.memref_slice %arg3[%dma_wait3A_86] : memref<327680xi32, #tpu.memory_space<hbm>> -> memref<80xi32, #tpu.memory_space<hbm>>
    tpu.wait_dma2 semaphore(%arg18 : memref<!tpu.dma_semaphore, #tpu.memory_space<semaphore_mem>>) src(%dma_wait3A_87 : memref<80xi32, #tpu.memory_space<hbm>>) dst(%arg8 : memref<80xi32, #tpu.memory_space<vmem>>)
    %dma_wait3A_88 = arith.constant 0 : i32
    %dma_wait3A_89 = tpu.memref_slice %arg4[%dma_wait3A_88] : memref<327680xi32, #tpu.memory_space<hbm>> -> memref<80xi32, #tpu.memory_space<hbm>>
    %dma_wait3A_90 = arith.constant 0 : i32
    %dma_wait3A_91 = tpu.memref_slice %arg4[%dma_wait3A_90] : memref<327680xi32, #tpu.memory_space<hbm>> -> memref<80xi32, #tpu.memory_space<hbm>>
    tpu.wait_dma2 semaphore(%arg18 : memref<!tpu.dma_semaphore, #tpu.memory_space<semaphore_mem>>) src(%dma_wait3A_91 : memref<80xi32, #tpu.memory_space<hbm>>) dst(%arg10 : memref<80xi32, #tpu.memory_space<vmem>>)
    %dma_wait3A_92 = arith.constant 0 : i32
    %dma_wait3A_93 = arith.constant 0 : i32
    %dma_wait3A_94 = tpu.memref_slice %arg5[%dma_wait3A_92, %dma_wait3A_93] : memref<327680x128xf32, #tpu.memory_space<hbm>> -> memref<80x128xf32, #tpu.memory_space<hbm>>
    %dma_wait3A_95 = arith.constant 0 : i32
    %dma_wait3A_96 = arith.constant 0 : i32
    %dma_wait3A_97 = tpu.memref_slice %arg5[%dma_wait3A_95, %dma_wait3A_96] : memref<327680x128xf32, #tpu.memory_space<hbm>> -> memref<80x128xf32, #tpu.memory_space<hbm>>
    tpu.wait_dma2 semaphore(%arg19 : memref<!tpu.dma_semaphore, #tpu.memory_space<semaphore_mem>>) src(%dma_wait3A_97 : memref<80x128xf32, #tpu.memory_space<hbm>>) dst(%arg13 : memref<80x128xf32, #tpu.memory_space<vmem>>)
    %dma_wait3A_98 = arith.constant 0 : i32
    %dma_wait3A_99 = arith.constant 0 : i32
    %dma_wait3A_100 = tpu.memref_slice %arg5[%dma_wait3A_98, %dma_wait3A_99] : memref<327680x128xf32, #tpu.memory_space<hbm>> -> memref<80x128xf32, #tpu.memory_space<hbm>>
    %dma_wait3A_101 = arith.constant 0 : i32
    %dma_wait3A_102 = arith.constant 0 : i32
    %dma_wait3A_103 = tpu.memref_slice %arg5[%dma_wait3A_101, %dma_wait3A_102] : memref<327680x128xf32, #tpu.memory_space<hbm>> -> memref<80x128xf32, #tpu.memory_space<hbm>>
    tpu.wait_dma2 semaphore(%arg20 : memref<!tpu.dma_semaphore, #tpu.memory_space<semaphore_mem>>) src(%dma_wait3A_103 : memref<80x128xf32, #tpu.memory_space<hbm>>) dst(%arg14 : memref<80x128xf32, #tpu.memory_space<vmem>>)
    %barrier3A_104 = arith.constant 0 : index
    tpu.barrier barrier_id(%barrier3A_104)
    %add3A_105 = arith.constant 0 : i32
    %add3A_106 = arith.addi %mul3A_0, %add3A_105 : i32
    "tpu.region"() ({
      %run_scoped3A = tpu.sem_alloc : memref<!tpu.dma_semaphore, #tpu.memory_space<semaphore_mem>>
      %dma_start3A_217 = arith.constant 0 : i32
      %dma_start3A_218 = tpu.memref_slice %arg16[%add3A_106, %dma_start3A_217] : memref<10240x128xf32, #tpu.memory_space<vmem_shared>> -> memref<40x128xf32, #tpu.memory_space<vmem_shared>>
      %dma_start3A_219 = arith.constant 0 : i32
      %dma_start3A_220 = tpu.memref_slice %arg16[%add3A_106, %dma_start3A_219] : memref<10240x128xf32, #tpu.memory_space<vmem_shared>> -> memref<40x128xf32, #tpu.memory_space<vmem_shared>>
      tpu.enqueue_dma source(%dma_start3A_220 : memref<40x128xf32, #tpu.memory_space<vmem_shared>>) target(%arg15 : memref<40x128xf32, #tpu.memory_space<vmem>>) target_semaphore(%run_scoped3A : memref<!tpu.dma_semaphore, #tpu.memory_space<semaphore_mem>>)
      %dma_wait3A_221 = arith.constant 0 : i32
      %dma_wait3A_222 = tpu.memref_slice %arg16[%add3A_106, %dma_wait3A_221] : memref<10240x128xf32, #tpu.memory_space<vmem_shared>> -> memref<40x128xf32, #tpu.memory_space<vmem_shared>>
      %dma_wait3A_223 = arith.constant 0 : i32
      %dma_wait3A_224 = tpu.memref_slice %arg16[%add3A_106, %dma_wait3A_223] : memref<10240x128xf32, #tpu.memory_space<vmem_shared>> -> memref<40x128xf32, #tpu.memory_space<vmem_shared>>
      tpu.wait_dma2 semaphore(%run_scoped3A : memref<!tpu.dma_semaphore, #tpu.memory_space<semaphore_mem>>) src(%dma_wait3A_224 : memref<40x128xf32, #tpu.memory_space<vmem_shared>>) dst(%arg15 : memref<40x128xf32, #tpu.memory_space<vmem>>)
      tpu.yield
    }) : () -> ()
    %mul3A_107 = arith.constant 10240 : i32
    %mul3A_108 = arith.muli %arg0, %mul3A_107 : i32
    %add3A_109 = arith.addi %mul3A_108, %mul3A_0 : i32
    %add3A_110 = arith.constant 0 : i32
    %add3A_111 = arith.addi %add3A_109, %add3A_110 : i32
    "tpu.region"() ({
      %run_scoped3A = tpu.sem_alloc : memref<!tpu.dma_semaphore, #tpu.memory_space<semaphore_mem>>
      %dma_start3A_217 = arith.constant 0 : i32
      %dma_start3A_218 = tpu.memref_slice %arg6[%add3A_111, %dma_start3A_217] : memref<20480x128xf32, #tpu.memory_space<hbm>> -> memref<40x128xf32, #tpu.memory_space<hbm>>
      %dma_start3A_219 = arith.constant 0 : i32
      %dma_start3A_220 = tpu.memref_slice %arg6[%add3A_111, %dma_start3A_219] : memref<20480x128xf32, #tpu.memory_space<hbm>> -> memref<40x128xf32, #tpu.memory_space<hbm>>
      tpu.enqueue_dma source(%arg15 : memref<40x128xf32, #tpu.memory_space<vmem>>) target(%dma_start3A_220 : memref<40x128xf32, #tpu.memory_space<hbm>>) target_semaphore(%run_scoped3A : memref<!tpu.dma_semaphore, #tpu.memory_space<semaphore_mem>>)
      %dma_wait3A_221 = arith.constant 0 : i32
      %dma_wait3A_222 = tpu.memref_slice %arg6[%add3A_111, %dma_wait3A_221] : memref<20480x128xf32, #tpu.memory_space<hbm>> -> memref<40x128xf32, #tpu.memory_space<hbm>>
      %dma_wait3A_223 = arith.constant 0 : i32
      %dma_wait3A_224 = tpu.memref_slice %arg6[%add3A_111, %dma_wait3A_223] : memref<20480x128xf32, #tpu.memory_space<hbm>> -> memref<40x128xf32, #tpu.memory_space<hbm>>
      tpu.wait_dma2 semaphore(%run_scoped3A : memref<!tpu.dma_semaphore, #tpu.memory_space<semaphore_mem>>) src(%arg15 : memref<40x128xf32, #tpu.memory_space<vmem>>) dst(%dma_wait3A_224 : memref<40x128xf32, #tpu.memory_space<hbm>>)
      tpu.yield
    }) : () -> ()
    %add3A_112 = arith.constant 40 : i32
    %add3A_113 = arith.addi %mul3A_0, %add3A_112 : i32
    "tpu.region"() ({
      %run_scoped3A = tpu.sem_alloc : memref<!tpu.dma_semaphore, #tpu.memory_space<semaphore_mem>>
      %dma_start3A_217 = arith.constant 0 : i32
      %dma_start3A_218 = tpu.memref_slice %arg16[%add3A_113, %dma_start3A_217] : memref<10240x128xf32, #tpu.memory_space<vmem_shared>> -> memref<40x128xf32, #tpu.memory_space<vmem_shared>>
      %dma_start3A_219 = arith.constant 0 : i32
      %dma_start3A_220 = tpu.memref_slice %arg16[%add3A_113, %dma_start3A_219] : memref<10240x128xf32, #tpu.memory_space<vmem_shared>> -> memref<40x128xf32, #tpu.memory_space<vmem_shared>>
      tpu.enqueue_dma source(%dma_start3A_220 : memref<40x128xf32, #tpu.memory_space<vmem_shared>>) target(%arg15 : memref<40x128xf32, #tpu.memory_space<vmem>>) target_semaphore(%run_scoped3A : memref<!tpu.dma_semaphore, #tpu.memory_space<semaphore_mem>>)
      %dma_wait3A_221 = arith.constant 0 : i32
      %dma_wait3A_222 = tpu.memref_slice %arg16[%add3A_113, %dma_wait3A_221] : memref<10240x128xf32, #tpu.memory_space<vmem_shared>> -> memref<40x128xf32, #tpu.memory_space<vmem_shared>>
      %dma_wait3A_223 = arith.constant 0 : i32
      %dma_wait3A_224 = tpu.memref_slice %arg16[%add3A_113, %dma_wait3A_223] : memref<10240x128xf32, #tpu.memory_space<vmem_shared>> -> memref<40x128xf32, #tpu.memory_space<vmem_shared>>
      tpu.wait_dma2 semaphore(%run_scoped3A : memref<!tpu.dma_semaphore, #tpu.memory_space<semaphore_mem>>) src(%dma_wait3A_224 : memref<40x128xf32, #tpu.memory_space<vmem_shared>>) dst(%arg15 : memref<40x128xf32, #tpu.memory_space<vmem>>)
      tpu.yield
    }) : () -> ()
    %mul3A_114 = arith.constant 10240 : i32
    %mul3A_115 = arith.muli %arg0, %mul3A_114 : i32
    %add3A_116 = arith.addi %mul3A_115, %mul3A_0 : i32
    %add3A_117 = arith.constant 40 : i32
    %add3A_118 = arith.addi %add3A_116, %add3A_117 : i32
    "tpu.region"() ({
      %run_scoped3A = tpu.sem_alloc : memref<!tpu.dma_semaphore, #tpu.memory_space<semaphore_mem>>
      %dma_start3A_217 = arith.constant 0 : i32
      %dma_start3A_218 = tpu.memref_slice %arg6[%add3A_118, %dma_start3A_217] : memref<20480x128xf32, #tpu.memory_space<hbm>> -> memref<40x128xf32, #tpu.memory_space<hbm>>
      %dma_start3A_219 = arith.constant 0 : i32
      %dma_start3A_220 = tpu.memref_slice %arg6[%add3A_118, %dma_start3A_219] : memref<20480x128xf32, #tpu.memory_space<hbm>> -> memref<40x128xf32, #tpu.memory_space<hbm>>
      tpu.enqueue_dma source(%arg15 : memref<40x128xf32, #tpu.memory_space<vmem>>) target(%dma_start3A_220 : memref<40x128xf32, #tpu.memory_space<hbm>>) target_semaphore(%run_scoped3A : memref<!tpu.dma_semaphore, #tpu.memory_space<semaphore_mem>>)
      %dma_wait3A_221 = arith.constant 0 : i32
      %dma_wait3A_222 = tpu.memref_slice %arg6[%add3A_118, %dma_wait3A_221] : memref<20480x128xf32, #tpu.memory_space<hbm>> -> memref<40x128xf32, #tpu.memory_space<hbm>>
      %dma_wait3A_223 = arith.constant 0 : i32
      %dma_wait3A_224 = tpu.memref_slice %arg6[%add3A_118, %dma_wait3A_223] : memref<20480x128xf32, #tpu.memory_space<hbm>> -> memref<40x128xf32, #tpu.memory_space<hbm>>
      tpu.wait_dma2 semaphore(%run_scoped3A : memref<!tpu.dma_semaphore, #tpu.memory_space<semaphore_mem>>) src(%arg15 : memref<40x128xf32, #tpu.memory_space<vmem>>) dst(%dma_wait3A_224 : memref<40x128xf32, #tpu.memory_space<hbm>>)
      tpu.yield
    }) : () -> ()
    %add3A_119 = arith.constant 80 : i32
    %add3A_120 = arith.addi %mul3A_0, %add3A_119 : i32
    "tpu.region"() ({
      %run_scoped3A = tpu.sem_alloc : memref<!tpu.dma_semaphore, #tpu.memory_space<semaphore_mem>>
      %dma_start3A_217 = arith.constant 0 : i32
      %dma_start3A_218 = tpu.memref_slice %arg16[%add3A_120, %dma_start3A_217] : memref<10240x128xf32, #tpu.memory_space<vmem_shared>> -> memref<40x128xf32, #tpu.memory_space<vmem_shared>>
      %dma_start3A_219 = arith.constant 0 : i32
      %dma_start3A_220 = tpu.memref_slice %arg16[%add3A_120, %dma_start3A_219] : memref<10240x128xf32, #tpu.memory_space<vmem_shared>> -> memref<40x128xf32, #tpu.memory_space<vmem_shared>>
      tpu.enqueue_dma source(%dma_start3A_220 : memref<40x128xf32, #tpu.memory_space<vmem_shared>>) target(%arg15 : memref<40x128xf32, #tpu.memory_space<vmem>>) target_semaphore(%run_scoped3A : memref<!tpu.dma_semaphore, #tpu.memory_space<semaphore_mem>>)
      %dma_wait3A_221 = arith.constant 0 : i32
      %dma_wait3A_222 = tpu.memref_slice %arg16[%add3A_120, %dma_wait3A_221] : memref<10240x128xf32, #tpu.memory_space<vmem_shared>> -> memref<40x128xf32, #tpu.memory_space<vmem_shared>>
      %dma_wait3A_223 = arith.constant 0 : i32
      %dma_wait3A_224 = tpu.memref_slice %arg16[%add3A_120, %dma_wait3A_223] : memref<10240x128xf32, #tpu.memory_space<vmem_shared>> -> memref<40x128xf32, #tpu.memory_space<vmem_shared>>
      tpu.wait_dma2 semaphore(%run_scoped3A : memref<!tpu.dma_semaphore, #tpu.memory_space<semaphore_mem>>) src(%dma_wait3A_224 : memref<40x128xf32, #tpu.memory_space<vmem_shared>>) dst(%arg15 : memref<40x128xf32, #tpu.memory_space<vmem>>)
      tpu.yield
    }) : () -> ()
    %mul3A_121 = arith.constant 10240 : i32
    %mul3A_122 = arith.muli %arg0, %mul3A_121 : i32
    %add3A_123 = arith.addi %mul3A_122, %mul3A_0 : i32
    %add3A_124 = arith.constant 80 : i32
    %add3A_125 = arith.addi %add3A_123, %add3A_124 : i32
    "tpu.region"() ({
      %run_scoped3A = tpu.sem_alloc : memref<!tpu.dma_semaphore, #tpu.memory_space<semaphore_mem>>
      %dma_start3A_217 = arith.constant 0 : i32
      %dma_start3A_218 = tpu.memref_slice %arg6[%add3A_125, %dma_start3A_217] : memref<20480x128xf32, #tpu.memory_space<hbm>> -> memref<40x128xf32, #tpu.memory_space<hbm>>
      %dma_start3A_219 = arith.constant 0 : i32
      %dma_start3A_220 = tpu.memref_slice %arg6[%add3A_125, %dma_start3A_219] : memref<20480x128xf32, #tpu.memory_space<hbm>> -> memref<40x128xf32, #tpu.memory_space<hbm>>
      tpu.enqueue_dma source(%arg15 : memref<40x128xf32, #tpu.memory_space<vmem>>) target(%dma_start3A_220 : memref<40x128xf32, #tpu.memory_space<hbm>>) target_semaphore(%run_scoped3A : memref<!tpu.dma_semaphore, #tpu.memory_space<semaphore_mem>>)
      %dma_wait3A_221 = arith.constant 0 : i32
      %dma_wait3A_222 = tpu.memref_slice %arg6[%add3A_125, %dma_wait3A_221] : memref<20480x128xf32, #tpu.memory_space<hbm>> -> memref<40x128xf32, #tpu.memory_space<hbm>>
      %dma_wait3A_223 = arith.constant 0 : i32
      %dma_wait3A_224 = tpu.memref_slice %arg6[%add3A_125, %dma_wait3A_223] : memref<20480x128xf32, #tpu.memory_space<hbm>> -> memref<40x128xf32, #tpu.memory_space<hbm>>
      tpu.wait_dma2 semaphore(%run_scoped3A : memref<!tpu.dma_semaphore, #tpu.memory_space<semaphore_mem>>) src(%arg15 : memref<40x128xf32, #tpu.memory_space<vmem>>) dst(%dma_wait3A_224 : memref<40x128xf32, #tpu.memory_space<hbm>>)
      tpu.yield
    }) : () -> ()
    %add3A_126 = arith.constant 120 : i32
    %add3A_127 = arith.addi %mul3A_0, %add3A_126 : i32
    "tpu.region"() ({
      %run_scoped3A = tpu.sem_alloc : memref<!tpu.dma_semaphore, #tpu.memory_space<semaphore_mem>>
      %dma_start3A_217 = arith.constant 0 : i32
      %dma_start3A_218 = tpu.memref_slice %arg16[%add3A_127, %dma_start3A_217] : memref<10240x128xf32, #tpu.memory_space<vmem_shared>> -> memref<40x128xf32, #tpu.memory_space<vmem_shared>>
      %dma_start3A_219 = arith.constant 0 : i32
      %dma_start3A_220 = tpu.memref_slice %arg16[%add3A_127, %dma_start3A_219] : memref<10240x128xf32, #tpu.memory_space<vmem_shared>> -> memref<40x128xf32, #tpu.memory_space<vmem_shared>>
      tpu.enqueue_dma source(%dma_start3A_220 : memref<40x128xf32, #tpu.memory_space<vmem_shared>>) target(%arg15 : memref<40x128xf32, #tpu.memory_space<vmem>>) target_semaphore(%run_scoped3A : memref<!tpu.dma_semaphore, #tpu.memory_space<semaphore_mem>>)
      %dma_wait3A_221 = arith.constant 0 : i32
      %dma_wait3A_222 = tpu.memref_slice %arg16[%add3A_127, %dma_wait3A_221] : memref<10240x128xf32, #tpu.memory_space<vmem_shared>> -> memref<40x128xf32, #tpu.memory_space<vmem_shared>>
      %dma_wait3A_223 = arith.constant 0 : i32
      %dma_wait3A_224 = tpu.memref_slice %arg16[%add3A_127, %dma_wait3A_223] : memref<10240x128xf32, #tpu.memory_space<vmem_shared>> -> memref<40x128xf32, #tpu.memory_space<vmem_shared>>
      tpu.wait_dma2 semaphore(%run_scoped3A : memref<!tpu.dma_semaphore, #tpu.memory_space<semaphore_mem>>) src(%dma_wait3A_224 : memref<40x128xf32, #tpu.memory_space<vmem_shared>>) dst(%arg15 : memref<40x128xf32, #tpu.memory_space<vmem>>)
      tpu.yield
    }) : () -> ()
    %mul3A_128 = arith.constant 10240 : i32
    %mul3A_129 = arith.muli %arg0, %mul3A_128 : i32
    %add3A_130 = arith.addi %mul3A_129, %mul3A_0 : i32
    %add3A_131 = arith.constant 120 : i32
    %add3A_132 = arith.addi %add3A_130, %add3A_131 : i32
    "tpu.region"() ({
      %run_scoped3A = tpu.sem_alloc : memref<!tpu.dma_semaphore, #tpu.memory_space<semaphore_mem>>
      %dma_start3A_217 = arith.constant 0 : i32
      %dma_start3A_218 = tpu.memref_slice %arg6[%add3A_132, %dma_start3A_217] : memref<20480x128xf32, #tpu.memory_space<hbm>> -> memref<40x128xf32, #tpu.memory_space<hbm>>
      %dma_start3A_219 = arith.constant 0 : i32
      %dma_start3A_220 = tpu.memref_slice %arg6[%add3A_132, %dma_start3A_219] : memref<20480x128xf32, #tpu.memory_space<hbm>> -> memref<40x128xf32, #tpu.memory_space<hbm>>
      tpu.enqueue_dma source(%arg15 : memref<40x128xf32, #tpu.memory_space<vmem>>) target(%dma_start3A_220 : memref<40x128xf32, #tpu.memory_space<hbm>>) target_semaphore(%run_scoped3A : memref<!tpu.dma_semaphore, #tpu.memory_space<semaphore_mem>>)
      %dma_wait3A_221 = arith.constant 0 : i32
      %dma_wait3A_222 = tpu.memref_slice %arg6[%add3A_132, %dma_wait3A_221] : memref<20480x128xf32, #tpu.memory_space<hbm>> -> memref<40x128xf32, #tpu.memory_space<hbm>>
      %dma_wait3A_223 = arith.constant 0 : i32
      %dma_wait3A_224 = tpu.memref_slice %arg6[%add3A_132, %dma_wait3A_223] : memref<20480x128xf32, #tpu.memory_space<hbm>> -> memref<40x128xf32, #tpu.memory_space<hbm>>
      tpu.wait_dma2 semaphore(%run_scoped3A : memref<!tpu.dma_semaphore, #tpu.memory_space<semaphore_mem>>) src(%arg15 : memref<40x128xf32, #tpu.memory_space<vmem>>) dst(%dma_wait3A_224 : memref<40x128xf32, #tpu.memory_space<hbm>>)
      tpu.yield
    }) : () -> ()
    %add3A_133 = arith.constant 160 : i32
    %add3A_134 = arith.addi %mul3A_0, %add3A_133 : i32
    "tpu.region"() ({
      %run_scoped3A = tpu.sem_alloc : memref<!tpu.dma_semaphore, #tpu.memory_space<semaphore_mem>>
      %dma_start3A_217 = arith.constant 0 : i32
      %dma_start3A_218 = tpu.memref_slice %arg16[%add3A_134, %dma_start3A_217] : memref<10240x128xf32, #tpu.memory_space<vmem_shared>> -> memref<40x128xf32, #tpu.memory_space<vmem_shared>>
      %dma_start3A_219 = arith.constant 0 : i32
      %dma_start3A_220 = tpu.memref_slice %arg16[%add3A_134, %dma_start3A_219] : memref<10240x128xf32, #tpu.memory_space<vmem_shared>> -> memref<40x128xf32, #tpu.memory_space<vmem_shared>>
      tpu.enqueue_dma source(%dma_start3A_220 : memref<40x128xf32, #tpu.memory_space<vmem_shared>>) target(%arg15 : memref<40x128xf32, #tpu.memory_space<vmem>>) target_semaphore(%run_scoped3A : memref<!tpu.dma_semaphore, #tpu.memory_space<semaphore_mem>>)
      %dma_wait3A_221 = arith.constant 0 : i32
      %dma_wait3A_222 = tpu.memref_slice %arg16[%add3A_134, %dma_wait3A_221] : memref<10240x128xf32, #tpu.memory_space<vmem_shared>> -> memref<40x128xf32, #tpu.memory_space<vmem_shared>>
      %dma_wait3A_223 = arith.constant 0 : i32
      %dma_wait3A_224 = tpu.memref_slice %arg16[%add3A_134, %dma_wait3A_223] : memref<10240x128xf32, #tpu.memory_space<vmem_shared>> -> memref<40x128xf32, #tpu.memory_space<vmem_shared>>
      tpu.wait_dma2 semaphore(%run_scoped3A : memref<!tpu.dma_semaphore, #tpu.memory_space<semaphore_mem>>) src(%dma_wait3A_224 : memref<40x128xf32, #tpu.memory_space<vmem_shared>>) dst(%arg15 : memref<40x128xf32, #tpu.memory_space<vmem>>)
      tpu.yield
    }) : () -> ()
    %mul3A_135 = arith.constant 10240 : i32
    %mul3A_136 = arith.muli %arg0, %mul3A_135 : i32
    %add3A_137 = arith.addi %mul3A_136, %mul3A_0 : i32
    %add3A_138 = arith.constant 160 : i32
    %add3A_139 = arith.addi %add3A_137, %add3A_138 : i32
    "tpu.region"() ({
      %run_scoped3A = tpu.sem_alloc : memref<!tpu.dma_semaphore, #tpu.memory_space<semaphore_mem>>
      %dma_start3A_217 = arith.constant 0 : i32
      %dma_start3A_218 = tpu.memref_slice %arg6[%add3A_139, %dma_start3A_217] : memref<20480x128xf32, #tpu.memory_space<hbm>> -> memref<40x128xf32, #tpu.memory_space<hbm>>
      %dma_start3A_219 = arith.constant 0 : i32
      %dma_start3A_220 = tpu.memref_slice %arg6[%add3A_139, %dma_start3A_219] : memref<20480x128xf32, #tpu.memory_space<hbm>> -> memref<40x128xf32, #tpu.memory_space<hbm>>
      tpu.enqueue_dma source(%arg15 : memref<40x128xf32, #tpu.memory_space<vmem>>) target(%dma_start3A_220 : memref<40x128xf32, #tpu.memory_space<hbm>>) target_semaphore(%run_scoped3A : memref<!tpu.dma_semaphore, #tpu.memory_space<semaphore_mem>>)
      %dma_wait3A_221 = arith.constant 0 : i32
      %dma_wait3A_222 = tpu.memref_slice %arg6[%add3A_139, %dma_wait3A_221] : memref<20480x128xf32, #tpu.memory_space<hbm>> -> memref<40x128xf32, #tpu.memory_space<hbm>>
      %dma_wait3A_223 = arith.constant 0 : i32
      %dma_wait3A_224 = tpu.memref_slice %arg6[%add3A_139, %dma_wait3A_223] : memref<20480x128xf32, #tpu.memory_space<hbm>> -> memref<40x128xf32, #tpu.memory_space<hbm>>
      tpu.wait_dma2 semaphore(%run_scoped3A : memref<!tpu.dma_semaphore, #tpu.memory_space<semaphore_mem>>) src(%arg15 : memref<40x128xf32, #tpu.memory_space<vmem>>) dst(%dma_wait3A_224 : memref<40x128xf32, #tpu.memory_space<hbm>>)
      tpu.yield
    }) : () -> ()
    %add3A_140 = arith.constant 200 : i32
    %add3A_141 = arith.addi %mul3A_0, %add3A_140 : i32
    "tpu.region"() ({
      %run_scoped3A = tpu.sem_alloc : memref<!tpu.dma_semaphore, #tpu.memory_space<semaphore_mem>>
      %dma_start3A_217 = arith.constant 0 : i32
      %dma_start3A_218 = tpu.memref_slice %arg16[%add3A_141, %dma_start3A_217] : memref<10240x128xf32, #tpu.memory_space<vmem_shared>> -> memref<40x128xf32, #tpu.memory_space<vmem_shared>>
      %dma_start3A_219 = arith.constant 0 : i32
      %dma_start3A_220 = tpu.memref_slice %arg16[%add3A_141, %dma_start3A_219] : memref<10240x128xf32, #tpu.memory_space<vmem_shared>> -> memref<40x128xf32, #tpu.memory_space<vmem_shared>>
      tpu.enqueue_dma source(%dma_start3A_220 : memref<40x128xf32, #tpu.memory_space<vmem_shared>>) target(%arg15 : memref<40x128xf32, #tpu.memory_space<vmem>>) target_semaphore(%run_scoped3A : memref<!tpu.dma_semaphore, #tpu.memory_space<semaphore_mem>>)
      %dma_wait3A_221 = arith.constant 0 : i32
      %dma_wait3A_222 = tpu.memref_slice %arg16[%add3A_141, %dma_wait3A_221] : memref<10240x128xf32, #tpu.memory_space<vmem_shared>> -> memref<40x128xf32, #tpu.memory_space<vmem_shared>>
      %dma_wait3A_223 = arith.constant 0 : i32
      %dma_wait3A_224 = tpu.memref_slice %arg16[%add3A_141, %dma_wait3A_223] : memref<10240x128xf32, #tpu.memory_space<vmem_shared>> -> memref<40x128xf32, #tpu.memory_space<vmem_shared>>
      tpu.wait_dma2 semaphore(%run_scoped3A : memref<!tpu.dma_semaphore, #tpu.memory_space<semaphore_mem>>) src(%dma_wait3A_224 : memref<40x128xf32, #tpu.memory_space<vmem_shared>>) dst(%arg15 : memref<40x128xf32, #tpu.memory_space<vmem>>)
      tpu.yield
    }) : () -> ()
    %mul3A_142 = arith.constant 10240 : i32
    %mul3A_143 = arith.muli %arg0, %mul3A_142 : i32
    %add3A_144 = arith.addi %mul3A_143, %mul3A_0 : i32
    %add3A_145 = arith.constant 200 : i32
    %add3A_146 = arith.addi %add3A_144, %add3A_145 : i32
    "tpu.region"() ({
      %run_scoped3A = tpu.sem_alloc : memref<!tpu.dma_semaphore, #tpu.memory_space<semaphore_mem>>
      %dma_start3A_217 = arith.constant 0 : i32
      %dma_start3A_218 = tpu.memref_slice %arg6[%add3A_146, %dma_start3A_217] : memref<20480x128xf32, #tpu.memory_space<hbm>> -> memref<40x128xf32, #tpu.memory_space<hbm>>
      %dma_start3A_219 = arith.constant 0 : i32
      %dma_start3A_220 = tpu.memref_slice %arg6[%add3A_146, %dma_start3A_219] : memref<20480x128xf32, #tpu.memory_space<hbm>> -> memref<40x128xf32, #tpu.memory_space<hbm>>
      tpu.enqueue_dma source(%arg15 : memref<40x128xf32, #tpu.memory_space<vmem>>) target(%dma_start3A_220 : memref<40x128xf32, #tpu.memory_space<hbm>>) target_semaphore(%run_scoped3A : memref<!tpu.dma_semaphore, #tpu.memory_space<semaphore_mem>>)
      %dma_wait3A_221 = arith.constant 0 : i32
      %dma_wait3A_222 = tpu.memref_slice %arg6[%add3A_146, %dma_wait3A_221] : memref<20480x128xf32, #tpu.memory_space<hbm>> -> memref<40x128xf32, #tpu.memory_space<hbm>>
      %dma_wait3A_223 = arith.constant 0 : i32
      %dma_wait3A_224 = tpu.memref_slice %arg6[%add3A_146, %dma_wait3A_223] : memref<20480x128xf32, #tpu.memory_space<hbm>> -> memref<40x128xf32, #tpu.memory_space<hbm>>
      tpu.wait_dma2 semaphore(%run_scoped3A : memref<!tpu.dma_semaphore, #tpu.memory_space<semaphore_mem>>) src(%arg15 : memref<40x128xf32, #tpu.memory_space<vmem>>) dst(%dma_wait3A_224 : memref<40x128xf32, #tpu.memory_space<hbm>>)
      tpu.yield
    }) : () -> ()
    %add3A_147 = arith.constant 240 : i32
    %add3A_148 = arith.addi %mul3A_0, %add3A_147 : i32
    "tpu.region"() ({
      %run_scoped3A = tpu.sem_alloc : memref<!tpu.dma_semaphore, #tpu.memory_space<semaphore_mem>>
      %dma_start3A_217 = arith.constant 0 : i32
      %dma_start3A_218 = tpu.memref_slice %arg16[%add3A_148, %dma_start3A_217] : memref<10240x128xf32, #tpu.memory_space<vmem_shared>> -> memref<40x128xf32, #tpu.memory_space<vmem_shared>>
      %dma_start3A_219 = arith.constant 0 : i32
      %dma_start3A_220 = tpu.memref_slice %arg16[%add3A_148, %dma_start3A_219] : memref<10240x128xf32, #tpu.memory_space<vmem_shared>> -> memref<40x128xf32, #tpu.memory_space<vmem_shared>>
      tpu.enqueue_dma source(%dma_start3A_220 : memref<40x128xf32, #tpu.memory_space<vmem_shared>>) target(%arg15 : memref<40x128xf32, #tpu.memory_space<vmem>>) target_semaphore(%run_scoped3A : memref<!tpu.dma_semaphore, #tpu.memory_space<semaphore_mem>>)
      %dma_wait3A_221 = arith.constant 0 : i32
      %dma_wait3A_222 = tpu.memref_slice %arg16[%add3A_148, %dma_wait3A_221] : memref<10240x128xf32, #tpu.memory_space<vmem_shared>> -> memref<40x128xf32, #tpu.memory_space<vmem_shared>>
      %dma_wait3A_223 = arith.constant 0 : i32
      %dma_wait3A_224 = tpu.memref_slice %arg16[%add3A_148, %dma_wait3A_223] : memref<10240x128xf32, #tpu.memory_space<vmem_shared>> -> memref<40x128xf32, #tpu.memory_space<vmem_shared>>
      tpu.wait_dma2 semaphore(%run_scoped3A : memref<!tpu.dma_semaphore, #tpu.memory_space<semaphore_mem>>) src(%dma_wait3A_224 : memref<40x128xf32, #tpu.memory_space<vmem_shared>>) dst(%arg15 : memref<40x128xf32, #tpu.memory_space<vmem>>)
      tpu.yield
    }) : () -> ()
    %mul3A_149 = arith.constant 10240 : i32
    %mul3A_150 = arith.muli %arg0, %mul3A_149 : i32
    %add3A_151 = arith.addi %mul3A_150, %mul3A_0 : i32
    %add3A_152 = arith.constant 240 : i32
    %add3A_153 = arith.addi %add3A_151, %add3A_152 : i32
    "tpu.region"() ({
      %run_scoped3A = tpu.sem_alloc : memref<!tpu.dma_semaphore, #tpu.memory_space<semaphore_mem>>
      %dma_start3A_217 = arith.constant 0 : i32
      %dma_start3A_218 = tpu.memref_slice %arg6[%add3A_153, %dma_start3A_217] : memref<20480x128xf32, #tpu.memory_space<hbm>> -> memref<40x128xf32, #tpu.memory_space<hbm>>
      %dma_start3A_219 = arith.constant 0 : i32
      %dma_start3A_220 = tpu.memref_slice %arg6[%add3A_153, %dma_start3A_219] : memref<20480x128xf32, #tpu.memory_space<hbm>> -> memref<40x128xf32, #tpu.memory_space<hbm>>
      tpu.enqueue_dma source(%arg15 : memref<40x128xf32, #tpu.memory_space<vmem>>) target(%dma_start3A_220 : memref<40x128xf32, #tpu.memory_space<hbm>>) target_semaphore(%run_scoped3A : memref<!tpu.dma_semaphore, #tpu.memory_space<semaphore_mem>>)
      %dma_wait3A_221 = arith.constant 0 : i32
      %dma_wait3A_222 = tpu.memref_slice %arg6[%add3A_153, %dma_wait3A_221] : memref<20480x128xf32, #tpu.memory_space<hbm>> -> memref<40x128xf32, #tpu.memory_space<hbm>>
      %dma_wait3A_223 = arith.constant 0 : i32
      %dma_wait3A_224 = tpu.memref_slice %arg6[%add3A_153, %dma_wait3A_223] : memref<20480x128xf32, #tpu.memory_space<hbm>> -> memref<40x128xf32, #tpu.memory_space<hbm>>
      tpu.wait_dma2 semaphore(%run_scoped3A : memref<!tpu.dma_semaphore, #tpu.memory_space<semaphore_mem>>) src(%arg15 : memref<40x128xf32, #tpu.memory_space<vmem>>) dst(%dma_wait3A_224 : memref<40x128xf32, #tpu.memory_space<hbm>>)
      tpu.yield
    }) : () -> ()
    %add3A_154 = arith.constant 280 : i32
    %add3A_155 = arith.addi %mul3A_0, %add3A_154 : i32
    "tpu.region"() ({
      %run_scoped3A = tpu.sem_alloc : memref<!tpu.dma_semaphore, #tpu.memory_space<semaphore_mem>>
      %dma_start3A_217 = arith.constant 0 : i32
      %dma_start3A_218 = tpu.memref_slice %arg16[%add3A_155, %dma_start3A_217] : memref<10240x128xf32, #tpu.memory_space<vmem_shared>> -> memref<40x128xf32, #tpu.memory_space<vmem_shared>>
      %dma_start3A_219 = arith.constant 0 : i32
      %dma_start3A_220 = tpu.memref_slice %arg16[%add3A_155, %dma_start3A_219] : memref<10240x128xf32, #tpu.memory_space<vmem_shared>> -> memref<40x128xf32, #tpu.memory_space<vmem_shared>>
      tpu.enqueue_dma source(%dma_start3A_220 : memref<40x128xf32, #tpu.memory_space<vmem_shared>>) target(%arg15 : memref<40x128xf32, #tpu.memory_space<vmem>>) target_semaphore(%run_scoped3A : memref<!tpu.dma_semaphore, #tpu.memory_space<semaphore_mem>>)
      %dma_wait3A_221 = arith.constant 0 : i32
      %dma_wait3A_222 = tpu.memref_slice %arg16[%add3A_155, %dma_wait3A_221] : memref<10240x128xf32, #tpu.memory_space<vmem_shared>> -> memref<40x128xf32, #tpu.memory_space<vmem_shared>>
      %dma_wait3A_223 = arith.constant 0 : i32
      %dma_wait3A_224 = tpu.memref_slice %arg16[%add3A_155, %dma_wait3A_223] : memref<10240x128xf32, #tpu.memory_space<vmem_shared>> -> memref<40x128xf32, #tpu.memory_space<vmem_shared>>
      tpu.wait_dma2 semaphore(%run_scoped3A : memref<!tpu.dma_semaphore, #tpu.memory_space<semaphore_mem>>) src(%dma_wait3A_224 : memref<40x128xf32, #tpu.memory_space<vmem_shared>>) dst(%arg15 : memref<40x128xf32, #tpu.memory_space<vmem>>)
      tpu.yield
    }) : () -> ()
    %mul3A_156 = arith.constant 10240 : i32
    %mul3A_157 = arith.muli %arg0, %mul3A_156 : i32
    %add3A_158 = arith.addi %mul3A_157, %mul3A_0 : i32
    %add3A_159 = arith.constant 280 : i32
    %add3A_160 = arith.addi %add3A_158, %add3A_159 : i32
    "tpu.region"() ({
      %run_scoped3A = tpu.sem_alloc : memref<!tpu.dma_semaphore, #tpu.memory_space<semaphore_mem>>
      %dma_start3A_217 = arith.constant 0 : i32
      %dma_start3A_218 = tpu.memref_slice %arg6[%add3A_160, %dma_start3A_217] : memref<20480x128xf32, #tpu.memory_space<hbm>> -> memref<40x128xf32, #tpu.memory_space<hbm>>
      %dma_start3A_219 = arith.constant 0 : i32
      %dma_start3A_220 = tpu.memref_slice %arg6[%add3A_160, %dma_start3A_219] : memref<20480x128xf32, #tpu.memory_space<hbm>> -> memref<40x128xf32, #tpu.memory_space<hbm>>
      tpu.enqueue_dma source(%arg15 : memref<40x128xf32, #tpu.memory_space<vmem>>) target(%dma_start3A_220 : memref<40x128xf32, #tpu.memory_space<hbm>>) target_semaphore(%run_scoped3A : memref<!tpu.dma_semaphore, #tpu.memory_space<semaphore_mem>>)
      %dma_wait3A_221 = arith.constant 0 : i32
      %dma_wait3A_222 = tpu.memref_slice %arg6[%add3A_160, %dma_wait3A_221] : memref<20480x128xf32, #tpu.memory_space<hbm>> -> memref<40x128xf32, #tpu.memory_space<hbm>>
      %dma_wait3A_223 = arith.constant 0 : i32
      %dma_wait3A_224 = tpu.memref_slice %arg6[%add3A_160, %dma_wait3A_223] : memref<20480x128xf32, #tpu.memory_space<hbm>> -> memref<40x128xf32, #tpu.memory_space<hbm>>
      tpu.wait_dma2 semaphore(%run_scoped3A : memref<!tpu.dma_semaphore, #tpu.memory_space<semaphore_mem>>) src(%arg15 : memref<40x128xf32, #tpu.memory_space<vmem>>) dst(%dma_wait3A_224 : memref<40x128xf32, #tpu.memory_space<hbm>>)
      tpu.yield
    }) : () -> ()
    %add3A_161 = arith.constant 320 : i32
    %add3A_162 = arith.addi %mul3A_0, %add3A_161 : i32
    "tpu.region"() ({
      %run_scoped3A = tpu.sem_alloc : memref<!tpu.dma_semaphore, #tpu.memory_space<semaphore_mem>>
      %dma_start3A_217 = arith.constant 0 : i32
      %dma_start3A_218 = tpu.memref_slice %arg16[%add3A_162, %dma_start3A_217] : memref<10240x128xf32, #tpu.memory_space<vmem_shared>> -> memref<40x128xf32, #tpu.memory_space<vmem_shared>>
      %dma_start3A_219 = arith.constant 0 : i32
      %dma_start3A_220 = tpu.memref_slice %arg16[%add3A_162, %dma_start3A_219] : memref<10240x128xf32, #tpu.memory_space<vmem_shared>> -> memref<40x128xf32, #tpu.memory_space<vmem_shared>>
      tpu.enqueue_dma source(%dma_start3A_220 : memref<40x128xf32, #tpu.memory_space<vmem_shared>>) target(%arg15 : memref<40x128xf32, #tpu.memory_space<vmem>>) target_semaphore(%run_scoped3A : memref<!tpu.dma_semaphore, #tpu.memory_space<semaphore_mem>>)
      %dma_wait3A_221 = arith.constant 0 : i32
      %dma_wait3A_222 = tpu.memref_slice %arg16[%add3A_162, %dma_wait3A_221] : memref<10240x128xf32, #tpu.memory_space<vmem_shared>> -> memref<40x128xf32, #tpu.memory_space<vmem_shared>>
      %dma_wait3A_223 = arith.constant 0 : i32
      %dma_wait3A_224 = tpu.memref_slice %arg16[%add3A_162, %dma_wait3A_223] : memref<10240x128xf32, #tpu.memory_space<vmem_shared>> -> memref<40x128xf32, #tpu.memory_space<vmem_shared>>
      tpu.wait_dma2 semaphore(%run_scoped3A : memref<!tpu.dma_semaphore, #tpu.memory_space<semaphore_mem>>) src(%dma_wait3A_224 : memref<40x128xf32, #tpu.memory_space<vmem_shared>>) dst(%arg15 : memref<40x128xf32, #tpu.memory_space<vmem>>)
      tpu.yield
    }) : () -> ()
    %mul3A_163 = arith.constant 10240 : i32
    %mul3A_164 = arith.muli %arg0, %mul3A_163 : i32
    %add3A_165 = arith.addi %mul3A_164, %mul3A_0 : i32
    %add3A_166 = arith.constant 320 : i32
    %add3A_167 = arith.addi %add3A_165, %add3A_166 : i32
    "tpu.region"() ({
      %run_scoped3A = tpu.sem_alloc : memref<!tpu.dma_semaphore, #tpu.memory_space<semaphore_mem>>
      %dma_start3A_217 = arith.constant 0 : i32
      %dma_start3A_218 = tpu.memref_slice %arg6[%add3A_167, %dma_start3A_217] : memref<20480x128xf32, #tpu.memory_space<hbm>> -> memref<40x128xf32, #tpu.memory_space<hbm>>
      %dma_start3A_219 = arith.constant 0 : i32
      %dma_start3A_220 = tpu.memref_slice %arg6[%add3A_167, %dma_start3A_219] : memref<20480x128xf32, #tpu.memory_space<hbm>> -> memref<40x128xf32, #tpu.memory_space<hbm>>
      tpu.enqueue_dma source(%arg15 : memref<40x128xf32, #tpu.memory_space<vmem>>) target(%dma_start3A_220 : memref<40x128xf32, #tpu.memory_space<hbm>>) target_semaphore(%run_scoped3A : memref<!tpu.dma_semaphore, #tpu.memory_space<semaphore_mem>>)
      %dma_wait3A_221 = arith.constant 0 : i32
      %dma_wait3A_222 = tpu.memref_slice %arg6[%add3A_167, %dma_wait3A_221] : memref<20480x128xf32, #tpu.memory_space<hbm>> -> memref<40x128xf32, #tpu.memory_space<hbm>>
      %dma_wait3A_223 = arith.constant 0 : i32
      %dma_wait3A_224 = tpu.memref_slice %arg6[%add3A_167, %dma_wait3A_223] : memref<20480x128xf32, #tpu.memory_space<hbm>> -> memref<40x128xf32, #tpu.memory_space<hbm>>
      tpu.wait_dma2 semaphore(%run_scoped3A : memref<!tpu.dma_semaphore, #tpu.memory_space<semaphore_mem>>) src(%arg15 : memref<40x128xf32, #tpu.memory_space<vmem>>) dst(%dma_wait3A_224 : memref<40x128xf32, #tpu.memory_space<hbm>>)
      tpu.yield
    }) : () -> ()
    %add3A_168 = arith.constant 360 : i32
    %add3A_169 = arith.addi %mul3A_0, %add3A_168 : i32
    "tpu.region"() ({
      %run_scoped3A = tpu.sem_alloc : memref<!tpu.dma_semaphore, #tpu.memory_space<semaphore_mem>>
      %dma_start3A_217 = arith.constant 0 : i32
      %dma_start3A_218 = tpu.memref_slice %arg16[%add3A_169, %dma_start3A_217] : memref<10240x128xf32, #tpu.memory_space<vmem_shared>> -> memref<40x128xf32, #tpu.memory_space<vmem_shared>>
      %dma_start3A_219 = arith.constant 0 : i32
      %dma_start3A_220 = tpu.memref_slice %arg16[%add3A_169, %dma_start3A_219] : memref<10240x128xf32, #tpu.memory_space<vmem_shared>> -> memref<40x128xf32, #tpu.memory_space<vmem_shared>>
      tpu.enqueue_dma source(%dma_start3A_220 : memref<40x128xf32, #tpu.memory_space<vmem_shared>>) target(%arg15 : memref<40x128xf32, #tpu.memory_space<vmem>>) target_semaphore(%run_scoped3A : memref<!tpu.dma_semaphore, #tpu.memory_space<semaphore_mem>>)
      %dma_wait3A_221 = arith.constant 0 : i32
      %dma_wait3A_222 = tpu.memref_slice %arg16[%add3A_169, %dma_wait3A_221] : memref<10240x128xf32, #tpu.memory_space<vmem_shared>> -> memref<40x128xf32, #tpu.memory_space<vmem_shared>>
      %dma_wait3A_223 = arith.constant 0 : i32
      %dma_wait3A_224 = tpu.memref_slice %arg16[%add3A_169, %dma_wait3A_223] : memref<10240x128xf32, #tpu.memory_space<vmem_shared>> -> memref<40x128xf32, #tpu.memory_space<vmem_shared>>
      tpu.wait_dma2 semaphore(%run_scoped3A : memref<!tpu.dma_semaphore, #tpu.memory_space<semaphore_mem>>) src(%dma_wait3A_224 : memref<40x128xf32, #tpu.memory_space<vmem_shared>>) dst(%arg15 : memref<40x128xf32, #tpu.memory_space<vmem>>)
      tpu.yield
    }) : () -> ()
    %mul3A_170 = arith.constant 10240 : i32
    %mul3A_171 = arith.muli %arg0, %mul3A_170 : i32
    %add3A_172 = arith.addi %mul3A_171, %mul3A_0 : i32
    %add3A_173 = arith.constant 360 : i32
    %add3A_174 = arith.addi %add3A_172, %add3A_173 : i32
    "tpu.region"() ({
      %run_scoped3A = tpu.sem_alloc : memref<!tpu.dma_semaphore, #tpu.memory_space<semaphore_mem>>
      %dma_start3A_217 = arith.constant 0 : i32
      %dma_start3A_218 = tpu.memref_slice %arg6[%add3A_174, %dma_start3A_217] : memref<20480x128xf32, #tpu.memory_space<hbm>> -> memref<40x128xf32, #tpu.memory_space<hbm>>
      %dma_start3A_219 = arith.constant 0 : i32
      %dma_start3A_220 = tpu.memref_slice %arg6[%add3A_174, %dma_start3A_219] : memref<20480x128xf32, #tpu.memory_space<hbm>> -> memref<40x128xf32, #tpu.memory_space<hbm>>
      tpu.enqueue_dma source(%arg15 : memref<40x128xf32, #tpu.memory_space<vmem>>) target(%dma_start3A_220 : memref<40x128xf32, #tpu.memory_space<hbm>>) target_semaphore(%run_scoped3A : memref<!tpu.dma_semaphore, #tpu.memory_space<semaphore_mem>>)
      %dma_wait3A_221 = arith.constant 0 : i32
      %dma_wait3A_222 = tpu.memref_slice %arg6[%add3A_174, %dma_wait3A_221] : memref<20480x128xf32, #tpu.memory_space<hbm>> -> memref<40x128xf32, #tpu.memory_space<hbm>>
      %dma_wait3A_223 = arith.constant 0 : i32
      %dma_wait3A_224 = tpu.memref_slice %arg6[%add3A_174, %dma_wait3A_223] : memref<20480x128xf32, #tpu.memory_space<hbm>> -> memref<40x128xf32, #tpu.memory_space<hbm>>
      tpu.wait_dma2 semaphore(%run_scoped3A : memref<!tpu.dma_semaphore, #tpu.memory_space<semaphore_mem>>) src(%arg15 : memref<40x128xf32, #tpu.memory_space<vmem>>) dst(%dma_wait3A_224 : memref<40x128xf32, #tpu.memory_space<hbm>>)
      tpu.yield
    }) : () -> ()
    %add3A_175 = arith.constant 400 : i32
    %add3A_176 = arith.addi %mul3A_0, %add3A_175 : i32
    "tpu.region"() ({
      %run_scoped3A = tpu.sem_alloc : memref<!tpu.dma_semaphore, #tpu.memory_space<semaphore_mem>>
      %dma_start3A_217 = arith.constant 0 : i32
      %dma_start3A_218 = tpu.memref_slice %arg16[%add3A_176, %dma_start3A_217] : memref<10240x128xf32, #tpu.memory_space<vmem_shared>> -> memref<40x128xf32, #tpu.memory_space<vmem_shared>>
      %dma_start3A_219 = arith.constant 0 : i32
      %dma_start3A_220 = tpu.memref_slice %arg16[%add3A_176, %dma_start3A_219] : memref<10240x128xf32, #tpu.memory_space<vmem_shared>> -> memref<40x128xf32, #tpu.memory_space<vmem_shared>>
      tpu.enqueue_dma source(%dma_start3A_220 : memref<40x128xf32, #tpu.memory_space<vmem_shared>>) target(%arg15 : memref<40x128xf32, #tpu.memory_space<vmem>>) target_semaphore(%run_scoped3A : memref<!tpu.dma_semaphore, #tpu.memory_space<semaphore_mem>>)
      %dma_wait3A_221 = arith.constant 0 : i32
      %dma_wait3A_222 = tpu.memref_slice %arg16[%add3A_176, %dma_wait3A_221] : memref<10240x128xf32, #tpu.memory_space<vmem_shared>> -> memref<40x128xf32, #tpu.memory_space<vmem_shared>>
      %dma_wait3A_223 = arith.constant 0 : i32
      %dma_wait3A_224 = tpu.memref_slice %arg16[%add3A_176, %dma_wait3A_223] : memref<10240x128xf32, #tpu.memory_space<vmem_shared>> -> memref<40x128xf32, #tpu.memory_space<vmem_shared>>
      tpu.wait_dma2 semaphore(%run_scoped3A : memref<!tpu.dma_semaphore, #tpu.memory_space<semaphore_mem>>) src(%dma_wait3A_224 : memref<40x128xf32, #tpu.memory_space<vmem_shared>>) dst(%arg15 : memref<40x128xf32, #tpu.memory_space<vmem>>)
      tpu.yield
    }) : () -> ()
    %mul3A_177 = arith.constant 10240 : i32
    %mul3A_178 = arith.muli %arg0, %mul3A_177 : i32
    %add3A_179 = arith.addi %mul3A_178, %mul3A_0 : i32
    %add3A_180 = arith.constant 400 : i32
    %add3A_181 = arith.addi %add3A_179, %add3A_180 : i32
    "tpu.region"() ({
      %run_scoped3A = tpu.sem_alloc : memref<!tpu.dma_semaphore, #tpu.memory_space<semaphore_mem>>
      %dma_start3A_217 = arith.constant 0 : i32
      %dma_start3A_218 = tpu.memref_slice %arg6[%add3A_181, %dma_start3A_217] : memref<20480x128xf32, #tpu.memory_space<hbm>> -> memref<40x128xf32, #tpu.memory_space<hbm>>
      %dma_start3A_219 = arith.constant 0 : i32
      %dma_start3A_220 = tpu.memref_slice %arg6[%add3A_181, %dma_start3A_219] : memref<20480x128xf32, #tpu.memory_space<hbm>> -> memref<40x128xf32, #tpu.memory_space<hbm>>
      tpu.enqueue_dma source(%arg15 : memref<40x128xf32, #tpu.memory_space<vmem>>) target(%dma_start3A_220 : memref<40x128xf32, #tpu.memory_space<hbm>>) target_semaphore(%run_scoped3A : memref<!tpu.dma_semaphore, #tpu.memory_space<semaphore_mem>>)
      %dma_wait3A_221 = arith.constant 0 : i32
      %dma_wait3A_222 = tpu.memref_slice %arg6[%add3A_181, %dma_wait3A_221] : memref<20480x128xf32, #tpu.memory_space<hbm>> -> memref<40x128xf32, #tpu.memory_space<hbm>>
      %dma_wait3A_223 = arith.constant 0 : i32
      %dma_wait3A_224 = tpu.memref_slice %arg6[%add3A_181, %dma_wait3A_223] : memref<20480x128xf32, #tpu.memory_space<hbm>> -> memref<40x128xf32, #tpu.memory_space<hbm>>
      tpu.wait_dma2 semaphore(%run_scoped3A : memref<!tpu.dma_semaphore, #tpu.memory_space<semaphore_mem>>) src(%arg15 : memref<40x128xf32, #tpu.memory_space<vmem>>) dst(%dma_wait3A_224 : memref<40x128xf32, #tpu.memory_space<hbm>>)
      tpu.yield
    }) : () -> ()
    %add3A_182 = arith.constant 440 : i32
    %add3A_183 = arith.addi %mul3A_0, %add3A_182 : i32
    "tpu.region"() ({
      %run_scoped3A = tpu.sem_alloc : memref<!tpu.dma_semaphore, #tpu.memory_space<semaphore_mem>>
      %dma_start3A_217 = arith.constant 0 : i32
      %dma_start3A_218 = tpu.memref_slice %arg16[%add3A_183, %dma_start3A_217] : memref<10240x128xf32, #tpu.memory_space<vmem_shared>> -> memref<40x128xf32, #tpu.memory_space<vmem_shared>>
      %dma_start3A_219 = arith.constant 0 : i32
      %dma_start3A_220 = tpu.memref_slice %arg16[%add3A_183, %dma_start3A_219] : memref<10240x128xf32, #tpu.memory_space<vmem_shared>> -> memref<40x128xf32, #tpu.memory_space<vmem_shared>>
      tpu.enqueue_dma source(%dma_start3A_220 : memref<40x128xf32, #tpu.memory_space<vmem_shared>>) target(%arg15 : memref<40x128xf32, #tpu.memory_space<vmem>>) target_semaphore(%run_scoped3A : memref<!tpu.dma_semaphore, #tpu.memory_space<semaphore_mem>>)
      %dma_wait3A_221 = arith.constant 0 : i32
      %dma_wait3A_222 = tpu.memref_slice %arg16[%add3A_183, %dma_wait3A_221] : memref<10240x128xf32, #tpu.memory_space<vmem_shared>> -> memref<40x128xf32, #tpu.memory_space<vmem_shared>>
      %dma_wait3A_223 = arith.constant 0 : i32
      %dma_wait3A_224 = tpu.memref_slice %arg16[%add3A_183, %dma_wait3A_223] : memref<10240x128xf32, #tpu.memory_space<vmem_shared>> -> memref<40x128xf32, #tpu.memory_space<vmem_shared>>
      tpu.wait_dma2 semaphore(%run_scoped3A : memref<!tpu.dma_semaphore, #tpu.memory_space<semaphore_mem>>) src(%dma_wait3A_224 : memref<40x128xf32, #tpu.memory_space<vmem_shared>>) dst(%arg15 : memref<40x128xf32, #tpu.memory_space<vmem>>)
      tpu.yield
    }) : () -> ()
    %mul3A_184 = arith.constant 10240 : i32
    %mul3A_185 = arith.muli %arg0, %mul3A_184 : i32
    %add3A_186 = arith.addi %mul3A_185, %mul3A_0 : i32
    %add3A_187 = arith.constant 440 : i32
    %add3A_188 = arith.addi %add3A_186, %add3A_187 : i32
    "tpu.region"() ({
      %run_scoped3A = tpu.sem_alloc : memref<!tpu.dma_semaphore, #tpu.memory_space<semaphore_mem>>
      %dma_start3A_217 = arith.constant 0 : i32
      %dma_start3A_218 = tpu.memref_slice %arg6[%add3A_188, %dma_start3A_217] : memref<20480x128xf32, #tpu.memory_space<hbm>> -> memref<40x128xf32, #tpu.memory_space<hbm>>
      %dma_start3A_219 = arith.constant 0 : i32
      %dma_start3A_220 = tpu.memref_slice %arg6[%add3A_188, %dma_start3A_219] : memref<20480x128xf32, #tpu.memory_space<hbm>> -> memref<40x128xf32, #tpu.memory_space<hbm>>
      tpu.enqueue_dma source(%arg15 : memref<40x128xf32, #tpu.memory_space<vmem>>) target(%dma_start3A_220 : memref<40x128xf32, #tpu.memory_space<hbm>>) target_semaphore(%run_scoped3A : memref<!tpu.dma_semaphore, #tpu.memory_space<semaphore_mem>>)
      %dma_wait3A_221 = arith.constant 0 : i32
      %dma_wait3A_222 = tpu.memref_slice %arg6[%add3A_188, %dma_wait3A_221] : memref<20480x128xf32, #tpu.memory_space<hbm>> -> memref<40x128xf32, #tpu.memory_space<hbm>>
      %dma_wait3A_223 = arith.constant 0 : i32
      %dma_wait3A_224 = tpu.memref_slice %arg6[%add3A_188, %dma_wait3A_223] : memref<20480x128xf32, #tpu.memory_space<hbm>> -> memref<40x128xf32, #tpu.memory_space<hbm>>
      tpu.wait_dma2 semaphore(%run_scoped3A : memref<!tpu.dma_semaphore, #tpu.memory_space<semaphore_mem>>) src(%arg15 : memref<40x128xf32, #tpu.memory_space<vmem>>) dst(%dma_wait3A_224 : memref<40x128xf32, #tpu.memory_space<hbm>>)
      tpu.yield
    }) : () -> ()
    %add3A_189 = arith.constant 480 : i32
    %add3A_190 = arith.addi %mul3A_0, %add3A_189 : i32
    "tpu.region"() ({
      %run_scoped3A = tpu.sem_alloc : memref<!tpu.dma_semaphore, #tpu.memory_space<semaphore_mem>>
      %dma_start3A_217 = arith.constant 0 : i32
      %dma_start3A_218 = tpu.memref_slice %arg16[%add3A_190, %dma_start3A_217] : memref<10240x128xf32, #tpu.memory_space<vmem_shared>> -> memref<40x128xf32, #tpu.memory_space<vmem_shared>>
      %dma_start3A_219 = arith.constant 0 : i32
      %dma_start3A_220 = tpu.memref_slice %arg16[%add3A_190, %dma_start3A_219] : memref<10240x128xf32, #tpu.memory_space<vmem_shared>> -> memref<40x128xf32, #tpu.memory_space<vmem_shared>>
      tpu.enqueue_dma source(%dma_start3A_220 : memref<40x128xf32, #tpu.memory_space<vmem_shared>>) target(%arg15 : memref<40x128xf32, #tpu.memory_space<vmem>>) target_semaphore(%run_scoped3A : memref<!tpu.dma_semaphore, #tpu.memory_space<semaphore_mem>>)
      %dma_wait3A_221 = arith.constant 0 : i32
      %dma_wait3A_222 = tpu.memref_slice %arg16[%add3A_190, %dma_wait3A_221] : memref<10240x128xf32, #tpu.memory_space<vmem_shared>> -> memref<40x128xf32, #tpu.memory_space<vmem_shared>>
      %dma_wait3A_223 = arith.constant 0 : i32
      %dma_wait3A_224 = tpu.memref_slice %arg16[%add3A_190, %dma_wait3A_223] : memref<10240x128xf32, #tpu.memory_space<vmem_shared>> -> memref<40x128xf32, #tpu.memory_space<vmem_shared>>
      tpu.wait_dma2 semaphore(%run_scoped3A : memref<!tpu.dma_semaphore, #tpu.memory_space<semaphore_mem>>) src(%dma_wait3A_224 : memref<40x128xf32, #tpu.memory_space<vmem_shared>>) dst(%arg15 : memref<40x128xf32, #tpu.memory_space<vmem>>)
      tpu.yield
    }) : () -> ()
    %mul3A_191 = arith.constant 10240 : i32
    %mul3A_192 = arith.muli %arg0, %mul3A_191 : i32
    %add3A_193 = arith.addi %mul3A_192, %mul3A_0 : i32
    %add3A_194 = arith.constant 480 : i32
    %add3A_195 = arith.addi %add3A_193, %add3A_194 : i32
    "tpu.region"() ({
      %run_scoped3A = tpu.sem_alloc : memref<!tpu.dma_semaphore, #tpu.memory_space<semaphore_mem>>
      %dma_start3A_217 = arith.constant 0 : i32
      %dma_start3A_218 = tpu.memref_slice %arg6[%add3A_195, %dma_start3A_217] : memref<20480x128xf32, #tpu.memory_space<hbm>> -> memref<40x128xf32, #tpu.memory_space<hbm>>
      %dma_start3A_219 = arith.constant 0 : i32
      %dma_start3A_220 = tpu.memref_slice %arg6[%add3A_195, %dma_start3A_219] : memref<20480x128xf32, #tpu.memory_space<hbm>> -> memref<40x128xf32, #tpu.memory_space<hbm>>
      tpu.enqueue_dma source(%arg15 : memref<40x128xf32, #tpu.memory_space<vmem>>) target(%dma_start3A_220 : memref<40x128xf32, #tpu.memory_space<hbm>>) target_semaphore(%run_scoped3A : memref<!tpu.dma_semaphore, #tpu.memory_space<semaphore_mem>>)
      %dma_wait3A_221 = arith.constant 0 : i32
      %dma_wait3A_222 = tpu.memref_slice %arg6[%add3A_195, %dma_wait3A_221] : memref<20480x128xf32, #tpu.memory_space<hbm>> -> memref<40x128xf32, #tpu.memory_space<hbm>>
      %dma_wait3A_223 = arith.constant 0 : i32
      %dma_wait3A_224 = tpu.memref_slice %arg6[%add3A_195, %dma_wait3A_223] : memref<20480x128xf32, #tpu.memory_space<hbm>> -> memref<40x128xf32, #tpu.memory_space<hbm>>
      tpu.wait_dma2 semaphore(%run_scoped3A : memref<!tpu.dma_semaphore, #tpu.memory_space<semaphore_mem>>) src(%arg15 : memref<40x128xf32, #tpu.memory_space<vmem>>) dst(%dma_wait3A_224 : memref<40x128xf32, #tpu.memory_space<hbm>>)
      tpu.yield
    }) : () -> ()
    %add3A_196 = arith.constant 520 : i32
    %add3A_197 = arith.addi %mul3A_0, %add3A_196 : i32
    "tpu.region"() ({
      %run_scoped3A = tpu.sem_alloc : memref<!tpu.dma_semaphore, #tpu.memory_space<semaphore_mem>>
      %dma_start3A_217 = arith.constant 0 : i32
      %dma_start3A_218 = tpu.memref_slice %arg16[%add3A_197, %dma_start3A_217] : memref<10240x128xf32, #tpu.memory_space<vmem_shared>> -> memref<40x128xf32, #tpu.memory_space<vmem_shared>>
      %dma_start3A_219 = arith.constant 0 : i32
      %dma_start3A_220 = tpu.memref_slice %arg16[%add3A_197, %dma_start3A_219] : memref<10240x128xf32, #tpu.memory_space<vmem_shared>> -> memref<40x128xf32, #tpu.memory_space<vmem_shared>>
      tpu.enqueue_dma source(%dma_start3A_220 : memref<40x128xf32, #tpu.memory_space<vmem_shared>>) target(%arg15 : memref<40x128xf32, #tpu.memory_space<vmem>>) target_semaphore(%run_scoped3A : memref<!tpu.dma_semaphore, #tpu.memory_space<semaphore_mem>>)
      %dma_wait3A_221 = arith.constant 0 : i32
      %dma_wait3A_222 = tpu.memref_slice %arg16[%add3A_197, %dma_wait3A_221] : memref<10240x128xf32, #tpu.memory_space<vmem_shared>> -> memref<40x128xf32, #tpu.memory_space<vmem_shared>>
      %dma_wait3A_223 = arith.constant 0 : i32
      %dma_wait3A_224 = tpu.memref_slice %arg16[%add3A_197, %dma_wait3A_223] : memref<10240x128xf32, #tpu.memory_space<vmem_shared>> -> memref<40x128xf32, #tpu.memory_space<vmem_shared>>
      tpu.wait_dma2 semaphore(%run_scoped3A : memref<!tpu.dma_semaphore, #tpu.memory_space<semaphore_mem>>) src(%dma_wait3A_224 : memref<40x128xf32, #tpu.memory_space<vmem_shared>>) dst(%arg15 : memref<40x128xf32, #tpu.memory_space<vmem>>)
      tpu.yield
    }) : () -> ()
    %mul3A_198 = arith.constant 10240 : i32
    %mul3A_199 = arith.muli %arg0, %mul3A_198 : i32
    %add3A_200 = arith.addi %mul3A_199, %mul3A_0 : i32
    %add3A_201 = arith.constant 520 : i32
    %add3A_202 = arith.addi %add3A_200, %add3A_201 : i32
    "tpu.region"() ({
      %run_scoped3A = tpu.sem_alloc : memref<!tpu.dma_semaphore, #tpu.memory_space<semaphore_mem>>
      %dma_start3A_217 = arith.constant 0 : i32
      %dma_start3A_218 = tpu.memref_slice %arg6[%add3A_202, %dma_start3A_217] : memref<20480x128xf32, #tpu.memory_space<hbm>> -> memref<40x128xf32, #tpu.memory_space<hbm>>
      %dma_start3A_219 = arith.constant 0 : i32
      %dma_start3A_220 = tpu.memref_slice %arg6[%add3A_202, %dma_start3A_219] : memref<20480x128xf32, #tpu.memory_space<hbm>> -> memref<40x128xf32, #tpu.memory_space<hbm>>
      tpu.enqueue_dma source(%arg15 : memref<40x128xf32, #tpu.memory_space<vmem>>) target(%dma_start3A_220 : memref<40x128xf32, #tpu.memory_space<hbm>>) target_semaphore(%run_scoped3A : memref<!tpu.dma_semaphore, #tpu.memory_space<semaphore_mem>>)
      %dma_wait3A_221 = arith.constant 0 : i32
      %dma_wait3A_222 = tpu.memref_slice %arg6[%add3A_202, %dma_wait3A_221] : memref<20480x128xf32, #tpu.memory_space<hbm>> -> memref<40x128xf32, #tpu.memory_space<hbm>>
      %dma_wait3A_223 = arith.constant 0 : i32
      %dma_wait3A_224 = tpu.memref_slice %arg6[%add3A_202, %dma_wait3A_223] : memref<20480x128xf32, #tpu.memory_space<hbm>> -> memref<40x128xf32, #tpu.memory_space<hbm>>
      tpu.wait_dma2 semaphore(%run_scoped3A : memref<!tpu.dma_semaphore, #tpu.memory_space<semaphore_mem>>) src(%arg15 : memref<40x128xf32, #tpu.memory_space<vmem>>) dst(%dma_wait3A_224 : memref<40x128xf32, #tpu.memory_space<hbm>>)
      tpu.yield
    }) : () -> ()
    %add3A_203 = arith.constant 560 : i32
    %add3A_204 = arith.addi %mul3A_0, %add3A_203 : i32
    "tpu.region"() ({
      %run_scoped3A = tpu.sem_alloc : memref<!tpu.dma_semaphore, #tpu.memory_space<semaphore_mem>>
      %dma_start3A_217 = arith.constant 0 : i32
      %dma_start3A_218 = tpu.memref_slice %arg16[%add3A_204, %dma_start3A_217] : memref<10240x128xf32, #tpu.memory_space<vmem_shared>> -> memref<40x128xf32, #tpu.memory_space<vmem_shared>>
      %dma_start3A_219 = arith.constant 0 : i32
      %dma_start3A_220 = tpu.memref_slice %arg16[%add3A_204, %dma_start3A_219] : memref<10240x128xf32, #tpu.memory_space<vmem_shared>> -> memref<40x128xf32, #tpu.memory_space<vmem_shared>>
      tpu.enqueue_dma source(%dma_start3A_220 : memref<40x128xf32, #tpu.memory_space<vmem_shared>>) target(%arg15 : memref<40x128xf32, #tpu.memory_space<vmem>>) target_semaphore(%run_scoped3A : memref<!tpu.dma_semaphore, #tpu.memory_space<semaphore_mem>>)
      %dma_wait3A_221 = arith.constant 0 : i32
      %dma_wait3A_222 = tpu.memref_slice %arg16[%add3A_204, %dma_wait3A_221] : memref<10240x128xf32, #tpu.memory_space<vmem_shared>> -> memref<40x128xf32, #tpu.memory_space<vmem_shared>>
      %dma_wait3A_223 = arith.constant 0 : i32
      %dma_wait3A_224 = tpu.memref_slice %arg16[%add3A_204, %dma_wait3A_223] : memref<10240x128xf32, #tpu.memory_space<vmem_shared>> -> memref<40x128xf32, #tpu.memory_space<vmem_shared>>
      tpu.wait_dma2 semaphore(%run_scoped3A : memref<!tpu.dma_semaphore, #tpu.memory_space<semaphore_mem>>) src(%dma_wait3A_224 : memref<40x128xf32, #tpu.memory_space<vmem_shared>>) dst(%arg15 : memref<40x128xf32, #tpu.memory_space<vmem>>)
      tpu.yield
    }) : () -> ()
    %mul3A_205 = arith.constant 10240 : i32
    %mul3A_206 = arith.muli %arg0, %mul3A_205 : i32
    %add3A_207 = arith.addi %mul3A_206, %mul3A_0 : i32
    %add3A_208 = arith.constant 560 : i32
    %add3A_209 = arith.addi %add3A_207, %add3A_208 : i32
    "tpu.region"() ({
      %run_scoped3A = tpu.sem_alloc : memref<!tpu.dma_semaphore, #tpu.memory_space<semaphore_mem>>
      %dma_start3A_217 = arith.constant 0 : i32
      %dma_start3A_218 = tpu.memref_slice %arg6[%add3A_209, %dma_start3A_217] : memref<20480x128xf32, #tpu.memory_space<hbm>> -> memref<40x128xf32, #tpu.memory_space<hbm>>
      %dma_start3A_219 = arith.constant 0 : i32
      %dma_start3A_220 = tpu.memref_slice %arg6[%add3A_209, %dma_start3A_219] : memref<20480x128xf32, #tpu.memory_space<hbm>> -> memref<40x128xf32, #tpu.memory_space<hbm>>
      tpu.enqueue_dma source(%arg15 : memref<40x128xf32, #tpu.memory_space<vmem>>) target(%dma_start3A_220 : memref<40x128xf32, #tpu.memory_space<hbm>>) target_semaphore(%run_scoped3A : memref<!tpu.dma_semaphore, #tpu.memory_space<semaphore_mem>>)
      %dma_wait3A_221 = arith.constant 0 : i32
      %dma_wait3A_222 = tpu.memref_slice %arg6[%add3A_209, %dma_wait3A_221] : memref<20480x128xf32, #tpu.memory_space<hbm>> -> memref<40x128xf32, #tpu.memory_space<hbm>>
      %dma_wait3A_223 = arith.constant 0 : i32
      %dma_wait3A_224 = tpu.memref_slice %arg6[%add3A_209, %dma_wait3A_223] : memref<20480x128xf32, #tpu.memory_space<hbm>> -> memref<40x128xf32, #tpu.memory_space<hbm>>
      tpu.wait_dma2 semaphore(%run_scoped3A : memref<!tpu.dma_semaphore, #tpu.memory_space<semaphore_mem>>) src(%arg15 : memref<40x128xf32, #tpu.memory_space<vmem>>) dst(%dma_wait3A_224 : memref<40x128xf32, #tpu.memory_space<hbm>>)
      tpu.yield
    }) : () -> ()
    %add3A_210 = arith.constant 600 : i32
    %add3A_211 = arith.addi %mul3A_0, %add3A_210 : i32
    "tpu.region"() ({
      %run_scoped3A = tpu.sem_alloc : memref<!tpu.dma_semaphore, #tpu.memory_space<semaphore_mem>>
      %dma_start3A_217 = arith.constant 0 : i32
      %dma_start3A_218 = tpu.memref_slice %arg16[%add3A_211, %dma_start3A_217] : memref<10240x128xf32, #tpu.memory_space<vmem_shared>> -> memref<40x128xf32, #tpu.memory_space<vmem_shared>>
      %dma_start3A_219 = arith.constant 0 : i32
      %dma_start3A_220 = tpu.memref_slice %arg16[%add3A_211, %dma_start3A_219] : memref<10240x128xf32, #tpu.memory_space<vmem_shared>> -> memref<40x128xf32, #tpu.memory_space<vmem_shared>>
      tpu.enqueue_dma source(%dma_start3A_220 : memref<40x128xf32, #tpu.memory_space<vmem_shared>>) target(%arg15 : memref<40x128xf32, #tpu.memory_space<vmem>>) target_semaphore(%run_scoped3A : memref<!tpu.dma_semaphore, #tpu.memory_space<semaphore_mem>>)
      %dma_wait3A_221 = arith.constant 0 : i32
      %dma_wait3A_222 = tpu.memref_slice %arg16[%add3A_211, %dma_wait3A_221] : memref<10240x128xf32, #tpu.memory_space<vmem_shared>> -> memref<40x128xf32, #tpu.memory_space<vmem_shared>>
      %dma_wait3A_223 = arith.constant 0 : i32
      %dma_wait3A_224 = tpu.memref_slice %arg16[%add3A_211, %dma_wait3A_223] : memref<10240x128xf32, #tpu.memory_space<vmem_shared>> -> memref<40x128xf32, #tpu.memory_space<vmem_shared>>
      tpu.wait_dma2 semaphore(%run_scoped3A : memref<!tpu.dma_semaphore, #tpu.memory_space<semaphore_mem>>) src(%dma_wait3A_224 : memref<40x128xf32, #tpu.memory_space<vmem_shared>>) dst(%arg15 : memref<40x128xf32, #tpu.memory_space<vmem>>)
      tpu.yield
    }) : () -> ()
    %mul3A_212 = arith.constant 10240 : i32
    %mul3A_213 = arith.muli %arg0, %mul3A_212 : i32
    %add3A_214 = arith.addi %mul3A_213, %mul3A_0 : i32
    %add3A_215 = arith.constant 600 : i32
    %add3A_216 = arith.addi %add3A_214, %add3A_215 : i32
    "tpu.region"() ({
      %run_scoped3A = tpu.sem_alloc : memref<!tpu.dma_semaphore, #tpu.memory_space<semaphore_mem>>
      %dma_start3A_217 = arith.constant 0 : i32
      %dma_start3A_218 = tpu.memref_slice %arg6[%add3A_216, %dma_start3A_217] : memref<20480x128xf32, #tpu.memory_space<hbm>> -> memref<40x128xf32, #tpu.memory_space<hbm>>
      %dma_start3A_219 = arith.constant 0 : i32
      %dma_start3A_220 = tpu.memref_slice %arg6[%add3A_216, %dma_start3A_219] : memref<20480x128xf32, #tpu.memory_space<hbm>> -> memref<40x128xf32, #tpu.memory_space<hbm>>
      tpu.enqueue_dma source(%arg15 : memref<40x128xf32, #tpu.memory_space<vmem>>) target(%dma_start3A_220 : memref<40x128xf32, #tpu.memory_space<hbm>>) target_semaphore(%run_scoped3A : memref<!tpu.dma_semaphore, #tpu.memory_space<semaphore_mem>>)
      %dma_wait3A_221 = arith.constant 0 : i32
      %dma_wait3A_222 = tpu.memref_slice %arg6[%add3A_216, %dma_wait3A_221] : memref<20480x128xf32, #tpu.memory_space<hbm>> -> memref<40x128xf32, #tpu.memory_space<hbm>>
      %dma_wait3A_223 = arith.constant 0 : i32
      %dma_wait3A_224 = tpu.memref_slice %arg6[%add3A_216, %dma_wait3A_223] : memref<20480x128xf32, #tpu.memory_space<hbm>> -> memref<40x128xf32, #tpu.memory_space<hbm>>
      tpu.wait_dma2 semaphore(%run_scoped3A : memref<!tpu.dma_semaphore, #tpu.memory_space<semaphore_mem>>) src(%arg15 : memref<40x128xf32, #tpu.memory_space<vmem>>) dst(%dma_wait3A_224 : memref<40x128xf32, #tpu.memory_space<hbm>>)
      tpu.yield
    }) : () -> ()
    return
  }
}

#map = affine_map<(d0, d1) -> (0, 0)>
#map1 = affine_map<(d0, d1) -> (0)>
module attributes {stable_mosaic.version = 14 : i64} {
  func.func @edge_kernel(%arg0: i32, %arg1: i32, %arg2: memref<10000x128xf32, #tpu.memory_space<hbm>>, %arg3: memref<327680xi32, #tpu.memory_space<hbm>>, %arg4: memref<327680xi32, #tpu.memory_space<hbm>>, %arg5: memref<327680x128xf32, #tpu.memory_space<hbm>>, %arg6: memref<20480x128xf32, #tpu.memory_space<hbm>>, %arg7: memref<80xi32, #tpu.memory_space<vmem>>, %arg8: memref<80xi32, #tpu.memory_space<vmem>>, %arg9: memref<80xi32, #tpu.memory_space<vmem>>, %arg10: memref<80xi32, #tpu.memory_space<vmem>>, %arg11: memref<80x128xf32, #tpu.memory_space<vmem>>, %arg12: memref<80x128xf32, #tpu.memory_space<vmem>>, %arg13: memref<80x128xf32, #tpu.memory_space<vmem>>, %arg14: memref<80x128xf32, #tpu.memory_space<vmem>>, %arg15: memref<40x128xf32, #tpu.memory_space<vmem>>, %arg16: memref<10240x128xf32, #tpu.memory_space<vmem_shared>>, %arg17: memref<!tpu.dma_semaphore, #tpu.memory_space<semaphore_mem>>, %arg18: memref<!tpu.dma_semaphore, #tpu.memory_space<semaphore_mem>>, %arg19: memref<!tpu.dma_semaphore, #tpu.memory_space<semaphore_mem>>, %arg20: memref<!tpu.dma_semaphore, #tpu.memory_space<semaphore_mem>>, %arg21: memref<!tpu.dma_semaphore, #tpu.memory_space<semaphore_mem>>, %arg22: memref<!tpu.dma_semaphore, #tpu.memory_space<semaphore_mem>>) attributes {dimension_semantics = [#tpu.dimension_semantics<core_parallel>, #tpu.dimension_semantics<subcore_parallel>], iteration_bounds = array<i64: 2, 16>, scalar_prefetch = 0 : i64, scratch_operands = 16 : i64, tpu.core_type = #tpu.core_type<sc_vector_subcore>, window_params = [{transform_indices = #map}, {transform_indices = #map1}, {transform_indices = #map1}, {transform_indices = #map}, {transform_indices = #map}]} {
    %mul3A = arith.constant 640 : i32
    %mul3A_0 = arith.muli %arg1, %mul3A : i32
    %scan3A = arith.constant 0 : i32
    %scan3A_1 = arith.constant 0 : i32
    %scan3A_2 = arith.constant 40 : i32
    %scan3A_3 = arith.addi %scan3A_1, %scan3A_2 : i32
    %scan3A_4 = arith.constant 1 : i32
    scf.for %scan3A_217 = %scan3A_1 to %scan3A_3 step %scan3A_4  : i32 {
      %broadcast_in_dim3A = arith.constant 0.000000e+00 : f32
      %broadcast_in_dim3A_218 = vector.broadcast %broadcast_in_dim3A : f32 to vector<16xf32>
      %swap3A = arith.index_cast %scan3A_217 : i32 to index
      %swap3A_219 = arith.constant 0 : index
      %swap3A_220 = tpu.vector_load %arg15[%swap3A, %swap3A_219] {strides = array<i32>} : memref<40x128xf32, #tpu.memory_space<vmem>>, vector<1x16xf32>,
      %swap3A_221 = vector.shape_cast %swap3A_220 : vector<1x16xf32> to vector<16xf32>
      %swap3A_222 = vector.shape_cast %broadcast_in_dim3A_218 : vector<16xf32> to vector<1x16xf32>
      tpu.vector_store %arg15[%swap3A, %swap3A_219], %swap3A_222 {strides = array<i32>} : memref<40x128xf32, #tpu.memory_space<vmem>>, vector<1x16xf32>,
      %broadcast_in_dim3A_223 = arith.constant 0.000000e+00 : f32
      %broadcast_in_dim3A_224 = vector.broadcast %broadcast_in_dim3A_223 : f32 to vector<16xf32>
      %swap3A_225 = arith.index_cast %scan3A_217 : i32 to index
      %swap3A_226 = arith.constant 16 : index
      %swap3A_227 = tpu.vector_load %arg15[%swap3A_225, %swap3A_226] {strides = array<i32>} : memref<40x128xf32, #tpu.memory_space<vmem>>, vector<1x16xf32>,
      %swap3A_228 = vector.shape_cast %swap3A_227 : vector<1x16xf32> to vector<16xf32>
      %swap3A_229 = vector.shape_cast %broadcast_in_dim3A_224 : vector<16xf32> to vector<1x16xf32>
      tpu.vector_store %arg15[%swap3A_225, %swap3A_226], %swap3A_229 {strides = array<i32>} : memref<40x128xf32, #tpu.memory_space<vmem>>, vector<1x16xf32>,
      %broadcast_in_dim3A_230 = arith.constant 0.000000e+00 : f32
      %broadcast_in_dim3A_231 = vector.broadcast %broadcast_in_dim3A_230 : f32 to vector<16xf32>
      %swap3A_232 = arith.index_cast %scan3A_217 : i32 to index
      %swap3A_233 = arith.constant 32 : index
      %swap3A_234 = tpu.vector_load %arg15[%swap3A_232, %swap3A_233] {strides = array<i32>} : memref<40x128xf32, #tpu.memory_space<vmem>>, vector<1x16xf32>,
      %swap3A_235 = vector.shape_cast %swap3A_234 : vector<1x16xf32> to vector<16xf32>
      %swap3A_236 = vector.shape_cast %broadcast_in_dim3A_231 : vector<16xf32> to vector<1x16xf32>
      tpu.vector_store %arg15[%swap3A_232, %swap3A_233], %swap3A_236 {strides = array<i32>} : memref<40x128xf32, #tpu.memory_space<vmem>>, vector<1x16xf32>,
      %broadcast_in_dim3A_237 = arith.constant 0.000000e+00 : f32
      %broadcast_in_dim3A_238 = vector.broadcast %broadcast_in_dim3A_237 : f32 to vector<16xf32>
      %swap3A_239 = arith.index_cast %scan3A_217 : i32 to index
      %swap3A_240 = arith.constant 48 : index
      %swap3A_241 = tpu.vector_load %arg15[%swap3A_239, %swap3A_240] {strides = array<i32>} : memref<40x128xf32, #tpu.memory_space<vmem>>, vector<1x16xf32>,
      %swap3A_242 = vector.shape_cast %swap3A_241 : vector<1x16xf32> to vector<16xf32>
      %swap3A_243 = vector.shape_cast %broadcast_in_dim3A_238 : vector<16xf32> to vector<1x16xf32>
      tpu.vector_store %arg15[%swap3A_239, %swap3A_240], %swap3A_243 {strides = array<i32>} : memref<40x128xf32, #tpu.memory_space<vmem>>, vector<1x16xf32>,
      %broadcast_in_dim3A_244 = arith.constant 0.000000e+00 : f32
      %broadcast_in_dim3A_245 = vector.broadcast %broadcast_in_dim3A_244 : f32 to vector<16xf32>
      %swap3A_246 = arith.index_cast %scan3A_217 : i32 to index
      %swap3A_247 = arith.constant 64 : index
      %swap3A_248 = tpu.vector_load %arg15[%swap3A_246, %swap3A_247] {strides = array<i32>} : memref<40x128xf32, #tpu.memory_space<vmem>>, vector<1x16xf32>,
      %swap3A_249 = vector.shape_cast %swap3A_248 : vector<1x16xf32> to vector<16xf32>
      %swap3A_250 = vector.shape_cast %broadcast_in_dim3A_245 : vector<16xf32> to vector<1x16xf32>
      tpu.vector_store %arg15[%swap3A_246, %swap3A_247], %swap3A_250 {strides = array<i32>} : memref<40x128xf32, #tpu.memory_space<vmem>>, vector<1x16xf32>,
      %broadcast_in_dim3A_251 = arith.constant 0.000000e+00 : f32
      %broadcast_in_dim3A_252 = vector.broadcast %broadcast_in_dim3A_251 : f32 to vector<16xf32>
      %swap3A_253 = arith.index_cast %scan3A_217 : i32 to index
      %swap3A_254 = arith.constant 80 : index
      %swap3A_255 = tpu.vector_load %arg15[%swap3A_253, %swap3A_254] {strides = array<i32>} : memref<40x128xf32, #tpu.memory_space<vmem>>, vector<1x16xf32>,
      %swap3A_256 = vector.shape_cast %swap3A_255 : vector<1x16xf32> to vector<16xf32>
      %swap3A_257 = vector.shape_cast %broadcast_in_dim3A_252 : vector<16xf32> to vector<1x16xf32>
      tpu.vector_store %arg15[%swap3A_253, %swap3A_254], %swap3A_257 {strides = array<i32>} : memref<40x128xf32, #tpu.memory_space<vmem>>, vector<1x16xf32>,
      %broadcast_in_dim3A_258 = arith.constant 0.000000e+00 : f32
      %broadcast_in_dim3A_259 = vector.broadcast %broadcast_in_dim3A_258 : f32 to vector<16xf32>
      %swap3A_260 = arith.index_cast %scan3A_217 : i32 to index
      %swap3A_261 = arith.constant 96 : index
      %swap3A_262 = tpu.vector_load %arg15[%swap3A_260, %swap3A_261] {strides = array<i32>} : memref<40x128xf32, #tpu.memory_space<vmem>>, vector<1x16xf32>,
      %swap3A_263 = vector.shape_cast %swap3A_262 : vector<1x16xf32> to vector<16xf32>
      %swap3A_264 = vector.shape_cast %broadcast_in_dim3A_259 : vector<16xf32> to vector<1x16xf32>
      tpu.vector_store %arg15[%swap3A_260, %swap3A_261], %swap3A_264 {strides = array<i32>} : memref<40x128xf32, #tpu.memory_space<vmem>>, vector<1x16xf32>,
      %broadcast_in_dim3A_265 = arith.constant 0.000000e+00 : f32
      %broadcast_in_dim3A_266 = vector.broadcast %broadcast_in_dim3A_265 : f32 to vector<16xf32>
      %swap3A_267 = arith.index_cast %scan3A_217 : i32 to index
      %swap3A_268 = arith.constant 112 : index
      %swap3A_269 = tpu.vector_load %arg15[%swap3A_267, %swap3A_268] {strides = array<i32>} : memref<40x128xf32, #tpu.memory_space<vmem>>, vector<1x16xf32>,
      %swap3A_270 = vector.shape_cast %swap3A_269 : vector<1x16xf32> to vector<16xf32>
      %swap3A_271 = vector.shape_cast %broadcast_in_dim3A_266 : vector<16xf32> to vector<1x16xf32>
      tpu.vector_store %arg15[%swap3A_267, %swap3A_268], %swap3A_271 {strides = array<i32>} : memref<40x128xf32, #tpu.memory_space<vmem>>, vector<1x16xf32>,
    }
    %scan3A_5 = arith.constant 40 : i32
    %add3A = arith.constant 0 : i32
    %add3A_6 = arith.addi %mul3A_0, %add3A : i32
    "tpu.region"() ({
      %run_scoped3A = tpu.sem_alloc : memref<!tpu.dma_semaphore, #tpu.memory_space<semaphore_mem>>
      %dma_start3A_217 = arith.constant 0 : i32
      %dma_start3A_218 = tpu.memref_slice %arg16[%add3A_6, %dma_start3A_217] : memref<10240x128xf32, #tpu.memory_space<vmem_shared>> -> memref<40x128xf32, #tpu.memory_space<vmem_shared>>
      %dma_start3A_219 = arith.constant 0 : i32
      %dma_start3A_220 = tpu.memref_slice %arg16[%add3A_6, %dma_start3A_219] : memref<10240x128xf32, #tpu.memory_space<vmem_shared>> -> memref<40x128xf32, #tpu.memory_space<vmem_shared>>
      tpu.enqueue_dma source(%arg15 : memref<40x128xf32, #tpu.memory_space<vmem>>) target(%dma_start3A_220 : memref<40x128xf32, #tpu.memory_space<vmem_shared>>) target_semaphore(%run_scoped3A : memref<!tpu.dma_semaphore, #tpu.memory_space<semaphore_mem>>)
      %dma_wait3A_221 = arith.constant 0 : i32
      %dma_wait3A_222 = tpu.memref_slice %arg16[%add3A_6, %dma_wait3A_221] : memref<10240x128xf32, #tpu.memory_space<vmem_shared>> -> memref<40x128xf32, #tpu.memory_space<vmem_shared>>
      %dma_wait3A_223 = arith.constant 0 : i32
      %dma_wait3A_224 = tpu.memref_slice %arg16[%add3A_6, %dma_wait3A_223] : memref<10240x128xf32, #tpu.memory_space<vmem_shared>> -> memref<40x128xf32, #tpu.memory_space<vmem_shared>>
      tpu.wait_dma2 semaphore(%run_scoped3A : memref<!tpu.dma_semaphore, #tpu.memory_space<semaphore_mem>>) src(%arg15 : memref<40x128xf32, #tpu.memory_space<vmem>>) dst(%dma_wait3A_224 : memref<40x128xf32, #tpu.memory_space<vmem_shared>>)
      tpu.yield
    }) : () -> ()
    %add3A_7 = arith.constant 40 : i32
    %add3A_8 = arith.addi %mul3A_0, %add3A_7 : i32
    "tpu.region"() ({
      %run_scoped3A = tpu.sem_alloc : memref<!tpu.dma_semaphore, #tpu.memory_space<semaphore_mem>>
      %dma_start3A_217 = arith.constant 0 : i32
      %dma_start3A_218 = tpu.memref_slice %arg16[%add3A_8, %dma_start3A_217] : memref<10240x128xf32, #tpu.memory_space<vmem_shared>> -> memref<40x128xf32, #tpu.memory_space<vmem_shared>>
      %dma_start3A_219 = arith.constant 0 : i32
      %dma_start3A_220 = tpu.memref_slice %arg16[%add3A_8, %dma_start3A_219] : memref<10240x128xf32, #tpu.memory_space<vmem_shared>> -> memref<40x128xf32, #tpu.memory_space<vmem_shared>>
      tpu.enqueue_dma source(%arg15 : memref<40x128xf32, #tpu.memory_space<vmem>>) target(%dma_start3A_220 : memref<40x128xf32, #tpu.memory_space<vmem_shared>>) target_semaphore(%run_scoped3A : memref<!tpu.dma_semaphore, #tpu.memory_space<semaphore_mem>>)
      %dma_wait3A_221 = arith.constant 0 : i32
      %dma_wait3A_222 = tpu.memref_slice %arg16[%add3A_8, %dma_wait3A_221] : memref<10240x128xf32, #tpu.memory_space<vmem_shared>> -> memref<40x128xf32, #tpu.memory_space<vmem_shared>>
      %dma_wait3A_223 = arith.constant 0 : i32
      %dma_wait3A_224 = tpu.memref_slice %arg16[%add3A_8, %dma_wait3A_223] : memref<10240x128xf32, #tpu.memory_space<vmem_shared>> -> memref<40x128xf32, #tpu.memory_space<vmem_shared>>
      tpu.wait_dma2 semaphore(%run_scoped3A : memref<!tpu.dma_semaphore, #tpu.memory_space<semaphore_mem>>) src(%arg15 : memref<40x128xf32, #tpu.memory_space<vmem>>) dst(%dma_wait3A_224 : memref<40x128xf32, #tpu.memory_space<vmem_shared>>)
      tpu.yield
    }) : () -> ()
    %add3A_9 = arith.constant 80 : i32
    %add3A_10 = arith.addi %mul3A_0, %add3A_9 : i32
    "tpu.region"() ({
      %run_scoped3A = tpu.sem_alloc : memref<!tpu.dma_semaphore, #tpu.memory_space<semaphore_mem>>
      %dma_start3A_217 = arith.constant 0 : i32
      %dma_start3A_218 = tpu.memref_slice %arg16[%add3A_10, %dma_start3A_217] : memref<10240x128xf32, #tpu.memory_space<vmem_shared>> -> memref<40x128xf32, #tpu.memory_space<vmem_shared>>
      %dma_start3A_219 = arith.constant 0 : i32
      %dma_start3A_220 = tpu.memref_slice %arg16[%add3A_10, %dma_start3A_219] : memref<10240x128xf32, #tpu.memory_space<vmem_shared>> -> memref<40x128xf32, #tpu.memory_space<vmem_shared>>
      tpu.enqueue_dma source(%arg15 : memref<40x128xf32, #tpu.memory_space<vmem>>) target(%dma_start3A_220 : memref<40x128xf32, #tpu.memory_space<vmem_shared>>) target_semaphore(%run_scoped3A : memref<!tpu.dma_semaphore, #tpu.memory_space<semaphore_mem>>)
      %dma_wait3A_221 = arith.constant 0 : i32
      %dma_wait3A_222 = tpu.memref_slice %arg16[%add3A_10, %dma_wait3A_221] : memref<10240x128xf32, #tpu.memory_space<vmem_shared>> -> memref<40x128xf32, #tpu.memory_space<vmem_shared>>
      %dma_wait3A_223 = arith.constant 0 : i32
      %dma_wait3A_224 = tpu.memref_slice %arg16[%add3A_10, %dma_wait3A_223] : memref<10240x128xf32, #tpu.memory_space<vmem_shared>> -> memref<40x128xf32, #tpu.memory_space<vmem_shared>>
      tpu.wait_dma2 semaphore(%run_scoped3A : memref<!tpu.dma_semaphore, #tpu.memory_space<semaphore_mem>>) src(%arg15 : memref<40x128xf32, #tpu.memory_space<vmem>>) dst(%dma_wait3A_224 : memref<40x128xf32, #tpu.memory_space<vmem_shared>>)
      tpu.yield
    }) : () -> ()
    %add3A_11 = arith.constant 120 : i32
    %add3A_12 = arith.addi %mul3A_0, %add3A_11 : i32
    "tpu.region"() ({
      %run_scoped3A = tpu.sem_alloc : memref<!tpu.dma_semaphore, #tpu.memory_space<semaphore_mem>>
      %dma_start3A_217 = arith.constant 0 : i32
      %dma_start3A_218 = tpu.memref_slice %arg16[%add3A_12, %dma_start3A_217] : memref<10240x128xf32, #tpu.memory_space<vmem_shared>> -> memref<40x128xf32, #tpu.memory_space<vmem_shared>>
      %dma_start3A_219 = arith.constant 0 : i32
      %dma_start3A_220 = tpu.memref_slice %arg16[%add3A_12, %dma_start3A_219] : memref<10240x128xf32, #tpu.memory_space<vmem_shared>> -> memref<40x128xf32, #tpu.memory_space<vmem_shared>>
      tpu.enqueue_dma source(%arg15 : memref<40x128xf32, #tpu.memory_space<vmem>>) target(%dma_start3A_220 : memref<40x128xf32, #tpu.memory_space<vmem_shared>>) target_semaphore(%run_scoped3A : memref<!tpu.dma_semaphore, #tpu.memory_space<semaphore_mem>>)
      %dma_wait3A_221 = arith.constant 0 : i32
      %dma_wait3A_222 = tpu.memref_slice %arg16[%add3A_12, %dma_wait3A_221] : memref<10240x128xf32, #tpu.memory_space<vmem_shared>> -> memref<40x128xf32, #tpu.memory_space<vmem_shared>>
      %dma_wait3A_223 = arith.constant 0 : i32
      %dma_wait3A_224 = tpu.memref_slice %arg16[%add3A_12, %dma_wait3A_223] : memref<10240x128xf32, #tpu.memory_space<vmem_shared>> -> memref<40x128xf32, #tpu.memory_space<vmem_shared>>
      tpu.wait_dma2 semaphore(%run_scoped3A : memref<!tpu.dma_semaphore, #tpu.memory_space<semaphore_mem>>) src(%arg15 : memref<40x128xf32, #tpu.memory_space<vmem>>) dst(%dma_wait3A_224 : memref<40x128xf32, #tpu.memory_space<vmem_shared>>)
      tpu.yield
    }) : () -> ()
    %add3A_13 = arith.constant 160 : i32
    %add3A_14 = arith.addi %mul3A_0, %add3A_13 : i32
    "tpu.region"() ({
      %run_scoped3A = tpu.sem_alloc : memref<!tpu.dma_semaphore, #tpu.memory_space<semaphore_mem>>
      %dma_start3A_217 = arith.constant 0 : i32
      %dma_start3A_218 = tpu.memref_slice %arg16[%add3A_14, %dma_start3A_217] : memref<10240x128xf32, #tpu.memory_space<vmem_shared>> -> memref<40x128xf32, #tpu.memory_space<vmem_shared>>
      %dma_start3A_219 = arith.constant 0 : i32
      %dma_start3A_220 = tpu.memref_slice %arg16[%add3A_14, %dma_start3A_219] : memref<10240x128xf32, #tpu.memory_space<vmem_shared>> -> memref<40x128xf32, #tpu.memory_space<vmem_shared>>
      tpu.enqueue_dma source(%arg15 : memref<40x128xf32, #tpu.memory_space<vmem>>) target(%dma_start3A_220 : memref<40x128xf32, #tpu.memory_space<vmem_shared>>) target_semaphore(%run_scoped3A : memref<!tpu.dma_semaphore, #tpu.memory_space<semaphore_mem>>)
      %dma_wait3A_221 = arith.constant 0 : i32
      %dma_wait3A_222 = tpu.memref_slice %arg16[%add3A_14, %dma_wait3A_221] : memref<10240x128xf32, #tpu.memory_space<vmem_shared>> -> memref<40x128xf32, #tpu.memory_space<vmem_shared>>
      %dma_wait3A_223 = arith.constant 0 : i32
      %dma_wait3A_224 = tpu.memref_slice %arg16[%add3A_14, %dma_wait3A_223] : memref<10240x128xf32, #tpu.memory_space<vmem_shared>> -> memref<40x128xf32, #tpu.memory_space<vmem_shared>>
      tpu.wait_dma2 semaphore(%run_scoped3A : memref<!tpu.dma_semaphore, #tpu.memory_space<semaphore_mem>>) src(%arg15 : memref<40x128xf32, #tpu.memory_space<vmem>>) dst(%dma_wait3A_224 : memref<40x128xf32, #tpu.memory_space<vmem_shared>>)
      tpu.yield
    }) : () -> ()
    %add3A_15 = arith.constant 200 : i32
    %add3A_16 = arith.addi %mul3A_0, %add3A_15 : i32
    "tpu.region"() ({
      %run_scoped3A = tpu.sem_alloc : memref<!tpu.dma_semaphore, #tpu.memory_space<semaphore_mem>>
      %dma_start3A_217 = arith.constant 0 : i32
      %dma_start3A_218 = tpu.memref_slice %arg16[%add3A_16, %dma_start3A_217] : memref<10240x128xf32, #tpu.memory_space<vmem_shared>> -> memref<40x128xf32, #tpu.memory_space<vmem_shared>>
      %dma_start3A_219 = arith.constant 0 : i32
      %dma_start3A_220 = tpu.memref_slice %arg16[%add3A_16, %dma_start3A_219] : memref<10240x128xf32, #tpu.memory_space<vmem_shared>> -> memref<40x128xf32, #tpu.memory_space<vmem_shared>>
      tpu.enqueue_dma source(%arg15 : memref<40x128xf32, #tpu.memory_space<vmem>>) target(%dma_start3A_220 : memref<40x128xf32, #tpu.memory_space<vmem_shared>>) target_semaphore(%run_scoped3A : memref<!tpu.dma_semaphore, #tpu.memory_space<semaphore_mem>>)
      %dma_wait3A_221 = arith.constant 0 : i32
      %dma_wait3A_222 = tpu.memref_slice %arg16[%add3A_16, %dma_wait3A_221] : memref<10240x128xf32, #tpu.memory_space<vmem_shared>> -> memref<40x128xf32, #tpu.memory_space<vmem_shared>>
      %dma_wait3A_223 = arith.constant 0 : i32
      %dma_wait3A_224 = tpu.memref_slice %arg16[%add3A_16, %dma_wait3A_223] : memref<10240x128xf32, #tpu.memory_space<vmem_shared>> -> memref<40x128xf32, #tpu.memory_space<vmem_shared>>
      tpu.wait_dma2 semaphore(%run_scoped3A : memref<!tpu.dma_semaphore, #tpu.memory_space<semaphore_mem>>) src(%arg15 : memref<40x128xf32, #tpu.memory_space<vmem>>) dst(%dma_wait3A_224 : memref<40x128xf32, #tpu.memory_space<vmem_shared>>)
      tpu.yield
    }) : () -> ()
    %add3A_17 = arith.constant 240 : i32
    %add3A_18 = arith.addi %mul3A_0, %add3A_17 : i32
    "tpu.region"() ({
      %run_scoped3A = tpu.sem_alloc : memref<!tpu.dma_semaphore, #tpu.memory_space<semaphore_mem>>
      %dma_start3A_217 = arith.constant 0 : i32
      %dma_start3A_218 = tpu.memref_slice %arg16[%add3A_18, %dma_start3A_217] : memref<10240x128xf32, #tpu.memory_space<vmem_shared>> -> memref<40x128xf32, #tpu.memory_space<vmem_shared>>
      %dma_start3A_219 = arith.constant 0 : i32
      %dma_start3A_220 = tpu.memref_slice %arg16[%add3A_18, %dma_start3A_219] : memref<10240x128xf32, #tpu.memory_space<vmem_shared>> -> memref<40x128xf32, #tpu.memory_space<vmem_shared>>
      tpu.enqueue_dma source(%arg15 : memref<40x128xf32, #tpu.memory_space<vmem>>) target(%dma_start3A_220 : memref<40x128xf32, #tpu.memory_space<vmem_shared>>) target_semaphore(%run_scoped3A : memref<!tpu.dma_semaphore, #tpu.memory_space<semaphore_mem>>)
      %dma_wait3A_221 = arith.constant 0 : i32
      %dma_wait3A_222 = tpu.memref_slice %arg16[%add3A_18, %dma_wait3A_221] : memref<10240x128xf32, #tpu.memory_space<vmem_shared>> -> memref<40x128xf32, #tpu.memory_space<vmem_shared>>
      %dma_wait3A_223 = arith.constant 0 : i32
      %dma_wait3A_224 = tpu.memref_slice %arg16[%add3A_18, %dma_wait3A_223] : memref<10240x128xf32, #tpu.memory_space<vmem_shared>> -> memref<40x128xf32, #tpu.memory_space<vmem_shared>>
      tpu.wait_dma2 semaphore(%run_scoped3A : memref<!tpu.dma_semaphore, #tpu.memory_space<semaphore_mem>>) src(%arg15 : memref<40x128xf32, #tpu.memory_space<vmem>>) dst(%dma_wait3A_224 : memref<40x128xf32, #tpu.memory_space<vmem_shared>>)
      tpu.yield
    }) : () -> ()
    %add3A_19 = arith.constant 280 : i32
    %add3A_20 = arith.addi %mul3A_0, %add3A_19 : i32
    "tpu.region"() ({
      %run_scoped3A = tpu.sem_alloc : memref<!tpu.dma_semaphore, #tpu.memory_space<semaphore_mem>>
      %dma_start3A_217 = arith.constant 0 : i32
      %dma_start3A_218 = tpu.memref_slice %arg16[%add3A_20, %dma_start3A_217] : memref<10240x128xf32, #tpu.memory_space<vmem_shared>> -> memref<40x128xf32, #tpu.memory_space<vmem_shared>>
      %dma_start3A_219 = arith.constant 0 : i32
      %dma_start3A_220 = tpu.memref_slice %arg16[%add3A_20, %dma_start3A_219] : memref<10240x128xf32, #tpu.memory_space<vmem_shared>> -> memref<40x128xf32, #tpu.memory_space<vmem_shared>>
      tpu.enqueue_dma source(%arg15 : memref<40x128xf32, #tpu.memory_space<vmem>>) target(%dma_start3A_220 : memref<40x128xf32, #tpu.memory_space<vmem_shared>>) target_semaphore(%run_scoped3A : memref<!tpu.dma_semaphore, #tpu.memory_space<semaphore_mem>>)
      %dma_wait3A_221 = arith.constant 0 : i32
      %dma_wait3A_222 = tpu.memref_slice %arg16[%add3A_20, %dma_wait3A_221] : memref<10240x128xf32, #tpu.memory_space<vmem_shared>> -> memref<40x128xf32, #tpu.memory_space<vmem_shared>>
      %dma_wait3A_223 = arith.constant 0 : i32
      %dma_wait3A_224 = tpu.memref_slice %arg16[%add3A_20, %dma_wait3A_223] : memref<10240x128xf32, #tpu.memory_space<vmem_shared>> -> memref<40x128xf32, #tpu.memory_space<vmem_shared>>
      tpu.wait_dma2 semaphore(%run_scoped3A : memref<!tpu.dma_semaphore, #tpu.memory_space<semaphore_mem>>) src(%arg15 : memref<40x128xf32, #tpu.memory_space<vmem>>) dst(%dma_wait3A_224 : memref<40x128xf32, #tpu.memory_space<vmem_shared>>)
      tpu.yield
    }) : () -> ()
    %add3A_21 = arith.constant 320 : i32
    %add3A_22 = arith.addi %mul3A_0, %add3A_21 : i32
    "tpu.region"() ({
      %run_scoped3A = tpu.sem_alloc : memref<!tpu.dma_semaphore, #tpu.memory_space<semaphore_mem>>
      %dma_start3A_217 = arith.constant 0 : i32
      %dma_start3A_218 = tpu.memref_slice %arg16[%add3A_22, %dma_start3A_217] : memref<10240x128xf32, #tpu.memory_space<vmem_shared>> -> memref<40x128xf32, #tpu.memory_space<vmem_shared>>
      %dma_start3A_219 = arith.constant 0 : i32
      %dma_start3A_220 = tpu.memref_slice %arg16[%add3A_22, %dma_start3A_219] : memref<10240x128xf32, #tpu.memory_space<vmem_shared>> -> memref<40x128xf32, #tpu.memory_space<vmem_shared>>
      tpu.enqueue_dma source(%arg15 : memref<40x128xf32, #tpu.memory_space<vmem>>) target(%dma_start3A_220 : memref<40x128xf32, #tpu.memory_space<vmem_shared>>) target_semaphore(%run_scoped3A : memref<!tpu.dma_semaphore, #tpu.memory_space<semaphore_mem>>)
      %dma_wait3A_221 = arith.constant 0 : i32
      %dma_wait3A_222 = tpu.memref_slice %arg16[%add3A_22, %dma_wait3A_221] : memref<10240x128xf32, #tpu.memory_space<vmem_shared>> -> memref<40x128xf32, #tpu.memory_space<vmem_shared>>
      %dma_wait3A_223 = arith.constant 0 : i32
      %dma_wait3A_224 = tpu.memref_slice %arg16[%add3A_22, %dma_wait3A_223] : memref<10240x128xf32, #tpu.memory_space<vmem_shared>> -> memref<40x128xf32, #tpu.memory_space<vmem_shared>>
      tpu.wait_dma2 semaphore(%run_scoped3A : memref<!tpu.dma_semaphore, #tpu.memory_space<semaphore_mem>>) src(%arg15 : memref<40x128xf32, #tpu.memory_space<vmem>>) dst(%dma_wait3A_224 : memref<40x128xf32, #tpu.memory_space<vmem_shared>>)
      tpu.yield
    }) : () -> ()
    %add3A_23 = arith.constant 360 : i32
    %add3A_24 = arith.addi %mul3A_0, %add3A_23 : i32
    "tpu.region"() ({
      %run_scoped3A = tpu.sem_alloc : memref<!tpu.dma_semaphore, #tpu.memory_space<semaphore_mem>>
      %dma_start3A_217 = arith.constant 0 : i32
      %dma_start3A_218 = tpu.memref_slice %arg16[%add3A_24, %dma_start3A_217] : memref<10240x128xf32, #tpu.memory_space<vmem_shared>> -> memref<40x128xf32, #tpu.memory_space<vmem_shared>>
      %dma_start3A_219 = arith.constant 0 : i32
      %dma_start3A_220 = tpu.memref_slice %arg16[%add3A_24, %dma_start3A_219] : memref<10240x128xf32, #tpu.memory_space<vmem_shared>> -> memref<40x128xf32, #tpu.memory_space<vmem_shared>>
      tpu.enqueue_dma source(%arg15 : memref<40x128xf32, #tpu.memory_space<vmem>>) target(%dma_start3A_220 : memref<40x128xf32, #tpu.memory_space<vmem_shared>>) target_semaphore(%run_scoped3A : memref<!tpu.dma_semaphore, #tpu.memory_space<semaphore_mem>>)
      %dma_wait3A_221 = arith.constant 0 : i32
      %dma_wait3A_222 = tpu.memref_slice %arg16[%add3A_24, %dma_wait3A_221] : memref<10240x128xf32, #tpu.memory_space<vmem_shared>> -> memref<40x128xf32, #tpu.memory_space<vmem_shared>>
      %dma_wait3A_223 = arith.constant 0 : i32
      %dma_wait3A_224 = tpu.memref_slice %arg16[%add3A_24, %dma_wait3A_223] : memref<10240x128xf32, #tpu.memory_space<vmem_shared>> -> memref<40x128xf32, #tpu.memory_space<vmem_shared>>
      tpu.wait_dma2 semaphore(%run_scoped3A : memref<!tpu.dma_semaphore, #tpu.memory_space<semaphore_mem>>) src(%arg15 : memref<40x128xf32, #tpu.memory_space<vmem>>) dst(%dma_wait3A_224 : memref<40x128xf32, #tpu.memory_space<vmem_shared>>)
      tpu.yield
    }) : () -> ()
    %add3A_25 = arith.constant 400 : i32
    %add3A_26 = arith.addi %mul3A_0, %add3A_25 : i32
    "tpu.region"() ({
      %run_scoped3A = tpu.sem_alloc : memref<!tpu.dma_semaphore, #tpu.memory_space<semaphore_mem>>
      %dma_start3A_217 = arith.constant 0 : i32
      %dma_start3A_218 = tpu.memref_slice %arg16[%add3A_26, %dma_start3A_217] : memref<10240x128xf32, #tpu.memory_space<vmem_shared>> -> memref<40x128xf32, #tpu.memory_space<vmem_shared>>
      %dma_start3A_219 = arith.constant 0 : i32
      %dma_start3A_220 = tpu.memref_slice %arg16[%add3A_26, %dma_start3A_219] : memref<10240x128xf32, #tpu.memory_space<vmem_shared>> -> memref<40x128xf32, #tpu.memory_space<vmem_shared>>
      tpu.enqueue_dma source(%arg15 : memref<40x128xf32, #tpu.memory_space<vmem>>) target(%dma_start3A_220 : memref<40x128xf32, #tpu.memory_space<vmem_shared>>) target_semaphore(%run_scoped3A : memref<!tpu.dma_semaphore, #tpu.memory_space<semaphore_mem>>)
      %dma_wait3A_221 = arith.constant 0 : i32
      %dma_wait3A_222 = tpu.memref_slice %arg16[%add3A_26, %dma_wait3A_221] : memref<10240x128xf32, #tpu.memory_space<vmem_shared>> -> memref<40x128xf32, #tpu.memory_space<vmem_shared>>
      %dma_wait3A_223 = arith.constant 0 : i32
      %dma_wait3A_224 = tpu.memref_slice %arg16[%add3A_26, %dma_wait3A_223] : memref<10240x128xf32, #tpu.memory_space<vmem_shared>> -> memref<40x128xf32, #tpu.memory_space<vmem_shared>>
      tpu.wait_dma2 semaphore(%run_scoped3A : memref<!tpu.dma_semaphore, #tpu.memory_space<semaphore_mem>>) src(%arg15 : memref<40x128xf32, #tpu.memory_space<vmem>>) dst(%dma_wait3A_224 : memref<40x128xf32, #tpu.memory_space<vmem_shared>>)
      tpu.yield
    }) : () -> ()
    %add3A_27 = arith.constant 440 : i32
    %add3A_28 = arith.addi %mul3A_0, %add3A_27 : i32
    "tpu.region"() ({
      %run_scoped3A = tpu.sem_alloc : memref<!tpu.dma_semaphore, #tpu.memory_space<semaphore_mem>>
      %dma_start3A_217 = arith.constant 0 : i32
      %dma_start3A_218 = tpu.memref_slice %arg16[%add3A_28, %dma_start3A_217] : memref<10240x128xf32, #tpu.memory_space<vmem_shared>> -> memref<40x128xf32, #tpu.memory_space<vmem_shared>>
      %dma_start3A_219 = arith.constant 0 : i32
      %dma_start3A_220 = tpu.memref_slice %arg16[%add3A_28, %dma_start3A_219] : memref<10240x128xf32, #tpu.memory_space<vmem_shared>> -> memref<40x128xf32, #tpu.memory_space<vmem_shared>>
      tpu.enqueue_dma source(%arg15 : memref<40x128xf32, #tpu.memory_space<vmem>>) target(%dma_start3A_220 : memref<40x128xf32, #tpu.memory_space<vmem_shared>>) target_semaphore(%run_scoped3A : memref<!tpu.dma_semaphore, #tpu.memory_space<semaphore_mem>>)
      %dma_wait3A_221 = arith.constant 0 : i32
      %dma_wait3A_222 = tpu.memref_slice %arg16[%add3A_28, %dma_wait3A_221] : memref<10240x128xf32, #tpu.memory_space<vmem_shared>> -> memref<40x128xf32, #tpu.memory_space<vmem_shared>>
      %dma_wait3A_223 = arith.constant 0 : i32
      %dma_wait3A_224 = tpu.memref_slice %arg16[%add3A_28, %dma_wait3A_223] : memref<10240x128xf32, #tpu.memory_space<vmem_shared>> -> memref<40x128xf32, #tpu.memory_space<vmem_shared>>
      tpu.wait_dma2 semaphore(%run_scoped3A : memref<!tpu.dma_semaphore, #tpu.memory_space<semaphore_mem>>) src(%arg15 : memref<40x128xf32, #tpu.memory_space<vmem>>) dst(%dma_wait3A_224 : memref<40x128xf32, #tpu.memory_space<vmem_shared>>)
      tpu.yield
    }) : () -> ()
    %add3A_29 = arith.constant 480 : i32
    %add3A_30 = arith.addi %mul3A_0, %add3A_29 : i32
    "tpu.region"() ({
      %run_scoped3A = tpu.sem_alloc : memref<!tpu.dma_semaphore, #tpu.memory_space<semaphore_mem>>
      %dma_start3A_217 = arith.constant 0 : i32
      %dma_start3A_218 = tpu.memref_slice %arg16[%add3A_30, %dma_start3A_217] : memref<10240x128xf32, #tpu.memory_space<vmem_shared>> -> memref<40x128xf32, #tpu.memory_space<vmem_shared>>
      %dma_start3A_219 = arith.constant 0 : i32
      %dma_start3A_220 = tpu.memref_slice %arg16[%add3A_30, %dma_start3A_219] : memref<10240x128xf32, #tpu.memory_space<vmem_shared>> -> memref<40x128xf32, #tpu.memory_space<vmem_shared>>
      tpu.enqueue_dma source(%arg15 : memref<40x128xf32, #tpu.memory_space<vmem>>) target(%dma_start3A_220 : memref<40x128xf32, #tpu.memory_space<vmem_shared>>) target_semaphore(%run_scoped3A : memref<!tpu.dma_semaphore, #tpu.memory_space<semaphore_mem>>)
      %dma_wait3A_221 = arith.constant 0 : i32
      %dma_wait3A_222 = tpu.memref_slice %arg16[%add3A_30, %dma_wait3A_221] : memref<10240x128xf32, #tpu.memory_space<vmem_shared>> -> memref<40x128xf32, #tpu.memory_space<vmem_shared>>
      %dma_wait3A_223 = arith.constant 0 : i32
      %dma_wait3A_224 = tpu.memref_slice %arg16[%add3A_30, %dma_wait3A_223] : memref<10240x128xf32, #tpu.memory_space<vmem_shared>> -> memref<40x128xf32, #tpu.memory_space<vmem_shared>>
      tpu.wait_dma2 semaphore(%run_scoped3A : memref<!tpu.dma_semaphore, #tpu.memory_space<semaphore_mem>>) src(%arg15 : memref<40x128xf32, #tpu.memory_space<vmem>>) dst(%dma_wait3A_224 : memref<40x128xf32, #tpu.memory_space<vmem_shared>>)
      tpu.yield
    }) : () -> ()
    %add3A_31 = arith.constant 520 : i32
    %add3A_32 = arith.addi %mul3A_0, %add3A_31 : i32
    "tpu.region"() ({
      %run_scoped3A = tpu.sem_alloc : memref<!tpu.dma_semaphore, #tpu.memory_space<semaphore_mem>>
      %dma_start3A_217 = arith.constant 0 : i32
      %dma_start3A_218 = tpu.memref_slice %arg16[%add3A_32, %dma_start3A_217] : memref<10240x128xf32, #tpu.memory_space<vmem_shared>> -> memref<40x128xf32, #tpu.memory_space<vmem_shared>>
      %dma_start3A_219 = arith.constant 0 : i32
      %dma_start3A_220 = tpu.memref_slice %arg16[%add3A_32, %dma_start3A_219] : memref<10240x128xf32, #tpu.memory_space<vmem_shared>> -> memref<40x128xf32, #tpu.memory_space<vmem_shared>>
      tpu.enqueue_dma source(%arg15 : memref<40x128xf32, #tpu.memory_space<vmem>>) target(%dma_start3A_220 : memref<40x128xf32, #tpu.memory_space<vmem_shared>>) target_semaphore(%run_scoped3A : memref<!tpu.dma_semaphore, #tpu.memory_space<semaphore_mem>>)
      %dma_wait3A_221 = arith.constant 0 : i32
      %dma_wait3A_222 = tpu.memref_slice %arg16[%add3A_32, %dma_wait3A_221] : memref<10240x128xf32, #tpu.memory_space<vmem_shared>> -> memref<40x128xf32, #tpu.memory_space<vmem_shared>>
      %dma_wait3A_223 = arith.constant 0 : i32
      %dma_wait3A_224 = tpu.memref_slice %arg16[%add3A_32, %dma_wait3A_223] : memref<10240x128xf32, #tpu.memory_space<vmem_shared>> -> memref<40x128xf32, #tpu.memory_space<vmem_shared>>
      tpu.wait_dma2 semaphore(%run_scoped3A : memref<!tpu.dma_semaphore, #tpu.memory_space<semaphore_mem>>) src(%arg15 : memref<40x128xf32, #tpu.memory_space<vmem>>) dst(%dma_wait3A_224 : memref<40x128xf32, #tpu.memory_space<vmem_shared>>)
      tpu.yield
    }) : () -> ()
    %add3A_33 = arith.constant 560 : i32
    %add3A_34 = arith.addi %mul3A_0, %add3A_33 : i32
    "tpu.region"() ({
      %run_scoped3A = tpu.sem_alloc : memref<!tpu.dma_semaphore, #tpu.memory_space<semaphore_mem>>
      %dma_start3A_217 = arith.constant 0 : i32
      %dma_start3A_218 = tpu.memref_slice %arg16[%add3A_34, %dma_start3A_217] : memref<10240x128xf32, #tpu.memory_space<vmem_shared>> -> memref<40x128xf32, #tpu.memory_space<vmem_shared>>
      %dma_start3A_219 = arith.constant 0 : i32
      %dma_start3A_220 = tpu.memref_slice %arg16[%add3A_34, %dma_start3A_219] : memref<10240x128xf32, #tpu.memory_space<vmem_shared>> -> memref<40x128xf32, #tpu.memory_space<vmem_shared>>
      tpu.enqueue_dma source(%arg15 : memref<40x128xf32, #tpu.memory_space<vmem>>) target(%dma_start3A_220 : memref<40x128xf32, #tpu.memory_space<vmem_shared>>) target_semaphore(%run_scoped3A : memref<!tpu.dma_semaphore, #tpu.memory_space<semaphore_mem>>)
      %dma_wait3A_221 = arith.constant 0 : i32
      %dma_wait3A_222 = tpu.memref_slice %arg16[%add3A_34, %dma_wait3A_221] : memref<10240x128xf32, #tpu.memory_space<vmem_shared>> -> memref<40x128xf32, #tpu.memory_space<vmem_shared>>
      %dma_wait3A_223 = arith.constant 0 : i32
      %dma_wait3A_224 = tpu.memref_slice %arg16[%add3A_34, %dma_wait3A_223] : memref<10240x128xf32, #tpu.memory_space<vmem_shared>> -> memref<40x128xf32, #tpu.memory_space<vmem_shared>>
      tpu.wait_dma2 semaphore(%run_scoped3A : memref<!tpu.dma_semaphore, #tpu.memory_space<semaphore_mem>>) src(%arg15 : memref<40x128xf32, #tpu.memory_space<vmem>>) dst(%dma_wait3A_224 : memref<40x128xf32, #tpu.memory_space<vmem_shared>>)
      tpu.yield
    }) : () -> ()
    %add3A_35 = arith.constant 600 : i32
    %add3A_36 = arith.addi %mul3A_0, %add3A_35 : i32
    "tpu.region"() ({
      %run_scoped3A = tpu.sem_alloc : memref<!tpu.dma_semaphore, #tpu.memory_space<semaphore_mem>>
      %dma_start3A_217 = arith.constant 0 : i32
      %dma_start3A_218 = tpu.memref_slice %arg16[%add3A_36, %dma_start3A_217] : memref<10240x128xf32, #tpu.memory_space<vmem_shared>> -> memref<40x128xf32, #tpu.memory_space<vmem_shared>>
      %dma_start3A_219 = arith.constant 0 : i32
      %dma_start3A_220 = tpu.memref_slice %arg16[%add3A_36, %dma_start3A_219] : memref<10240x128xf32, #tpu.memory_space<vmem_shared>> -> memref<40x128xf32, #tpu.memory_space<vmem_shared>>
      tpu.enqueue_dma source(%arg15 : memref<40x128xf32, #tpu.memory_space<vmem>>) target(%dma_start3A_220 : memref<40x128xf32, #tpu.memory_space<vmem_shared>>) target_semaphore(%run_scoped3A : memref<!tpu.dma_semaphore, #tpu.memory_space<semaphore_mem>>)
      %dma_wait3A_221 = arith.constant 0 : i32
      %dma_wait3A_222 = tpu.memref_slice %arg16[%add3A_36, %dma_wait3A_221] : memref<10240x128xf32, #tpu.memory_space<vmem_shared>> -> memref<40x128xf32, #tpu.memory_space<vmem_shared>>
      %dma_wait3A_223 = arith.constant 0 : i32
      %dma_wait3A_224 = tpu.memref_slice %arg16[%add3A_36, %dma_wait3A_223] : memref<10240x128xf32, #tpu.memory_space<vmem_shared>> -> memref<40x128xf32, #tpu.memory_space<vmem_shared>>
      tpu.wait_dma2 semaphore(%run_scoped3A : memref<!tpu.dma_semaphore, #tpu.memory_space<semaphore_mem>>) src(%arg15 : memref<40x128xf32, #tpu.memory_space<vmem>>) dst(%dma_wait3A_224 : memref<40x128xf32, #tpu.memory_space<vmem_shared>>)
      tpu.yield
    }) : () -> ()
    %barrier3A = arith.constant 0 : index
    tpu.barrier barrier_id(%barrier3A)
    %mul3A_37 = arith.constant 16 : i32
    %mul3A_38 = arith.muli %arg0, %mul3A_37 : i32
    %add3A_39 = arith.addi %mul3A_38, %arg1 : i32
    %mul3A_40 = arith.constant 10240 : i32
    %mul3A_41 = arith.muli %add3A_39, %mul3A_40 : i32
    %add3A_42 = arith.constant 0 : i32
    %add3A_43 = arith.addi %mul3A_41, %add3A_42 : i32
    %dma_start3A = tpu.memref_slice %arg3[%add3A_43] : memref<327680xi32, #tpu.memory_space<hbm>> -> memref<80xi32, #tpu.memory_space<hbm>>
    %dma_start3A_44 = tpu.memref_slice %arg3[%add3A_43] : memref<327680xi32, #tpu.memory_space<hbm>> -> memref<80xi32, #tpu.memory_space<hbm>>
    tpu.enqueue_dma source(%dma_start3A_44 : memref<80xi32, #tpu.memory_space<hbm>>) target(%arg7 : memref<80xi32, #tpu.memory_space<vmem>>) target_semaphore(%arg17 : memref<!tpu.dma_semaphore, #tpu.memory_space<semaphore_mem>>)
    %dma_start3A_45 = tpu.memref_slice %arg4[%add3A_43] : memref<327680xi32, #tpu.memory_space<hbm>> -> memref<80xi32, #tpu.memory_space<hbm>>
    %dma_start3A_46 = tpu.memref_slice %arg4[%add3A_43] : memref<327680xi32, #tpu.memory_space<hbm>> -> memref<80xi32, #tpu.memory_space<hbm>>
    tpu.enqueue_dma source(%dma_start3A_46 : memref<80xi32, #tpu.memory_space<hbm>>) target(%arg9 : memref<80xi32, #tpu.memory_space<vmem>>) target_semaphore(%arg17 : memref<!tpu.dma_semaphore, #tpu.memory_space<semaphore_mem>>)
    %add3A_47 = arith.constant 80 : i32
    %add3A_48 = arith.addi %mul3A_41, %add3A_47 : i32
    %dma_start3A_49 = tpu.memref_slice %arg3[%add3A_48] : memref<327680xi32, #tpu.memory_space<hbm>> -> memref<80xi32, #tpu.memory_space<hbm>>
    %dma_start3A_50 = tpu.memref_slice %arg3[%add3A_48] : memref<327680xi32, #tpu.memory_space<hbm>> -> memref<80xi32, #tpu.memory_space<hbm>>
    tpu.enqueue_dma source(%dma_start3A_50 : memref<80xi32, #tpu.memory_space<hbm>>) target(%arg8 : memref<80xi32, #tpu.memory_space<vmem>>) target_semaphore(%arg18 : memref<!tpu.dma_semaphore, #tpu.memory_space<semaphore_mem>>)
    %dma_start3A_51 = tpu.memref_slice %arg4[%add3A_48] : memref<327680xi32, #tpu.memory_space<hbm>> -> memref<80xi32, #tpu.memory_space<hbm>>
    %dma_start3A_52 = tpu.memref_slice %arg4[%add3A_48] : memref<327680xi32, #tpu.memory_space<hbm>> -> memref<80xi32, #tpu.memory_space<hbm>>
    tpu.enqueue_dma source(%dma_start3A_52 : memref<80xi32, #tpu.memory_space<hbm>>) target(%arg10 : memref<80xi32, #tpu.memory_space<vmem>>) target_semaphore(%arg18 : memref<!tpu.dma_semaphore, #tpu.memory_space<semaphore_mem>>)
    %add3A_53 = arith.constant 0 : i32
    %add3A_54 = arith.addi %mul3A_41, %add3A_53 : i32
    %dma_start3A_55 = arith.constant 0 : i32
    %dma_start3A_56 = tpu.memref_slice %arg5[%add3A_54, %dma_start3A_55] : memref<327680x128xf32, #tpu.memory_space<hbm>> -> memref<80x128xf32, #tpu.memory_space<hbm>>
    %dma_start3A_57 = arith.constant 0 : i32
    %dma_start3A_58 = tpu.memref_slice %arg5[%add3A_54, %dma_start3A_57] : memref<327680x128xf32, #tpu.memory_space<hbm>> -> memref<80x128xf32, #tpu.memory_space<hbm>>
    tpu.enqueue_dma source(%dma_start3A_58 : memref<80x128xf32, #tpu.memory_space<hbm>>) target(%arg13 : memref<80x128xf32, #tpu.memory_space<vmem>>) target_semaphore(%arg19 : memref<!tpu.dma_semaphore, #tpu.memory_space<semaphore_mem>>)
    %add3A_59 = arith.constant 80 : i32
    %add3A_60 = arith.addi %mul3A_41, %add3A_59 : i32
    %dma_start3A_61 = arith.constant 0 : i32
    %dma_start3A_62 = tpu.memref_slice %arg5[%add3A_60, %dma_start3A_61] : memref<327680x128xf32, #tpu.memory_space<hbm>> -> memref<80x128xf32, #tpu.memory_space<hbm>>
    %dma_start3A_63 = arith.constant 0 : i32
    %dma_start3A_64 = tpu.memref_slice %arg5[%add3A_60, %dma_start3A_63] : memref<327680x128xf32, #tpu.memory_space<hbm>> -> memref<80x128xf32, #tpu.memory_space<hbm>>
    tpu.enqueue_dma source(%dma_start3A_64 : memref<80x128xf32, #tpu.memory_space<hbm>>) target(%arg14 : memref<80x128xf32, #tpu.memory_space<vmem>>) target_semaphore(%arg20 : memref<!tpu.dma_semaphore, #tpu.memory_space<semaphore_mem>>)
    %dma_wait3A = arith.constant 0 : i32
    %dma_wait3A_65 = tpu.memref_slice %arg3[%dma_wait3A] : memref<327680xi32, #tpu.memory_space<hbm>> -> memref<80xi32, #tpu.memory_space<hbm>>
    %dma_wait3A_66 = arith.constant 0 : i32
    %dma_wait3A_67 = tpu.memref_slice %arg3[%dma_wait3A_66] : memref<327680xi32, #tpu.memory_space<hbm>> -> memref<80xi32, #tpu.memory_space<hbm>>
    tpu.wait_dma2 semaphore(%arg17 : memref<!tpu.dma_semaphore, #tpu.memory_space<semaphore_mem>>) src(%dma_wait3A_67 : memref<80xi32, #tpu.memory_space<hbm>>) dst(%arg7 : memref<80xi32, #tpu.memory_space<vmem>>)
    %dma_wait3A_68 = arith.constant 0 : i32
    %dma_wait3A_69 = tpu.memref_slice %arg4[%dma_wait3A_68] : memref<327680xi32, #tpu.memory_space<hbm>> -> memref<80xi32, #tpu.memory_space<hbm>>
    %dma_wait3A_70 = arith.constant 0 : i32
    %dma_wait3A_71 = tpu.memref_slice %arg4[%dma_wait3A_70] : memref<327680xi32, #tpu.memory_space<hbm>> -> memref<80xi32, #tpu.memory_space<hbm>>
    tpu.wait_dma2 semaphore(%arg17 : memref<!tpu.dma_semaphore, #tpu.memory_space<semaphore_mem>>) src(%dma_wait3A_71 : memref<80xi32, #tpu.memory_space<hbm>>) dst(%arg9 : memref<80xi32, #tpu.memory_space<vmem>>)
    %dma_start3A_72 = arith.constant 0 : i32
    %dma_start3A_73 = arith.constant 0 : i32
    %dma_start3A_74 = tpu.memref_slice %arg2[%dma_start3A_72, %dma_start3A_73] : memref<10000x128xf32, #tpu.memory_space<hbm>> -> memref<10000x128xf32, #tpu.memory_space<hbm>>
    tpu.enqueue_indirect_dma source(%dma_start3A_74 : memref<10000x128xf32, #tpu.memory_space<hbm>>) target(%arg11 : memref<80x128xf32, #tpu.memory_space<vmem>>) offsets(%arg7 : memref<80xi32, #tpu.memory_space<vmem>>) semaphore(%arg21 : memref<!tpu.dma_semaphore, #tpu.memory_space<semaphore_mem>>)
    %scan3A_75 = arith.constant 0 : i32
    %scan3A_76 = arith.constant 0 : i32
    %scan3A_77 = arith.constant 64 : i32
    %scan3A_78 = arith.addi %scan3A_76, %scan3A_77 : i32
    %scan3A_79 = arith.constant 1 : i32
    scf.for %scan3A_217 = %scan3A_76 to %scan3A_78 step %scan3A_79  : i32 {
      %mul3A_218 = arith.constant 2 : i32
      %mul3A_219 = arith.muli %mul3A_218, %scan3A_217 : i32
      %dma_wait3A_220 = arith.constant 0 : i32
      %dma_wait3A_221 = arith.constant 0 : i32
      %dma_wait3A_222 = tpu.memref_slice %arg2[%dma_wait3A_220, %dma_wait3A_221] : memref<10000x128xf32, #tpu.memory_space<hbm>> -> memref<10000x128xf32, #tpu.memory_space<hbm>>
      tpu.wait_indirect_dma semaphore(%arg21 : memref<!tpu.dma_semaphore, #tpu.memory_space<semaphore_mem>>) src(%dma_wait3A_222 : memref<10000x128xf32, #tpu.memory_space<hbm>>) dst(%arg11 : memref<80x128xf32, #tpu.memory_space<vmem>>)
      %dma_wait3A_223 = arith.constant 0 : i32
      %dma_wait3A_224 = arith.constant 0 : i32
      %dma_wait3A_225 = tpu.memref_slice %arg5[%dma_wait3A_223, %dma_wait3A_224] : memref<327680x128xf32, #tpu.memory_space<hbm>> -> memref<80x128xf32, #tpu.memory_space<hbm>>
      %dma_wait3A_226 = arith.constant 0 : i32
      %dma_wait3A_227 = arith.constant 0 : i32
      %dma_wait3A_228 = tpu.memref_slice %arg5[%dma_wait3A_226, %dma_wait3A_227] : memref<327680x128xf32, #tpu.memory_space<hbm>> -> memref<80x128xf32, #tpu.memory_space<hbm>>
      tpu.wait_dma2 semaphore(%arg19 : memref<!tpu.dma_semaphore, #tpu.memory_space<semaphore_mem>>) src(%dma_wait3A_228 : memref<80x128xf32, #tpu.memory_space<hbm>>) dst(%arg13 : memref<80x128xf32, #tpu.memory_space<vmem>>)
      %dma_wait3A_229 = arith.constant 0 : i32
      %dma_wait3A_230 = tpu.memref_slice %arg3[%dma_wait3A_229] : memref<327680xi32, #tpu.memory_space<hbm>> -> memref<80xi32, #tpu.memory_space<hbm>>
      %dma_wait3A_231 = arith.constant 0 : i32
      %dma_wait3A_232 = tpu.memref_slice %arg3[%dma_wait3A_231] : memref<327680xi32, #tpu.memory_space<hbm>> -> memref<80xi32, #tpu.memory_space<hbm>>
      tpu.wait_dma2 semaphore(%arg18 : memref<!tpu.dma_semaphore, #tpu.memory_space<semaphore_mem>>) src(%dma_wait3A_232 : memref<80xi32, #tpu.memory_space<hbm>>) dst(%arg8 : memref<80xi32, #tpu.memory_space<vmem>>)
      %dma_wait3A_233 = arith.constant 0 : i32
      %dma_wait3A_234 = tpu.memref_slice %arg4[%dma_wait3A_233] : memref<327680xi32, #tpu.memory_space<hbm>> -> memref<80xi32, #tpu.memory_space<hbm>>
      %dma_wait3A_235 = arith.constant 0 : i32
      %dma_wait3A_236 = tpu.memref_slice %arg4[%dma_wait3A_235] : memref<327680xi32, #tpu.memory_space<hbm>> -> memref<80xi32, #tpu.memory_space<hbm>>
      tpu.wait_dma2 semaphore(%arg18 : memref<!tpu.dma_semaphore, #tpu.memory_space<semaphore_mem>>) src(%dma_wait3A_236 : memref<80xi32, #tpu.memory_space<hbm>>) dst(%arg10 : memref<80xi32, #tpu.memory_space<vmem>>)
      %dma_start3A_237 = arith.constant 0 : i32
      %dma_start3A_238 = arith.constant 0 : i32
      %dma_start3A_239 = tpu.memref_slice %arg2[%dma_start3A_237, %dma_start3A_238] : memref<10000x128xf32, #tpu.memory_space<hbm>> -> memref<10000x128xf32, #tpu.memory_space<hbm>>
      tpu.enqueue_indirect_dma source(%dma_start3A_239 : memref<10000x128xf32, #tpu.memory_space<hbm>>) target(%arg12 : memref<80x128xf32, #tpu.memory_space<vmem>>) offsets(%arg8 : memref<80xi32, #tpu.memory_space<vmem>>) semaphore(%arg22 : memref<!tpu.dma_semaphore, #tpu.memory_space<semaphore_mem>>)
      %scan3A_240 = arith.constant 0 : i32
      %scan3A_241 = arith.constant 0 : i32
      %scan3A_242 = arith.constant 80 : i32
      %scan3A_243 = arith.addi %scan3A_241, %scan3A_242 : i32
      %scan3A_244 = arith.constant 1 : i32
      scf.for %scan3A_309 = %scan3A_241 to %scan3A_243 step %scan3A_244  : i32 {
        %get3A = arith.index_cast %scan3A_309 : i32 to index
        %get3A_310 = arith.constant 0 : index
        %get3A_311 = tpu.vector_load %arg11[%get3A, %get3A_310] {strides = array<i32>} : memref<80x128xf32, #tpu.memory_space<vmem>>, vector<1x16xf32>,
        %get3A_312 = vector.shape_cast %get3A_311 : vector<1x16xf32> to vector<16xf32>
        %get3A_313 = arith.index_cast %scan3A_309 : i32 to index
        %get3A_314 = arith.constant 0 : index
        %get3A_315 = tpu.vector_load %arg13[%get3A_313, %get3A_314] {strides = array<i32>} : memref<80x128xf32, #tpu.memory_space<vmem>>, vector<1x16xf32>,
        %get3A_316 = vector.shape_cast %get3A_315 : vector<1x16xf32> to vector<16xf32>
        %add3A_317 = arith.addf %get3A_312, %get3A_316 : vector<16xf32>
        %max3A = arith.constant 0.000000e+00 : f32
        %max3A_318 = vector.broadcast %max3A : f32 to vector<16xf32>
        %max3A_319 = arith.maximumf %add3A_317, %max3A_318 : vector<16xf32>
        %swap3A = arith.index_cast %scan3A_309 : i32 to index
        %swap3A_320 = arith.constant 0 : index
        %swap3A_321 = tpu.vector_load %arg11[%swap3A, %swap3A_320] {strides = array<i32>} : memref<80x128xf32, #tpu.memory_space<vmem>>, vector<1x16xf32>,
        %swap3A_322 = vector.shape_cast %swap3A_321 : vector<1x16xf32> to vector<16xf32>
        %swap3A_323 = vector.shape_cast %max3A_319 : vector<16xf32> to vector<1x16xf32>
        tpu.vector_store %arg11[%swap3A, %swap3A_320], %swap3A_323 {strides = array<i32>} : memref<80x128xf32, #tpu.memory_space<vmem>>, vector<1x16xf32>,
        %get3A_324 = arith.index_cast %scan3A_309 : i32 to index
        %get3A_325 = arith.constant 16 : index
        %get3A_326 = tpu.vector_load %arg11[%get3A_324, %get3A_325] {strides = array<i32>} : memref<80x128xf32, #tpu.memory_space<vmem>>, vector<1x16xf32>,
        %get3A_327 = vector.shape_cast %get3A_326 : vector<1x16xf32> to vector<16xf32>
        %get3A_328 = arith.index_cast %scan3A_309 : i32 to index
        %get3A_329 = arith.constant 16 : index
        %get3A_330 = tpu.vector_load %arg13[%get3A_328, %get3A_329] {strides = array<i32>} : memref<80x128xf32, #tpu.memory_space<vmem>>, vector<1x16xf32>,
        %get3A_331 = vector.shape_cast %get3A_330 : vector<1x16xf32> to vector<16xf32>
        %add3A_332 = arith.addf %get3A_327, %get3A_331 : vector<16xf32>
        %max3A_333 = arith.constant 0.000000e+00 : f32
        %max3A_334 = vector.broadcast %max3A_333 : f32 to vector<16xf32>
        %max3A_335 = arith.maximumf %add3A_332, %max3A_334 : vector<16xf32>
        %swap3A_336 = arith.index_cast %scan3A_309 : i32 to index
        %swap3A_337 = arith.constant 16 : index
        %swap3A_338 = tpu.vector_load %arg11[%swap3A_336, %swap3A_337] {strides = array<i32>} : memref<80x128xf32, #tpu.memory_space<vmem>>, vector<1x16xf32>,
        %swap3A_339 = vector.shape_cast %swap3A_338 : vector<1x16xf32> to vector<16xf32>
        %swap3A_340 = vector.shape_cast %max3A_335 : vector<16xf32> to vector<1x16xf32>
        tpu.vector_store %arg11[%swap3A_336, %swap3A_337], %swap3A_340 {strides = array<i32>} : memref<80x128xf32, #tpu.memory_space<vmem>>, vector<1x16xf32>,
        %get3A_341 = arith.index_cast %scan3A_309 : i32 to index
        %get3A_342 = arith.constant 32 : index
        %get3A_343 = tpu.vector_load %arg11[%get3A_341, %get3A_342] {strides = array<i32>} : memref<80x128xf32, #tpu.memory_space<vmem>>, vector<1x16xf32>,
        %get3A_344 = vector.shape_cast %get3A_343 : vector<1x16xf32> to vector<16xf32>
        %get3A_345 = arith.index_cast %scan3A_309 : i32 to index
        %get3A_346 = arith.constant 32 : index
        %get3A_347 = tpu.vector_load %arg13[%get3A_345, %get3A_346] {strides = array<i32>} : memref<80x128xf32, #tpu.memory_space<vmem>>, vector<1x16xf32>,
        %get3A_348 = vector.shape_cast %get3A_347 : vector<1x16xf32> to vector<16xf32>
        %add3A_349 = arith.addf %get3A_344, %get3A_348 : vector<16xf32>
        %max3A_350 = arith.constant 0.000000e+00 : f32
        %max3A_351 = vector.broadcast %max3A_350 : f32 to vector<16xf32>
        %max3A_352 = arith.maximumf %add3A_349, %max3A_351 : vector<16xf32>
        %swap3A_353 = arith.index_cast %scan3A_309 : i32 to index
        %swap3A_354 = arith.constant 32 : index
        %swap3A_355 = tpu.vector_load %arg11[%swap3A_353, %swap3A_354] {strides = array<i32>} : memref<80x128xf32, #tpu.memory_space<vmem>>, vector<1x16xf32>,
        %swap3A_356 = vector.shape_cast %swap3A_355 : vector<1x16xf32> to vector<16xf32>
        %swap3A_357 = vector.shape_cast %max3A_352 : vector<16xf32> to vector<1x16xf32>
        tpu.vector_store %arg11[%swap3A_353, %swap3A_354], %swap3A_357 {strides = array<i32>} : memref<80x128xf32, #tpu.memory_space<vmem>>, vector<1x16xf32>,
        %get3A_358 = arith.index_cast %scan3A_309 : i32 to index
        %get3A_359 = arith.constant 48 : index
        %get3A_360 = tpu.vector_load %arg11[%get3A_358, %get3A_359] {strides = array<i32>} : memref<80x128xf32, #tpu.memory_space<vmem>>, vector<1x16xf32>,
        %get3A_361 = vector.shape_cast %get3A_360 : vector<1x16xf32> to vector<16xf32>
        %get3A_362 = arith.index_cast %scan3A_309 : i32 to index
        %get3A_363 = arith.constant 48 : index
        %get3A_364 = tpu.vector_load %arg13[%get3A_362, %get3A_363] {strides = array<i32>} : memref<80x128xf32, #tpu.memory_space<vmem>>, vector<1x16xf32>,
        %get3A_365 = vector.shape_cast %get3A_364 : vector<1x16xf32> to vector<16xf32>
        %add3A_366 = arith.addf %get3A_361, %get3A_365 : vector<16xf32>
        %max3A_367 = arith.constant 0.000000e+00 : f32
        %max3A_368 = vector.broadcast %max3A_367 : f32 to vector<16xf32>
        %max3A_369 = arith.maximumf %add3A_366, %max3A_368 : vector<16xf32>
        %swap3A_370 = arith.index_cast %scan3A_309 : i32 to index
        %swap3A_371 = arith.constant 48 : index
        %swap3A_372 = tpu.vector_load %arg11[%swap3A_370, %swap3A_371] {strides = array<i32>} : memref<80x128xf32, #tpu.memory_space<vmem>>, vector<1x16xf32>,
        %swap3A_373 = vector.shape_cast %swap3A_372 : vector<1x16xf32> to vector<16xf32>
        %swap3A_374 = vector.shape_cast %max3A_369 : vector<16xf32> to vector<1x16xf32>
        tpu.vector_store %arg11[%swap3A_370, %swap3A_371], %swap3A_374 {strides = array<i32>} : memref<80x128xf32, #tpu.memory_space<vmem>>, vector<1x16xf32>,
        %get3A_375 = arith.index_cast %scan3A_309 : i32 to index
        %get3A_376 = arith.constant 64 : index
        %get3A_377 = tpu.vector_load %arg11[%get3A_375, %get3A_376] {strides = array<i32>} : memref<80x128xf32, #tpu.memory_space<vmem>>, vector<1x16xf32>,
        %get3A_378 = vector.shape_cast %get3A_377 : vector<1x16xf32> to vector<16xf32>
        %get3A_379 = arith.index_cast %scan3A_309 : i32 to index
        %get3A_380 = arith.constant 64 : index
        %get3A_381 = tpu.vector_load %arg13[%get3A_379, %get3A_380] {strides = array<i32>} : memref<80x128xf32, #tpu.memory_space<vmem>>, vector<1x16xf32>,
        %get3A_382 = vector.shape_cast %get3A_381 : vector<1x16xf32> to vector<16xf32>
        %add3A_383 = arith.addf %get3A_378, %get3A_382 : vector<16xf32>
        %max3A_384 = arith.constant 0.000000e+00 : f32
        %max3A_385 = vector.broadcast %max3A_384 : f32 to vector<16xf32>
        %max3A_386 = arith.maximumf %add3A_383, %max3A_385 : vector<16xf32>
        %swap3A_387 = arith.index_cast %scan3A_309 : i32 to index
        %swap3A_388 = arith.constant 64 : index
        %swap3A_389 = tpu.vector_load %arg11[%swap3A_387, %swap3A_388] {strides = array<i32>} : memref<80x128xf32, #tpu.memory_space<vmem>>, vector<1x16xf32>,
        %swap3A_390 = vector.shape_cast %swap3A_389 : vector<1x16xf32> to vector<16xf32>
        %swap3A_391 = vector.shape_cast %max3A_386 : vector<16xf32> to vector<1x16xf32>
        tpu.vector_store %arg11[%swap3A_387, %swap3A_388], %swap3A_391 {strides = array<i32>} : memref<80x128xf32, #tpu.memory_space<vmem>>, vector<1x16xf32>,
        %get3A_392 = arith.index_cast %scan3A_309 : i32 to index
        %get3A_393 = arith.constant 80 : index
        %get3A_394 = tpu.vector_load %arg11[%get3A_392, %get3A_393] {strides = array<i32>} : memref<80x128xf32, #tpu.memory_space<vmem>>, vector<1x16xf32>,
        %get3A_395 = vector.shape_cast %get3A_394 : vector<1x16xf32> to vector<16xf32>
        %get3A_396 = arith.index_cast %scan3A_309 : i32 to index
        %get3A_397 = arith.constant 80 : index
        %get3A_398 = tpu.vector_load %arg13[%get3A_396, %get3A_397] {strides = array<i32>} : memref<80x128xf32, #tpu.memory_space<vmem>>, vector<1x16xf32>,
        %get3A_399 = vector.shape_cast %get3A_398 : vector<1x16xf32> to vector<16xf32>
        %add3A_400 = arith.addf %get3A_395, %get3A_399 : vector<16xf32>
        %max3A_401 = arith.constant 0.000000e+00 : f32
        %max3A_402 = vector.broadcast %max3A_401 : f32 to vector<16xf32>
        %max3A_403 = arith.maximumf %add3A_400, %max3A_402 : vector<16xf32>
        %swap3A_404 = arith.index_cast %scan3A_309 : i32 to index
        %swap3A_405 = arith.constant 80 : index
        %swap3A_406 = tpu.vector_load %arg11[%swap3A_404, %swap3A_405] {strides = array<i32>} : memref<80x128xf32, #tpu.memory_space<vmem>>, vector<1x16xf32>,
        %swap3A_407 = vector.shape_cast %swap3A_406 : vector<1x16xf32> to vector<16xf32>
        %swap3A_408 = vector.shape_cast %max3A_403 : vector<16xf32> to vector<1x16xf32>
        tpu.vector_store %arg11[%swap3A_404, %swap3A_405], %swap3A_408 {strides = array<i32>} : memref<80x128xf32, #tpu.memory_space<vmem>>, vector<1x16xf32>,
        %get3A_409 = arith.index_cast %scan3A_309 : i32 to index
        %get3A_410 = arith.constant 96 : index
        %get3A_411 = tpu.vector_load %arg11[%get3A_409, %get3A_410] {strides = array<i32>} : memref<80x128xf32, #tpu.memory_space<vmem>>, vector<1x16xf32>,
        %get3A_412 = vector.shape_cast %get3A_411 : vector<1x16xf32> to vector<16xf32>
        %get3A_413 = arith.index_cast %scan3A_309 : i32 to index
        %get3A_414 = arith.constant 96 : index
        %get3A_415 = tpu.vector_load %arg13[%get3A_413, %get3A_414] {strides = array<i32>} : memref<80x128xf32, #tpu.memory_space<vmem>>, vector<1x16xf32>,
        %get3A_416 = vector.shape_cast %get3A_415 : vector<1x16xf32> to vector<16xf32>
        %add3A_417 = arith.addf %get3A_412, %get3A_416 : vector<16xf32>
        %max3A_418 = arith.constant 0.000000e+00 : f32
        %max3A_419 = vector.broadcast %max3A_418 : f32 to vector<16xf32>
        %max3A_420 = arith.maximumf %add3A_417, %max3A_419 : vector<16xf32>
        %swap3A_421 = arith.index_cast %scan3A_309 : i32 to index
        %swap3A_422 = arith.constant 96 : index
        %swap3A_423 = tpu.vector_load %arg11[%swap3A_421, %swap3A_422] {strides = array<i32>} : memref<80x128xf32, #tpu.memory_space<vmem>>, vector<1x16xf32>,
        %swap3A_424 = vector.shape_cast %swap3A_423 : vector<1x16xf32> to vector<16xf32>
        %swap3A_425 = vector.shape_cast %max3A_420 : vector<16xf32> to vector<1x16xf32>
        tpu.vector_store %arg11[%swap3A_421, %swap3A_422], %swap3A_425 {strides = array<i32>} : memref<80x128xf32, #tpu.memory_space<vmem>>, vector<1x16xf32>,
        %get3A_426 = arith.index_cast %scan3A_309 : i32 to index
        %get3A_427 = arith.constant 112 : index
        %get3A_428 = tpu.vector_load %arg11[%get3A_426, %get3A_427] {strides = array<i32>} : memref<80x128xf32, #tpu.memory_space<vmem>>, vector<1x16xf32>,
        %get3A_429 = vector.shape_cast %get3A_428 : vector<1x16xf32> to vector<16xf32>
        %get3A_430 = arith.index_cast %scan3A_309 : i32 to index
        %get3A_431 = arith.constant 112 : index
        %get3A_432 = tpu.vector_load %arg13[%get3A_430, %get3A_431] {strides = array<i32>} : memref<80x128xf32, #tpu.memory_space<vmem>>, vector<1x16xf32>,
        %get3A_433 = vector.shape_cast %get3A_432 : vector<1x16xf32> to vector<16xf32>
        %add3A_434 = arith.addf %get3A_429, %get3A_433 : vector<16xf32>
        %max3A_435 = arith.constant 0.000000e+00 : f32
        %max3A_436 = vector.broadcast %max3A_435 : f32 to vector<16xf32>
        %max3A_437 = arith.maximumf %add3A_434, %max3A_436 : vector<16xf32>
        %swap3A_438 = arith.index_cast %scan3A_309 : i32 to index
        %swap3A_439 = arith.constant 112 : index
        %swap3A_440 = tpu.vector_load %arg11[%swap3A_438, %swap3A_439] {strides = array<i32>} : memref<80x128xf32, #tpu.memory_space<vmem>>, vector<1x16xf32>,
        %swap3A_441 = vector.shape_cast %swap3A_440 : vector<1x16xf32> to vector<16xf32>
        %swap3A_442 = vector.shape_cast %max3A_437 : vector<16xf32> to vector<1x16xf32>
        tpu.vector_store %arg11[%swap3A_438, %swap3A_439], %swap3A_442 {strides = array<i32>} : memref<80x128xf32, #tpu.memory_space<vmem>>, vector<1x16xf32>,
      }
      %scan3A_245 = arith.constant 80 : i32
      "tpu.region"() ({
        %run_scoped3A = tpu.sem_alloc : memref<!tpu.dma_semaphore, #tpu.memory_space<semaphore_mem>>
        %dma_start3A_309 = arith.constant 0 : i32
        %dma_start3A_310 = arith.constant 0 : i32
        %dma_start3A_311 = tpu.memref_slice %arg16[%dma_start3A_309, %dma_start3A_310] : memref<10240x128xf32, #tpu.memory_space<vmem_shared>> -> memref<10240x128xf32, #tpu.memory_space<vmem_shared>>
        tpu.enqueue_indirect_dma source(%arg11 : memref<80x128xf32, #tpu.memory_space<vmem>>) target(%dma_start3A_311 : memref<10240x128xf32, #tpu.memory_space<vmem_shared>>) offsets(%arg9 : memref<80xi32, #tpu.memory_space<vmem>>) semaphore(%run_scoped3A : memref<!tpu.dma_semaphore, #tpu.memory_space<semaphore_mem>>) {add = true}
        %dma_wait3A_312 = arith.constant 0 : i32
        %dma_wait3A_313 = arith.constant 0 : i32
        %dma_wait3A_314 = tpu.memref_slice %arg16[%dma_wait3A_312, %dma_wait3A_313] : memref<10240x128xf32, #tpu.memory_space<vmem_shared>> -> memref<10240x128xf32, #tpu.memory_space<vmem_shared>>
        tpu.wait_indirect_dma semaphore(%run_scoped3A : memref<!tpu.dma_semaphore, #tpu.memory_space<semaphore_mem>>) src(%arg11 : memref<80x128xf32, #tpu.memory_space<vmem>>) dst(%dma_wait3A_314 : memref<10240x128xf32, #tpu.memory_space<vmem_shared>>)
        tpu.yield
      }) : () -> ()
      %add3A_246 = arith.constant 2 : i32
      %add3A_247 = arith.addi %mul3A_219, %add3A_246 : i32
      %min3A = arith.constant 127 : i32
      %min3A_248 = arith.minsi %add3A_247, %min3A : i32
      %mul3A_249 = arith.constant 80 : i32
      %mul3A_250 = arith.muli %min3A_248, %mul3A_249 : i32
      %add3A_251 = arith.addi %mul3A_41, %mul3A_250 : i32
      %dma_start3A_252 = tpu.memref_slice %arg3[%add3A_251] : memref<327680xi32, #tpu.memory_space<hbm>> -> memref<80xi32, #tpu.memory_space<hbm>>
      %dma_start3A_253 = tpu.memref_slice %arg3[%add3A_251] : memref<327680xi32, #tpu.memory_space<hbm>> -> memref<80xi32, #tpu.memory_space<hbm>>
      tpu.enqueue_dma source(%dma_start3A_253 : memref<80xi32, #tpu.memory_space<hbm>>) target(%arg7 : memref<80xi32, #tpu.memory_space<vmem>>) target_semaphore(%arg17 : memref<!tpu.dma_semaphore, #tpu.memory_space<semaphore_mem>>)
      %dma_start3A_254 = tpu.memref_slice %arg4[%add3A_251] : memref<327680xi32, #tpu.memory_space<hbm>> -> memref<80xi32, #tpu.memory_space<hbm>>
      %dma_start3A_255 = tpu.memref_slice %arg4[%add3A_251] : memref<327680xi32, #tpu.memory_space<hbm>> -> memref<80xi32, #tpu.memory_space<hbm>>
      tpu.enqueue_dma source(%dma_start3A_255 : memref<80xi32, #tpu.memory_space<hbm>>) target(%arg9 : memref<80xi32, #tpu.memory_space<vmem>>) target_semaphore(%arg17 : memref<!tpu.dma_semaphore, #tpu.memory_space<semaphore_mem>>)
      %mul3A_256 = arith.constant 80 : i32
      %mul3A_257 = arith.muli %min3A_248, %mul3A_256 : i32
      %add3A_258 = arith.addi %mul3A_41, %mul3A_257 : i32
      %dma_start3A_259 = arith.constant 0 : i32
      %dma_start3A_260 = tpu.memref_slice %arg5[%add3A_258, %dma_start3A_259] : memref<327680x128xf32, #tpu.memory_space<hbm>> -> memref<80x128xf32, #tpu.memory_space<hbm>>
      %dma_start3A_261 = arith.constant 0 : i32
      %dma_start3A_262 = tpu.memref_slice %arg5[%add3A_258, %dma_start3A_261] : memref<327680x128xf32, #tpu.memory_space<hbm>> -> memref<80x128xf32, #tpu.memory_space<hbm>>
      tpu.enqueue_dma source(%dma_start3A_262 : memref<80x128xf32, #tpu.memory_space<hbm>>) target(%arg13 : memref<80x128xf32, #tpu.memory_space<vmem>>) target_semaphore(%arg19 : memref<!tpu.dma_semaphore, #tpu.memory_space<semaphore_mem>>)
      %add3A_263 = arith.constant 1 : i32
      %add3A_264 = arith.addi %mul3A_219, %add3A_263 : i32
      %dma_wait3A_265 = arith.constant 0 : i32
      %dma_wait3A_266 = arith.constant 0 : i32
      %dma_wait3A_267 = tpu.memref_slice %arg2[%dma_wait3A_265, %dma_wait3A_266] : memref<10000x128xf32, #tpu.memory_space<hbm>> -> memref<10000x128xf32, #tpu.memory_space<hbm>>
      tpu.wait_indirect_dma semaphore(%arg22 : memref<!tpu.dma_semaphore, #tpu.memory_space<semaphore_mem>>) src(%dma_wait3A_267 : memref<10000x128xf32, #tpu.memory_space<hbm>>) dst(%arg12 : memref<80x128xf32, #tpu.memory_space<vmem>>)
      %dma_wait3A_268 = arith.constant 0 : i32
      %dma_wait3A_269 = arith.constant 0 : i32
      %dma_wait3A_270 = tpu.memref_slice %arg5[%dma_wait3A_268, %dma_wait3A_269] : memref<327680x128xf32, #tpu.memory_space<hbm>> -> memref<80x128xf32, #tpu.memory_space<hbm>>
      %dma_wait3A_271 = arith.constant 0 : i32
      %dma_wait3A_272 = arith.constant 0 : i32
      %dma_wait3A_273 = tpu.memref_slice %arg5[%dma_wait3A_271, %dma_wait3A_272] : memref<327680x128xf32, #tpu.memory_space<hbm>> -> memref<80x128xf32, #tpu.memory_space<hbm>>
      tpu.wait_dma2 semaphore(%arg20 : memref<!tpu.dma_semaphore, #tpu.memory_space<semaphore_mem>>) src(%dma_wait3A_273 : memref<80x128xf32, #tpu.memory_space<hbm>>) dst(%arg14 : memref<80x128xf32, #tpu.memory_space<vmem>>)
      %dma_wait3A_274 = arith.constant 0 : i32
      %dma_wait3A_275 = tpu.memref_slice %arg3[%dma_wait3A_274] : memref<327680xi32, #tpu.memory_space<hbm>> -> memref<80xi32, #tpu.memory_space<hbm>>
      %dma_wait3A_276 = arith.constant 0 : i32
      %dma_wait3A_277 = tpu.memref_slice %arg3[%dma_wait3A_276] : memref<327680xi32, #tpu.memory_space<hbm>> -> memref<80xi32, #tpu.memory_space<hbm>>
      tpu.wait_dma2 semaphore(%arg17 : memref<!tpu.dma_semaphore, #tpu.memory_space<semaphore_mem>>) src(%dma_wait3A_277 : memref<80xi32, #tpu.memory_space<hbm>>) dst(%arg7 : memref<80xi32, #tpu.memory_space<vmem>>)
      %dma_wait3A_278 = arith.constant 0 : i32
      %dma_wait3A_279 = tpu.memref_slice %arg4[%dma_wait3A_278] : memref<327680xi32, #tpu.memory_space<hbm>> -> memref<80xi32, #tpu.memory_space<hbm>>
      %dma_wait3A_280 = arith.constant 0 : i32
      %dma_wait3A_281 = tpu.memref_slice %arg4[%dma_wait3A_280] : memref<327680xi32, #tpu.memory_space<hbm>> -> memref<80xi32, #tpu.memory_space<hbm>>
      tpu.wait_dma2 semaphore(%arg17 : memref<!tpu.dma_semaphore, #tpu.memory_space<semaphore_mem>>) src(%dma_wait3A_281 : memref<80xi32, #tpu.memory_space<hbm>>) dst(%arg9 : memref<80xi32, #tpu.memory_space<vmem>>)
      %dma_start3A_282 = arith.constant 0 : i32
      %dma_start3A_283 = arith.constant 0 : i32
      %dma_start3A_284 = tpu.memref_slice %arg2[%dma_start3A_282, %dma_start3A_283] : memref<10000x128xf32, #tpu.memory_space<hbm>> -> memref<10000x128xf32, #tpu.memory_space<hbm>>
      tpu.enqueue_indirect_dma source(%dma_start3A_284 : memref<10000x128xf32, #tpu.memory_space<hbm>>) target(%arg11 : memref<80x128xf32, #tpu.memory_space<vmem>>) offsets(%arg7 : memref<80xi32, #tpu.memory_space<vmem>>) semaphore(%arg21 : memref<!tpu.dma_semaphore, #tpu.memory_space<semaphore_mem>>)
      %scan3A_285 = arith.constant 0 : i32
      %scan3A_286 = arith.constant 0 : i32
      %scan3A_287 = arith.constant 80 : i32
      %scan3A_288 = arith.addi %scan3A_286, %scan3A_287 : i32
      %scan3A_289 = arith.constant 1 : i32
      scf.for %scan3A_309 = %scan3A_286 to %scan3A_288 step %scan3A_289  : i32 {
        %get3A = arith.index_cast %scan3A_309 : i32 to index
        %get3A_310 = arith.constant 0 : index
        %get3A_311 = tpu.vector_load %arg12[%get3A, %get3A_310] {strides = array<i32>} : memref<80x128xf32, #tpu.memory_space<vmem>>, vector<1x16xf32>,
        %get3A_312 = vector.shape_cast %get3A_311 : vector<1x16xf32> to vector<16xf32>
        %get3A_313 = arith.index_cast %scan3A_309 : i32 to index
        %get3A_314 = arith.constant 0 : index
        %get3A_315 = tpu.vector_load %arg14[%get3A_313, %get3A_314] {strides = array<i32>} : memref<80x128xf32, #tpu.memory_space<vmem>>, vector<1x16xf32>,
        %get3A_316 = vector.shape_cast %get3A_315 : vector<1x16xf32> to vector<16xf32>
        %add3A_317 = arith.addf %get3A_312, %get3A_316 : vector<16xf32>
        %max3A = arith.constant 0.000000e+00 : f32
        %max3A_318 = vector.broadcast %max3A : f32 to vector<16xf32>
        %max3A_319 = arith.maximumf %add3A_317, %max3A_318 : vector<16xf32>
        %swap3A = arith.index_cast %scan3A_309 : i32 to index
        %swap3A_320 = arith.constant 0 : index
        %swap3A_321 = tpu.vector_load %arg12[%swap3A, %swap3A_320] {strides = array<i32>} : memref<80x128xf32, #tpu.memory_space<vmem>>, vector<1x16xf32>,
        %swap3A_322 = vector.shape_cast %swap3A_321 : vector<1x16xf32> to vector<16xf32>
        %swap3A_323 = vector.shape_cast %max3A_319 : vector<16xf32> to vector<1x16xf32>
        tpu.vector_store %arg12[%swap3A, %swap3A_320], %swap3A_323 {strides = array<i32>} : memref<80x128xf32, #tpu.memory_space<vmem>>, vector<1x16xf32>,
        %get3A_324 = arith.index_cast %scan3A_309 : i32 to index
        %get3A_325 = arith.constant 16 : index
        %get3A_326 = tpu.vector_load %arg12[%get3A_324, %get3A_325] {strides = array<i32>} : memref<80x128xf32, #tpu.memory_space<vmem>>, vector<1x16xf32>,
        %get3A_327 = vector.shape_cast %get3A_326 : vector<1x16xf32> to vector<16xf32>
        %get3A_328 = arith.index_cast %scan3A_309 : i32 to index
        %get3A_329 = arith.constant 16 : index
        %get3A_330 = tpu.vector_load %arg14[%get3A_328, %get3A_329] {strides = array<i32>} : memref<80x128xf32, #tpu.memory_space<vmem>>, vector<1x16xf32>,
        %get3A_331 = vector.shape_cast %get3A_330 : vector<1x16xf32> to vector<16xf32>
        %add3A_332 = arith.addf %get3A_327, %get3A_331 : vector<16xf32>
        %max3A_333 = arith.constant 0.000000e+00 : f32
        %max3A_334 = vector.broadcast %max3A_333 : f32 to vector<16xf32>
        %max3A_335 = arith.maximumf %add3A_332, %max3A_334 : vector<16xf32>
        %swap3A_336 = arith.index_cast %scan3A_309 : i32 to index
        %swap3A_337 = arith.constant 16 : index
        %swap3A_338 = tpu.vector_load %arg12[%swap3A_336, %swap3A_337] {strides = array<i32>} : memref<80x128xf32, #tpu.memory_space<vmem>>, vector<1x16xf32>,
        %swap3A_339 = vector.shape_cast %swap3A_338 : vector<1x16xf32> to vector<16xf32>
        %swap3A_340 = vector.shape_cast %max3A_335 : vector<16xf32> to vector<1x16xf32>
        tpu.vector_store %arg12[%swap3A_336, %swap3A_337], %swap3A_340 {strides = array<i32>} : memref<80x128xf32, #tpu.memory_space<vmem>>, vector<1x16xf32>,
        %get3A_341 = arith.index_cast %scan3A_309 : i32 to index
        %get3A_342 = arith.constant 32 : index
        %get3A_343 = tpu.vector_load %arg12[%get3A_341, %get3A_342] {strides = array<i32>} : memref<80x128xf32, #tpu.memory_space<vmem>>, vector<1x16xf32>,
        %get3A_344 = vector.shape_cast %get3A_343 : vector<1x16xf32> to vector<16xf32>
        %get3A_345 = arith.index_cast %scan3A_309 : i32 to index
        %get3A_346 = arith.constant 32 : index
        %get3A_347 = tpu.vector_load %arg14[%get3A_345, %get3A_346] {strides = array<i32>} : memref<80x128xf32, #tpu.memory_space<vmem>>, vector<1x16xf32>,
        %get3A_348 = vector.shape_cast %get3A_347 : vector<1x16xf32> to vector<16xf32>
        %add3A_349 = arith.addf %get3A_344, %get3A_348 : vector<16xf32>
        %max3A_350 = arith.constant 0.000000e+00 : f32
        %max3A_351 = vector.broadcast %max3A_350 : f32 to vector<16xf32>
        %max3A_352 = arith.maximumf %add3A_349, %max3A_351 : vector<16xf32>
        %swap3A_353 = arith.index_cast %scan3A_309 : i32 to index
        %swap3A_354 = arith.constant 32 : index
        %swap3A_355 = tpu.vector_load %arg12[%swap3A_353, %swap3A_354] {strides = array<i32>} : memref<80x128xf32, #tpu.memory_space<vmem>>, vector<1x16xf32>,
        %swap3A_356 = vector.shape_cast %swap3A_355 : vector<1x16xf32> to vector<16xf32>
        %swap3A_357 = vector.shape_cast %max3A_352 : vector<16xf32> to vector<1x16xf32>
        tpu.vector_store %arg12[%swap3A_353, %swap3A_354], %swap3A_357 {strides = array<i32>} : memref<80x128xf32, #tpu.memory_space<vmem>>, vector<1x16xf32>,
        %get3A_358 = arith.index_cast %scan3A_309 : i32 to index
        %get3A_359 = arith.constant 48 : index
        %get3A_360 = tpu.vector_load %arg12[%get3A_358, %get3A_359] {strides = array<i32>} : memref<80x128xf32, #tpu.memory_space<vmem>>, vector<1x16xf32>,
        %get3A_361 = vector.shape_cast %get3A_360 : vector<1x16xf32> to vector<16xf32>
        %get3A_362 = arith.index_cast %scan3A_309 : i32 to index
        %get3A_363 = arith.constant 48 : index
        %get3A_364 = tpu.vector_load %arg14[%get3A_362, %get3A_363] {strides = array<i32>} : memref<80x128xf32, #tpu.memory_space<vmem>>, vector<1x16xf32>,
        %get3A_365 = vector.shape_cast %get3A_364 : vector<1x16xf32> to vector<16xf32>
        %add3A_366 = arith.addf %get3A_361, %get3A_365 : vector<16xf32>
        %max3A_367 = arith.constant 0.000000e+00 : f32
        %max3A_368 = vector.broadcast %max3A_367 : f32 to vector<16xf32>
        %max3A_369 = arith.maximumf %add3A_366, %max3A_368 : vector<16xf32>
        %swap3A_370 = arith.index_cast %scan3A_309 : i32 to index
        %swap3A_371 = arith.constant 48 : index
        %swap3A_372 = tpu.vector_load %arg12[%swap3A_370, %swap3A_371] {strides = array<i32>} : memref<80x128xf32, #tpu.memory_space<vmem>>, vector<1x16xf32>,
        %swap3A_373 = vector.shape_cast %swap3A_372 : vector<1x16xf32> to vector<16xf32>
        %swap3A_374 = vector.shape_cast %max3A_369 : vector<16xf32> to vector<1x16xf32>
        tpu.vector_store %arg12[%swap3A_370, %swap3A_371], %swap3A_374 {strides = array<i32>} : memref<80x128xf32, #tpu.memory_space<vmem>>, vector<1x16xf32>,
        %get3A_375 = arith.index_cast %scan3A_309 : i32 to index
        %get3A_376 = arith.constant 64 : index
        %get3A_377 = tpu.vector_load %arg12[%get3A_375, %get3A_376] {strides = array<i32>} : memref<80x128xf32, #tpu.memory_space<vmem>>, vector<1x16xf32>,
        %get3A_378 = vector.shape_cast %get3A_377 : vector<1x16xf32> to vector<16xf32>
        %get3A_379 = arith.index_cast %scan3A_309 : i32 to index
        %get3A_380 = arith.constant 64 : index
        %get3A_381 = tpu.vector_load %arg14[%get3A_379, %get3A_380] {strides = array<i32>} : memref<80x128xf32, #tpu.memory_space<vmem>>, vector<1x16xf32>,
        %get3A_382 = vector.shape_cast %get3A_381 : vector<1x16xf32> to vector<16xf32>
        %add3A_383 = arith.addf %get3A_378, %get3A_382 : vector<16xf32>
        %max3A_384 = arith.constant 0.000000e+00 : f32
        %max3A_385 = vector.broadcast %max3A_384 : f32 to vector<16xf32>
        %max3A_386 = arith.maximumf %add3A_383, %max3A_385 : vector<16xf32>
        %swap3A_387 = arith.index_cast %scan3A_309 : i32 to index
        %swap3A_388 = arith.constant 64 : index
        %swap3A_389 = tpu.vector_load %arg12[%swap3A_387, %swap3A_388] {strides = array<i32>} : memref<80x128xf32, #tpu.memory_space<vmem>>, vector<1x16xf32>,
        %swap3A_390 = vector.shape_cast %swap3A_389 : vector<1x16xf32> to vector<16xf32>
        %swap3A_391 = vector.shape_cast %max3A_386 : vector<16xf32> to vector<1x16xf32>
        tpu.vector_store %arg12[%swap3A_387, %swap3A_388], %swap3A_391 {strides = array<i32>} : memref<80x128xf32, #tpu.memory_space<vmem>>, vector<1x16xf32>,
        %get3A_392 = arith.index_cast %scan3A_309 : i32 to index
        %get3A_393 = arith.constant 80 : index
        %get3A_394 = tpu.vector_load %arg12[%get3A_392, %get3A_393] {strides = array<i32>} : memref<80x128xf32, #tpu.memory_space<vmem>>, vector<1x16xf32>,
        %get3A_395 = vector.shape_cast %get3A_394 : vector<1x16xf32> to vector<16xf32>
        %get3A_396 = arith.index_cast %scan3A_309 : i32 to index
        %get3A_397 = arith.constant 80 : index
        %get3A_398 = tpu.vector_load %arg14[%get3A_396, %get3A_397] {strides = array<i32>} : memref<80x128xf32, #tpu.memory_space<vmem>>, vector<1x16xf32>,
        %get3A_399 = vector.shape_cast %get3A_398 : vector<1x16xf32> to vector<16xf32>
        %add3A_400 = arith.addf %get3A_395, %get3A_399 : vector<16xf32>
        %max3A_401 = arith.constant 0.000000e+00 : f32
        %max3A_402 = vector.broadcast %max3A_401 : f32 to vector<16xf32>
        %max3A_403 = arith.maximumf %add3A_400, %max3A_402 : vector<16xf32>
        %swap3A_404 = arith.index_cast %scan3A_309 : i32 to index
        %swap3A_405 = arith.constant 80 : index
        %swap3A_406 = tpu.vector_load %arg12[%swap3A_404, %swap3A_405] {strides = array<i32>} : memref<80x128xf32, #tpu.memory_space<vmem>>, vector<1x16xf32>,
        %swap3A_407 = vector.shape_cast %swap3A_406 : vector<1x16xf32> to vector<16xf32>
        %swap3A_408 = vector.shape_cast %max3A_403 : vector<16xf32> to vector<1x16xf32>
        tpu.vector_store %arg12[%swap3A_404, %swap3A_405], %swap3A_408 {strides = array<i32>} : memref<80x128xf32, #tpu.memory_space<vmem>>, vector<1x16xf32>,
        %get3A_409 = arith.index_cast %scan3A_309 : i32 to index
        %get3A_410 = arith.constant 96 : index
        %get3A_411 = tpu.vector_load %arg12[%get3A_409, %get3A_410] {strides = array<i32>} : memref<80x128xf32, #tpu.memory_space<vmem>>, vector<1x16xf32>,
        %get3A_412 = vector.shape_cast %get3A_411 : vector<1x16xf32> to vector<16xf32>
        %get3A_413 = arith.index_cast %scan3A_309 : i32 to index
        %get3A_414 = arith.constant 96 : index
        %get3A_415 = tpu.vector_load %arg14[%get3A_413, %get3A_414] {strides = array<i32>} : memref<80x128xf32, #tpu.memory_space<vmem>>, vector<1x16xf32>,
        %get3A_416 = vector.shape_cast %get3A_415 : vector<1x16xf32> to vector<16xf32>
        %add3A_417 = arith.addf %get3A_412, %get3A_416 : vector<16xf32>
        %max3A_418 = arith.constant 0.000000e+00 : f32
        %max3A_419 = vector.broadcast %max3A_418 : f32 to vector<16xf32>
        %max3A_420 = arith.maximumf %add3A_417, %max3A_419 : vector<16xf32>
        %swap3A_421 = arith.index_cast %scan3A_309 : i32 to index
        %swap3A_422 = arith.constant 96 : index
        %swap3A_423 = tpu.vector_load %arg12[%swap3A_421, %swap3A_422] {strides = array<i32>} : memref<80x128xf32, #tpu.memory_space<vmem>>, vector<1x16xf32>,
        %swap3A_424 = vector.shape_cast %swap3A_423 : vector<1x16xf32> to vector<16xf32>
        %swap3A_425 = vector.shape_cast %max3A_420 : vector<16xf32> to vector<1x16xf32>
        tpu.vector_store %arg12[%swap3A_421, %swap3A_422], %swap3A_425 {strides = array<i32>} : memref<80x128xf32, #tpu.memory_space<vmem>>, vector<1x16xf32>,
        %get3A_426 = arith.index_cast %scan3A_309 : i32 to index
        %get3A_427 = arith.constant 112 : index
        %get3A_428 = tpu.vector_load %arg12[%get3A_426, %get3A_427] {strides = array<i32>} : memref<80x128xf32, #tpu.memory_space<vmem>>, vector<1x16xf32>,
        %get3A_429 = vector.shape_cast %get3A_428 : vector<1x16xf32> to vector<16xf32>
        %get3A_430 = arith.index_cast %scan3A_309 : i32 to index
        %get3A_431 = arith.constant 112 : index
        %get3A_432 = tpu.vector_load %arg14[%get3A_430, %get3A_431] {strides = array<i32>} : memref<80x128xf32, #tpu.memory_space<vmem>>, vector<1x16xf32>,
        %get3A_433 = vector.shape_cast %get3A_432 : vector<1x16xf32> to vector<16xf32>
        %add3A_434 = arith.addf %get3A_429, %get3A_433 : vector<16xf32>
        %max3A_435 = arith.constant 0.000000e+00 : f32
        %max3A_436 = vector.broadcast %max3A_435 : f32 to vector<16xf32>
        %max3A_437 = arith.maximumf %add3A_434, %max3A_436 : vector<16xf32>
        %swap3A_438 = arith.index_cast %scan3A_309 : i32 to index
        %swap3A_439 = arith.constant 112 : index
        %swap3A_440 = tpu.vector_load %arg12[%swap3A_438, %swap3A_439] {strides = array<i32>} : memref<80x128xf32, #tpu.memory_space<vmem>>, vector<1x16xf32>,
        %swap3A_441 = vector.shape_cast %swap3A_440 : vector<1x16xf32> to vector<16xf32>
        %swap3A_442 = vector.shape_cast %max3A_437 : vector<16xf32> to vector<1x16xf32>
        tpu.vector_store %arg12[%swap3A_438, %swap3A_439], %swap3A_442 {strides = array<i32>} : memref<80x128xf32, #tpu.memory_space<vmem>>, vector<1x16xf32>,
      }
      %scan3A_290 = arith.constant 80 : i32
      "tpu.region"() ({
        %run_scoped3A = tpu.sem_alloc : memref<!tpu.dma_semaphore, #tpu.memory_space<semaphore_mem>>
        %dma_start3A_309 = arith.constant 0 : i32
        %dma_start3A_310 = arith.constant 0 : i32
        %dma_start3A_311 = tpu.memref_slice %arg16[%dma_start3A_309, %dma_start3A_310] : memref<10240x128xf32, #tpu.memory_space<vmem_shared>> -> memref<10240x128xf32, #tpu.memory_space<vmem_shared>>
        tpu.enqueue_indirect_dma source(%arg12 : memref<80x128xf32, #tpu.memory_space<vmem>>) target(%dma_start3A_311 : memref<10240x128xf32, #tpu.memory_space<vmem_shared>>) offsets(%arg10 : memref<80xi32, #tpu.memory_space<vmem>>) semaphore(%run_scoped3A : memref<!tpu.dma_semaphore, #tpu.memory_space<semaphore_mem>>) {add = true}
        %dma_wait3A_312 = arith.constant 0 : i32
        %dma_wait3A_313 = arith.constant 0 : i32
        %dma_wait3A_314 = tpu.memref_slice %arg16[%dma_wait3A_312, %dma_wait3A_313] : memref<10240x128xf32, #tpu.memory_space<vmem_shared>> -> memref<10240x128xf32, #tpu.memory_space<vmem_shared>>
        tpu.wait_indirect_dma semaphore(%run_scoped3A : memref<!tpu.dma_semaphore, #tpu.memory_space<semaphore_mem>>) src(%arg12 : memref<80x128xf32, #tpu.memory_space<vmem>>) dst(%dma_wait3A_314 : memref<10240x128xf32, #tpu.memory_space<vmem_shared>>)
        tpu.yield
      }) : () -> ()
      %add3A_291 = arith.constant 2 : i32
      %add3A_292 = arith.addi %add3A_264, %add3A_291 : i32
      %min3A_293 = arith.constant 127 : i32
      %min3A_294 = arith.minsi %add3A_292, %min3A_293 : i32
      %mul3A_295 = arith.constant 80 : i32
      %mul3A_296 = arith.muli %min3A_294, %mul3A_295 : i32
      %add3A_297 = arith.addi %mul3A_41, %mul3A_296 : i32
      %dma_start3A_298 = tpu.memref_slice %arg3[%add3A_297] : memref<327680xi32, #tpu.memory_space<hbm>> -> memref<80xi32, #tpu.memory_space<hbm>>
      %dma_start3A_299 = tpu.memref_slice %arg3[%add3A_297] : memref<327680xi32, #tpu.memory_space<hbm>> -> memref<80xi32, #tpu.memory_space<hbm>>
      tpu.enqueue_dma source(%dma_start3A_299 : memref<80xi32, #tpu.memory_space<hbm>>) target(%arg8 : memref<80xi32, #tpu.memory_space<vmem>>) target_semaphore(%arg18 : memref<!tpu.dma_semaphore, #tpu.memory_space<semaphore_mem>>)
      %dma_start3A_300 = tpu.memref_slice %arg4[%add3A_297] : memref<327680xi32, #tpu.memory_space<hbm>> -> memref<80xi32, #tpu.memory_space<hbm>>
      %dma_start3A_301 = tpu.memref_slice %arg4[%add3A_297] : memref<327680xi32, #tpu.memory_space<hbm>> -> memref<80xi32, #tpu.memory_space<hbm>>
      tpu.enqueue_dma source(%dma_start3A_301 : memref<80xi32, #tpu.memory_space<hbm>>) target(%arg10 : memref<80xi32, #tpu.memory_space<vmem>>) target_semaphore(%arg18 : memref<!tpu.dma_semaphore, #tpu.memory_space<semaphore_mem>>)
      %mul3A_302 = arith.constant 80 : i32
      %mul3A_303 = arith.muli %min3A_294, %mul3A_302 : i32
      %add3A_304 = arith.addi %mul3A_41, %mul3A_303 : i32
      %dma_start3A_305 = arith.constant 0 : i32
      %dma_start3A_306 = tpu.memref_slice %arg5[%add3A_304, %dma_start3A_305] : memref<327680x128xf32, #tpu.memory_space<hbm>> -> memref<80x128xf32, #tpu.memory_space<hbm>>
      %dma_start3A_307 = arith.constant 0 : i32
      %dma_start3A_308 = tpu.memref_slice %arg5[%add3A_304, %dma_start3A_307] : memref<327680x128xf32, #tpu.memory_space<hbm>> -> memref<80x128xf32, #tpu.memory_space<hbm>>
      tpu.enqueue_dma source(%dma_start3A_308 : memref<80x128xf32, #tpu.memory_space<hbm>>) target(%arg14 : memref<80x128xf32, #tpu.memory_space<vmem>>) target_semaphore(%arg20 : memref<!tpu.dma_semaphore, #tpu.memory_space<semaphore_mem>>)
    }
    %scan3A_80 = arith.constant 64 : i32
    %dma_wait3A_81 = arith.constant 0 : i32
    %dma_wait3A_82 = arith.constant 0 : i32
    %dma_wait3A_83 = tpu.memref_slice %arg2[%dma_wait3A_81, %dma_wait3A_82] : memref<10000x128xf32, #tpu.memory_space<hbm>> -> memref<10000x128xf32, #tpu.memory_space<hbm>>
    tpu.wait_indirect_dma semaphore(%arg21 : memref<!tpu.dma_semaphore, #tpu.memory_space<semaphore_mem>>) src(%dma_wait3A_83 : memref<10000x128xf32, #tpu.memory_space<hbm>>) dst(%arg11 : memref<80x128xf32, #tpu.memory_space<vmem>>)
    %dma_wait3A_84 = arith.constant 0 : i32
    %dma_wait3A_85 = tpu.memref_slice %arg3[%dma_wait3A_84] : memref<327680xi32, #tpu.memory_space<hbm>> -> memref<80xi32, #tpu.memory_space<hbm>>
    %dma_wait3A_86 = arith.constant 0 : i32
    %dma_wait3A_87 = tpu.memref_slice %arg3[%dma_wait3A_86] : memref<327680xi32, #tpu.memory_space<hbm>> -> memref<80xi32, #tpu.memory_space<hbm>>
    tpu.wait_dma2 semaphore(%arg18 : memref<!tpu.dma_semaphore, #tpu.memory_space<semaphore_mem>>) src(%dma_wait3A_87 : memref<80xi32, #tpu.memory_space<hbm>>) dst(%arg8 : memref<80xi32, #tpu.memory_space<vmem>>)
    %dma_wait3A_88 = arith.constant 0 : i32
    %dma_wait3A_89 = tpu.memref_slice %arg4[%dma_wait3A_88] : memref<327680xi32, #tpu.memory_space<hbm>> -> memref<80xi32, #tpu.memory_space<hbm>>
    %dma_wait3A_90 = arith.constant 0 : i32
    %dma_wait3A_91 = tpu.memref_slice %arg4[%dma_wait3A_90] : memref<327680xi32, #tpu.memory_space<hbm>> -> memref<80xi32, #tpu.memory_space<hbm>>
    tpu.wait_dma2 semaphore(%arg18 : memref<!tpu.dma_semaphore, #tpu.memory_space<semaphore_mem>>) src(%dma_wait3A_91 : memref<80xi32, #tpu.memory_space<hbm>>) dst(%arg10 : memref<80xi32, #tpu.memory_space<vmem>>)
    %dma_wait3A_92 = arith.constant 0 : i32
    %dma_wait3A_93 = arith.constant 0 : i32
    %dma_wait3A_94 = tpu.memref_slice %arg5[%dma_wait3A_92, %dma_wait3A_93] : memref<327680x128xf32, #tpu.memory_space<hbm>> -> memref<80x128xf32, #tpu.memory_space<hbm>>
    %dma_wait3A_95 = arith.constant 0 : i32
    %dma_wait3A_96 = arith.constant 0 : i32
    %dma_wait3A_97 = tpu.memref_slice %arg5[%dma_wait3A_95, %dma_wait3A_96] : memref<327680x128xf32, #tpu.memory_space<hbm>> -> memref<80x128xf32, #tpu.memory_space<hbm>>
    tpu.wait_dma2 semaphore(%arg19 : memref<!tpu.dma_semaphore, #tpu.memory_space<semaphore_mem>>) src(%dma_wait3A_97 : memref<80x128xf32, #tpu.memory_space<hbm>>) dst(%arg13 : memref<80x128xf32, #tpu.memory_space<vmem>>)
    %dma_wait3A_98 = arith.constant 0 : i32
    %dma_wait3A_99 = arith.constant 0 : i32
    %dma_wait3A_100 = tpu.memref_slice %arg5[%dma_wait3A_98, %dma_wait3A_99] : memref<327680x128xf32, #tpu.memory_space<hbm>> -> memref<80x128xf32, #tpu.memory_space<hbm>>
    %dma_wait3A_101 = arith.constant 0 : i32
    %dma_wait3A_102 = arith.constant 0 : i32
    %dma_wait3A_103 = tpu.memref_slice %arg5[%dma_wait3A_101, %dma_wait3A_102] : memref<327680x128xf32, #tpu.memory_space<hbm>> -> memref<80x128xf32, #tpu.memory_space<hbm>>
    tpu.wait_dma2 semaphore(%arg20 : memref<!tpu.dma_semaphore, #tpu.memory_space<semaphore_mem>>) src(%dma_wait3A_103 : memref<80x128xf32, #tpu.memory_space<hbm>>) dst(%arg14 : memref<80x128xf32, #tpu.memory_space<vmem>>)
    %barrier3A_104 = arith.constant 0 : index
    tpu.barrier barrier_id(%barrier3A_104)
    %add3A_105 = arith.constant 0 : i32
    %add3A_106 = arith.addi %mul3A_0, %add3A_105 : i32
    "tpu.region"() ({
      %run_scoped3A = tpu.sem_alloc : memref<!tpu.dma_semaphore, #tpu.memory_space<semaphore_mem>>
      %dma_start3A_217 = arith.constant 0 : i32
      %dma_start3A_218 = tpu.memref_slice %arg16[%add3A_106, %dma_start3A_217] : memref<10240x128xf32, #tpu.memory_space<vmem_shared>> -> memref<40x128xf32, #tpu.memory_space<vmem_shared>>
      %dma_start3A_219 = arith.constant 0 : i32
      %dma_start3A_220 = tpu.memref_slice %arg16[%add3A_106, %dma_start3A_219] : memref<10240x128xf32, #tpu.memory_space<vmem_shared>> -> memref<40x128xf32, #tpu.memory_space<vmem_shared>>
      tpu.enqueue_dma source(%dma_start3A_220 : memref<40x128xf32, #tpu.memory_space<vmem_shared>>) target(%arg15 : memref<40x128xf32, #tpu.memory_space<vmem>>) target_semaphore(%run_scoped3A : memref<!tpu.dma_semaphore, #tpu.memory_space<semaphore_mem>>)
      %dma_wait3A_221 = arith.constant 0 : i32
      %dma_wait3A_222 = tpu.memref_slice %arg16[%add3A_106, %dma_wait3A_221] : memref<10240x128xf32, #tpu.memory_space<vmem_shared>> -> memref<40x128xf32, #tpu.memory_space<vmem_shared>>
      %dma_wait3A_223 = arith.constant 0 : i32
      %dma_wait3A_224 = tpu.memref_slice %arg16[%add3A_106, %dma_wait3A_223] : memref<10240x128xf32, #tpu.memory_space<vmem_shared>> -> memref<40x128xf32, #tpu.memory_space<vmem_shared>>
      tpu.wait_dma2 semaphore(%run_scoped3A : memref<!tpu.dma_semaphore, #tpu.memory_space<semaphore_mem>>) src(%dma_wait3A_224 : memref<40x128xf32, #tpu.memory_space<vmem_shared>>) dst(%arg15 : memref<40x128xf32, #tpu.memory_space<vmem>>)
      tpu.yield
    }) : () -> ()
    %mul3A_107 = arith.constant 10240 : i32
    %mul3A_108 = arith.muli %arg0, %mul3A_107 : i32
    %add3A_109 = arith.addi %mul3A_108, %mul3A_0 : i32
    %add3A_110 = arith.constant 0 : i32
    %add3A_111 = arith.addi %add3A_109, %add3A_110 : i32
    "tpu.region"() ({
      %run_scoped3A = tpu.sem_alloc : memref<!tpu.dma_semaphore, #tpu.memory_space<semaphore_mem>>
      %dma_start3A_217 = arith.constant 0 : i32
      %dma_start3A_218 = tpu.memref_slice %arg6[%add3A_111, %dma_start3A_217] : memref<20480x128xf32, #tpu.memory_space<hbm>> -> memref<40x128xf32, #tpu.memory_space<hbm>>
      %dma_start3A_219 = arith.constant 0 : i32
      %dma_start3A_220 = tpu.memref_slice %arg6[%add3A_111, %dma_start3A_219] : memref<20480x128xf32, #tpu.memory_space<hbm>> -> memref<40x128xf32, #tpu.memory_space<hbm>>
      tpu.enqueue_dma source(%arg15 : memref<40x128xf32, #tpu.memory_space<vmem>>) target(%dma_start3A_220 : memref<40x128xf32, #tpu.memory_space<hbm>>) target_semaphore(%run_scoped3A : memref<!tpu.dma_semaphore, #tpu.memory_space<semaphore_mem>>)
      %dma_wait3A_221 = arith.constant 0 : i32
      %dma_wait3A_222 = tpu.memref_slice %arg6[%add3A_111, %dma_wait3A_221] : memref<20480x128xf32, #tpu.memory_space<hbm>> -> memref<40x128xf32, #tpu.memory_space<hbm>>
      %dma_wait3A_223 = arith.constant 0 : i32
      %dma_wait3A_224 = tpu.memref_slice %arg6[%add3A_111, %dma_wait3A_223] : memref<20480x128xf32, #tpu.memory_space<hbm>> -> memref<40x128xf32, #tpu.memory_space<hbm>>
      tpu.wait_dma2 semaphore(%run_scoped3A : memref<!tpu.dma_semaphore, #tpu.memory_space<semaphore_mem>>) src(%arg15 : memref<40x128xf32, #tpu.memory_space<vmem>>) dst(%dma_wait3A_224 : memref<40x128xf32, #tpu.memory_space<hbm>>)
      tpu.yield
    }) : () -> ()
    %add3A_112 = arith.constant 40 : i32
    %add3A_113 = arith.addi %mul3A_0, %add3A_112 : i32
    "tpu.region"() ({
      %run_scoped3A = tpu.sem_alloc : memref<!tpu.dma_semaphore, #tpu.memory_space<semaphore_mem>>
      %dma_start3A_217 = arith.constant 0 : i32
      %dma_start3A_218 = tpu.memref_slice %arg16[%add3A_113, %dma_start3A_217] : memref<10240x128xf32, #tpu.memory_space<vmem_shared>> -> memref<40x128xf32, #tpu.memory_space<vmem_shared>>
      %dma_start3A_219 = arith.constant 0 : i32
      %dma_start3A_220 = tpu.memref_slice %arg16[%add3A_113, %dma_start3A_219] : memref<10240x128xf32, #tpu.memory_space<vmem_shared>> -> memref<40x128xf32, #tpu.memory_space<vmem_shared>>
      tpu.enqueue_dma source(%dma_start3A_220 : memref<40x128xf32, #tpu.memory_space<vmem_shared>>) target(%arg15 : memref<40x128xf32, #tpu.memory_space<vmem>>) target_semaphore(%run_scoped3A : memref<!tpu.dma_semaphore, #tpu.memory_space<semaphore_mem>>)
      %dma_wait3A_221 = arith.constant 0 : i32
      %dma_wait3A_222 = tpu.memref_slice %arg16[%add3A_113, %dma_wait3A_221] : memref<10240x128xf32, #tpu.memory_space<vmem_shared>> -> memref<40x128xf32, #tpu.memory_space<vmem_shared>>
      %dma_wait3A_223 = arith.constant 0 : i32
      %dma_wait3A_224 = tpu.memref_slice %arg16[%add3A_113, %dma_wait3A_223] : memref<10240x128xf32, #tpu.memory_space<vmem_shared>> -> memref<40x128xf32, #tpu.memory_space<vmem_shared>>
      tpu.wait_dma2 semaphore(%run_scoped3A : memref<!tpu.dma_semaphore, #tpu.memory_space<semaphore_mem>>) src(%dma_wait3A_224 : memref<40x128xf32, #tpu.memory_space<vmem_shared>>) dst(%arg15 : memref<40x128xf32, #tpu.memory_space<vmem>>)
      tpu.yield
    }) : () -> ()
    %mul3A_114 = arith.constant 10240 : i32
    %mul3A_115 = arith.muli %arg0, %mul3A_114 : i32
    %add3A_116 = arith.addi %mul3A_115, %mul3A_0 : i32
    %add3A_117 = arith.constant 40 : i32
    %add3A_118 = arith.addi %add3A_116, %add3A_117 : i32
    "tpu.region"() ({
      %run_scoped3A = tpu.sem_alloc : memref<!tpu.dma_semaphore, #tpu.memory_space<semaphore_mem>>
      %dma_start3A_217 = arith.constant 0 : i32
      %dma_start3A_218 = tpu.memref_slice %arg6[%add3A_118, %dma_start3A_217] : memref<20480x128xf32, #tpu.memory_space<hbm>> -> memref<40x128xf32, #tpu.memory_space<hbm>>
      %dma_start3A_219 = arith.constant 0 : i32
      %dma_start3A_220 = tpu.memref_slice %arg6[%add3A_118, %dma_start3A_219] : memref<20480x128xf32, #tpu.memory_space<hbm>> -> memref<40x128xf32, #tpu.memory_space<hbm>>
      tpu.enqueue_dma source(%arg15 : memref<40x128xf32, #tpu.memory_space<vmem>>) target(%dma_start3A_220 : memref<40x128xf32, #tpu.memory_space<hbm>>) target_semaphore(%run_scoped3A : memref<!tpu.dma_semaphore, #tpu.memory_space<semaphore_mem>>)
      %dma_wait3A_221 = arith.constant 0 : i32
      %dma_wait3A_222 = tpu.memref_slice %arg6[%add3A_118, %dma_wait3A_221] : memref<20480x128xf32, #tpu.memory_space<hbm>> -> memref<40x128xf32, #tpu.memory_space<hbm>>
      %dma_wait3A_223 = arith.constant 0 : i32
      %dma_wait3A_224 = tpu.memref_slice %arg6[%add3A_118, %dma_wait3A_223] : memref<20480x128xf32, #tpu.memory_space<hbm>> -> memref<40x128xf32, #tpu.memory_space<hbm>>
      tpu.wait_dma2 semaphore(%run_scoped3A : memref<!tpu.dma_semaphore, #tpu.memory_space<semaphore_mem>>) src(%arg15 : memref<40x128xf32, #tpu.memory_space<vmem>>) dst(%dma_wait3A_224 : memref<40x128xf32, #tpu.memory_space<hbm>>)
      tpu.yield
    }) : () -> ()
    %add3A_119 = arith.constant 80 : i32
    %add3A_120 = arith.addi %mul3A_0, %add3A_119 : i32
    "tpu.region"() ({
      %run_scoped3A = tpu.sem_alloc : memref<!tpu.dma_semaphore, #tpu.memory_space<semaphore_mem>>
      %dma_start3A_217 = arith.constant 0 : i32
      %dma_start3A_218 = tpu.memref_slice %arg16[%add3A_120, %dma_start3A_217] : memref<10240x128xf32, #tpu.memory_space<vmem_shared>> -> memref<40x128xf32, #tpu.memory_space<vmem_shared>>
      %dma_start3A_219 = arith.constant 0 : i32
      %dma_start3A_220 = tpu.memref_slice %arg16[%add3A_120, %dma_start3A_219] : memref<10240x128xf32, #tpu.memory_space<vmem_shared>> -> memref<40x128xf32, #tpu.memory_space<vmem_shared>>
      tpu.enqueue_dma source(%dma_start3A_220 : memref<40x128xf32, #tpu.memory_space<vmem_shared>>) target(%arg15 : memref<40x128xf32, #tpu.memory_space<vmem>>) target_semaphore(%run_scoped3A : memref<!tpu.dma_semaphore, #tpu.memory_space<semaphore_mem>>)
      %dma_wait3A_221 = arith.constant 0 : i32
      %dma_wait3A_222 = tpu.memref_slice %arg16[%add3A_120, %dma_wait3A_221] : memref<10240x128xf32, #tpu.memory_space<vmem_shared>> -> memref<40x128xf32, #tpu.memory_space<vmem_shared>>
      %dma_wait3A_223 = arith.constant 0 : i32
      %dma_wait3A_224 = tpu.memref_slice %arg16[%add3A_120, %dma_wait3A_223] : memref<10240x128xf32, #tpu.memory_space<vmem_shared>> -> memref<40x128xf32, #tpu.memory_space<vmem_shared>>
      tpu.wait_dma2 semaphore(%run_scoped3A : memref<!tpu.dma_semaphore, #tpu.memory_space<semaphore_mem>>) src(%dma_wait3A_224 : memref<40x128xf32, #tpu.memory_space<vmem_shared>>) dst(%arg15 : memref<40x128xf32, #tpu.memory_space<vmem>>)
      tpu.yield
    }) : () -> ()
    %mul3A_121 = arith.constant 10240 : i32
    %mul3A_122 = arith.muli %arg0, %mul3A_121 : i32
    %add3A_123 = arith.addi %mul3A_122, %mul3A_0 : i32
    %add3A_124 = arith.constant 80 : i32
    %add3A_125 = arith.addi %add3A_123, %add3A_124 : i32
    "tpu.region"() ({
      %run_scoped3A = tpu.sem_alloc : memref<!tpu.dma_semaphore, #tpu.memory_space<semaphore_mem>>
      %dma_start3A_217 = arith.constant 0 : i32
      %dma_start3A_218 = tpu.memref_slice %arg6[%add3A_125, %dma_start3A_217] : memref<20480x128xf32, #tpu.memory_space<hbm>> -> memref<40x128xf32, #tpu.memory_space<hbm>>
      %dma_start3A_219 = arith.constant 0 : i32
      %dma_start3A_220 = tpu.memref_slice %arg6[%add3A_125, %dma_start3A_219] : memref<20480x128xf32, #tpu.memory_space<hbm>> -> memref<40x128xf32, #tpu.memory_space<hbm>>
      tpu.enqueue_dma source(%arg15 : memref<40x128xf32, #tpu.memory_space<vmem>>) target(%dma_start3A_220 : memref<40x128xf32, #tpu.memory_space<hbm>>) target_semaphore(%run_scoped3A : memref<!tpu.dma_semaphore, #tpu.memory_space<semaphore_mem>>)
      %dma_wait3A_221 = arith.constant 0 : i32
      %dma_wait3A_222 = tpu.memref_slice %arg6[%add3A_125, %dma_wait3A_221] : memref<20480x128xf32, #tpu.memory_space<hbm>> -> memref<40x128xf32, #tpu.memory_space<hbm>>
      %dma_wait3A_223 = arith.constant 0 : i32
      %dma_wait3A_224 = tpu.memref_slice %arg6[%add3A_125, %dma_wait3A_223] : memref<20480x128xf32, #tpu.memory_space<hbm>> -> memref<40x128xf32, #tpu.memory_space<hbm>>
      tpu.wait_dma2 semaphore(%run_scoped3A : memref<!tpu.dma_semaphore, #tpu.memory_space<semaphore_mem>>) src(%arg15 : memref<40x128xf32, #tpu.memory_space<vmem>>) dst(%dma_wait3A_224 : memref<40x128xf32, #tpu.memory_space<hbm>>)
      tpu.yield
    }) : () -> ()
    %add3A_126 = arith.constant 120 : i32
    %add3A_127 = arith.addi %mul3A_0, %add3A_126 : i32
    "tpu.region"() ({
      %run_scoped3A = tpu.sem_alloc : memref<!tpu.dma_semaphore, #tpu.memory_space<semaphore_mem>>
      %dma_start3A_217 = arith.constant 0 : i32
      %dma_start3A_218 = tpu.memref_slice %arg16[%add3A_127, %dma_start3A_217] : memref<10240x128xf32, #tpu.memory_space<vmem_shared>> -> memref<40x128xf32, #tpu.memory_space<vmem_shared>>
      %dma_start3A_219 = arith.constant 0 : i32
      %dma_start3A_220 = tpu.memref_slice %arg16[%add3A_127, %dma_start3A_219] : memref<10240x128xf32, #tpu.memory_space<vmem_shared>> -> memref<40x128xf32, #tpu.memory_space<vmem_shared>>
      tpu.enqueue_dma source(%dma_start3A_220 : memref<40x128xf32, #tpu.memory_space<vmem_shared>>) target(%arg15 : memref<40x128xf32, #tpu.memory_space<vmem>>) target_semaphore(%run_scoped3A : memref<!tpu.dma_semaphore, #tpu.memory_space<semaphore_mem>>)
      %dma_wait3A_221 = arith.constant 0 : i32
      %dma_wait3A_222 = tpu.memref_slice %arg16[%add3A_127, %dma_wait3A_221] : memref<10240x128xf32, #tpu.memory_space<vmem_shared>> -> memref<40x128xf32, #tpu.memory_space<vmem_shared>>
      %dma_wait3A_223 = arith.constant 0 : i32
      %dma_wait3A_224 = tpu.memref_slice %arg16[%add3A_127, %dma_wait3A_223] : memref<10240x128xf32, #tpu.memory_space<vmem_shared>> -> memref<40x128xf32, #tpu.memory_space<vmem_shared>>
      tpu.wait_dma2 semaphore(%run_scoped3A : memref<!tpu.dma_semaphore, #tpu.memory_space<semaphore_mem>>) src(%dma_wait3A_224 : memref<40x128xf32, #tpu.memory_space<vmem_shared>>) dst(%arg15 : memref<40x128xf32, #tpu.memory_space<vmem>>)
      tpu.yield
    }) : () -> ()
    %mul3A_128 = arith.constant 10240 : i32
    %mul3A_129 = arith.muli %arg0, %mul3A_128 : i32
    %add3A_130 = arith.addi %mul3A_129, %mul3A_0 : i32
    %add3A_131 = arith.constant 120 : i32
    %add3A_132 = arith.addi %add3A_130, %add3A_131 : i32
    "tpu.region"() ({
      %run_scoped3A = tpu.sem_alloc : memref<!tpu.dma_semaphore, #tpu.memory_space<semaphore_mem>>
      %dma_start3A_217 = arith.constant 0 : i32
      %dma_start3A_218 = tpu.memref_slice %arg6[%add3A_132, %dma_start3A_217] : memref<20480x128xf32, #tpu.memory_space<hbm>> -> memref<40x128xf32, #tpu.memory_space<hbm>>
      %dma_start3A_219 = arith.constant 0 : i32
      %dma_start3A_220 = tpu.memref_slice %arg6[%add3A_132, %dma_start3A_219] : memref<20480x128xf32, #tpu.memory_space<hbm>> -> memref<40x128xf32, #tpu.memory_space<hbm>>
      tpu.enqueue_dma source(%arg15 : memref<40x128xf32, #tpu.memory_space<vmem>>) target(%dma_start3A_220 : memref<40x128xf32, #tpu.memory_space<hbm>>) target_semaphore(%run_scoped3A : memref<!tpu.dma_semaphore, #tpu.memory_space<semaphore_mem>>)
      %dma_wait3A_221 = arith.constant 0 : i32
      %dma_wait3A_222 = tpu.memref_slice %arg6[%add3A_132, %dma_wait3A_221] : memref<20480x128xf32, #tpu.memory_space<hbm>> -> memref<40x128xf32, #tpu.memory_space<hbm>>
      %dma_wait3A_223 = arith.constant 0 : i32
      %dma_wait3A_224 = tpu.memref_slice %arg6[%add3A_132, %dma_wait3A_223] : memref<20480x128xf32, #tpu.memory_space<hbm>> -> memref<40x128xf32, #tpu.memory_space<hbm>>
      tpu.wait_dma2 semaphore(%run_scoped3A : memref<!tpu.dma_semaphore, #tpu.memory_space<semaphore_mem>>) src(%arg15 : memref<40x128xf32, #tpu.memory_space<vmem>>) dst(%dma_wait3A_224 : memref<40x128xf32, #tpu.memory_space<hbm>>)
      tpu.yield
    }) : () -> ()
    %add3A_133 = arith.constant 160 : i32
    %add3A_134 = arith.addi %mul3A_0, %add3A_133 : i32
    "tpu.region"() ({
      %run_scoped3A = tpu.sem_alloc : memref<!tpu.dma_semaphore, #tpu.memory_space<semaphore_mem>>
      %dma_start3A_217 = arith.constant 0 : i32
      %dma_start3A_218 = tpu.memref_slice %arg16[%add3A_134, %dma_start3A_217] : memref<10240x128xf32, #tpu.memory_space<vmem_shared>> -> memref<40x128xf32, #tpu.memory_space<vmem_shared>>
      %dma_start3A_219 = arith.constant 0 : i32
      %dma_start3A_220 = tpu.memref_slice %arg16[%add3A_134, %dma_start3A_219] : memref<10240x128xf32, #tpu.memory_space<vmem_shared>> -> memref<40x128xf32, #tpu.memory_space<vmem_shared>>
      tpu.enqueue_dma source(%dma_start3A_220 : memref<40x128xf32, #tpu.memory_space<vmem_shared>>) target(%arg15 : memref<40x128xf32, #tpu.memory_space<vmem>>) target_semaphore(%run_scoped3A : memref<!tpu.dma_semaphore, #tpu.memory_space<semaphore_mem>>)
      %dma_wait3A_221 = arith.constant 0 : i32
      %dma_wait3A_222 = tpu.memref_slice %arg16[%add3A_134, %dma_wait3A_221] : memref<10240x128xf32, #tpu.memory_space<vmem_shared>> -> memref<40x128xf32, #tpu.memory_space<vmem_shared>>
      %dma_wait3A_223 = arith.constant 0 : i32
      %dma_wait3A_224 = tpu.memref_slice %arg16[%add3A_134, %dma_wait3A_223] : memref<10240x128xf32, #tpu.memory_space<vmem_shared>> -> memref<40x128xf32, #tpu.memory_space<vmem_shared>>
      tpu.wait_dma2 semaphore(%run_scoped3A : memref<!tpu.dma_semaphore, #tpu.memory_space<semaphore_mem>>) src(%dma_wait3A_224 : memref<40x128xf32, #tpu.memory_space<vmem_shared>>) dst(%arg15 : memref<40x128xf32, #tpu.memory_space<vmem>>)
      tpu.yield
    }) : () -> ()
    %mul3A_135 = arith.constant 10240 : i32
    %mul3A_136 = arith.muli %arg0, %mul3A_135 : i32
    %add3A_137 = arith.addi %mul3A_136, %mul3A_0 : i32
    %add3A_138 = arith.constant 160 : i32
    %add3A_139 = arith.addi %add3A_137, %add3A_138 : i32
    "tpu.region"() ({
      %run_scoped3A = tpu.sem_alloc : memref<!tpu.dma_semaphore, #tpu.memory_space<semaphore_mem>>
      %dma_start3A_217 = arith.constant 0 : i32
      %dma_start3A_218 = tpu.memref_slice %arg6[%add3A_139, %dma_start3A_217] : memref<20480x128xf32, #tpu.memory_space<hbm>> -> memref<40x128xf32, #tpu.memory_space<hbm>>
      %dma_start3A_219 = arith.constant 0 : i32
      %dma_start3A_220 = tpu.memref_slice %arg6[%add3A_139, %dma_start3A_219] : memref<20480x128xf32, #tpu.memory_space<hbm>> -> memref<40x128xf32, #tpu.memory_space<hbm>>
      tpu.enqueue_dma source(%arg15 : memref<40x128xf32, #tpu.memory_space<vmem>>) target(%dma_start3A_220 : memref<40x128xf32, #tpu.memory_space<hbm>>) target_semaphore(%run_scoped3A : memref<!tpu.dma_semaphore, #tpu.memory_space<semaphore_mem>>)
      %dma_wait3A_221 = arith.constant 0 : i32
      %dma_wait3A_222 = tpu.memref_slice %arg6[%add3A_139, %dma_wait3A_221] : memref<20480x128xf32, #tpu.memory_space<hbm>> -> memref<40x128xf32, #tpu.memory_space<hbm>>
      %dma_wait3A_223 = arith.constant 0 : i32
      %dma_wait3A_224 = tpu.memref_slice %arg6[%add3A_139, %dma_wait3A_223] : memref<20480x128xf32, #tpu.memory_space<hbm>> -> memref<40x128xf32, #tpu.memory_space<hbm>>
      tpu.wait_dma2 semaphore(%run_scoped3A : memref<!tpu.dma_semaphore, #tpu.memory_space<semaphore_mem>>) src(%arg15 : memref<40x128xf32, #tpu.memory_space<vmem>>) dst(%dma_wait3A_224 : memref<40x128xf32, #tpu.memory_space<hbm>>)
      tpu.yield
    }) : () -> ()
    %add3A_140 = arith.constant 200 : i32
    %add3A_141 = arith.addi %mul3A_0, %add3A_140 : i32
    "tpu.region"() ({
      %run_scoped3A = tpu.sem_alloc : memref<!tpu.dma_semaphore, #tpu.memory_space<semaphore_mem>>
      %dma_start3A_217 = arith.constant 0 : i32
      %dma_start3A_218 = tpu.memref_slice %arg16[%add3A_141, %dma_start3A_217] : memref<10240x128xf32, #tpu.memory_space<vmem_shared>> -> memref<40x128xf32, #tpu.memory_space<vmem_shared>>
      %dma_start3A_219 = arith.constant 0 : i32
      %dma_start3A_220 = tpu.memref_slice %arg16[%add3A_141, %dma_start3A_219] : memref<10240x128xf32, #tpu.memory_space<vmem_shared>> -> memref<40x128xf32, #tpu.memory_space<vmem_shared>>
      tpu.enqueue_dma source(%dma_start3A_220 : memref<40x128xf32, #tpu.memory_space<vmem_shared>>) target(%arg15 : memref<40x128xf32, #tpu.memory_space<vmem>>) target_semaphore(%run_scoped3A : memref<!tpu.dma_semaphore, #tpu.memory_space<semaphore_mem>>)
      %dma_wait3A_221 = arith.constant 0 : i32
      %dma_wait3A_222 = tpu.memref_slice %arg16[%add3A_141, %dma_wait3A_221] : memref<10240x128xf32, #tpu.memory_space<vmem_shared>> -> memref<40x128xf32, #tpu.memory_space<vmem_shared>>
      %dma_wait3A_223 = arith.constant 0 : i32
      %dma_wait3A_224 = tpu.memref_slice %arg16[%add3A_141, %dma_wait3A_223] : memref<10240x128xf32, #tpu.memory_space<vmem_shared>> -> memref<40x128xf32, #tpu.memory_space<vmem_shared>>
      tpu.wait_dma2 semaphore(%run_scoped3A : memref<!tpu.dma_semaphore, #tpu.memory_space<semaphore_mem>>) src(%dma_wait3A_224 : memref<40x128xf32, #tpu.memory_space<vmem_shared>>) dst(%arg15 : memref<40x128xf32, #tpu.memory_space<vmem>>)
      tpu.yield
    }) : () -> ()
    %mul3A_142 = arith.constant 10240 : i32
    %mul3A_143 = arith.muli %arg0, %mul3A_142 : i32
    %add3A_144 = arith.addi %mul3A_143, %mul3A_0 : i32
    %add3A_145 = arith.constant 200 : i32
    %add3A_146 = arith.addi %add3A_144, %add3A_145 : i32
    "tpu.region"() ({
      %run_scoped3A = tpu.sem_alloc : memref<!tpu.dma_semaphore, #tpu.memory_space<semaphore_mem>>
      %dma_start3A_217 = arith.constant 0 : i32
      %dma_start3A_218 = tpu.memref_slice %arg6[%add3A_146, %dma_start3A_217] : memref<20480x128xf32, #tpu.memory_space<hbm>> -> memref<40x128xf32, #tpu.memory_space<hbm>>
      %dma_start3A_219 = arith.constant 0 : i32
      %dma_start3A_220 = tpu.memref_slice %arg6[%add3A_146, %dma_start3A_219] : memref<20480x128xf32, #tpu.memory_space<hbm>> -> memref<40x128xf32, #tpu.memory_space<hbm>>
      tpu.enqueue_dma source(%arg15 : memref<40x128xf32, #tpu.memory_space<vmem>>) target(%dma_start3A_220 : memref<40x128xf32, #tpu.memory_space<hbm>>) target_semaphore(%run_scoped3A : memref<!tpu.dma_semaphore, #tpu.memory_space<semaphore_mem>>)
      %dma_wait3A_221 = arith.constant 0 : i32
      %dma_wait3A_222 = tpu.memref_slice %arg6[%add3A_146, %dma_wait3A_221] : memref<20480x128xf32, #tpu.memory_space<hbm>> -> memref<40x128xf32, #tpu.memory_space<hbm>>
      %dma_wait3A_223 = arith.constant 0 : i32
      %dma_wait3A_224 = tpu.memref_slice %arg6[%add3A_146, %dma_wait3A_223] : memref<20480x128xf32, #tpu.memory_space<hbm>> -> memref<40x128xf32, #tpu.memory_space<hbm>>
      tpu.wait_dma2 semaphore(%run_scoped3A : memref<!tpu.dma_semaphore, #tpu.memory_space<semaphore_mem>>) src(%arg15 : memref<40x128xf32, #tpu.memory_space<vmem>>) dst(%dma_wait3A_224 : memref<40x128xf32, #tpu.memory_space<hbm>>)
      tpu.yield
    }) : () -> ()
    %add3A_147 = arith.constant 240 : i32
    %add3A_148 = arith.addi %mul3A_0, %add3A_147 : i32
    "tpu.region"() ({
      %run_scoped3A = tpu.sem_alloc : memref<!tpu.dma_semaphore, #tpu.memory_space<semaphore_mem>>
      %dma_start3A_217 = arith.constant 0 : i32
      %dma_start3A_218 = tpu.memref_slice %arg16[%add3A_148, %dma_start3A_217] : memref<10240x128xf32, #tpu.memory_space<vmem_shared>> -> memref<40x128xf32, #tpu.memory_space<vmem_shared>>
      %dma_start3A_219 = arith.constant 0 : i32
      %dma_start3A_220 = tpu.memref_slice %arg16[%add3A_148, %dma_start3A_219] : memref<10240x128xf32, #tpu.memory_space<vmem_shared>> -> memref<40x128xf32, #tpu.memory_space<vmem_shared>>
      tpu.enqueue_dma source(%dma_start3A_220 : memref<40x128xf32, #tpu.memory_space<vmem_shared>>) target(%arg15 : memref<40x128xf32, #tpu.memory_space<vmem>>) target_semaphore(%run_scoped3A : memref<!tpu.dma_semaphore, #tpu.memory_space<semaphore_mem>>)
      %dma_wait3A_221 = arith.constant 0 : i32
      %dma_wait3A_222 = tpu.memref_slice %arg16[%add3A_148, %dma_wait3A_221] : memref<10240x128xf32, #tpu.memory_space<vmem_shared>> -> memref<40x128xf32, #tpu.memory_space<vmem_shared>>
      %dma_wait3A_223 = arith.constant 0 : i32
      %dma_wait3A_224 = tpu.memref_slice %arg16[%add3A_148, %dma_wait3A_223] : memref<10240x128xf32, #tpu.memory_space<vmem_shared>> -> memref<40x128xf32, #tpu.memory_space<vmem_shared>>
      tpu.wait_dma2 semaphore(%run_scoped3A : memref<!tpu.dma_semaphore, #tpu.memory_space<semaphore_mem>>) src(%dma_wait3A_224 : memref<40x128xf32, #tpu.memory_space<vmem_shared>>) dst(%arg15 : memref<40x128xf32, #tpu.memory_space<vmem>>)
      tpu.yield
    }) : () -> ()
    %mul3A_149 = arith.constant 10240 : i32
    %mul3A_150 = arith.muli %arg0, %mul3A_149 : i32
    %add3A_151 = arith.addi %mul3A_150, %mul3A_0 : i32
    %add3A_152 = arith.constant 240 : i32
    %add3A_153 = arith.addi %add3A_151, %add3A_152 : i32
    "tpu.region"() ({
      %run_scoped3A = tpu.sem_alloc : memref<!tpu.dma_semaphore, #tpu.memory_space<semaphore_mem>>
      %dma_start3A_217 = arith.constant 0 : i32
      %dma_start3A_218 = tpu.memref_slice %arg6[%add3A_153, %dma_start3A_217] : memref<20480x128xf32, #tpu.memory_space<hbm>> -> memref<40x128xf32, #tpu.memory_space<hbm>>
      %dma_start3A_219 = arith.constant 0 : i32
      %dma_start3A_220 = tpu.memref_slice %arg6[%add3A_153, %dma_start3A_219] : memref<20480x128xf32, #tpu.memory_space<hbm>> -> memref<40x128xf32, #tpu.memory_space<hbm>>
      tpu.enqueue_dma source(%arg15 : memref<40x128xf32, #tpu.memory_space<vmem>>) target(%dma_start3A_220 : memref<40x128xf32, #tpu.memory_space<hbm>>) target_semaphore(%run_scoped3A : memref<!tpu.dma_semaphore, #tpu.memory_space<semaphore_mem>>)
      %dma_wait3A_221 = arith.constant 0 : i32
      %dma_wait3A_222 = tpu.memref_slice %arg6[%add3A_153, %dma_wait3A_221] : memref<20480x128xf32, #tpu.memory_space<hbm>> -> memref<40x128xf32, #tpu.memory_space<hbm>>
      %dma_wait3A_223 = arith.constant 0 : i32
      %dma_wait3A_224 = tpu.memref_slice %arg6[%add3A_153, %dma_wait3A_223] : memref<20480x128xf32, #tpu.memory_space<hbm>> -> memref<40x128xf32, #tpu.memory_space<hbm>>
      tpu.wait_dma2 semaphore(%run_scoped3A : memref<!tpu.dma_semaphore, #tpu.memory_space<semaphore_mem>>) src(%arg15 : memref<40x128xf32, #tpu.memory_space<vmem>>) dst(%dma_wait3A_224 : memref<40x128xf32, #tpu.memory_space<hbm>>)
      tpu.yield
    }) : () -> ()
    %add3A_154 = arith.constant 280 : i32
    %add3A_155 = arith.addi %mul3A_0, %add3A_154 : i32
    "tpu.region"() ({
      %run_scoped3A = tpu.sem_alloc : memref<!tpu.dma_semaphore, #tpu.memory_space<semaphore_mem>>
      %dma_start3A_217 = arith.constant 0 : i32
      %dma_start3A_218 = tpu.memref_slice %arg16[%add3A_155, %dma_start3A_217] : memref<10240x128xf32, #tpu.memory_space<vmem_shared>> -> memref<40x128xf32, #tpu.memory_space<vmem_shared>>
      %dma_start3A_219 = arith.constant 0 : i32
      %dma_start3A_220 = tpu.memref_slice %arg16[%add3A_155, %dma_start3A_219] : memref<10240x128xf32, #tpu.memory_space<vmem_shared>> -> memref<40x128xf32, #tpu.memory_space<vmem_shared>>
      tpu.enqueue_dma source(%dma_start3A_220 : memref<40x128xf32, #tpu.memory_space<vmem_shared>>) target(%arg15 : memref<40x128xf32, #tpu.memory_space<vmem>>) target_semaphore(%run_scoped3A : memref<!tpu.dma_semaphore, #tpu.memory_space<semaphore_mem>>)
      %dma_wait3A_221 = arith.constant 0 : i32
      %dma_wait3A_222 = tpu.memref_slice %arg16[%add3A_155, %dma_wait3A_221] : memref<10240x128xf32, #tpu.memory_space<vmem_shared>> -> memref<40x128xf32, #tpu.memory_space<vmem_shared>>
      %dma_wait3A_223 = arith.constant 0 : i32
      %dma_wait3A_224 = tpu.memref_slice %arg16[%add3A_155, %dma_wait3A_223] : memref<10240x128xf32, #tpu.memory_space<vmem_shared>> -> memref<40x128xf32, #tpu.memory_space<vmem_shared>>
      tpu.wait_dma2 semaphore(%run_scoped3A : memref<!tpu.dma_semaphore, #tpu.memory_space<semaphore_mem>>) src(%dma_wait3A_224 : memref<40x128xf32, #tpu.memory_space<vmem_shared>>) dst(%arg15 : memref<40x128xf32, #tpu.memory_space<vmem>>)
      tpu.yield
    }) : () -> ()
    %mul3A_156 = arith.constant 10240 : i32
    %mul3A_157 = arith.muli %arg0, %mul3A_156 : i32
    %add3A_158 = arith.addi %mul3A_157, %mul3A_0 : i32
    %add3A_159 = arith.constant 280 : i32
    %add3A_160 = arith.addi %add3A_158, %add3A_159 : i32
    "tpu.region"() ({
      %run_scoped3A = tpu.sem_alloc : memref<!tpu.dma_semaphore, #tpu.memory_space<semaphore_mem>>
      %dma_start3A_217 = arith.constant 0 : i32
      %dma_start3A_218 = tpu.memref_slice %arg6[%add3A_160, %dma_start3A_217] : memref<20480x128xf32, #tpu.memory_space<hbm>> -> memref<40x128xf32, #tpu.memory_space<hbm>>
      %dma_start3A_219 = arith.constant 0 : i32
      %dma_start3A_220 = tpu.memref_slice %arg6[%add3A_160, %dma_start3A_219] : memref<20480x128xf32, #tpu.memory_space<hbm>> -> memref<40x128xf32, #tpu.memory_space<hbm>>
      tpu.enqueue_dma source(%arg15 : memref<40x128xf32, #tpu.memory_space<vmem>>) target(%dma_start3A_220 : memref<40x128xf32, #tpu.memory_space<hbm>>) target_semaphore(%run_scoped3A : memref<!tpu.dma_semaphore, #tpu.memory_space<semaphore_mem>>)
      %dma_wait3A_221 = arith.constant 0 : i32
      %dma_wait3A_222 = tpu.memref_slice %arg6[%add3A_160, %dma_wait3A_221] : memref<20480x128xf32, #tpu.memory_space<hbm>> -> memref<40x128xf32, #tpu.memory_space<hbm>>
      %dma_wait3A_223 = arith.constant 0 : i32
      %dma_wait3A_224 = tpu.memref_slice %arg6[%add3A_160, %dma_wait3A_223] : memref<20480x128xf32, #tpu.memory_space<hbm>> -> memref<40x128xf32, #tpu.memory_space<hbm>>
      tpu.wait_dma2 semaphore(%run_scoped3A : memref<!tpu.dma_semaphore, #tpu.memory_space<semaphore_mem>>) src(%arg15 : memref<40x128xf32, #tpu.memory_space<vmem>>) dst(%dma_wait3A_224 : memref<40x128xf32, #tpu.memory_space<hbm>>)
      tpu.yield
    }) : () -> ()
    %add3A_161 = arith.constant 320 : i32
    %add3A_162 = arith.addi %mul3A_0, %add3A_161 : i32
    "tpu.region"() ({
      %run_scoped3A = tpu.sem_alloc : memref<!tpu.dma_semaphore, #tpu.memory_space<semaphore_mem>>
      %dma_start3A_217 = arith.constant 0 : i32
      %dma_start3A_218 = tpu.memref_slice %arg16[%add3A_162, %dma_start3A_217] : memref<10240x128xf32, #tpu.memory_space<vmem_shared>> -> memref<40x128xf32, #tpu.memory_space<vmem_shared>>
      %dma_start3A_219 = arith.constant 0 : i32
      %dma_start3A_220 = tpu.memref_slice %arg16[%add3A_162, %dma_start3A_219] : memref<10240x128xf32, #tpu.memory_space<vmem_shared>> -> memref<40x128xf32, #tpu.memory_space<vmem_shared>>
      tpu.enqueue_dma source(%dma_start3A_220 : memref<40x128xf32, #tpu.memory_space<vmem_shared>>) target(%arg15 : memref<40x128xf32, #tpu.memory_space<vmem>>) target_semaphore(%run_scoped3A : memref<!tpu.dma_semaphore, #tpu.memory_space<semaphore_mem>>)
      %dma_wait3A_221 = arith.constant 0 : i32
      %dma_wait3A_222 = tpu.memref_slice %arg16[%add3A_162, %dma_wait3A_221] : memref<10240x128xf32, #tpu.memory_space<vmem_shared>> -> memref<40x128xf32, #tpu.memory_space<vmem_shared>>
      %dma_wait3A_223 = arith.constant 0 : i32
      %dma_wait3A_224 = tpu.memref_slice %arg16[%add3A_162, %dma_wait3A_223] : memref<10240x128xf32, #tpu.memory_space<vmem_shared>> -> memref<40x128xf32, #tpu.memory_space<vmem_shared>>
      tpu.wait_dma2 semaphore(%run_scoped3A : memref<!tpu.dma_semaphore, #tpu.memory_space<semaphore_mem>>) src(%dma_wait3A_224 : memref<40x128xf32, #tpu.memory_space<vmem_shared>>) dst(%arg15 : memref<40x128xf32, #tpu.memory_space<vmem>>)
      tpu.yield
    }) : () -> ()
    %mul3A_163 = arith.constant 10240 : i32
    %mul3A_164 = arith.muli %arg0, %mul3A_163 : i32
    %add3A_165 = arith.addi %mul3A_164, %mul3A_0 : i32
    %add3A_166 = arith.constant 320 : i32
    %add3A_167 = arith.addi %add3A_165, %add3A_166 : i32
    "tpu.region"() ({
      %run_scoped3A = tpu.sem_alloc : memref<!tpu.dma_semaphore, #tpu.memory_space<semaphore_mem>>
      %dma_start3A_217 = arith.constant 0 : i32
      %dma_start3A_218 = tpu.memref_slice %arg6[%add3A_167, %dma_start3A_217] : memref<20480x128xf32, #tpu.memory_space<hbm>> -> memref<40x128xf32, #tpu.memory_space<hbm>>
      %dma_start3A_219 = arith.constant 0 : i32
      %dma_start3A_220 = tpu.memref_slice %arg6[%add3A_167, %dma_start3A_219] : memref<20480x128xf32, #tpu.memory_space<hbm>> -> memref<40x128xf32, #tpu.memory_space<hbm>>
      tpu.enqueue_dma source(%arg15 : memref<40x128xf32, #tpu.memory_space<vmem>>) target(%dma_start3A_220 : memref<40x128xf32, #tpu.memory_space<hbm>>) target_semaphore(%run_scoped3A : memref<!tpu.dma_semaphore, #tpu.memory_space<semaphore_mem>>)
      %dma_wait3A_221 = arith.constant 0 : i32
      %dma_wait3A_222 = tpu.memref_slice %arg6[%add3A_167, %dma_wait3A_221] : memref<20480x128xf32, #tpu.memory_space<hbm>> -> memref<40x128xf32, #tpu.memory_space<hbm>>
      %dma_wait3A_223 = arith.constant 0 : i32
      %dma_wait3A_224 = tpu.memref_slice %arg6[%add3A_167, %dma_wait3A_223] : memref<20480x128xf32, #tpu.memory_space<hbm>> -> memref<40x128xf32, #tpu.memory_space<hbm>>
      tpu.wait_dma2 semaphore(%run_scoped3A : memref<!tpu.dma_semaphore, #tpu.memory_space<semaphore_mem>>) src(%arg15 : memref<40x128xf32, #tpu.memory_space<vmem>>) dst(%dma_wait3A_224 : memref<40x128xf32, #tpu.memory_space<hbm>>)
      tpu.yield
    }) : () -> ()
    %add3A_168 = arith.constant 360 : i32
    %add3A_169 = arith.addi %mul3A_0, %add3A_168 : i32
    "tpu.region"() ({
      %run_scoped3A = tpu.sem_alloc : memref<!tpu.dma_semaphore, #tpu.memory_space<semaphore_mem>>
      %dma_start3A_217 = arith.constant 0 : i32
      %dma_start3A_218 = tpu.memref_slice %arg16[%add3A_169, %dma_start3A_217] : memref<10240x128xf32, #tpu.memory_space<vmem_shared>> -> memref<40x128xf32, #tpu.memory_space<vmem_shared>>
      %dma_start3A_219 = arith.constant 0 : i32
      %dma_start3A_220 = tpu.memref_slice %arg16[%add3A_169, %dma_start3A_219] : memref<10240x128xf32, #tpu.memory_space<vmem_shared>> -> memref<40x128xf32, #tpu.memory_space<vmem_shared>>
      tpu.enqueue_dma source(%dma_start3A_220 : memref<40x128xf32, #tpu.memory_space<vmem_shared>>) target(%arg15 : memref<40x128xf32, #tpu.memory_space<vmem>>) target_semaphore(%run_scoped3A : memref<!tpu.dma_semaphore, #tpu.memory_space<semaphore_mem>>)
      %dma_wait3A_221 = arith.constant 0 : i32
      %dma_wait3A_222 = tpu.memref_slice %arg16[%add3A_169, %dma_wait3A_221] : memref<10240x128xf32, #tpu.memory_space<vmem_shared>> -> memref<40x128xf32, #tpu.memory_space<vmem_shared>>
      %dma_wait3A_223 = arith.constant 0 : i32
      %dma_wait3A_224 = tpu.memref_slice %arg16[%add3A_169, %dma_wait3A_223] : memref<10240x128xf32, #tpu.memory_space<vmem_shared>> -> memref<40x128xf32, #tpu.memory_space<vmem_shared>>
      tpu.wait_dma2 semaphore(%run_scoped3A : memref<!tpu.dma_semaphore, #tpu.memory_space<semaphore_mem>>) src(%dma_wait3A_224 : memref<40x128xf32, #tpu.memory_space<vmem_shared>>) dst(%arg15 : memref<40x128xf32, #tpu.memory_space<vmem>>)
      tpu.yield
    }) : () -> ()
    %mul3A_170 = arith.constant 10240 : i32
    %mul3A_171 = arith.muli %arg0, %mul3A_170 : i32
    %add3A_172 = arith.addi %mul3A_171, %mul3A_0 : i32
    %add3A_173 = arith.constant 360 : i32
    %add3A_174 = arith.addi %add3A_172, %add3A_173 : i32
    "tpu.region"() ({
      %run_scoped3A = tpu.sem_alloc : memref<!tpu.dma_semaphore, #tpu.memory_space<semaphore_mem>>
      %dma_start3A_217 = arith.constant 0 : i32
      %dma_start3A_218 = tpu.memref_slice %arg6[%add3A_174, %dma_start3A_217] : memref<20480x128xf32, #tpu.memory_space<hbm>> -> memref<40x128xf32, #tpu.memory_space<hbm>>
      %dma_start3A_219 = arith.constant 0 : i32
      %dma_start3A_220 = tpu.memref_slice %arg6[%add3A_174, %dma_start3A_219] : memref<20480x128xf32, #tpu.memory_space<hbm>> -> memref<40x128xf32, #tpu.memory_space<hbm>>
      tpu.enqueue_dma source(%arg15 : memref<40x128xf32, #tpu.memory_space<vmem>>) target(%dma_start3A_220 : memref<40x128xf32, #tpu.memory_space<hbm>>) target_semaphore(%run_scoped3A : memref<!tpu.dma_semaphore, #tpu.memory_space<semaphore_mem>>)
      %dma_wait3A_221 = arith.constant 0 : i32
      %dma_wait3A_222 = tpu.memref_slice %arg6[%add3A_174, %dma_wait3A_221] : memref<20480x128xf32, #tpu.memory_space<hbm>> -> memref<40x128xf32, #tpu.memory_space<hbm>>
      %dma_wait3A_223 = arith.constant 0 : i32
      %dma_wait3A_224 = tpu.memref_slice %arg6[%add3A_174, %dma_wait3A_223] : memref<20480x128xf32, #tpu.memory_space<hbm>> -> memref<40x128xf32, #tpu.memory_space<hbm>>
      tpu.wait_dma2 semaphore(%run_scoped3A : memref<!tpu.dma_semaphore, #tpu.memory_space<semaphore_mem>>) src(%arg15 : memref<40x128xf32, #tpu.memory_space<vmem>>) dst(%dma_wait3A_224 : memref<40x128xf32, #tpu.memory_space<hbm>>)
      tpu.yield
    }) : () -> ()
    %add3A_175 = arith.constant 400 : i32
    %add3A_176 = arith.addi %mul3A_0, %add3A_175 : i32
    "tpu.region"() ({
      %run_scoped3A = tpu.sem_alloc : memref<!tpu.dma_semaphore, #tpu.memory_space<semaphore_mem>>
      %dma_start3A_217 = arith.constant 0 : i32
      %dma_start3A_218 = tpu.memref_slice %arg16[%add3A_176, %dma_start3A_217] : memref<10240x128xf32, #tpu.memory_space<vmem_shared>> -> memref<40x128xf32, #tpu.memory_space<vmem_shared>>
      %dma_start3A_219 = arith.constant 0 : i32
      %dma_start3A_220 = tpu.memref_slice %arg16[%add3A_176, %dma_start3A_219] : memref<10240x128xf32, #tpu.memory_space<vmem_shared>> -> memref<40x128xf32, #tpu.memory_space<vmem_shared>>
      tpu.enqueue_dma source(%dma_start3A_220 : memref<40x128xf32, #tpu.memory_space<vmem_shared>>) target(%arg15 : memref<40x128xf32, #tpu.memory_space<vmem>>) target_semaphore(%run_scoped3A : memref<!tpu.dma_semaphore, #tpu.memory_space<semaphore_mem>>)
      %dma_wait3A_221 = arith.constant 0 : i32
      %dma_wait3A_222 = tpu.memref_slice %arg16[%add3A_176, %dma_wait3A_221] : memref<10240x128xf32, #tpu.memory_space<vmem_shared>> -> memref<40x128xf32, #tpu.memory_space<vmem_shared>>
      %dma_wait3A_223 = arith.constant 0 : i32
      %dma_wait3A_224 = tpu.memref_slice %arg16[%add3A_176, %dma_wait3A_223] : memref<10240x128xf32, #tpu.memory_space<vmem_shared>> -> memref<40x128xf32, #tpu.memory_space<vmem_shared>>
      tpu.wait_dma2 semaphore(%run_scoped3A : memref<!tpu.dma_semaphore, #tpu.memory_space<semaphore_mem>>) src(%dma_wait3A_224 : memref<40x128xf32, #tpu.memory_space<vmem_shared>>) dst(%arg15 : memref<40x128xf32, #tpu.memory_space<vmem>>)
      tpu.yield
    }) : () -> ()
    %mul3A_177 = arith.constant 10240 : i32
    %mul3A_178 = arith.muli %arg0, %mul3A_177 : i32
    %add3A_179 = arith.addi %mul3A_178, %mul3A_0 : i32
    %add3A_180 = arith.constant 400 : i32
    %add3A_181 = arith.addi %add3A_179, %add3A_180 : i32
    "tpu.region"() ({
      %run_scoped3A = tpu.sem_alloc : memref<!tpu.dma_semaphore, #tpu.memory_space<semaphore_mem>>
      %dma_start3A_217 = arith.constant 0 : i32
      %dma_start3A_218 = tpu.memref_slice %arg6[%add3A_181, %dma_start3A_217] : memref<20480x128xf32, #tpu.memory_space<hbm>> -> memref<40x128xf32, #tpu.memory_space<hbm>>
      %dma_start3A_219 = arith.constant 0 : i32
      %dma_start3A_220 = tpu.memref_slice %arg6[%add3A_181, %dma_start3A_219] : memref<20480x128xf32, #tpu.memory_space<hbm>> -> memref<40x128xf32, #tpu.memory_space<hbm>>
      tpu.enqueue_dma source(%arg15 : memref<40x128xf32, #tpu.memory_space<vmem>>) target(%dma_start3A_220 : memref<40x128xf32, #tpu.memory_space<hbm>>) target_semaphore(%run_scoped3A : memref<!tpu.dma_semaphore, #tpu.memory_space<semaphore_mem>>)
      %dma_wait3A_221 = arith.constant 0 : i32
      %dma_wait3A_222 = tpu.memref_slice %arg6[%add3A_181, %dma_wait3A_221] : memref<20480x128xf32, #tpu.memory_space<hbm>> -> memref<40x128xf32, #tpu.memory_space<hbm>>
      %dma_wait3A_223 = arith.constant 0 : i32
      %dma_wait3A_224 = tpu.memref_slice %arg6[%add3A_181, %dma_wait3A_223] : memref<20480x128xf32, #tpu.memory_space<hbm>> -> memref<40x128xf32, #tpu.memory_space<hbm>>
      tpu.wait_dma2 semaphore(%run_scoped3A : memref<!tpu.dma_semaphore, #tpu.memory_space<semaphore_mem>>) src(%arg15 : memref<40x128xf32, #tpu.memory_space<vmem>>) dst(%dma_wait3A_224 : memref<40x128xf32, #tpu.memory_space<hbm>>)
      tpu.yield
    }) : () -> ()
    %add3A_182 = arith.constant 440 : i32
    %add3A_183 = arith.addi %mul3A_0, %add3A_182 : i32
    "tpu.region"() ({
      %run_scoped3A = tpu.sem_alloc : memref<!tpu.dma_semaphore, #tpu.memory_space<semaphore_mem>>
      %dma_start3A_217 = arith.constant 0 : i32
      %dma_start3A_218 = tpu.memref_slice %arg16[%add3A_183, %dma_start3A_217] : memref<10240x128xf32, #tpu.memory_space<vmem_shared>> -> memref<40x128xf32, #tpu.memory_space<vmem_shared>>
      %dma_start3A_219 = arith.constant 0 : i32
      %dma_start3A_220 = tpu.memref_slice %arg16[%add3A_183, %dma_start3A_219] : memref<10240x128xf32, #tpu.memory_space<vmem_shared>> -> memref<40x128xf32, #tpu.memory_space<vmem_shared>>
      tpu.enqueue_dma source(%dma_start3A_220 : memref<40x128xf32, #tpu.memory_space<vmem_shared>>) target(%arg15 : memref<40x128xf32, #tpu.memory_space<vmem>>) target_semaphore(%run_scoped3A : memref<!tpu.dma_semaphore, #tpu.memory_space<semaphore_mem>>)
      %dma_wait3A_221 = arith.constant 0 : i32
      %dma_wait3A_222 = tpu.memref_slice %arg16[%add3A_183, %dma_wait3A_221] : memref<10240x128xf32, #tpu.memory_space<vmem_shared>> -> memref<40x128xf32, #tpu.memory_space<vmem_shared>>
      %dma_wait3A_223 = arith.constant 0 : i32
      %dma_wait3A_224 = tpu.memref_slice %arg16[%add3A_183, %dma_wait3A_223] : memref<10240x128xf32, #tpu.memory_space<vmem_shared>> -> memref<40x128xf32, #tpu.memory_space<vmem_shared>>
      tpu.wait_dma2 semaphore(%run_scoped3A : memref<!tpu.dma_semaphore, #tpu.memory_space<semaphore_mem>>) src(%dma_wait3A_224 : memref<40x128xf32, #tpu.memory_space<vmem_shared>>) dst(%arg15 : memref<40x128xf32, #tpu.memory_space<vmem>>)
      tpu.yield
    }) : () -> ()
    %mul3A_184 = arith.constant 10240 : i32
    %mul3A_185 = arith.muli %arg0, %mul3A_184 : i32
    %add3A_186 = arith.addi %mul3A_185, %mul3A_0 : i32
    %add3A_187 = arith.constant 440 : i32
    %add3A_188 = arith.addi %add3A_186, %add3A_187 : i32
    "tpu.region"() ({
      %run_scoped3A = tpu.sem_alloc : memref<!tpu.dma_semaphore, #tpu.memory_space<semaphore_mem>>
      %dma_start3A_217 = arith.constant 0 : i32
      %dma_start3A_218 = tpu.memref_slice %arg6[%add3A_188, %dma_start3A_217] : memref<20480x128xf32, #tpu.memory_space<hbm>> -> memref<40x128xf32, #tpu.memory_space<hbm>>
      %dma_start3A_219 = arith.constant 0 : i32
      %dma_start3A_220 = tpu.memref_slice %arg6[%add3A_188, %dma_start3A_219] : memref<20480x128xf32, #tpu.memory_space<hbm>> -> memref<40x128xf32, #tpu.memory_space<hbm>>
      tpu.enqueue_dma source(%arg15 : memref<40x128xf32, #tpu.memory_space<vmem>>) target(%dma_start3A_220 : memref<40x128xf32, #tpu.memory_space<hbm>>) target_semaphore(%run_scoped3A : memref<!tpu.dma_semaphore, #tpu.memory_space<semaphore_mem>>)
      %dma_wait3A_221 = arith.constant 0 : i32
      %dma_wait3A_222 = tpu.memref_slice %arg6[%add3A_188, %dma_wait3A_221] : memref<20480x128xf32, #tpu.memory_space<hbm>> -> memref<40x128xf32, #tpu.memory_space<hbm>>
      %dma_wait3A_223 = arith.constant 0 : i32
      %dma_wait3A_224 = tpu.memref_slice %arg6[%add3A_188, %dma_wait3A_223] : memref<20480x128xf32, #tpu.memory_space<hbm>> -> memref<40x128xf32, #tpu.memory_space<hbm>>
      tpu.wait_dma2 semaphore(%run_scoped3A : memref<!tpu.dma_semaphore, #tpu.memory_space<semaphore_mem>>) src(%arg15 : memref<40x128xf32, #tpu.memory_space<vmem>>) dst(%dma_wait3A_224 : memref<40x128xf32, #tpu.memory_space<hbm>>)
      tpu.yield
    }) : () -> ()
    %add3A_189 = arith.constant 480 : i32
    %add3A_190 = arith.addi %mul3A_0, %add3A_189 : i32
    "tpu.region"() ({
      %run_scoped3A = tpu.sem_alloc : memref<!tpu.dma_semaphore, #tpu.memory_space<semaphore_mem>>
      %dma_start3A_217 = arith.constant 0 : i32
      %dma_start3A_218 = tpu.memref_slice %arg16[%add3A_190, %dma_start3A_217] : memref<10240x128xf32, #tpu.memory_space<vmem_shared>> -> memref<40x128xf32, #tpu.memory_space<vmem_shared>>
      %dma_start3A_219 = arith.constant 0 : i32
      %dma_start3A_220 = tpu.memref_slice %arg16[%add3A_190, %dma_start3A_219] : memref<10240x128xf32, #tpu.memory_space<vmem_shared>> -> memref<40x128xf32, #tpu.memory_space<vmem_shared>>
      tpu.enqueue_dma source(%dma_start3A_220 : memref<40x128xf32, #tpu.memory_space<vmem_shared>>) target(%arg15 : memref<40x128xf32, #tpu.memory_space<vmem>>) target_semaphore(%run_scoped3A : memref<!tpu.dma_semaphore, #tpu.memory_space<semaphore_mem>>)
      %dma_wait3A_221 = arith.constant 0 : i32
      %dma_wait3A_222 = tpu.memref_slice %arg16[%add3A_190, %dma_wait3A_221] : memref<10240x128xf32, #tpu.memory_space<vmem_shared>> -> memref<40x128xf32, #tpu.memory_space<vmem_shared>>
      %dma_wait3A_223 = arith.constant 0 : i32
      %dma_wait3A_224 = tpu.memref_slice %arg16[%add3A_190, %dma_wait3A_223] : memref<10240x128xf32, #tpu.memory_space<vmem_shared>> -> memref<40x128xf32, #tpu.memory_space<vmem_shared>>
      tpu.wait_dma2 semaphore(%run_scoped3A : memref<!tpu.dma_semaphore, #tpu.memory_space<semaphore_mem>>) src(%dma_wait3A_224 : memref<40x128xf32, #tpu.memory_space<vmem_shared>>) dst(%arg15 : memref<40x128xf32, #tpu.memory_space<vmem>>)
      tpu.yield
    }) : () -> ()
    %mul3A_191 = arith.constant 10240 : i32
    %mul3A_192 = arith.muli %arg0, %mul3A_191 : i32
    %add3A_193 = arith.addi %mul3A_192, %mul3A_0 : i32
    %add3A_194 = arith.constant 480 : i32
    %add3A_195 = arith.addi %add3A_193, %add3A_194 : i32
    "tpu.region"() ({
      %run_scoped3A = tpu.sem_alloc : memref<!tpu.dma_semaphore, #tpu.memory_space<semaphore_mem>>
      %dma_start3A_217 = arith.constant 0 : i32
      %dma_start3A_218 = tpu.memref_slice %arg6[%add3A_195, %dma_start3A_217] : memref<20480x128xf32, #tpu.memory_space<hbm>> -> memref<40x128xf32, #tpu.memory_space<hbm>>
      %dma_start3A_219 = arith.constant 0 : i32
      %dma_start3A_220 = tpu.memref_slice %arg6[%add3A_195, %dma_start3A_219] : memref<20480x128xf32, #tpu.memory_space<hbm>> -> memref<40x128xf32, #tpu.memory_space<hbm>>
      tpu.enqueue_dma source(%arg15 : memref<40x128xf32, #tpu.memory_space<vmem>>) target(%dma_start3A_220 : memref<40x128xf32, #tpu.memory_space<hbm>>) target_semaphore(%run_scoped3A : memref<!tpu.dma_semaphore, #tpu.memory_space<semaphore_mem>>)
      %dma_wait3A_221 = arith.constant 0 : i32
      %dma_wait3A_222 = tpu.memref_slice %arg6[%add3A_195, %dma_wait3A_221] : memref<20480x128xf32, #tpu.memory_space<hbm>> -> memref<40x128xf32, #tpu.memory_space<hbm>>
      %dma_wait3A_223 = arith.constant 0 : i32
      %dma_wait3A_224 = tpu.memref_slice %arg6[%add3A_195, %dma_wait3A_223] : memref<20480x128xf32, #tpu.memory_space<hbm>> -> memref<40x128xf32, #tpu.memory_space<hbm>>
      tpu.wait_dma2 semaphore(%run_scoped3A : memref<!tpu.dma_semaphore, #tpu.memory_space<semaphore_mem>>) src(%arg15 : memref<40x128xf32, #tpu.memory_space<vmem>>) dst(%dma_wait3A_224 : memref<40x128xf32, #tpu.memory_space<hbm>>)
      tpu.yield
    }) : () -> ()
    %add3A_196 = arith.constant 520 : i32
    %add3A_197 = arith.addi %mul3A_0, %add3A_196 : i32
    "tpu.region"() ({
      %run_scoped3A = tpu.sem_alloc : memref<!tpu.dma_semaphore, #tpu.memory_space<semaphore_mem>>
      %dma_start3A_217 = arith.constant 0 : i32
      %dma_start3A_218 = tpu.memref_slice %arg16[%add3A_197, %dma_start3A_217] : memref<10240x128xf32, #tpu.memory_space<vmem_shared>> -> memref<40x128xf32, #tpu.memory_space<vmem_shared>>
      %dma_start3A_219 = arith.constant 0 : i32
      %dma_start3A_220 = tpu.memref_slice %arg16[%add3A_197, %dma_start3A_219] : memref<10240x128xf32, #tpu.memory_space<vmem_shared>> -> memref<40x128xf32, #tpu.memory_space<vmem_shared>>
      tpu.enqueue_dma source(%dma_start3A_220 : memref<40x128xf32, #tpu.memory_space<vmem_shared>>) target(%arg15 : memref<40x128xf32, #tpu.memory_space<vmem>>) target_semaphore(%run_scoped3A : memref<!tpu.dma_semaphore, #tpu.memory_space<semaphore_mem>>)
      %dma_wait3A_221 = arith.constant 0 : i32
      %dma_wait3A_222 = tpu.memref_slice %arg16[%add3A_197, %dma_wait3A_221] : memref<10240x128xf32, #tpu.memory_space<vmem_shared>> -> memref<40x128xf32, #tpu.memory_space<vmem_shared>>
      %dma_wait3A_223 = arith.constant 0 : i32
      %dma_wait3A_224 = tpu.memref_slice %arg16[%add3A_197, %dma_wait3A_223] : memref<10240x128xf32, #tpu.memory_space<vmem_shared>> -> memref<40x128xf32, #tpu.memory_space<vmem_shared>>
      tpu.wait_dma2 semaphore(%run_scoped3A : memref<!tpu.dma_semaphore, #tpu.memory_space<semaphore_mem>>) src(%dma_wait3A_224 : memref<40x128xf32, #tpu.memory_space<vmem_shared>>) dst(%arg15 : memref<40x128xf32, #tpu.memory_space<vmem>>)
      tpu.yield
    }) : () -> ()
    %mul3A_198 = arith.constant 10240 : i32
    %mul3A_199 = arith.muli %arg0, %mul3A_198 : i32
    %add3A_200 = arith.addi %mul3A_199, %mul3A_0 : i32
    %add3A_201 = arith.constant 520 : i32
    %add3A_202 = arith.addi %add3A_200, %add3A_201 : i32
    "tpu.region"() ({
      %run_scoped3A = tpu.sem_alloc : memref<!tpu.dma_semaphore, #tpu.memory_space<semaphore_mem>>
      %dma_start3A_217 = arith.constant 0 : i32
      %dma_start3A_218 = tpu.memref_slice %arg6[%add3A_202, %dma_start3A_217] : memref<20480x128xf32, #tpu.memory_space<hbm>> -> memref<40x128xf32, #tpu.memory_space<hbm>>
      %dma_start3A_219 = arith.constant 0 : i32
      %dma_start3A_220 = tpu.memref_slice %arg6[%add3A_202, %dma_start3A_219] : memref<20480x128xf32, #tpu.memory_space<hbm>> -> memref<40x128xf32, #tpu.memory_space<hbm>>
      tpu.enqueue_dma source(%arg15 : memref<40x128xf32, #tpu.memory_space<vmem>>) target(%dma_start3A_220 : memref<40x128xf32, #tpu.memory_space<hbm>>) target_semaphore(%run_scoped3A : memref<!tpu.dma_semaphore, #tpu.memory_space<semaphore_mem>>)
      %dma_wait3A_221 = arith.constant 0 : i32
      %dma_wait3A_222 = tpu.memref_slice %arg6[%add3A_202, %dma_wait3A_221] : memref<20480x128xf32, #tpu.memory_space<hbm>> -> memref<40x128xf32, #tpu.memory_space<hbm>>
      %dma_wait3A_223 = arith.constant 0 : i32
      %dma_wait3A_224 = tpu.memref_slice %arg6[%add3A_202, %dma_wait3A_223] : memref<20480x128xf32, #tpu.memory_space<hbm>> -> memref<40x128xf32, #tpu.memory_space<hbm>>
      tpu.wait_dma2 semaphore(%run_scoped3A : memref<!tpu.dma_semaphore, #tpu.memory_space<semaphore_mem>>) src(%arg15 : memref<40x128xf32, #tpu.memory_space<vmem>>) dst(%dma_wait3A_224 : memref<40x128xf32, #tpu.memory_space<hbm>>)
      tpu.yield
    }) : () -> ()
    %add3A_203 = arith.constant 560 : i32
    %add3A_204 = arith.addi %mul3A_0, %add3A_203 : i32
    "tpu.region"() ({
      %run_scoped3A = tpu.sem_alloc : memref<!tpu.dma_semaphore, #tpu.memory_space<semaphore_mem>>
      %dma_start3A_217 = arith.constant 0 : i32
      %dma_start3A_218 = tpu.memref_slice %arg16[%add3A_204, %dma_start3A_217] : memref<10240x128xf32, #tpu.memory_space<vmem_shared>> -> memref<40x128xf32, #tpu.memory_space<vmem_shared>>
      %dma_start3A_219 = arith.constant 0 : i32
      %dma_start3A_220 = tpu.memref_slice %arg16[%add3A_204, %dma_start3A_219] : memref<10240x128xf32, #tpu.memory_space<vmem_shared>> -> memref<40x128xf32, #tpu.memory_space<vmem_shared>>
      tpu.enqueue_dma source(%dma_start3A_220 : memref<40x128xf32, #tpu.memory_space<vmem_shared>>) target(%arg15 : memref<40x128xf32, #tpu.memory_space<vmem>>) target_semaphore(%run_scoped3A : memref<!tpu.dma_semaphore, #tpu.memory_space<semaphore_mem>>)
      %dma_wait3A_221 = arith.constant 0 : i32
      %dma_wait3A_222 = tpu.memref_slice %arg16[%add3A_204, %dma_wait3A_221] : memref<10240x128xf32, #tpu.memory_space<vmem_shared>> -> memref<40x128xf32, #tpu.memory_space<vmem_shared>>
      %dma_wait3A_223 = arith.constant 0 : i32
      %dma_wait3A_224 = tpu.memref_slice %arg16[%add3A_204, %dma_wait3A_223] : memref<10240x128xf32, #tpu.memory_space<vmem_shared>> -> memref<40x128xf32, #tpu.memory_space<vmem_shared>>
      tpu.wait_dma2 semaphore(%run_scoped3A : memref<!tpu.dma_semaphore, #tpu.memory_space<semaphore_mem>>) src(%dma_wait3A_224 : memref<40x128xf32, #tpu.memory_space<vmem_shared>>) dst(%arg15 : memref<40x128xf32, #tpu.memory_space<vmem>>)
      tpu.yield
    }) : () -> ()
    %mul3A_205 = arith.constant 10240 : i32
    %mul3A_206 = arith.muli %arg0, %mul3A_205 : i32
    %add3A_207 = arith.addi %mul3A_206, %mul3A_0 : i32
    %add3A_208 = arith.constant 560 : i32
    %add3A_209 = arith.addi %add3A_207, %add3A_208 : i32
    "tpu.region"() ({
      %run_scoped3A = tpu.sem_alloc : memref<!tpu.dma_semaphore, #tpu.memory_space<semaphore_mem>>
      %dma_start3A_217 = arith.constant 0 : i32
      %dma_start3A_218 = tpu.memref_slice %arg6[%add3A_209, %dma_start3A_217] : memref<20480x128xf32, #tpu.memory_space<hbm>> -> memref<40x128xf32, #tpu.memory_space<hbm>>
      %dma_start3A_219 = arith.constant 0 : i32
      %dma_start3A_220 = tpu.memref_slice %arg6[%add3A_209, %dma_start3A_219] : memref<20480x128xf32, #tpu.memory_space<hbm>> -> memref<40x128xf32, #tpu.memory_space<hbm>>
      tpu.enqueue_dma source(%arg15 : memref<40x128xf32, #tpu.memory_space<vmem>>) target(%dma_start3A_220 : memref<40x128xf32, #tpu.memory_space<hbm>>) target_semaphore(%run_scoped3A : memref<!tpu.dma_semaphore, #tpu.memory_space<semaphore_mem>>)
      %dma_wait3A_221 = arith.constant 0 : i32
      %dma_wait3A_222 = tpu.memref_slice %arg6[%add3A_209, %dma_wait3A_221] : memref<20480x128xf32, #tpu.memory_space<hbm>> -> memref<40x128xf32, #tpu.memory_space<hbm>>
      %dma_wait3A_223 = arith.constant 0 : i32
      %dma_wait3A_224 = tpu.memref_slice %arg6[%add3A_209, %dma_wait3A_223] : memref<20480x128xf32, #tpu.memory_space<hbm>> -> memref<40x128xf32, #tpu.memory_space<hbm>>
      tpu.wait_dma2 semaphore(%run_scoped3A : memref<!tpu.dma_semaphore, #tpu.memory_space<semaphore_mem>>) src(%arg15 : memref<40x128xf32, #tpu.memory_space<vmem>>) dst(%dma_wait3A_224 : memref<40x128xf32, #tpu.memory_space<hbm>>)
      tpu.yield
    }) : () -> ()
    %add3A_210 = arith.constant 600 : i32
    %add3A_211 = arith.addi %mul3A_0, %add3A_210 : i32
    "tpu.region"() ({
      %run_scoped3A = tpu.sem_alloc : memref<!tpu.dma_semaphore, #tpu.memory_space<semaphore_mem>>
      %dma_start3A_217 = arith.constant 0 : i32
      %dma_start3A_218 = tpu.memref_slice %arg16[%add3A_211, %dma_start3A_217] : memref<10240x128xf32, #tpu.memory_space<vmem_shared>> -> memref<40x128xf32, #tpu.memory_space<vmem_shared>>
      %dma_start3A_219 = arith.constant 0 : i32
      %dma_start3A_220 = tpu.memref_slice %arg16[%add3A_211, %dma_start3A_219] : memref<10240x128xf32, #tpu.memory_space<vmem_shared>> -> memref<40x128xf32, #tpu.memory_space<vmem_shared>>
      tpu.enqueue_dma source(%dma_start3A_220 : memref<40x128xf32, #tpu.memory_space<vmem_shared>>) target(%arg15 : memref<40x128xf32, #tpu.memory_space<vmem>>) target_semaphore(%run_scoped3A : memref<!tpu.dma_semaphore, #tpu.memory_space<semaphore_mem>>)
      %dma_wait3A_221 = arith.constant 0 : i32
      %dma_wait3A_222 = tpu.memref_slice %arg16[%add3A_211, %dma_wait3A_221] : memref<10240x128xf32, #tpu.memory_space<vmem_shared>> -> memref<40x128xf32, #tpu.memory_space<vmem_shared>>
      %dma_wait3A_223 = arith.constant 0 : i32
      %dma_wait3A_224 = tpu.memref_slice %arg16[%add3A_211, %dma_wait3A_223] : memref<10240x128xf32, #tpu.memory_space<vmem_shared>> -> memref<40x128xf32, #tpu.memory_space<vmem_shared>>
      tpu.wait_dma2 semaphore(%run_scoped3A : memref<!tpu.dma_semaphore, #tpu.memory_space<semaphore_mem>>) src(%dma_wait3A_224 : memref<40x128xf32, #tpu.memory_space<vmem_shared>>) dst(%arg15 : memref<40x128xf32, #tpu.memory_space<vmem>>)
      tpu.yield
    }) : () -> ()
    %mul3A_212 = arith.constant 10240 : i32
    %mul3A_213 = arith.muli %arg0, %mul3A_212 : i32
    %add3A_214 = arith.addi %mul3A_213, %mul3A_0 : i32
    %add3A_215 = arith.constant 600 : i32
    %add3A_216 = arith.addi %add3A_214, %add3A_215 : i32
    "tpu.region"() ({
      %run_scoped3A = tpu.sem_alloc : memref<!tpu.dma_semaphore, #tpu.memory_space<semaphore_mem>>
      %dma_start3A_217 = arith.constant 0 : i32
      %dma_start3A_218 = tpu.memref_slice %arg6[%add3A_216, %dma_start3A_217] : memref<20480x128xf32, #tpu.memory_space<hbm>> -> memref<40x128xf32, #tpu.memory_space<hbm>>
      %dma_start3A_219 = arith.constant 0 : i32
      %dma_start3A_220 = tpu.memref_slice %arg6[%add3A_216, %dma_start3A_219] : memref<20480x128xf32, #tpu.memory_space<hbm>> -> memref<40x128xf32, #tpu.memory_space<hbm>>
      tpu.enqueue_dma source(%arg15 : memref<40x128xf32, #tpu.memory_space<vmem>>) target(%dma_start3A_220 : memref<40x128xf32, #tpu.memory_space<hbm>>) target_semaphore(%run_scoped3A : memref<!tpu.dma_semaphore, #tpu.memory_space<semaphore_mem>>)
      %dma_wait3A_221 = arith.constant 0 : i32
      %dma_wait3A_222 = tpu.memref_slice %arg6[%add3A_216, %dma_wait3A_221] : memref<20480x128xf32, #tpu.memory_space<hbm>> -> memref<40x128xf32, #tpu.memory_space<hbm>>
      %dma_wait3A_223 = arith.constant 0 : i32
      %dma_wait3A_224 = tpu.memref_slice %arg6[%add3A_216, %dma_wait3A_223] : memref<20480x128xf32, #tpu.memory_space<hbm>> -> memref<40x128xf32, #tpu.memory_space<hbm>>
      tpu.wait_dma2 semaphore(%run_scoped3A : memref<!tpu.dma_semaphore, #tpu.memory_space<semaphore_mem>>) src(%arg15 : memref<40x128xf32, #tpu.memory_space<vmem>>) dst(%dma_wait3A_224 : memref<40x128xf32, #tpu.memory_space<hbm>>)
      tpu.yield
    }) : () -> ()
    return
  }
}

module attributes {stable_mosaic.version = 14 : i64} {
  func.func @_elin_body(%arg0: i32, %arg1: memref<5120x16xf32, #tpu.memory_space<vmem>>, %arg2: memref<16x128xf32, #tpu.memory_space<vmem>>, %arg3: memref<1x128xf32, #tpu.memory_space<vmem>>, %arg4: memref<16x128xf32, #tpu.memory_space<vmem>>, %arg5: memref<1x128xf32, #tpu.memory_space<vmem>>, %arg6: memref<5120x128xf32, #tpu.memory_space<vmem>>, %arg7: memref<5120x128xf32, #tpu.memory_space<vmem>>) attributes {dimension_semantics = [#tpu.dimension_semantics<arbitrary>], iteration_bounds = array<i64: 64>, scalar_prefetch = 0 : i64, scratch_operands = 0 : i64, tpu.core_type = #tpu.core_type<tc>, window_params = [{transform_indices = @transform_0, window_bounds = array<i64: 5120, 16>}, {pipeline_mode = #tpu.pipeline_mode<synchronous>, transform_indices = @transform_1, window_bounds = array<i64: 16, 128>}, {pipeline_mode = #tpu.pipeline_mode<synchronous>, transform_indices = @transform_2, window_bounds = array<i64: 1, 128>}, {pipeline_mode = #tpu.pipeline_mode<synchronous>, transform_indices = @transform_3, window_bounds = array<i64: 16, 128>}, {pipeline_mode = #tpu.pipeline_mode<synchronous>, transform_indices = @transform_4, window_bounds = array<i64: 1, 128>}, {transform_indices = @transform_5, window_bounds = array<i64: 5120, 128>}, {transform_indices = @transform_6, window_bounds = array<i64: 5120, 128>}]} {
    %get3A = arith.constant 0 : index
    %get3A_0 = arith.constant 0 : index
    %get3A_1 = vector.load %arg1[%get3A, %get3A_0] : memref<5120x16xf32, #tpu.memory_space<vmem>>, vector<5120x16xf32>
    %get3A_2 = arith.constant 0 : index
    %get3A_3 = arith.constant 0 : index
    %get3A_4 = vector.load %arg2[%get3A_2, %get3A_3] : memref<16x128xf32, #tpu.memory_space<vmem>>, vector<16x128xf32>
    %dot_general3A = arith.constant dense<0.000000e+00> : vector<5120x128xf32>
    %dot_general3A_5 = tpu.matmul %get3A_1, %get3A_4, %dot_general3A {dimension_numbers = #tpu.dot_dimension_numbers<[1], [0], [0], [1], [0, 0, 1, 1], [], []>, transpose_lhs_hint = false} : vector<5120x16xf32>, vector<16x128xf32>, vector<5120x128xf32> -> vector<5120x128xf32>
    %get3A_6 = arith.constant 0 : index
    %get3A_7 = arith.constant 0 : index
    %get3A_8 = vector.load %arg3[%get3A_6, %get3A_7] : memref<1x128xf32, #tpu.memory_space<vmem>>, vector<1x128xf32>
    %add3A = vector.broadcast %get3A_8 : vector<1x128xf32> to vector<5120x128xf32>
    %add3A_9 = arith.addf %dot_general3A_5, %add3A : vector<5120x128xf32>
    %swap3A = arith.constant 0 : index
    %swap3A_10 = arith.constant 0 : index
    %swap3A_11 = vector.load %arg6[%swap3A, %swap3A_10] : memref<5120x128xf32, #tpu.memory_space<vmem>>, vector<5120x128xf32>
    tpu.vector_store %arg6[%swap3A, %swap3A_10], %add3A_9 {strides = array<i32>} : memref<5120x128xf32, #tpu.memory_space<vmem>>, vector<5120x128xf32>,
    %get3A_12 = arith.constant 0 : index
    %get3A_13 = arith.constant 0 : index
    %get3A_14 = vector.load %arg1[%get3A_12, %get3A_13] : memref<5120x16xf32, #tpu.memory_space<vmem>>, vector<5120x16xf32>
    %get3A_15 = arith.constant 0 : index
    %get3A_16 = arith.constant 0 : index
    %get3A_17 = vector.load %arg4[%get3A_15, %get3A_16] : memref<16x128xf32, #tpu.memory_space<vmem>>, vector<16x128xf32>
    %dot_general3A_18 = arith.constant dense<0.000000e+00> : vector<5120x128xf32>
    %dot_general3A_19 = tpu.matmul %get3A_14, %get3A_17, %dot_general3A_18 {dimension_numbers = #tpu.dot_dimension_numbers<[1], [0], [0], [1], [0, 0, 1, 1], [], []>, transpose_lhs_hint = false} : vector<5120x16xf32>, vector<16x128xf32>, vector<5120x128xf32> -> vector<5120x128xf32>
    %get3A_20 = arith.constant 0 : index
    %get3A_21 = arith.constant 0 : index
    %get3A_22 = vector.load %arg5[%get3A_20, %get3A_21] : memref<1x128xf32, #tpu.memory_space<vmem>>, vector<1x128xf32>
    %add3A_23 = vector.broadcast %get3A_22 : vector<1x128xf32> to vector<5120x128xf32>
    %add3A_24 = arith.addf %dot_general3A_19, %add3A_23 : vector<5120x128xf32>
    %swap3A_25 = arith.constant 0 : index
    %swap3A_26 = arith.constant 0 : index
    %swap3A_27 = vector.load %arg7[%swap3A_25, %swap3A_26] : memref<5120x128xf32, #tpu.memory_space<vmem>>, vector<5120x128xf32>
    tpu.vector_store %arg7[%swap3A_25, %swap3A_26], %add3A_24 {strides = array<i32>} : memref<5120x128xf32, #tpu.memory_space<vmem>>, vector<5120x128xf32>,
    return
  }
  func.func @transform_0(%arg0: i32) -> (i32, i32) {
    %c0_i32 = arith.constant 0 : i32
    %c0_i32_0 = arith.constant 0 : i32
    return %arg0, %c0_i32 : i32, i32
  }
  func.func @transform_1(%arg0: i32) -> (i32, i32) {
    %c0_i32 = arith.constant 0 : i32
    %c0_i32_0 = arith.constant 0 : i32
    %c0_i32_1 = arith.constant 0 : i32
    return %c0_i32, %c0_i32_0 : i32, i32
  }
  func.func @transform_2(%arg0: i32) -> (i32, i32) {
    %c0_i32 = arith.constant 0 : i32
    %c0_i32_0 = arith.constant 0 : i32
    %c0_i32_1 = arith.constant 0 : i32
    return %c0_i32, %c0_i32_0 : i32, i32
  }
  func.func @transform_3(%arg0: i32) -> (i32, i32) {
    %c0_i32 = arith.constant 0 : i32
    %c0_i32_0 = arith.constant 0 : i32
    %c0_i32_1 = arith.constant 0 : i32
    return %c0_i32, %c0_i32_0 : i32, i32
  }
  func.func @transform_4(%arg0: i32) -> (i32, i32) {
    %c0_i32 = arith.constant 0 : i32
    %c0_i32_0 = arith.constant 0 : i32
    %c0_i32_1 = arith.constant 0 : i32
    return %c0_i32, %c0_i32_0 : i32, i32
  }
  func.func @transform_5(%arg0: i32) -> (i32, i32) {
    %c0_i32 = arith.constant 0 : i32
    %c0_i32_0 = arith.constant 0 : i32
    return %arg0, %c0_i32 : i32, i32
  }
  func.func @transform_6(%arg0: i32) -> (i32, i32) {
    %c0_i32 = arith.constant 0 : i32
    %c0_i32_0 = arith.constant 0 : i32
    return %arg0, %c0_i32 : i32, i32
  }
}

module attributes {stable_mosaic.version = 14 : i64} {
  func.func @_node1_body(%arg0: memref<10000x128xf32, #tpu.memory_space<vmem>>, %arg1: memref<20480x128xf32, #tpu.memory_space<vmem>>, %arg2: memref<1xf32, #tpu.memory_space<smem>>, %arg3: memref<128x32xf32, #tpu.memory_space<vmem>>, %arg4: memref<1x32xf32, #tpu.memory_space<vmem>>, %arg5: memref<1x32xf32, #tpu.memory_space<vmem>>, %arg6: memref<1x32xf32, #tpu.memory_space<vmem>>, %arg7: memref<32x32xf32, #tpu.memory_space<vmem>>, %arg8: memref<1x32xf32, #tpu.memory_space<vmem>>, %arg9: memref<1x32xf32, #tpu.memory_space<vmem>>, %arg10: memref<1x32xf32, #tpu.memory_space<vmem>>, %arg11: memref<10240x128xf32, #tpu.memory_space<vmem>>) attributes {dimension_semantics = [], scalar_prefetch = 0 : i64, scratch_operands = 0 : i64, tpu.core_type = #tpu.core_type<tc>} {
    %get3A = arith.constant 0 : index
    %get3A_0 = arith.constant 0 : index
    %get3A_1 = vector.load %arg0[%get3A, %get3A_0] : memref<10000x128xf32, #tpu.memory_space<vmem>>, vector<10000x128xf32>
    %get3A_2 = arith.constant 0 : index
    %get3A_3 = memref.load %arg2[%get3A_2] : memref<1xf32, #tpu.memory_space<smem>>
    %add3A = arith.constant 1.000000e+00 : f32
    %add3A_4 = arith.addf %add3A, %get3A_3 : f32
    %mul3A = vector.broadcast %add3A_4 : f32 to vector<10000x128xf32>
    %mul3A_5 = arith.mulf %mul3A, %get3A_1 : vector<10000x128xf32>
    %get3A_6 = arith.constant 0 : index
    %get3A_7 = arith.constant 0 : index
    %get3A_8 = vector.load %arg1[%get3A_6, %get3A_7] : memref<20480x128xf32, #tpu.memory_space<vmem>>, vector<10000x128xf32>
    %add3A_9 = arith.addf %mul3A_5, %get3A_8 : vector<10000x128xf32>
    %get3A_10 = arith.constant 10240 : index
    %get3A_11 = arith.constant 0 : index
    %get3A_12 = vector.load %arg1[%get3A_10, %get3A_11] : memref<20480x128xf32, #tpu.memory_space<vmem>>, vector<10000x128xf32>
    %add3A_13 = arith.addf %add3A_9, %get3A_12 : vector<10000x128xf32>
    %get3A_14 = arith.constant 0 : index
    %get3A_15 = arith.constant 0 : index
    %get3A_16 = vector.load %arg3[%get3A_14, %get3A_15] : memref<128x32xf32, #tpu.memory_space<vmem>>, vector<128x32xf32>
    %dot_general3A = arith.constant dense<0.000000e+00> : vector<10000x32xf32>
    %dot_general3A_17 = tpu.matmul %add3A_13, %get3A_16, %dot_general3A {dimension_numbers = #tpu.dot_dimension_numbers<[1], [0], [0], [1], [0, 0, 1, 1], [], []>, transpose_lhs_hint = false} : vector<10000x128xf32>, vector<128x32xf32>, vector<10000x32xf32> -> vector<10000x32xf32>
    %get3A_18 = arith.constant 0 : index
    %get3A_19 = arith.constant 0 : index
    %get3A_20 = vector.load %arg4[%get3A_18, %get3A_19] : memref<1x32xf32, #tpu.memory_space<vmem>>, vector<1x32xf32>
    %add3A_21 = vector.broadcast %get3A_20 : vector<1x32xf32> to vector<10000x32xf32>
    %add3A_22 = arith.addf %dot_general3A_17, %add3A_21 : vector<10000x32xf32>
    %get3A_23 = arith.constant 0 : index
    %get3A_24 = arith.constant 0 : index
    %get3A_25 = vector.load %arg5[%get3A_23, %get3A_24] : memref<1x32xf32, #tpu.memory_space<vmem>>, vector<1x32xf32>
    %get3A_26 = arith.constant 0 : index
    %get3A_27 = arith.constant 0 : index
    %get3A_28 = vector.load %arg6[%get3A_26, %get3A_27] : memref<1x32xf32, #tpu.memory_space<vmem>>, vector<1x32xf32>
    %reduce_sum3A = arith.constant dense<0.000000e+00> : vector<32xf32>
    %reduce_sum3A_29 = vector.multi_reduction <add>, %add3A_22, %reduce_sum3A [0] : vector<10000x32xf32> to vector<32xf32>
    %broadcast_in_dim3A = vector.shape_cast %reduce_sum3A_29 : vector<32xf32> to vector<1x32xf32>
    %div3A = arith.constant 1.000000e+04 : f32
    %div3A_30 = vector.broadcast %div3A : f32 to vector<1x32xf32>
    %div3A_31 = arith.divf %broadcast_in_dim3A, %div3A_30 : vector<1x32xf32>
    %square3A = arith.mulf %add3A_22, %add3A_22 : vector<10000x32xf32>
    %reduce_sum3A_32 = arith.constant dense<0.000000e+00> : vector<32xf32>
    %reduce_sum3A_33 = vector.multi_reduction <add>, %square3A, %reduce_sum3A_32 [0] : vector<10000x32xf32> to vector<32xf32>
    %broadcast_in_dim3A_34 = vector.shape_cast %reduce_sum3A_33 : vector<32xf32> to vector<1x32xf32>
    %div3A_35 = arith.constant 1.000000e+04 : f32
    %div3A_36 = vector.broadcast %div3A_35 : f32 to vector<1x32xf32>
    %div3A_37 = arith.divf %broadcast_in_dim3A_34, %div3A_36 : vector<1x32xf32>
    %square3A_38 = arith.mulf %div3A_31, %div3A_31 : vector<1x32xf32>
    %sub3A = arith.subf %div3A_37, %square3A_38 : vector<1x32xf32>
    %sub3A_39 = vector.broadcast %div3A_31 : vector<1x32xf32> to vector<10000x32xf32>
    %sub3A_40 = arith.subf %add3A_22, %sub3A_39 : vector<10000x32xf32>
    %add3A_41 = arith.constant 9.99999974E-6 : f32
    %add3A_42 = vector.broadcast %add3A_41 : f32 to vector<1x32xf32>
    %add3A_43 = arith.addf %sub3A, %add3A_42 : vector<1x32xf32>
    %rsqrt3A = math.rsqrt %add3A_43 : vector<1x32xf32>
    %mul3A_44 = vector.broadcast %rsqrt3A : vector<1x32xf32> to vector<10000x32xf32>
    %mul3A_45 = arith.mulf %sub3A_40, %mul3A_44 : vector<10000x32xf32>
    %mul3A_46 = vector.broadcast %get3A_25 : vector<1x32xf32> to vector<10000x32xf32>
    %mul3A_47 = arith.mulf %mul3A_45, %mul3A_46 : vector<10000x32xf32>
    %add3A_48 = vector.broadcast %get3A_28 : vector<1x32xf32> to vector<10000x32xf32>
    %add3A_49 = arith.addf %mul3A_47, %add3A_48 : vector<10000x32xf32>
    %mul3A_50 = arith.constant 5.000000e-01 : f32
    %mul3A_51 = vector.broadcast %mul3A_50 : f32 to vector<10000x32xf32>
    %mul3A_52 = arith.mulf %mul3A_51, %add3A_49 : vector<10000x32xf32>
    %mul3A_53 = arith.constant 0.707106769 : f32
    %mul3A_54 = vector.broadcast %mul3A_53 : f32 to vector<10000x32xf32>
    %mul3A_55 = arith.mulf %add3A_49, %mul3A_54 : vector<10000x32xf32>
    %erf3A = math.erf %mul3A_55 : vector<10000x32xf32>
    %add3A_56 = arith.constant 1.000000e+00 : f32
    %add3A_57 = vector.broadcast %add3A_56 : f32 to vector<10000x32xf32>
    %add3A_58 = arith.addf %add3A_57, %erf3A : vector<10000x32xf32>
    %mul3A_59 = arith.mulf %mul3A_52, %add3A_58 : vector<10000x32xf32>
    %get3A_60 = arith.constant 0 : index
    %get3A_61 = arith.constant 0 : index
    %get3A_62 = vector.load %arg7[%get3A_60, %get3A_61] : memref<32x32xf32, #tpu.memory_space<vmem>>, vector<32x32xf32>
    %dot_general3A_63 = arith.constant dense<0.000000e+00> : vector<10000x32xf32>
    %dot_general3A_64 = tpu.matmul %mul3A_59, %get3A_62, %dot_general3A_63 {dimension_numbers = #tpu.dot_dimension_numbers<[1], [0], [0], [1], [0, 0, 1, 1], [], []>, transpose_lhs_hint = false} : vector<10000x32xf32>, vector<32x32xf32>, vector<10000x32xf32> -> vector<10000x32xf32>
    %get3A_65 = arith.constant 0 : index
    %get3A_66 = arith.constant 0 : index
    %get3A_67 = vector.load %arg8[%get3A_65, %get3A_66] : memref<1x32xf32, #tpu.memory_space<vmem>>, vector<1x32xf32>
    %add3A_68 = vector.broadcast %get3A_67 : vector<1x32xf32> to vector<10000x32xf32>
    %add3A_69 = arith.addf %dot_general3A_64, %add3A_68 : vector<10000x32xf32>
    %get3A_70 = arith.constant 0 : index
    %get3A_71 = arith.constant 0 : index
    %get3A_72 = vector.load %arg9[%get3A_70, %get3A_71] : memref<1x32xf32, #tpu.memory_space<vmem>>, vector<1x32xf32>
    %get3A_73 = arith.constant 0 : index
    %get3A_74 = arith.constant 0 : index
    %get3A_75 = vector.load %arg10[%get3A_73, %get3A_74] : memref<1x32xf32, #tpu.memory_space<vmem>>, vector<1x32xf32>
    %reduce_sum3A_76 = arith.constant dense<0.000000e+00> : vector<32xf32>
    %reduce_sum3A_77 = vector.multi_reduction <add>, %add3A_69, %reduce_sum3A_76 [0] : vector<10000x32xf32> to vector<32xf32>
    %broadcast_in_dim3A_78 = vector.shape_cast %reduce_sum3A_77 : vector<32xf32> to vector<1x32xf32>
    %div3A_79 = arith.constant 1.000000e+04 : f32
    %div3A_80 = vector.broadcast %div3A_79 : f32 to vector<1x32xf32>
    %div3A_81 = arith.divf %broadcast_in_dim3A_78, %div3A_80 : vector<1x32xf32>
    %square3A_82 = arith.mulf %add3A_69, %add3A_69 : vector<10000x32xf32>
    %reduce_sum3A_83 = arith.constant dense<0.000000e+00> : vector<32xf32>
    %reduce_sum3A_84 = vector.multi_reduction <add>, %square3A_82, %reduce_sum3A_83 [0] : vector<10000x32xf32> to vector<32xf32>
    %broadcast_in_dim3A_85 = vector.shape_cast %reduce_sum3A_84 : vector<32xf32> to vector<1x32xf32>
    %div3A_86 = arith.constant 1.000000e+04 : f32
    %div3A_87 = vector.broadcast %div3A_86 : f32 to vector<1x32xf32>
    %div3A_88 = arith.divf %broadcast_in_dim3A_85, %div3A_87 : vector<1x32xf32>
    %square3A_89 = arith.mulf %div3A_81, %div3A_81 : vector<1x32xf32>
    %sub3A_90 = arith.subf %div3A_88, %square3A_89 : vector<1x32xf32>
    %sub3A_91 = vector.broadcast %div3A_81 : vector<1x32xf32> to vector<10000x32xf32>
    %sub3A_92 = arith.subf %add3A_69, %sub3A_91 : vector<10000x32xf32>
    %add3A_93 = arith.constant 9.99999974E-6 : f32
    %add3A_94 = vector.broadcast %add3A_93 : f32 to vector<1x32xf32>
    %add3A_95 = arith.addf %sub3A_90, %add3A_94 : vector<1x32xf32>
    %rsqrt3A_96 = math.rsqrt %add3A_95 : vector<1x32xf32>
    %mul3A_97 = vector.broadcast %rsqrt3A_96 : vector<1x32xf32> to vector<10000x32xf32>
    %mul3A_98 = arith.mulf %sub3A_92, %mul3A_97 : vector<10000x32xf32>
    %mul3A_99 = vector.broadcast %get3A_72 : vector<1x32xf32> to vector<10000x32xf32>
    %mul3A_100 = arith.mulf %mul3A_98, %mul3A_99 : vector<10000x32xf32>
    %add3A_101 = vector.broadcast %get3A_75 : vector<1x32xf32> to vector<10000x32xf32>
    %add3A_102 = arith.addf %mul3A_100, %add3A_101 : vector<10000x32xf32>
    %mul3A_103 = arith.constant 5.000000e-01 : f32
    %mul3A_104 = vector.broadcast %mul3A_103 : f32 to vector<10000x32xf32>
    %mul3A_105 = arith.mulf %mul3A_104, %add3A_102 : vector<10000x32xf32>
    %mul3A_106 = arith.constant 0.707106769 : f32
    %mul3A_107 = vector.broadcast %mul3A_106 : f32 to vector<10000x32xf32>
    %mul3A_108 = arith.mulf %add3A_102, %mul3A_107 : vector<10000x32xf32>
    %erf3A_109 = math.erf %mul3A_108 : vector<10000x32xf32>
    %add3A_110 = arith.constant 1.000000e+00 : f32
    %add3A_111 = vector.broadcast %add3A_110 : f32 to vector<10000x32xf32>
    %add3A_112 = arith.addf %add3A_111, %erf3A_109 : vector<10000x32xf32>
    %mul3A_113 = arith.mulf %mul3A_105, %add3A_112 : vector<10000x32xf32>
    %broadcast_in_dim3A_114 = arith.constant 0.000000e+00 : f32
    %broadcast_in_dim3A_115 = vector.broadcast %broadcast_in_dim3A_114 : f32 to vector<10000x96xf32>
    %concatenate3A = tpu.concatenate %mul3A_113, %broadcast_in_dim3A_115 in 1 : vector<10000x32xf32>, vector<10000x96xf32> -> vector<10000x128xf32>
    %broadcast_in_dim3A_116 = arith.constant 0.000000e+00 : f32
    %broadcast_in_dim3A_117 = vector.broadcast %broadcast_in_dim3A_116 : f32 to vector<240x128xf32>
    %concatenate3A_118 = tpu.concatenate %concatenate3A, %broadcast_in_dim3A_117 in 0 : vector<10000x128xf32>, vector<240x128xf32> -> vector<10240x128xf32>
    %swap3A = arith.constant 0 : index
    %swap3A_119 = arith.constant 0 : index
    %swap3A_120 = vector.load %arg11[%swap3A, %swap3A_119] : memref<10240x128xf32, #tpu.memory_space<vmem>>, vector<10240x128xf32>
    tpu.vector_store %arg11[%swap3A, %swap3A_119], %concatenate3A_118 {strides = array<i32>} : memref<10240x128xf32, #tpu.memory_space<vmem>>, vector<10240x128xf32>,
    return
  }
}

module attributes {stable_mosaic.version = 14 : i64} {
  func.func @_node2_body(%arg0: memref<10240x128xf32, #tpu.memory_space<vmem>>, %arg1: memref<20480x128xf32, #tpu.memory_space<vmem>>, %arg2: memref<1xf32, #tpu.memory_space<smem>>, %arg3: memref<32x64xf32, #tpu.memory_space<vmem>>, %arg4: memref<1x64xf32, #tpu.memory_space<vmem>>, %arg5: memref<1x64xf32, #tpu.memory_space<vmem>>, %arg6: memref<1x64xf32, #tpu.memory_space<vmem>>, %arg7: memref<64x64xf32, #tpu.memory_space<vmem>>, %arg8: memref<1x64xf32, #tpu.memory_space<vmem>>, %arg9: memref<1x64xf32, #tpu.memory_space<vmem>>, %arg10: memref<1x64xf32, #tpu.memory_space<vmem>>, %arg11: memref<64x64xf32, #tpu.memory_space<vmem>>, %arg12: memref<1x64xf32, #tpu.memory_space<vmem>>, %arg13: memref<10000x64xf32, #tpu.memory_space<vmem>>) attributes {dimension_semantics = [], scalar_prefetch = 0 : i64, scratch_operands = 0 : i64, tpu.core_type = #tpu.core_type<tc>} {
    %get3A = arith.constant 0 : index
    %get3A_0 = arith.constant 0 : index
    %get3A_1 = vector.load %arg0[%get3A, %get3A_0] : memref<10240x128xf32, #tpu.memory_space<vmem>>, vector<10000x32xf32>
    %get3A_2 = arith.constant 0 : index
    %get3A_3 = memref.load %arg2[%get3A_2] : memref<1xf32, #tpu.memory_space<smem>>
    %add3A = arith.constant 1.000000e+00 : f32
    %add3A_4 = arith.addf %add3A, %get3A_3 : f32
    %mul3A = vector.broadcast %add3A_4 : f32 to vector<10000x32xf32>
    %mul3A_5 = arith.mulf %mul3A, %get3A_1 : vector<10000x32xf32>
    %get3A_6 = arith.constant 0 : index
    %get3A_7 = arith.constant 0 : index
    %get3A_8 = vector.load %arg1[%get3A_6, %get3A_7] : memref<20480x128xf32, #tpu.memory_space<vmem>>, vector<10000x32xf32>
    %add3A_9 = arith.addf %mul3A_5, %get3A_8 : vector<10000x32xf32>
    %get3A_10 = arith.constant 10240 : index
    %get3A_11 = arith.constant 0 : index
    %get3A_12 = vector.load %arg1[%get3A_10, %get3A_11] : memref<20480x128xf32, #tpu.memory_space<vmem>>, vector<10000x32xf32>
    %add3A_13 = arith.addf %add3A_9, %get3A_12 : vector<10000x32xf32>
    %get3A_14 = arith.constant 0 : index
    %get3A_15 = arith.constant 0 : index
    %get3A_16 = vector.load %arg3[%get3A_14, %get3A_15] : memref<32x64xf32, #tpu.memory_space<vmem>>, vector<32x64xf32>
    %dot_general3A = arith.constant dense<0.000000e+00> : vector<10000x64xf32>
    %dot_general3A_17 = tpu.matmul %add3A_13, %get3A_16, %dot_general3A {dimension_numbers = #tpu.dot_dimension_numbers<[1], [0], [0], [1], [0, 0, 1, 1], [], []>, transpose_lhs_hint = false} : vector<10000x32xf32>, vector<32x64xf32>, vector<10000x64xf32> -> vector<10000x64xf32>
    %get3A_18 = arith.constant 0 : index
    %get3A_19 = arith.constant 0 : index
    %get3A_20 = vector.load %arg4[%get3A_18, %get3A_19] : memref<1x64xf32, #tpu.memory_space<vmem>>, vector<1x64xf32>
    %add3A_21 = vector.broadcast %get3A_20 : vector<1x64xf32> to vector<10000x64xf32>
    %add3A_22 = arith.addf %dot_general3A_17, %add3A_21 : vector<10000x64xf32>
    %get3A_23 = arith.constant 0 : index
    %get3A_24 = arith.constant 0 : index
    %get3A_25 = vector.load %arg5[%get3A_23, %get3A_24] : memref<1x64xf32, #tpu.memory_space<vmem>>, vector<1x64xf32>
    %get3A_26 = arith.constant 0 : index
    %get3A_27 = arith.constant 0 : index
    %get3A_28 = vector.load %arg6[%get3A_26, %get3A_27] : memref<1x64xf32, #tpu.memory_space<vmem>>, vector<1x64xf32>
    %reduce_sum3A = arith.constant dense<0.000000e+00> : vector<64xf32>
    %reduce_sum3A_29 = vector.multi_reduction <add>, %add3A_22, %reduce_sum3A [0] : vector<10000x64xf32> to vector<64xf32>
    %broadcast_in_dim3A = vector.shape_cast %reduce_sum3A_29 : vector<64xf32> to vector<1x64xf32>
    %div3A = arith.constant 1.000000e+04 : f32
    %div3A_30 = vector.broadcast %div3A : f32 to vector<1x64xf32>
    %div3A_31 = arith.divf %broadcast_in_dim3A, %div3A_30 : vector<1x64xf32>
    %square3A = arith.mulf %add3A_22, %add3A_22 : vector<10000x64xf32>
    %reduce_sum3A_32 = arith.constant dense<0.000000e+00> : vector<64xf32>
    %reduce_sum3A_33 = vector.multi_reduction <add>, %square3A, %reduce_sum3A_32 [0] : vector<10000x64xf32> to vector<64xf32>
    %broadcast_in_dim3A_34 = vector.shape_cast %reduce_sum3A_33 : vector<64xf32> to vector<1x64xf32>
    %div3A_35 = arith.constant 1.000000e+04 : f32
    %div3A_36 = vector.broadcast %div3A_35 : f32 to vector<1x64xf32>
    %div3A_37 = arith.divf %broadcast_in_dim3A_34, %div3A_36 : vector<1x64xf32>
    %square3A_38 = arith.mulf %div3A_31, %div3A_31 : vector<1x64xf32>
    %sub3A = arith.subf %div3A_37, %square3A_38 : vector<1x64xf32>
    %sub3A_39 = vector.broadcast %div3A_31 : vector<1x64xf32> to vector<10000x64xf32>
    %sub3A_40 = arith.subf %add3A_22, %sub3A_39 : vector<10000x64xf32>
    %add3A_41 = arith.constant 9.99999974E-6 : f32
    %add3A_42 = vector.broadcast %add3A_41 : f32 to vector<1x64xf32>
    %add3A_43 = arith.addf %sub3A, %add3A_42 : vector<1x64xf32>
    %rsqrt3A = math.rsqrt %add3A_43 : vector<1x64xf32>
    %mul3A_44 = vector.broadcast %rsqrt3A : vector<1x64xf32> to vector<10000x64xf32>
    %mul3A_45 = arith.mulf %sub3A_40, %mul3A_44 : vector<10000x64xf32>
    %mul3A_46 = vector.broadcast %get3A_25 : vector<1x64xf32> to vector<10000x64xf32>
    %mul3A_47 = arith.mulf %mul3A_45, %mul3A_46 : vector<10000x64xf32>
    %add3A_48 = vector.broadcast %get3A_28 : vector<1x64xf32> to vector<10000x64xf32>
    %add3A_49 = arith.addf %mul3A_47, %add3A_48 : vector<10000x64xf32>
    %mul3A_50 = arith.constant 5.000000e-01 : f32
    %mul3A_51 = vector.broadcast %mul3A_50 : f32 to vector<10000x64xf32>
    %mul3A_52 = arith.mulf %mul3A_51, %add3A_49 : vector<10000x64xf32>
    %mul3A_53 = arith.constant 0.707106769 : f32
    %mul3A_54 = vector.broadcast %mul3A_53 : f32 to vector<10000x64xf32>
    %mul3A_55 = arith.mulf %add3A_49, %mul3A_54 : vector<10000x64xf32>
    %erf3A = math.erf %mul3A_55 : vector<10000x64xf32>
    %add3A_56 = arith.constant 1.000000e+00 : f32
    %add3A_57 = vector.broadcast %add3A_56 : f32 to vector<10000x64xf32>
    %add3A_58 = arith.addf %add3A_57, %erf3A : vector<10000x64xf32>
    %mul3A_59 = arith.mulf %mul3A_52, %add3A_58 : vector<10000x64xf32>
    %get3A_60 = arith.constant 0 : index
    %get3A_61 = arith.constant 0 : index
    %get3A_62 = vector.load %arg7[%get3A_60, %get3A_61] : memref<64x64xf32, #tpu.memory_space<vmem>>, vector<64x64xf32>
    %dot_general3A_63 = arith.constant dense<0.000000e+00> : vector<10000x64xf32>
    %dot_general3A_64 = tpu.matmul %mul3A_59, %get3A_62, %dot_general3A_63 {dimension_numbers = #tpu.dot_dimension_numbers<[1], [0], [0], [1], [0, 0, 1, 1], [], []>, transpose_lhs_hint = false} : vector<10000x64xf32>, vector<64x64xf32>, vector<10000x64xf32> -> vector<10000x64xf32>
    %get3A_65 = arith.constant 0 : index
    %get3A_66 = arith.constant 0 : index
    %get3A_67 = vector.load %arg8[%get3A_65, %get3A_66] : memref<1x64xf32, #tpu.memory_space<vmem>>, vector<1x64xf32>
    %add3A_68 = vector.broadcast %get3A_67 : vector<1x64xf32> to vector<10000x64xf32>
    %add3A_69 = arith.addf %dot_general3A_64, %add3A_68 : vector<10000x64xf32>
    %get3A_70 = arith.constant 0 : index
    %get3A_71 = arith.constant 0 : index
    %get3A_72 = vector.load %arg9[%get3A_70, %get3A_71] : memref<1x64xf32, #tpu.memory_space<vmem>>, vector<1x64xf32>
    %get3A_73 = arith.constant 0 : index
    %get3A_74 = arith.constant 0 : index
    %get3A_75 = vector.load %arg10[%get3A_73, %get3A_74] : memref<1x64xf32, #tpu.memory_space<vmem>>, vector<1x64xf32>
    %reduce_sum3A_76 = arith.constant dense<0.000000e+00> : vector<64xf32>
    %reduce_sum3A_77 = vector.multi_reduction <add>, %add3A_69, %reduce_sum3A_76 [0] : vector<10000x64xf32> to vector<64xf32>
    %broadcast_in_dim3A_78 = vector.shape_cast %reduce_sum3A_77 : vector<64xf32> to vector<1x64xf32>
    %div3A_79 = arith.constant 1.000000e+04 : f32
    %div3A_80 = vector.broadcast %div3A_79 : f32 to vector<1x64xf32>
    %div3A_81 = arith.divf %broadcast_in_dim3A_78, %div3A_80 : vector<1x64xf32>
    %square3A_82 = arith.mulf %add3A_69, %add3A_69 : vector<10000x64xf32>
    %reduce_sum3A_83 = arith.constant dense<0.000000e+00> : vector<64xf32>
    %reduce_sum3A_84 = vector.multi_reduction <add>, %square3A_82, %reduce_sum3A_83 [0] : vector<10000x64xf32> to vector<64xf32>
    %broadcast_in_dim3A_85 = vector.shape_cast %reduce_sum3A_84 : vector<64xf32> to vector<1x64xf32>
    %div3A_86 = arith.constant 1.000000e+04 : f32
    %div3A_87 = vector.broadcast %div3A_86 : f32 to vector<1x64xf32>
    %div3A_88 = arith.divf %broadcast_in_dim3A_85, %div3A_87 : vector<1x64xf32>
    %square3A_89 = arith.mulf %div3A_81, %div3A_81 : vector<1x64xf32>
    %sub3A_90 = arith.subf %div3A_88, %square3A_89 : vector<1x64xf32>
    %sub3A_91 = vector.broadcast %div3A_81 : vector<1x64xf32> to vector<10000x64xf32>
    %sub3A_92 = arith.subf %add3A_69, %sub3A_91 : vector<10000x64xf32>
    %add3A_93 = arith.constant 9.99999974E-6 : f32
    %add3A_94 = vector.broadcast %add3A_93 : f32 to vector<1x64xf32>
    %add3A_95 = arith.addf %sub3A_90, %add3A_94 : vector<1x64xf32>
    %rsqrt3A_96 = math.rsqrt %add3A_95 : vector<1x64xf32>
    %mul3A_97 = vector.broadcast %rsqrt3A_96 : vector<1x64xf32> to vector<10000x64xf32>
    %mul3A_98 = arith.mulf %sub3A_92, %mul3A_97 : vector<10000x64xf32>
    %mul3A_99 = vector.broadcast %get3A_72 : vector<1x64xf32> to vector<10000x64xf32>
    %mul3A_100 = arith.mulf %mul3A_98, %mul3A_99 : vector<10000x64xf32>
    %add3A_101 = vector.broadcast %get3A_75 : vector<1x64xf32> to vector<10000x64xf32>
    %add3A_102 = arith.addf %mul3A_100, %add3A_101 : vector<10000x64xf32>
    %mul3A_103 = arith.constant 5.000000e-01 : f32
    %mul3A_104 = vector.broadcast %mul3A_103 : f32 to vector<10000x64xf32>
    %mul3A_105 = arith.mulf %mul3A_104, %add3A_102 : vector<10000x64xf32>
    %mul3A_106 = arith.constant 0.707106769 : f32
    %mul3A_107 = vector.broadcast %mul3A_106 : f32 to vector<10000x64xf32>
    %mul3A_108 = arith.mulf %add3A_102, %mul3A_107 : vector<10000x64xf32>
    %erf3A_109 = math.erf %mul3A_108 : vector<10000x64xf32>
    %add3A_110 = arith.constant 1.000000e+00 : f32
    %add3A_111 = vector.broadcast %add3A_110 : f32 to vector<10000x64xf32>
    %add3A_112 = arith.addf %add3A_111, %erf3A_109 : vector<10000x64xf32>
    %mul3A_113 = arith.mulf %mul3A_105, %add3A_112 : vector<10000x64xf32>
    %get3A_114 = arith.constant 0 : index
    %get3A_115 = arith.constant 0 : index
    %get3A_116 = vector.load %arg11[%get3A_114, %get3A_115] : memref<64x64xf32, #tpu.memory_space<vmem>>, vector<64x64xf32>
    %dot_general3A_117 = arith.constant dense<0.000000e+00> : vector<10000x64xf32>
    %dot_general3A_118 = tpu.matmul %mul3A_113, %get3A_116, %dot_general3A_117 {dimension_numbers = #tpu.dot_dimension_numbers<[1], [0], [0], [1], [0, 0, 1, 1], [], []>, transpose_lhs_hint = false} : vector<10000x64xf32>, vector<64x64xf32>, vector<10000x64xf32> -> vector<10000x64xf32>
    %get3A_119 = arith.constant 0 : index
    %get3A_120 = arith.constant 0 : index
    %get3A_121 = vector.load %arg12[%get3A_119, %get3A_120] : memref<1x64xf32, #tpu.memory_space<vmem>>, vector<1x64xf32>
    %add3A_122 = vector.broadcast %get3A_121 : vector<1x64xf32> to vector<10000x64xf32>
    %add3A_123 = arith.addf %dot_general3A_118, %add3A_122 : vector<10000x64xf32>
    %swap3A = arith.constant 0 : index
    %swap3A_124 = arith.constant 0 : index
    %swap3A_125 = vector.load %arg13[%swap3A, %swap3A_124] : memref<10000x64xf32, #tpu.memory_space<vmem>>, vector<10000x64xf32>
    tpu.vector_store %arg13[%swap3A, %swap3A_124], %add3A_123 {strides = array<i32>} : memref<10000x64xf32, #tpu.memory_space<vmem>>, vector<10000x64xf32>,
    return
  }
}

</mosaic_0001>

<sc_bundles>
// kernel: kernel.10.cloned.1.call-start
scs
__scs_entry_jumppad:
0x0: {  	(pc) =	sbr.rel $0x88, $3  }
0x1: {  	(tag) =	ssettag $0x0;
	lr =	simm.s32 $0x1  }
0x2: {  	[smem:$0x3F86] =	sst lr;
	_ =	strace $0xD0000000  }
0x3: {  	_ = 	snop  }
0x4: {  	_ = 	snop  }
0x5: {  	_ = 	snop  }
0x6: {  	_ = 	snop  }
0x7: {  	_ = 	snop  }
__scs_overlays_trampoline_lowered:
0x8: {  	[smem:$0x3F95] =	sst s0  }
0x9: {  	[smem:$0x3F96] =	sst s1  }
0xa: {  	[smem:$0x3F97] =	sst s2  }
0xb: {  	[smem:$0x3F98] =	sst s3  }
0xc: {  	[smem:$0x3F99] =	sst s4  }
0xd: {  	[smem:$0x3F9A] =	sst s5  }
0xe: {  	[smem:$0x3F9B] =	sst s6  }
0xf: {  	[smem:$0x3F9C] =	sst s7  }
0x10: {  	[smem:$0x3F9D] =	sst s8  }
0x11: {  	[smem:$0x3F9E] =	sst s9;
	s0 =	simm.s32 @!p0 $0x0  }
0x12: {  	s1 =	sld [smem:$0x3F84];
	s0 =	simm.s32 @p0 $0x1  }
0x13: {  	[smem:$0x3F9F] =	sst s0;
	s0 =	simm.s32 @!p1 $0x0  }
0x14: {  	s2 =	sld [smem:$0x3F83];
	s0 =	simm.s32 @p1 $0x1  }
0x15: {  	[smem:$0x3FA0] =	sst s0;
	s0 =	simm.s32 @!p2 $0x0  }
0x16: {  	s3 =	sld [smem:$0x3FDB];
	s0 =	simm.s32 @p2 $0x1  }
0x17: {  	s4 =	simm.s32 $0x1BF5;
	[smem:$0x3FA2] =	sst s0  }
0x18: {  	s0 =	sld [smem:$0x3F85];
	_ =	swait.ge [sflag:s4], $0x0  }
0x19: {  	s7 =	sld [smem:$0x3F86]  }
0x1a: {  	s8 =	sadd.s32 $0xFFFFE003, lr  }
0x1b: {  	s9 =	sadd.s32 $0xFFFFFEF7, lr;
	s5 =	simm.s32 $0xFFFFFFFF;
	p2 =	slt.u32 s8, $0xFFFFF086  }
0x1c: {  	p1 =	slt.u32 s9, $0xF7A;
	s5 =	simm.s32 @!p2 $0x0  }
0x1d: {  	s5 =	simm.s32 @p1 $0x1;
	p0 =	seq.s32 s7, s2  }
0x1e: {  	s7 =	smul.u32 @!p0 $0xF7A, s2;
	p2 =	seq.s32 @!p0 s5, $0x0  }
0x1f: {  	s9 =	smul.u32 $0xF7A, s1;
	s8 =	simm.s32 @!p0 $0x1BF5;
	p2 =	por !p2, p0  }
0x20: {  	[sflag:s8] =	ssyncset.s32 @!p0 $0xFFFFF086;
	s6 =	sadd.s32 @!p0 s3, s7;
	s7 =	simm.s32 @!p0 $0x108  }
0x21: {  	s3 =	sadd.s32 s3, s9;
	s6 =	sadd.s32 @!p0 $0x88, s6;
	s7 =	simm.s32 @p2 $0x1082  }
0x22: {  	[simem:s7], [sflag:s8] =	dma.local @!p0 [hbm:s6], $0xF7A  }
0x23: {  	s9 =	sor.u32 $0xD0000000, s2;
	s6 =	simm.s32 $0x108;
	_ =	swait.ge @!p0 [sflag:s8], $0x0  }
0x24: {  	s3 =	sadd.s32 $0x88, s3;
	s6 =	simm.s32 @!p1 $0x1082;
	[sflag:s4] =	ssyncset.s32 $0xFFFFF086  }
0x25: {  	[simem:s6], [sflag:s4] =	dma.local [hbm:s3], $0xF7A  }
0x26: {  	[smem:$0x3F86] =	sst s1;
	(tag) =	ssettag s2;
	_ =	strace s9  }
0x27: {  	s1 =	sld [smem:$0x3F96]  }
0x28: {  	s2 =	sld [smem:$0x3F97]  }
0x29: {  	s4 =	sld [smem:$0x3F99]  }
0x2a: {  	p0 =	seq.s32 s5, $0x0;
	s5 =	sld [smem:$0x3F9A]  }
0x2b: {  	s6 =	sld [smem:$0x3F9B]  }
0x2c: {  	s7 =	sld [smem:$0x3F9C]  }
0x2d: {  	s3 =	simm.s32 $0x108;
	s8 =	sld [smem:$0x3F9D]  }
0x2e: {  	s3 =	simm.s32 @!p0 $0x1082;
	s9 =	sld [smem:$0x3F9E]  }
0x2f: {  	lr =	sadd.s32 s0, s3;
	s0 =	sld [smem:$0x3F95]  }
0x30: {  	s3 =	sld [smem:$0x3F98]  }
0x31: {  	[smem:$0x3FA1] =	sst s10  }
0x32: {  	s10 =	sld [smem:$0x3F9F];
	_ =	sdelay $0x3  }
0x33: {  	p0 =	seq.s32 s10, $0x1;
	s10 =	sld [smem:$0x3FA1];
	_ =	sdelay $0x3  }
0x34: {  	[smem:$0x3FA1] =	sst s10  }
0x35: {  	s10 =	sld [smem:$0x3FA0];
	_ =	sdelay $0x3  }
0x36: {  	p1 =	seq.s32 s10, $0x1;
	s10 =	sld [smem:$0x3FA1];
	_ =	sdelay $0x3  }
0x37: {  	[smem:$0x3FA1] =	sst s10  }
0x38: {  	s10 =	sld [smem:$0x3FA2]  }
0x39: {  	_ = 	snop;
	(pc) =	sbr.ind lr, $3  }
0x3a: {  	_ = 	snop  }
0x3b: {  	_ = 	snop  }
0x3c: {  	p2 =	seq.s32 s10, $0x1;
	s10 =	sld [smem:$0x3FA1]  }
0x3d: {  	_ =	shalt  }
0x3e: {  	_ =	shalt  }
0x3f: {  	_ =	shalt  }
0x40: {  	_ =	shalt  }
0x41: {  	_ =	shalt  }
0x42: {  	_ =	shalt  }
0x43: {  	_ =	shalt  }
0x44: {  	_ =	shalt  }
0x45: {  	_ =	shalt  }
0x46: {  	_ =	shalt  }
0x47: {  	_ =	shalt  }
0x48: {  	_ =	shalt  }
0x49: {  	_ =	shalt  }
0x4a: {  	_ =	shalt  }
0x4b: {  	_ =	shalt  }
0x4c: {  	_ =	shalt  }
0x4d: {  	_ =	shalt  }
0x4e: {  	_ =	shalt  }
0x4f: {  	_ =	shalt  }
0x50: {  	_ =	shalt  }
0x51: {  	_ =	shalt  }
0x52: {  	_ =	shalt  }
0x53: {  	_ =	shalt  }
0x54: {  	_ =	shalt  }
0x55: {  	_ =	shalt  }
0x56: {  	_ =	shalt  }
0x57: {  	_ =	shalt  }
0x58: {  	_ =	shalt  }
0x59: {  	_ =	shalt  }
0x5a: {  	_ =	shalt  }
0x5b: {  	_ =	shalt  }
0x5c: {  	_ =	shalt  }
0x5d: {  	_ =	shalt  }
0x5e: {  	_ =	shalt  }
0x5f: {  	_ =	shalt  }
0x60: {  	_ =	shalt  }
0x61: {  	_ =	shalt  }
0x62: {  	_ =	shalt  }
0x63: {  	_ =	shalt  }
0x64: {  	_ =	shalt  }
0x65: {  	_ =	shalt  }
0x66: {  	_ =	shalt  }
0x67: {  	_ =	shalt  }
0x68: {  	_ =	shalt  }
0x69: {  	_ =	shalt  }
0x6a: {  	_ =	shalt  }
0x6b: {  	_ =	shalt  }
0x6c: {  	_ =	shalt  }
0x6d: {  	_ =	shalt  }
0x6e: {  	_ =	shalt  }
0x6f: {  	_ =	shalt  }
0x70: {  	_ =	shalt  }
0x71: {  	_ =	shalt  }
0x72: {  	_ =	shalt  }
0x73: {  	_ =	shalt  }
0x74: {  	_ =	shalt  }
0x75: {  	_ =	shalt  }
0x76: {  	_ =	shalt  }
0x77: {  	_ =	shalt  }
0x78: {  	_ =	shalt  }
0x79: {  	_ =	shalt  }
0x7a: {  	_ =	shalt  }
0x7b: {  	_ =	shalt  }
0x7c: {  	_ =	shalt  }
0x7d: {  	_ =	shalt  }
0x7e: {  	_ =	shalt  }
0x7f: {  	_ =	shalt  }
0x80: {  	_ =	shalt  }
0x81: {  	_ =	shalt  }
0x82: {  	_ =	shalt  }
0x83: {  	_ =	shalt  }
0x84: {  	_ =	shalt  }
0x85: {  	_ =	shalt  }
0x86: {  	_ =	shalt  }
0x87: {  	_ =	shalt  }
.Lfunc_end0:
.L_simem_size_0:
called_computation.1_lowered:
.L_overlay_start_0:
0x88: {  	s2 =	sld [smem:$0x3FD9]  }
0x89: {  	s3 =	sld [smem:$0x3FFE];
	_ =	sdelay $0x1  }
0x8a: {  	s1 =	srdreg.scid  }
0x8b: {  	s0 =	sand.u32 $0x1, s1  }
0x8c: {  	s17 =	sshll.u32 s0, $0xA;
	s2 =	sadd.s32 s3, s2  }
0x8d: {  	s2 =	sadd.s32 s2, s17  }
0x8e: {  	[smem:$0x3FAD] =	sst s2  }
0x8f: {  	_ = 	snop  }
0x90: {  	s2 =	sld [smem:$0x3FD0];
	(tm) =	ssettm $0x1  }
0x91: {  	s18 =	sld [smem:$0x3FFB];
	_ =	sdelay $0x3  }
0x92: {  	_ =	strace s18  }
0x93: {  	s3 =	sld [smem:$0x3FFC];
	_ =	sdelay $0x3  }
0x94: {  	_ =	strace s3  }
0x95: {  	s3 =	sld [smem:$0x3FFD];
	_ =	sdelay $0x3  }
0x96: {  	_ =	strace s3  }
0x97: {  	_ =	strace $0x8FFFFFFF  }
0x98: {  	s19 =	sld [smem:$0x3FDB];
	_ =	sdelay $0x1  }
0x99: {  	s4 =	simm.s32 $_scs_section_size  }
0x9a: {  	s5 =	simm.s32 $_size__tile_overlayer_lowered;
	s6 =	simm.s32 $_tile_overlayer_lowered  }
0x9b: {  	s22 =	simm.s32 $0x1BFF;
	s21 =	sshll.u32 s6, $0x1;
	s3 =	sadd.s32 s4, s19  }
0x9c: {  	s7 =	simm.s32 $0x0;
	s20 =	sshll.u32 s5, $0x1;
	s5 =	sadd.s32 s21, s3  }
0x9d: {  	[timem:s7], [sflag:s22] =	dma.local [hbm:s5], s20  }
0x9e: {  	_ =	swait.ge [sflag:s22], s20  }
0x9f: {  	s4 =	ssub.s32 $0x0, s20;
	[sflag:s22] =	ssyncset.done $0x0  }
0xa0: {  	[sflag:s22] =	ssyncadd.s32 s4;
	_ =	sdelay $0x1  }
0xa1: {  	s23 =	simm.s32 $0x1B8B  }
0xa2: {  	_ =	swait.ge [sflag:s23], $0x1  }
0xa3: {  	[sflag:s23] =	ssyncset.done $0x0  }
0xa4: {  	s25 =	simm.s32 $0x1B8E;
	s24 =	sld [smem:$0x3FFE];
	[sflag:s23] =	ssyncadd.s32 $0xFFFFFFFF  }
0xa5: {  	s26 =	simm.s32 $execute0_lowered;
	[smem:$0x3FD2] =	sst s25  }
0xa6: {  	s5 =	sshll.u32 s26, $0x1;
	_ =	strace $0x80000049;
	[dreg:$0x1] =	wrdreg $0xFFFFFFFF  }
0xa7: {  	s28 =	simm.s32 $_size_execute0_lowered;
	s3 =	sadd.s32 s3, s5;
	[dreg:$0x0] =	wrdreg $0x0  }
0xa8: {  	s5 =	sshll.u32 s28, $0x1;
	[dreg:$0x2] =	wrdreg s3  }
0xa9: {  	[dreg:$0x3] =	wrdreg s5  }
0xaa: {  	[dreg:$0x4] =	wrdreg $0xC0  }
0xab: {  	_ =	task [dreg:s7], $0x5FFFF  }
0xac: {  	[dreg:$0x1] =	wrdreg $0xFFFFFFFF  }
0xad: {  	[dreg:$0x0] =	wrdreg $0x60  }
0xae: {  	[dreg:$0x2] =	wrdreg s24  }
0xaf: {  	[dreg:$0x3] =	wrdreg s2  }
0xb0: {  	[dreg:$0x4] =	wrdreg $0xB6000  }
0xb1: {  	[dreg:$0x5] =	wrdreg $0x9  }
0xb2: {  	_ =	task.clear_ibuf [dreg:s7], $0x6FFFF;
	_ =	strace $0x90000049  }
0xb3: {  	s29 =	simm.s32 $0x9;
	_ =	strace $0x8000004B  }
0xb4: {  	_ =	swait.ge [sflag:s29], $0x1  }
0xb5: {  	[sflag:s29] =	ssyncadd.s32 $0xFFFFFFFF  }
0xb6: {  	_ =	strace $0x9000004B  }
0xb7: {  	_ =	sfence  }
0xb8: {  	s30 =	sld [smem:$0x0];
	_ =	sdelay $0x2  }
0xb9: {  	s31 =	sshll.u32 s1, $0xD;
	s1 =	sshrl.u32 s1, $0x2  }
0xba: {  	s3 =	sand.u32 $0x4000, s31;
	s1 =	sadd.s32 s1, s30  }
0xbb: {  	s0 =	sor.u32 s3, s0;
	s1 =	sshll.u32 s1, $0x11  }
0xbc: {  	s0 =	sor.u32 s1, s0  }
0xbd: {  	s0 =	sadd.s32 $0x8F2B, s0  }
0xbe: {  	[sflag:s0] =	ssyncadd.remote.s32 $0x1  }
0xbf: {  	_ =	sfence.sel $0xFFFF  }
0xc0: {  	[dreg:$0x0] =	wrdreg $0xFFFFFFFF;
	(pc) =	sbr.abs _section_cstart, $3  }
0xc1: {  	[dreg:$0x1] =	wrdreg $0xFFFFFFFF  }
0xc2: {  	_ =	task.clear_ibuf [dreg:s7], $0x2FFFF;
	_ =	strace $0x9FFFFFFF  }
0xc3: {  	(tm) =	ssettm $0x7FFFFFFF  }
tec
execute0_lowered:
.L_overlay_start_1:
0x0: {  	(tag) =	ssettag $0x1  }
0x1: {  	s0 =	rddreg [dreg:$0x0]  }
0x2: {  	s2 =	rddreg [dreg:$0x1]  }
0x3: {  	s3 =	rddreg [dreg:$0x2]  }
0x4: {  	s1 =	srdreg.scid;
	s11 =	stileid.u32  }
0x5: {  	s4 =	simm.s32 $0x0;
	s1 =	sand.u32 $0x1, s1;
	s8 =	smul.u32 $0x280, s11  }
0x6: {  	[smem:$0x7FF] =	sst s4;
	s9 =	smul.u32 $0x2800, s1  }
0x7: {  	s5 =	sadd.s32 $0xDA00, s0;
	s7 =	sadd.s32 $0xEE5A00, s0;
	s17 =	sshll.u32 s1, $0x4  }
0x8: {  	s10 =	smul.u32 $0x50000, s11;
	s8 =	sadd.s32 s8, s9;
	s9 =	sor.u32 s11, s17  }
0x9: {  	s6 =	sadd.s32 $0x3A00, s0;
	_ =	strace $0x8000004A;
	s12 =	smul.u32 $0x2800, s9  }
0xa: {  	s19 =	sshrl.u32 s10, $0x2;
	s8 =	sshll.u32 s8, $0x4;
	s9 =	smul.u32 $0x28000, s9  }
0xb: {  	s0 =	sadd.s32 s8, s0;
	s8 =	sadd.s32 s19, s3;
	s20 =	sshrl.u32 s12, $0x3  }
0xc: {  	s21 =	sor.u32 $0x50, s12;
	s9 =	sadd.s32 s7, s9;
	[dreg:$0x4] =	wrdreg s8  }
0xd: {  	s15 =	sor.u32 $0xA0, s12;
	s11 =	sadd.s32 $0x35C80, s0;
	[dreg:$0x9] =	wrdreg s9  }
0xe: {  	s16 =	sor.u32 $0xF0, s12;
	s12 =	sadd.s32 $0x35F00, s0;
	[dreg:$0xc] =	wrdreg s11  }
0xf: {  	s1 =	ssub.s32 $0x2, s1;
	s14 =	sadd.s32 $0x36400, s0;
	[dreg:$0xd] =	wrdreg s12  }
0x10: {  	s18 =	sshrl.u32 s1, $0x1;
	s17 =	sadd.s32 $0x36680, s0;
	[dreg:$0xf] =	wrdreg s14  }
0x11: {  	s1 =	ssub.s32 s1, s18;
	s18 =	sadd.s32 $0x36900, s0;
	[dreg:$0x10] =	wrdreg s17  }
0x12: {  	s19 =	sadd.s32 $0x36B80, s0;
	[dreg:$0x11] =	wrdreg s18  }
0x13: {  	s13 =	sadd.s32 s2, s20;
	[dreg:$0x12] =	wrdreg s19  }
0x14: {  	s10 =	sadd.s32 s6, s20;
	[dreg:$0x5] =	wrdreg s13  }
0x15: {  	s22 =	sshrl.u32 s21, $0x3;
	s20 =	sadd.s32 $0x36E00, s0;
	[dreg:$0x6] =	wrdreg s10  }
0x16: {  	s24 =	sshll.u32 s21, $0x4;
	s21 =	sadd.s32 $0x37080, s0;
	[dreg:$0x13] =	wrdreg s20  }
0x17: {  	s9 =	smax.u32 s1, $0x1;
	[dreg:$0x14] =	wrdreg s21  }
0x18: {  	s11 =	sadd.s32 $0x5000, s8;
	[dreg:$0x1b] =	wrdreg s9  }
0x19: {  	s12 =	sadd.s32 $0x6400, s8;
	[dreg:$0x1f] =	wrdreg s11  }
0x1a: {  	s14 =	sadd.s32 $0x8C00, s8;
	[smem:$0x7F3] =	sst s12  }
0x1b: {  	s17 =	sadd.s32 $0xA000, s8;
	[smem:$0x7F5] =	sst s14  }
0x1c: {  	s18 =	sadd.s32 $0xB400, s8;
	[smem:$0x7F6] =	sst s17  }
0x1d: {  	s19 =	sadd.s32 $0xC800, s8;
	[smem:$0x7F7] =	sst s18  }
0x1e: {  	s23 =	sadd.s32 s2, s22;
	[smem:$0x7F8] =	sst s19  }
0x1f: {  	s25 =	sadd.s32 s6, s22;
	[dreg:$0x7] =	wrdreg s23  }
0x20: {  	s26 =	sadd.s32 s7, s24;
	[dreg:$0x8] =	wrdreg s25  }
0x21: {  	s10 =	sadd.s32 $0x35A00, s0;
	[dreg:$0xa] =	wrdreg s26  }
0x22: {  	s13 =	sadd.s32 $0x36180, s0;
	[dreg:$0xb] =	wrdreg s10  }
0x23: {  	s28 =	simm.s32 $0xA200;
	s22 =	sadd.s32 $0x37300, s0;
	[dreg:$0xe] =	wrdreg s13  }
0x24: {  	s29 =	simm.s32 $0x7;
	s24 =	sadd.s32 $0x37800, s0;
	[dreg:$0x15] =	wrdreg s22  }
0x25: {  	s30 =	simm.s32 $0x100;
	s20 =	sadd.s32 $0xDC00, s8;
	[dreg:$0x17] =	wrdreg s24  }
0x26: {  	s31 =	simm.s32 $0x80;
	s21 =	sadd.s32 $0xF000, s8;
	[smem:$0x7F9] =	sst s20  }
0x27: {  	s1 =	simm.s32 $0x5200;
	s23 =	sadd.s32 $0x37580, s0;
	[smem:$0x7FA] =	sst s21  }
0x28: {  	s9 =	simm.s32 $0x7A00;
	s25 =	sadd.s32 $0x37A80, s0;
	[dreg:$0x16] =	wrdreg s23  }
0x29: {  	s11 =	simm.s32 $0x50;
	s26 =	sadd.s32 $0x37D00, s0;
	[dreg:$0x18] =	wrdreg s25  }
0x2a: {  	s12 =	simm.s32 $0x200;
	s0 =	sadd.s32 $0x37F80, s0;
	[dreg:$0x19] =	wrdreg s26  }
0x2b: {  	s14 =	simm.s32 $0x3;
	s10 =	sadd.s32 $0x3C00, s8;
	[dreg:$0x1a] =	wrdreg s0  }
0x2c: {  	s17 =	simm.s32 $0x2;
	s13 =	sadd.s32 $0x7800, s8;
	[dreg:$0x1e] =	wrdreg s10  }
0x2d: {  	s18 =	simm.s32 $0x2A00;
	s22 =	sadd.s32 $0x10400, s8;
	[smem:$0x7F4] =	sst s13  }
0x2e: {  	s19 =	simm.s32 $0x6;
	s24 =	sadd.s32 $0x1400, s8;
	[smem:$0x7FB] =	sst s22  }
0x2f: {  	s20 =	simm.s32 $0x4;
	s23 =	sadd.s32 $0x11800, s8;
	[dreg:$0x1c] =	wrdreg s24  }
0x30: {  	s21 =	simm.s32 $0x0;
	s26 =	sadd.s32 $0x12C00, s8;
	[smem:$0x7FC] =	sst s23  }
0x31: {  	s25 =	sadd.s32 $0x2800, s8;
	s0 =	simm.s32 $0x180;
	[smem:$0x7FD] =	sst s26  }
0x32: {  	v0 =	vimm.f32 $0.0e+00;
	s10 =	simm.s32 $0x1;
	s13 =	simm.s32 $0x5;
	[dreg:$0x1d] =	wrdreg s25  }
.LBB2_1:
0x33: {  	s22 =	simm.s32 $0x0;
	s23 =	simm.s32 $0x200  }
.LBB2_2:
0x34: {  	p0 =	sne.s32 s23, $0x4E00;
	[tilespmem:s22+$0xA270] =	vst v0  }
0x35: {  	[tilespmem:s22+$0xA200] =	vst v0  }
0x36: {  	[tilespmem:s22+$0xA210] =	vst v0  }
.Ltmp0:
0x37: {  	[tilespmem:s22+$0xA220] =	vst v0;
	(pc) =	sbr.rel @p0 .LBB2_2-.Ltmp0, $4  }
0x38: {  	[tilespmem:s22+$0xA230] =	vst v0  }
0x39: {  	[tilespmem:s22+$0xA240] =	vst v0  }
0x3a: {  	[tilespmem:s22+$0xA250] =	vst v0  }
0x3b: {  	[tilespmem:s22+$0xA260] =	vst v0;
	s22 =	sshra.s32 s23, $0x2;
	s23 =	sadd.s32 $0x200, s23  }
0x3c: {  	[tilespmem:s22+$0xA270] =	vst v0  }
0x3d: {  	[tilespmem:s22+$0xA200] =	vst v0  }
0x3e: {  	[tilespmem:s22+$0xA210] =	vst v0  }
0x3f: {  	[tilespmem:s22+$0xA220] =	vst v0  }
0x40: {  	[tilespmem:s22+$0xA230] =	vst v0  }
0x41: {  	[tilespmem:s22+$0xA240] =	vst v0  }
0x42: {  	[tilespmem:s22+$0xA250] =	vst v0  }
0x43: {  	[tilespmem:s22+$0xA260] =	vst v0  }
0x44: {  	[spmem:s8] =	stream.linear.scatter [tilespmem:s28], [sflag:$0x7], $0x1400, $0x38;
	[tilespmem:$0x1F600] =	vst v63  }
0x45: {  	_ =	swait.ge [sflag:s29], $0x1400  }
0x46: {  	[sflag:s29] =	ssyncset.done $0x0  }
0x47: {  	[sflag:s29] =	ssyncadd.s32 $0xFFFFEC00  }
0x48: {  	[spmem:s24] =	stream.linear.scatter [tilespmem:s28], [sflag:$0x7], $0x1400, $0x38;
	[tilespmem:$0x1F600] =	vst v63  }
0x49: {  	_ =	swait.ge [sflag:s29], $0x1400  }
0x4a: {  	[sflag:s29] =	ssyncset.done $0x0  }
0x4b: {  	[sflag:s29] =	ssyncadd.s32 $0xFFFFEC00  }
0x4c: {  	[spmem:s25] =	stream.linear.scatter [tilespmem:s28], [sflag:$0x7], $0x1400, $0x38;
	[tilespmem:$0x1F600] =	vst v63  }
0x4d: {  	_ =	swait.ge [sflag:s29], $0x1400  }
0x4e: {  	[sflag:s29] =	ssyncset.done $0x0  }
0x4f: {  	s22 =	rddreg [dreg:$0x1e];
	[sflag:s29] =	ssyncadd.s32 $0xFFFFEC00  }
0x50: {  	[spmem:s22] =	stream.linear.scatter [tilespmem:s28], [sflag:$0x7], $0x1400, $0x38;
	[tilespmem:$0x1F600] =	vst v63  }
0x51: {  	_ =	swait.ge [sflag:s29], $0x1400  }
0x52: {  	[sflag:s29] =	ssyncset.done $0x0  }
0x53: {  	s23 =	rddreg [dreg:$0x1f];
	[sflag:s29] =	ssyncadd.s32 $0xFFFFEC00  }
0x54: {  	[spmem:s23] =	stream.linear.scatter [tilespmem:s28], [sflag:$0x7], $0x1400, $0x38;
	[tilespmem:$0x1F600] =	vst v63  }
0x55: {  	_ =	swait.ge [sflag:s29], $0x1400  }
0x56: {  	s24 =	sld [smem:$0x7F3]  }
0x57: {  	[sflag:s29] =	ssyncset.done $0x0  }
0x58: {  	[sflag:s29] =	ssyncadd.s32 $0xFFFFEC00  }
0x59: {  	[spmem:s24] =	stream.linear.scatter [tilespmem:s28], [sflag:$0x7], $0x1400, $0x38;
	[tilespmem:$0x1F600] =	vst v63  }
0x5a: {  	_ =	swait.ge [sflag:s29], $0x1400  }
0x5b: {  	s25 =	sld [smem:$0x7F4]  }
0x5c: {  	[sflag:s29] =	ssyncset.done $0x0  }
0x5d: {  	[sflag:s29] =	ssyncadd.s32 $0xFFFFEC00  }
0x5e: {  	[spmem:s25] =	stream.linear.scatter [tilespmem:s28], [sflag:$0x7], $0x1400, $0x38;
	[tilespmem:$0x1F600] =	vst v63  }
0x5f: {  	_ =	swait.ge [sflag:s29], $0x1400  }
0x60: {  	s26 =	sld [smem:$0x7F5]  }
0x61: {  	[sflag:s29] =	ssyncset.done $0x0  }
0x62: {  	[sflag:s29] =	ssyncadd.s32 $0xFFFFEC00  }
0x63: {  	[spmem:s26] =	stream.linear.scatter [tilespmem:s28], [sflag:$0x7], $0x1400, $0x38;
	[tilespmem:$0x1F600] =	vst v63  }
0x64: {  	_ =	swait.ge [sflag:s29], $0x1400  }
0x65: {  	s22 =	sld [smem:$0x7F6]  }
0x66: {  	[sflag:s29] =	ssyncset.done $0x0  }
0x67: {  	[sflag:s29] =	ssyncadd.s32 $0xFFFFEC00  }
0x68: {  	[spmem:s22] =	stream.linear.scatter [tilespmem:s28], [sflag:$0x7], $0x1400, $0x38;
	[tilespmem:$0x1F600] =	vst v63  }
0x69: {  	_ =	swait.ge [sflag:s29], $0x1400  }
0x6a: {  	s23 =	sld [smem:$0x7F7]  }
0x6b: {  	[sflag:s29] =	ssyncset.done $0x0  }
0x6c: {  	[sflag:s29] =	ssyncadd.s32 $0xFFFFEC00  }
0x6d: {  	[spmem:s23] =	stream.linear.scatter [tilespmem:s28], [sflag:$0x7], $0x1400, $0x38;
	[tilespmem:$0x1F600] =	vst v63  }
0x6e: {  	_ =	swait.ge [sflag:s29], $0x1400  }
0x6f: {  	s24 =	sld [smem:$0x7F8]  }
0x70: {  	[sflag:s29] =	ssyncset.done $0x0  }
0x71: {  	[sflag:s29] =	ssyncadd.s32 $0xFFFFEC00  }
0x72: {  	[spmem:s24] =	stream.linear.scatter [tilespmem:s28], [sflag:$0x7], $0x1400, $0x38;
	[tilespmem:$0x1F600] =	vst v63  }
0x73: {  	_ =	swait.ge [sflag:s29], $0x1400  }
0x74: {  	s25 =	sld [smem:$0x7F9]  }
0x75: {  	[sflag:s29] =	ssyncset.done $0x0  }
0x76: {  	[sflag:s29] =	ssyncadd.s32 $0xFFFFEC00  }
0x77: {  	[spmem:s25] =	stream.linear.scatter [tilespmem:s28], [sflag:$0x7], $0x1400, $0x38;
	[tilespmem:$0x1F600] =	vst v63  }
0x78: {  	_ =	swait.ge [sflag:s29], $0x1400  }
0x79: {  	s26 =	sld [smem:$0x7FA]  }
0x7a: {  	[sflag:s29] =	ssyncset.done $0x0  }
0x7b: {  	[sflag:s29] =	ssyncadd.s32 $0xFFFFEC00  }
0x7c: {  	[spmem:s26] =	stream.linear.scatter [tilespmem:s28], [sflag:$0x7], $0x1400, $0x38;
	[tilespmem:$0x1F600] =	vst v63  }
0x7d: {  	_ =	swait.ge [sflag:s29], $0x1400  }
0x7e: {  	s22 =	sld [smem:$0x7FB]  }
0x7f: {  	[sflag:s29] =	ssyncset.done $0x0  }
0x80: {  	[sflag:s29] =	ssyncadd.s32 $0xFFFFEC00  }
0x81: {  	[spmem:s22] =	stream.linear.scatter [tilespmem:s28], [sflag:$0x7], $0x1400, $0x38;
	[tilespmem:$0x1F600] =	vst v63  }
0x82: {  	_ =	swait.ge [sflag:s29], $0x1400  }
0x83: {  	s23 =	sld [smem:$0x7FC]  }
0x84: {  	[sflag:s29] =	ssyncset.done $0x0  }
0x85: {  	[sflag:s29] =	ssyncadd.s32 $0xFFFFEC00  }
0x86: {  	[spmem:s23] =	stream.linear.scatter [tilespmem:s28], [sflag:$0x7], $0x1400, $0x38;
	[tilespmem:$0x1F600] =	vst v63  }
0x87: {  	_ =	swait.ge [sflag:s29], $0x1400  }
0x88: {  	s24 =	sld [smem:$0x7FD]  }
0x89: {  	[sflag:s29] =	ssyncset.done $0x0  }
0x8a: {  	[sflag:s29] =	ssyncadd.s32 $0xFFFFEC00  }
0x8b: {  	[spmem:s24] =	stream.linear.scatter [tilespmem:s28], [sflag:$0x7], $0x1400, $0x38;
	[tilespmem:$0x1F600] =	vst v63  }
0x8c: {  	_ =	swait.ge [sflag:s29], $0x1400  }
0x8d: {  	[sflag:s29] =	ssyncset.done $0x0  }
0x8e: {  	[sflag:s29] =	ssyncadd.s32 $0xFFFFEC00  }
0x8f: {  	[bflag:$0x0] =	sbarrier.arrive $0xFFFF  }
0x90: {  	s22 =	simm.s32 $0x0;
	s25 =	rddreg [dreg:$0x5]  }
0x91: {  	[tilespmem:s22], [sflag:$0x1] =	stream.linear.gather [hbm4b:s25+s22], $0x50, $0x38;
	[tilespmem:$0x1F600] =	vst v63  }
0x92: {  	s26 =	rddreg [dreg:$0x6]  }
0x93: {  	[tilespmem:s30], [sflag:$0x1] =	stream.linear.gather [hbm4b:s26+s22], $0x50, $0x38;
	[tilespmem:$0x1F600] =	vst v63  }
0x94: {  	s23 =	rddreg [dreg:$0x7]  }
0x95: {  	[tilespmem:s31], [sflag:$0x2] =	stream.linear.gather [hbm4b:s23+s22], $0x50, $0x38;
	[tilespmem:$0x1F600] =	vst v63  }
0x96: {  	s24 =	rddreg [dreg:$0x8]  }
0x97: {  	[tilespmem:s0], [sflag:$0x2] =	stream.linear.gather [hbm4b:s24+s22], $0x50, $0x38;
	[tilespmem:$0x1F600] =	vst v63  }
0x98: {  	s25 =	rddreg [dreg:$0x9]  }
0x99: {  	[tilespmem:s1], [sflag:$0x3] =	stream.linear.gather [hbm4b:s25+s22], $0x2800, $0x38;
	[tilespmem:$0x1F600] =	vst v63  }
0x9a: {  	s26 =	rddreg [dreg:$0xa]  }
0x9b: {  	[tilespmem:s9], [sflag:$0x4] =	stream.linear.gather [hbm4b:s26+s22], $0x2800, $0x38;
	[tilespmem:$0x1F600] =	vst v63  }
0x9c: {  	_ =	swait.ge [sflag:s10], $0x50  }
0x9d: {  	[sflag:s10] =	ssyncset.done $0x0  }
0x9e: {  	[sflag:s10] =	ssyncadd.s32 $0xFFFFFFB0  }
0x9f: {  	_ =	swait.ge [sflag:s10], $0x50  }
0xa0: {  	[sflag:s10] =	ssyncset.done $0x0  }
0xa1: {  	[sflag:s10] =	ssyncadd.s32 $0xFFFFFFB0  }
0xa2: {  	[tilespmem:s12], [sflag:$0x5] =	stream.indirect.gather [hbm4b:s5+s11], $0x80, s22, s11, $0xb8;
	[tilespmem:$0x1F600] =	vst v63  }
.LBB2_4:
0xa3: {  	_ =	swait.ge [sflag:s13], $0x2800  }
0xa4: {  	[sflag:s13] =	ssyncset.done $0x0  }
0xa5: {  	[sflag:s13] =	ssyncadd.s32 $0xFFFFD800  }
0xa6: {  	_ =	swait.ge [sflag:s14], $0x2800  }
0xa7: {  	[sflag:s14] =	ssyncset.done $0x0  }
0xa8: {  	[sflag:s14] =	ssyncadd.s32 $0xFFFFD800  }
0xa9: {  	_ =	swait.ge [sflag:s17], $0x50  }
0xaa: {  	[sflag:s17] =	ssyncset.done $0x0  }
0xab: {  	[sflag:s17] =	ssyncadd.s32 $0xFFFFFFB0  }
0xac: {  	_ =	swait.ge [sflag:s17], $0x50  }
0xad: {  	[sflag:s17] =	ssyncset.done $0x0  }
0xae: {  	s24 =	simm.s32 $0x0;
	[sflag:s17] =	ssyncadd.s32 $0xFFFFFFB0  }
0xaf: {  	[tilespmem:s18], [sflag:$0x6] =	stream.indirect.gather [hbm4b:s5+s11], $0x80, s31, s11, $0xb8;
	[tilespmem:$0x1F600] =	vst v63  }
0xb0: {  	v7 =	vld [tilespmem:s24+$0x5200]  }
0xb1: {  	v12 =	vld [tilespmem:s24+$0x5210]  }
0xb2: {  	v6 =	vld [tilespmem:s24+$0x5220]  }
0xb3: {  	v5 =	vld [tilespmem:s24+$0x5230]  }
0xb4: {  	v4 =	vld [tilespmem:s24+$0x5240]  }
0xb5: {  	v3 =	vld [tilespmem:s24+$0x5250]  }
0xb6: {  	v2 =	vld [tilespmem:s24+$0x5260]  }
0xb7: {  	v1 =	vld [tilespmem:s24+$0x5270]  }
0xb8: {  	v13 =	vld [tilespmem:s24+$0x200]  }
0xb9: {  	v14 =	vld [tilespmem:s24+$0x210]  }
0xba: {  	v11 =	vld [tilespmem:s24+$0x220]  }
0xbb: {  	v10 =	vld [tilespmem:s24+$0x230]  }
0xbc: {  	v9 =	vld [tilespmem:s24+$0x240]  }
0xbd: {  	v8 =	vld [tilespmem:s24+$0x250];
	v13 =	vadd.f32 v7, v13  }
0xbe: {  	s23 =	simm.s32 $0x200;
	v12 =	vadd.f32 v12, v14;
	v7 =	vld [tilespmem:s24+$0x260]  }
.LBB2_5:
0xbf: {  	s25 =	sshra.s32 s23, $0x2;
	p0 =	sne.s32 s23, $0x9E00;
	v13 =	vmax.f32 v13, $0.0e+00;
	v6 =	vadd.f32 v6, v11;
	v11 =	vld [tilespmem:s24+$0x270]  }
0xc0: {  	v14 =	vld [tilespmem:s25+$0x5200];
	[tilespmem:s24+$0x200] =	vst v13;
	v12 =	vmax.f32 v12, $0.0e+00;
	v5 =	vadd.f32 v5, v10  }
0xc1: {  	v15 =	vld [tilespmem:s25+$0x5210];
	[tilespmem:s24+$0x210] =	vst v12;
	v10 =	vmax.f32 v6, $0.0e+00;
	v4 =	vadd.f32 v4, v9  }
0xc2: {  	v6 =	vld [tilespmem:s25+$0x5220];
	[tilespmem:s24+$0x220] =	vst v10;
	v9 =	vmax.f32 v5, $0.0e+00;
	v3 =	vadd.f32 v3, v8  }
0xc3: {  	v5 =	vld [tilespmem:s25+$0x5230];
	[tilespmem:s24+$0x230] =	vst v9;
	v8 =	vmax.f32 v4, $0.0e+00;
	v2 =	vadd.f32 v2, v7  }
0xc4: {  	v4 =	vld [tilespmem:s25+$0x5240];
	[tilespmem:s24+$0x240] =	vst v8;
	v7 =	vmax.f32 v3, $0.0e+00;
	v1 =	vadd.f32 v1, v11  }
0xc5: {  	v3 =	vld [tilespmem:s25+$0x5250];
	[tilespmem:s24+$0x250] =	vst v7;
	v7 =	vmax.f32 v2, $0.0e+00  }
0xc6: {  	v2 =	vld [tilespmem:s25+$0x5260];
	[tilespmem:s24+$0x260] =	vst v7;
	v7 =	vmax.f32 v1, $0.0e+00  }
0xc7: {  	v1 =	vld [tilespmem:s25+$0x5270];
	[tilespmem:s24+$0x270] =	vst v7;
	s24 =	smov.u32 s25  }
0xc8: {  	v7 =	vld [tilespmem:s24+$0x200]  }
0xc9: {  	v12 =	vld [tilespmem:s24+$0x210]  }
.Ltmp1:
0xca: {  	v11 =	vld [tilespmem:s24+$0x220];
	(pc) =	sbr.rel @p0 .LBB2_5-.Ltmp1, $4  }
0xcb: {  	v10 =	vld [tilespmem:s24+$0x230]  }
0xcc: {  	v9 =	vld [tilespmem:s24+$0x240]  }
0xcd: {  	v13 =	vadd.f32 v14, v7;
	v8 =	vld [tilespmem:s24+$0x250]  }
0xce: {  	s23 =	sadd.s32 $0x200, s23;
	v12 =	vadd.f32 v15, v12;
	v7 =	vld [tilespmem:s24+$0x260]  }
0xcf: {  	v13 =	vmax.f32 v13, $0.0e+00;
	v6 =	vadd.f32 v6, v11;
	v11 =	vld [tilespmem:s24+$0x270]  }
0xd0: {  	[tilespmem:s24+$0x200] =	vst v13;
	v12 =	vmax.f32 v12, $0.0e+00;
	v5 =	vadd.f32 v5, v10  }
0xd1: {  	[tilespmem:s24+$0x210] =	vst v12;
	v6 =	vmax.f32 v6, $0.0e+00;
	v4 =	vadd.f32 v4, v9  }
0xd2: {  	[tilespmem:s24+$0x220] =	vst v6;
	v5 =	vmax.f32 v5, $0.0e+00;
	v3 =	vadd.f32 v3, v8  }
0xd3: {  	[tilespmem:s24+$0x230] =	vst v5;
	v4 =	vmax.f32 v4, $0.0e+00;
	v2 =	vadd.f32 v2, v7  }
0xd4: {  	[tilespmem:s24+$0x240] =	vst v4;
	v3 =	vmax.f32 v3, $0.0e+00;
	v1 =	vadd.f32 v1, v11  }
0xd5: {  	s23 =	sshll.u32 s22, $0x1;
	[tilespmem:s24+$0x250] =	vst v3;
	v2 =	vmax.f32 v2, $0.0e+00  }
0xd6: {  	s25 =	smin.u32 s23, $0x7D;
	[tilespmem:s24+$0x260] =	vst v2;
	v1 =	vmax.f32 v1, $0.0e+00  }
0xd7: {  	s26 =	smul.u32 $0x50, s25;
	[tilespmem:s24+$0x270] =	vst v1  }
0xd8: {  	[spmem:s3] =	stream.indirect.scatter.add.f32 [tilespmem:s12], [sflag:$0x7], $0x80, s30, s11, $0xb8;
	[tilespmem:$0x1F600] =	vst v63  }
0xd9: {  	s24 =	sadd.s32 s26, s15;
	_ =	swait.ge [sflag:s29], $0x2800  }
0xda: {  	s25 =	sshrl.u32 s24, $0x3;
	[sflag:s29] =	ssyncset.done $0x0  }
0xdb: {  	s8 =	simm.s32 $0x0;
	s26 =	sadd.s32 s2, s25;
	[sflag:s29] =	ssyncadd.s32 $0xFFFFD800  }
0xdc: {  	[tilespmem:s8], [sflag:$0x1] =	stream.linear.gather [hbm4b:s26+s8], $0x50, $0x38;
	[tilespmem:$0x1F600] =	vst v63  }
0xdd: {  	s24 =	sshll.u32 s24, $0x4;
	s25 =	sadd.s32 s6, s25  }
0xde: {  	[tilespmem:s30], [sflag:$0x1] =	stream.linear.gather [hbm4b:s25+s8], $0x50, $0x38;
	[tilespmem:$0x1F600] =	vst v63  }
0xdf: {  	s24 =	sadd.s32 s7, s24  }
0xe0: {  	[tilespmem:s1], [sflag:$0x3] =	stream.linear.gather [hbm4b:s24+s8], $0x2800, $0x38;
	[tilespmem:$0x1F600] =	vst v63  }
0xe1: {  	_ =	swait.ge [sflag:s19], $0x2800  }
0xe2: {  	[sflag:s19] =	ssyncset.done $0x0  }
0xe3: {  	[sflag:s19] =	ssyncadd.s32 $0xFFFFD800  }
0xe4: {  	_ =	swait.ge [sflag:s20], $0x2800  }
0xe5: {  	[sflag:s20] =	ssyncset.done $0x0  }
0xe6: {  	[sflag:s20] =	ssyncadd.s32 $0xFFFFD800  }
0xe7: {  	_ =	swait.ge [sflag:s10], $0x50  }
0xe8: {  	[sflag:s10] =	ssyncset.done $0x0  }
0xe9: {  	[sflag:s10] =	ssyncadd.s32 $0xFFFFFFB0  }
0xea: {  	_ =	swait.ge [sflag:s10], $0x50  }
0xeb: {  	[sflag:s10] =	ssyncset.done $0x0  }
0xec: {  	s24 =	simm.s32 $0x0;
	[sflag:s10] =	ssyncadd.s32 $0xFFFFFFB0  }
0xed: {  	[tilespmem:s12], [sflag:$0x5] =	stream.indirect.gather [hbm4b:s5+s11], $0x80, s8, s11, $0xb8;
	[tilespmem:$0x1F600] =	vst v63  }
0xee: {  	v7 =	vld [tilespmem:s24+$0x7A00]  }
0xef: {  	v12 =	vld [tilespmem:s24+$0x7A10]  }
0xf0: {  	v6 =	vld [tilespmem:s24+$0x7A20]  }
0xf1: {  	v5 =	vld [tilespmem:s24+$0x7A30]  }
0xf2: {  	v4 =	vld [tilespmem:s24+$0x7A40]  }
0xf3: {  	v3 =	vld [tilespmem:s24+$0x7A50]  }
0xf4: {  	v2 =	vld [tilespmem:s24+$0x7A60]  }
0xf5: {  	v1 =	vld [tilespmem:s24+$0x7A70]  }
0xf6: {  	v13 =	vld [tilespmem:s24+$0x2A00]  }
0xf7: {  	v14 =	vld [tilespmem:s24+$0x2A10]  }
0xf8: {  	v11 =	vld [tilespmem:s24+$0x2A20]  }
0xf9: {  	v10 =	vld [tilespmem:s24+$0x2A30]  }
0xfa: {  	v9 =	vld [tilespmem:s24+$0x2A40]  }
0xfb: {  	v8 =	vld [tilespmem:s24+$0x2A50];
	v13 =	vadd.f32 v7, v13  }
0xfc: {  	s25 =	simm.s32 $0x200;
	v12 =	vadd.f32 v12, v14;
	v7 =	vld [tilespmem:s24+$0x2A60]  }
.LBB2_7:
0xfd: {  	s8 =	sshra.s32 s25, $0x2;
	p0 =	sne.s32 s25, $0x9E00;
	v13 =	vmax.f32 v13, $0.0e+00;
	v6 =	vadd.f32 v6, v11;
	v11 =	vld [tilespmem:s24+$0x2A70]  }
0xfe: {  	v14 =	vld [tilespmem:s8+$0x7A00];
	[tilespmem:s24+$0x2A00] =	vst v13;
	v12 =	vmax.f32 v12, $0.0e+00;
	v5 =	vadd.f32 v5, v10  }
0xff: {  	v15 =	vld [tilespmem:s8+$0x7A10];
	[tilespmem:s24+$0x2A10] =	vst v12;
	v10 =	vmax.f32 v6, $0.0e+00;
	v4 =	vadd.f32 v4, v9  }
0x100: {  	v6 =	vld [tilespmem:s8+$0x7A20];
	[tilespmem:s24+$0x2A20] =	vst v10;
	v9 =	vmax.f32 v5, $0.0e+00;
	v3 =	vadd.f32 v3, v8  }
0x101: {  	v5 =	vld [tilespmem:s8+$0x7A30];
	[tilespmem:s24+$0x2A30] =	vst v9;
	v8 =	vmax.f32 v4, $0.0e+00;
	v2 =	vadd.f32 v2, v7  }
0x102: {  	v4 =	vld [tilespmem:s8+$0x7A40];
	[tilespmem:s24+$0x2A40] =	vst v8;
	v7 =	vmax.f32 v3, $0.0e+00;
	v1 =	vadd.f32 v1, v11  }
0x103: {  	v3 =	vld [tilespmem:s8+$0x7A50];
	[tilespmem:s24+$0x2A50] =	vst v7;
	v7 =	vmax.f32 v2, $0.0e+00  }
0x104: {  	v2 =	vld [tilespmem:s8+$0x7A60];
	[tilespmem:s24+$0x2A60] =	vst v7;
	v7 =	vmax.f32 v1, $0.0e+00  }
0x105: {  	v1 =	vld [tilespmem:s8+$0x7A70];
	[tilespmem:s24+$0x2A70] =	vst v7;
	s24 =	smov.u32 s8  }
0x106: {  	v7 =	vld [tilespmem:s24+$0x2A00]  }
0x107: {  	v12 =	vld [tilespmem:s24+$0x2A10]  }
.Ltmp2:
0x108: {  	v11 =	vld [tilespmem:s24+$0x2A20];
	(pc) =	sbr.rel @p0 .LBB2_7-.Ltmp2, $4  }
0x109: {  	v10 =	vld [tilespmem:s24+$0x2A30]  }
0x10a: {  	v9 =	vld [tilespmem:s24+$0x2A40]  }
0x10b: {  	v13 =	vadd.f32 v14, v7;
	v8 =	vld [tilespmem:s24+$0x2A50]  }
0x10c: {  	s25 =	sadd.s32 $0x200, s25;
	v12 =	vadd.f32 v15, v12;
	v7 =	vld [tilespmem:s24+$0x2A60]  }
0x10d: {  	v13 =	vmax.f32 v13, $0.0e+00;
	v6 =	vadd.f32 v6, v11;
	v63 =	vld [tilespmem:s24+$0x2A70]  }
0x10e: {  	[tilespmem:s24+$0x2A00] =	vst v13;
	v12 =	vmax.f32 v12, $0.0e+00;
	v5 =	vadd.f32 v5, v10  }
0x10f: {  	[tilespmem:s24+$0x2A10] =	vst v12;
	v6 =	vmax.f32 v6, $0.0e+00;
	v4 =	vadd.f32 v4, v9  }
0x110: {  	[tilespmem:s24+$0x2A20] =	vst v6;
	v5 =	vmax.f32 v5, $0.0e+00;
	v3 =	vadd.f32 v3, v8  }
0x111: {  	[tilespmem:s24+$0x2A30] =	vst v5;
	v4 =	vmax.f32 v4, $0.0e+00;
	v2 =	vadd.f32 v2, v7  }
0x112: {  	[tilespmem:s24+$0x2A40] =	vst v4;
	v3 =	vmax.f32 v3, $0.0e+00;
	v1 =	vadd.f32 v1, v63  }
0x113: {  	[tilespmem:s24+$0x2A50] =	vst v3;
	v2 =	vmax.f32 v2, $0.0e+00  }
0x114: {  	s8 =	smin.u32 s23, $0x7C;
	[tilespmem:s24+$0x2A60] =	vst v2;
	v1 =	vmax.f32 v1, $0.0e+00  }
0x115: {  	s8 =	smul.u32 $0x50, s8;
	[tilespmem:s24+$0x2A70] =	vst v1  }
0x116: {  	[spmem:s3] =	stream.indirect.scatter.add.f32 [tilespmem:s18], [sflag:$0x7], $0x80, s0, s11, $0xb8;
	[tilespmem:$0x1F600] =	vst v63  }
0x117: {  	s8 =	sadd.s32 s8, s16;
	_ =	swait.ge [sflag:s29], $0x2800  }
0x118: {  	s22 =	sadd.s32 $0x1, s22;
	s25 =	sshrl.u32 s8, $0x3;
	[sflag:s29] =	ssyncset.done $0x0  }
0x119: {  	p0 =	sne.s32 s22, $0x40;
	s26 =	sadd.s32 s2, s25;
	[sflag:s29] =	ssyncadd.s32 $0xFFFFD800  }
0x11a: {  	[tilespmem:s31], [sflag:$0x2] =	stream.linear.gather [hbm4b:s26+s4], $0x50, $0x38;
	[tilespmem:$0x1F600] =	vst v63  }
.Ltmp3:
0x11b: {  	_ = 	snop;
	(pc) =	sbr.rel @p0 .LBB2_4-.Ltmp3, $4  }
0x11c: {  	s8 =	sshll.u32 s8, $0x4;
	s23 =	sadd.s32 s6, s25  }
0x11d: {  	[tilespmem:s0], [sflag:$0x2] =	stream.linear.gather [hbm4b:s23+s4], $0x50, $0x38;
	[tilespmem:$0x1F600] =	vst v63  }
0x11e: {  	s8 =	sadd.s32 s7, s8  }
0x11f: {  	[tilespmem:s9], [sflag:$0x4] =	stream.linear.gather [hbm4b:s8+s4], $0x2800, $0x38;
	[tilespmem:$0x1F600] =	vst v63  }
0x120: {  	_ =	swait.ge [sflag:s13], $0x2800  }
0x121: {  	[sflag:s13] =	ssyncset.done $0x0  }
0x122: {  	[sflag:s13] =	ssyncadd.s32 $0xFFFFD800  }
0x123: {  	_ =	swait.ge [sflag:s17], $0x50  }
0x124: {  	[sflag:s17] =	ssyncset.done $0x0  }
0x125: {  	[sflag:s17] =	ssyncadd.s32 $0xFFFFFFB0  }
0x126: {  	_ =	swait.ge [sflag:s17], $0x50  }
0x127: {  	[sflag:s17] =	ssyncset.done $0x0  }
0x128: {  	[sflag:s17] =	ssyncadd.s32 $0xFFFFFFB0  }
0x129: {  	_ =	swait.ge [sflag:s14], $0x2800  }
0x12a: {  	[sflag:s14] =	ssyncset.done $0x0  }
0x12b: {  	[sflag:s14] =	ssyncadd.s32 $0xFFFFD800  }
0x12c: {  	_ =	swait.ge [sflag:s20], $0x2800  }
0x12d: {  	[sflag:s20] =	ssyncset.done $0x0  }
0x12e: {  	[sflag:s20] =	ssyncadd.s32 $0xFFFFD800  }
0x12f: {  	[bflag:$0x0] =	sbarrier.arrive $0xFFFF  }
0x130: {  	s8 =	rddreg [dreg:$0x4]  }
0x131: {  	[tilespmem:s28], [sflag:$0x7] =	stream.linear.gather [spmem:s8], $0x1400, $0x38;
	[tilespmem:$0x1F600] =	vst v63  }
0x132: {  	_ =	swait.ge [sflag:s29], $0x1400  }
0x133: {  	[sflag:s29] =	ssyncset.done $0x0  }
0x134: {  	s22 =	rddreg [dreg:$0xb];
	[sflag:s29] =	ssyncadd.s32 $0xFFFFEC00  }
0x135: {  	[hbm4b:s22+s4] =	stream.linear.scatter [tilespmem:s28], [sflag:$0x7], $0x1400, $0x38;
	[tilespmem:$0x1F600] =	vst v63  }
0x136: {  	_ =	swait.ge [sflag:s29], $0x1400  }
0x137: {  	[sflag:s29] =	ssyncset.done $0x0  }
0x138: {  	s24 =	rddreg [dreg:$0x1c];
	[sflag:s29] =	ssyncadd.s32 $0xFFFFEC00  }
0x139: {  	[tilespmem:s28], [sflag:$0x7] =	stream.linear.gather [spmem:s24], $0x1400, $0x38;
	[tilespmem:$0x1F600] =	vst v63  }
0x13a: {  	_ =	swait.ge [sflag:s29], $0x1400  }
0x13b: {  	[sflag:s29] =	ssyncset.done $0x0  }
0x13c: {  	s26 =	rddreg [dreg:$0xc];
	[sflag:s29] =	ssyncadd.s32 $0xFFFFEC00  }
0x13d: {  	[hbm4b:s26+s4] =	stream.linear.scatter [tilespmem:s28], [sflag:$0x7], $0x1400, $0x38;
	[tilespmem:$0x1F600] =	vst v63  }
0x13e: {  	_ =	swait.ge [sflag:s29], $0x1400  }
0x13f: {  	[sflag:s29] =	ssyncset.done $0x0  }
0x140: {  	s25 =	rddreg [dreg:$0x1d];
	[sflag:s29] =	ssyncadd.s32 $0xFFFFEC00  }
0x141: {  	[tilespmem:s28], [sflag:$0x7] =	stream.linear.gather [spmem:s25], $0x1400, $0x38;
	[tilespmem:$0x1F600] =	vst v63  }
0x142: {  	_ =	swait.ge [sflag:s29], $0x1400  }
0x143: {  	[sflag:s29] =	ssyncset.done $0x0  }
0x144: {  	s23 =	rddreg [dreg:$0xd];
	[sflag:s29] =	ssyncadd.s32 $0xFFFFEC00  }
0x145: {  	[hbm4b:s23+s4] =	stream.linear.scatter [tilespmem:s28], [sflag:$0x7], $0x1400, $0x38;
	[tilespmem:$0x1F600] =	vst v63  }
0x146: {  	_ =	swait.ge [sflag:s29], $0x1400  }
0x147: {  	[sflag:s29] =	ssyncset.done $0x0  }
0x148: {  	s26 =	rddreg [dreg:$0x1e];
	[sflag:s29] =	ssyncadd.s32 $0xFFFFEC00  }
0x149: {  	[tilespmem:s28], [sflag:$0x7] =	stream.linear.gather [spmem:s26], $0x1400, $0x38;
	[tilespmem:$0x1F600] =	vst v63  }
0x14a: {  	_ =	swait.ge [sflag:s29], $0x1400  }
0x14b: {  	[sflag:s29] =	ssyncset.done $0x0  }
0x14c: {  	s23 =	rddreg [dreg:$0xe];
	[sflag:s29] =	ssyncadd.s32 $0xFFFFEC00  }
0x14d: {  	[hbm4b:s23+s4] =	stream.linear.scatter [tilespmem:s28], [sflag:$0x7], $0x1400, $0x38;
	[tilespmem:$0x1F600] =	vst v63  }
0x14e: {  	_ =	swait.ge [sflag:s29], $0x1400  }
0x14f: {  	[sflag:s29] =	ssyncset.done $0x0  }
0x150: {  	s26 =	rddreg [dreg:$0x1f];
	[sflag:s29] =	ssyncadd.s32 $0xFFFFEC00  }
0x151: {  	[tilespmem:s28], [sflag:$0x7] =	stream.linear.gather [spmem:s26], $0x1400, $0x38;
	[tilespmem:$0x1F600] =	vst v63  }
0x152: {  	_ =	swait.ge [sflag:s29], $0x1400  }
0x153: {  	[sflag:s29] =	ssyncset.done $0x0  }
0x154: {  	s23 =	rddreg [dreg:$0xf];
	[sflag:s29] =	ssyncadd.s32 $0xFFFFEC00  }
0x155: {  	[hbm4b:s23+s4] =	stream.linear.scatter [tilespmem:s28], [sflag:$0x7], $0x1400, $0x38;
	[tilespmem:$0x1F600] =	vst v63  }
0x156: {  	_ =	swait.ge [sflag:s29], $0x1400  }
0x157: {  	s26 =	sld [smem:$0x7F3]  }
0x158: {  	[sflag:s29] =	ssyncset.done $0x0  }
0x159: {  	[sflag:s29] =	ssyncadd.s32 $0xFFFFEC00  }
0x15a: {  	[tilespmem:s28], [sflag:$0x7] =	stream.linear.gather [spmem:s26], $0x1400, $0x38;
	[tilespmem:$0x1F600] =	vst v63  }
0x15b: {  	_ =	swait.ge [sflag:s29], $0x1400  }
0x15c: {  	[sflag:s29] =	ssyncset.done $0x0  }
0x15d: {  	s23 =	rddreg [dreg:$0x10];
	[sflag:s29] =	ssyncadd.s32 $0xFFFFEC00  }
0x15e: {  	[hbm4b:s23+s4] =	stream.linear.scatter [tilespmem:s28], [sflag:$0x7], $0x1400, $0x38;
	[tilespmem:$0x1F600] =	vst v63  }
0x15f: {  	_ =	swait.ge [sflag:s29], $0x1400  }
0x160: {  	s26 =	sld [smem:$0x7F4]  }
0x161: {  	[sflag:s29] =	ssyncset.done $0x0  }
0x162: {  	[sflag:s29] =	ssyncadd.s32 $0xFFFFEC00  }
0x163: {  	[tilespmem:s28], [sflag:$0x7] =	stream.linear.gather [spmem:s26], $0x1400, $0x38;
	[tilespmem:$0x1F600] =	vst v63  }
0x164: {  	_ =	swait.ge [sflag:s29], $0x1400  }
0x165: {  	[sflag:s29] =	ssyncset.done $0x0  }
0x166: {  	s23 =	rddreg [dreg:$0x11];
	[sflag:s29] =	ssyncadd.s32 $0xFFFFEC00  }
0x167: {  	[hbm4b:s23+s4] =	stream.linear.scatter [tilespmem:s28], [sflag:$0x7], $0x1400, $0x38;
	[tilespmem:$0x1F600] =	vst v63  }
0x168: {  	_ =	swait.ge [sflag:s29], $0x1400  }
0x169: {  	s26 =	sld [smem:$0x7F5]  }
0x16a: {  	[sflag:s29] =	ssyncset.done $0x0  }
0x16b: {  	[sflag:s29] =	ssyncadd.s32 $0xFFFFEC00  }
0x16c: {  	[tilespmem:s28], [sflag:$0x7] =	stream.linear.gather [spmem:s26], $0x1400, $0x38;
	[tilespmem:$0x1F600] =	vst v63  }
0x16d: {  	_ =	swait.ge [sflag:s29], $0x1400  }
0x16e: {  	[sflag:s29] =	ssyncset.done $0x0  }
0x16f: {  	s23 =	rddreg [dreg:$0x12];
	[sflag:s29] =	ssyncadd.s32 $0xFFFFEC00  }
0x170: {  	[hbm4b:s23+s4] =	stream.linear.scatter [tilespmem:s28], [sflag:$0x7], $0x1400, $0x38;
	[tilespmem:$0x1F600] =	vst v63  }
0x171: {  	_ =	swait.ge [sflag:s29], $0x1400  }
0x172: {  	s26 =	sld [smem:$0x7F6]  }
0x173: {  	[sflag:s29] =	ssyncset.done $0x0  }
0x174: {  	[sflag:s29] =	ssyncadd.s32 $0xFFFFEC00  }
0x175: {  	[tilespmem:s28], [sflag:$0x7] =	stream.linear.gather [spmem:s26], $0x1400, $0x38;
	[tilespmem:$0x1F600] =	vst v63  }
0x176: {  	_ =	swait.ge [sflag:s29], $0x1400  }
0x177: {  	[sflag:s29] =	ssyncset.done $0x0  }
0x178: {  	s23 =	rddreg [dreg:$0x13];
	[sflag:s29] =	ssyncadd.s32 $0xFFFFEC00  }
0x179: {  	[hbm4b:s23+s4] =	stream.linear.scatter [tilespmem:s28], [sflag:$0x7], $0x1400, $0x38;
	[tilespmem:$0x1F600] =	vst v63  }
0x17a: {  	_ =	swait.ge [sflag:s29], $0x1400  }
0x17b: {  	s26 =	sld [smem:$0x7F7]  }
0x17c: {  	[sflag:s29] =	ssyncset.done $0x0  }
0x17d: {  	[sflag:s29] =	ssyncadd.s32 $0xFFFFEC00  }
0x17e: {  	[tilespmem:s28], [sflag:$0x7] =	stream.linear.gather [spmem:s26], $0x1400, $0x38;
	[tilespmem:$0x1F600] =	vst v63  }
0x17f: {  	_ =	swait.ge [sflag:s29], $0x1400  }
0x180: {  	[sflag:s29] =	ssyncset.done $0x0  }
0x181: {  	s23 =	rddreg [dreg:$0x14];
	[sflag:s29] =	ssyncadd.s32 $0xFFFFEC00  }
0x182: {  	[hbm4b:s23+s4] =	stream.linear.scatter [tilespmem:s28], [sflag:$0x7], $0x1400, $0x38;
	[tilespmem:$0x1F600] =	vst v63  }
0x183: {  	_ =	swait.ge [sflag:s29], $0x1400  }
0x184: {  	s26 =	sld [smem:$0x7F8]  }
0x185: {  	[sflag:s29] =	ssyncset.done $0x0  }
0x186: {  	[sflag:s29] =	ssyncadd.s32 $0xFFFFEC00  }
0x187: {  	[tilespmem:s28], [sflag:$0x7] =	stream.linear.gather [spmem:s26], $0x1400, $0x38;
	[tilespmem:$0x1F600] =	vst v63  }
0x188: {  	_ =	swait.ge [sflag:s29], $0x1400  }
0x189: {  	[sflag:s29] =	ssyncset.done $0x0  }
0x18a: {  	s23 =	rddreg [dreg:$0x15];
	[sflag:s29] =	ssyncadd.s32 $0xFFFFEC00  }
0x18b: {  	[hbm4b:s23+s4] =	stream.linear.scatter [tilespmem:s28], [sflag:$0x7], $0x1400, $0x38;
	[tilespmem:$0x1F600] =	vst v63  }
0x18c: {  	_ =	swait.ge [sflag:s29], $0x1400  }
0x18d: {  	s26 =	sld [smem:$0x7F9]  }
0x18e: {  	[sflag:s29] =	ssyncset.done $0x0  }
0x18f: {  	[sflag:s29] =	ssyncadd.s32 $0xFFFFEC00  }
0x190: {  	[tilespmem:s28], [sflag:$0x7] =	stream.linear.gather [spmem:s26], $0x1400, $0x38;
	[tilespmem:$0x1F600] =	vst v63  }
0x191: {  	_ =	swait.ge [sflag:s29], $0x1400  }
0x192: {  	[sflag:s29] =	ssyncset.done $0x0  }
0x193: {  	s23 =	rddreg [dreg:$0x16];
	[sflag:s29] =	ssyncadd.s32 $0xFFFFEC00  }
0x194: {  	[hbm4b:s23+s4] =	stream.linear.scatter [tilespmem:s28], [sflag:$0x7], $0x1400, $0x38;
	[tilespmem:$0x1F600] =	vst v63  }
0x195: {  	_ =	swait.ge [sflag:s29], $0x1400  }
0x196: {  	s26 =	sld [smem:$0x7FA]  }
0x197: {  	[sflag:s29] =	ssyncset.done $0x0  }
0x198: {  	[sflag:s29] =	ssyncadd.s32 $0xFFFFEC00  }
0x199: {  	[tilespmem:s28], [sflag:$0x7] =	stream.linear.gather [spmem:s26], $0x1400, $0x38;
	[tilespmem:$0x1F600] =	vst v63  }
0x19a: {  	_ =	swait.ge [sflag:s29], $0x1400  }
0x19b: {  	[sflag:s29] =	ssyncset.done $0x0  }
0x19c: {  	s23 =	rddreg [dreg:$0x17];
	[sflag:s29] =	ssyncadd.s32 $0xFFFFEC00  }
0x19d: {  	[hbm4b:s23+s4] =	stream.linear.scatter [tilespmem:s28], [sflag:$0x7], $0x1400, $0x38;
	[tilespmem:$0x1F600] =	vst v63  }
0x19e: {  	_ =	swait.ge [sflag:s29], $0x1400  }
0x19f: {  	s26 =	sld [smem:$0x7FB]  }
0x1a0: {  	[sflag:s29] =	ssyncset.done $0x0  }
0x1a1: {  	[sflag:s29] =	ssyncadd.s32 $0xFFFFEC00  }
0x1a2: {  	[tilespmem:s28], [sflag:$0x7] =	stream.linear.gather [spmem:s26], $0x1400, $0x38;
	[tilespmem:$0x1F600] =	vst v63  }
0x1a3: {  	_ =	swait.ge [sflag:s29], $0x1400  }
0x1a4: {  	[sflag:s29] =	ssyncset.done $0x0  }
0x1a5: {  	s23 =	rddreg [dreg:$0x18];
	[sflag:s29] =	ssyncadd.s32 $0xFFFFEC00  }
0x1a6: {  	[hbm4b:s23+s4] =	stream.linear.scatter [tilespmem:s28], [sflag:$0x7], $0x1400, $0x38;
	[tilespmem:$0x1F600] =	vst v63  }
0x1a7: {  	_ =	swait.ge [sflag:s29], $0x1400  }
0x1a8: {  	s26 =	sld [smem:$0x7FC]  }
0x1a9: {  	[sflag:s29] =	ssyncset.done $0x0  }
0x1aa: {  	[sflag:s29] =	ssyncadd.s32 $0xFFFFEC00  }
0x1ab: {  	[tilespmem:s28], [sflag:$0x7] =	stream.linear.gather [spmem:s26], $0x1400, $0x38;
	[tilespmem:$0x1F600] =	vst v63  }
0x1ac: {  	_ =	swait.ge [sflag:s29], $0x1400  }
0x1ad: {  	[sflag:s29] =	ssyncset.done $0x0  }
0x1ae: {  	s23 =	rddreg [dreg:$0x19];
	[sflag:s29] =	ssyncadd.s32 $0xFFFFEC00  }
0x1af: {  	[hbm4b:s23+s4] =	stream.linear.scatter [tilespmem:s28], [sflag:$0x7], $0x1400, $0x38;
	[tilespmem:$0x1F600] =	vst v63  }
0x1b0: {  	_ =	swait.ge [sflag:s29], $0x1400  }
0x1b1: {  	s26 =	sld [smem:$0x7FD]  }
0x1b2: {  	[sflag:s29] =	ssyncset.done $0x0  }
0x1b3: {  	[sflag:s29] =	ssyncadd.s32 $0xFFFFEC00  }
0x1b4: {  	[tilespmem:s28], [sflag:$0x7] =	stream.linear.gather [spmem:s26], $0x1400, $0x38;
	[tilespmem:$0x1F600] =	vst v63  }
0x1b5: {  	_ =	swait.ge [sflag:s29], $0x1400  }
0x1b6: {  	[sflag:s29] =	ssyncset.done $0x0  }
0x1b7: {  	s23 =	rddreg [dreg:$0x1a];
	[sflag:s29] =	ssyncadd.s32 $0xFFFFEC00  }
0x1b8: {  	[hbm4b:s23+s4] =	stream.linear.scatter [tilespmem:s28], [sflag:$0x7], $0x1400, $0x38;
	[tilespmem:$0x1F600] =	vst v63  }
0x1b9: {  	_ =	swait.ge [sflag:s29], $0x1400  }
0x1ba: {  	s21 =	sadd.s32 $0x1, s21;
	s26 =	rddreg [dreg:$0x1b]  }
0x1bb: {  	p0 =	sne.s32 s21, s26  }
.Ltmp4:
0x1bc: {  	_ = 	snop;
	(pc) =	sbr.rel @p0 .LBB2_1-.Ltmp4, $3  }
0x1bd: {  	_ =	sdelay $0x1  }
0x1be: {  	[sflag:s29] =	ssyncset.done $0x0  }
0x1bf: {  	[sflag:s29] =	ssyncadd.s32 $0xFFFFEC00  }
0x1c0: {  	_ =	sfence.sel $0x180000  }
0x1c1: {  	[bflag:$0x0] =	sbarrier.arrive $0xFFFF  }
0x1c2: {  	_ =	strace $0x9000004A  }
0x1c3: {  	s0 =	stileid.u32;
	[bflag:$0x2] =	sbarrier.arrive $0xFFFF  }
0x1c4: {  	p0 =	sne.s32 s0, $0x0;
	s0 =	rddreg [dreg:$0x3]  }
0x1c5: {  	s0 =	sadd.s32 @!p0 $0x100000, s0  }
0x1c6: {  	[sflag:s0] =	ssyncadd.tile.s32 @!p0 $0x1;
	_ =	shalt  }
.Lfunc_end2:
_tile_overlayer_lowered:
.L_overlay_start_2:
0x1c7: {  	(tag) =	ssettag $0x2  }
0x1c8: {  	s0 =	rddreg [dreg:$0x0];
	s2 =	stileid.u32  }
0x1c9: {  	s1 =	rddreg [dreg:$0x1];
	p0 =	sne.s32 s2, $0x0  }
0x1ca: {  	s3 =	rddreg [dreg:$0x2];
	[bflag:$0x3] =	sbarrier.arrive $0xFFFF;
	s2 =	simm.s32 @!p0 $0x1C07  }
0x1cb: {  	[timem:s3], [sflag:s2] =	dma.local @!p0 [hbm:s0], s1  }
0x1cc: {  	s0 =	simm.s32 @!p0 $0x7  }
0x1cd: {  	_ =	swait.ge @!p0 [sflag:s0], s1  }
0x1ce: {  	s1 =	ssub.s32 @!p0 $0x0, s1;
	[sflag:s0] =	ssyncset.done @!p0 $0x0  }
0x1cf: {  	[sflag:s0] =	ssyncadd.s32 @!p0 s1  }
0x1d0: {  	[bflag:$0x3] =	sbarrier.arrive $0xFFFF  }
0x1d1: {  	_ =	shalt  }

// kernel: kernel.7.cloned.1.call-start
scs
__scs_entry_jumppad:
0x0: {  	(pc) =	sbr.rel $0x88, $3  }
0x1: {  	(tag) =	ssettag $0x0;
	lr =	simm.s32 $0x1  }
0x2: {  	[smem:$0x3F86] =	sst lr;
	_ =	strace $0xD0000000  }
0x3: {  	_ = 	snop  }
0x4: {  	_ = 	snop  }
0x5: {  	_ = 	snop  }
0x6: {  	_ = 	snop  }
0x7: {  	_ = 	snop  }
__scs_overlays_trampoline_lowered:
0x8: {  	[smem:$0x3F95] =	sst s0  }
0x9: {  	[smem:$0x3F96] =	sst s1  }
0xa: {  	[smem:$0x3F97] =	sst s2  }
0xb: {  	[smem:$0x3F98] =	sst s3  }
0xc: {  	[smem:$0x3F99] =	sst s4  }
0xd: {  	[smem:$0x3F9A] =	sst s5  }
0xe: {  	[smem:$0x3F9B] =	sst s6  }
0xf: {  	[smem:$0x3F9C] =	sst s7  }
0x10: {  	[smem:$0x3F9D] =	sst s8  }
0x11: {  	[smem:$0x3F9E] =	sst s9;
	s0 =	simm.s32 @!p0 $0x0  }
0x12: {  	s1 =	sld [smem:$0x3F84];
	s0 =	simm.s32 @p0 $0x1  }
0x13: {  	[smem:$0x3F9F] =	sst s0;
	s0 =	simm.s32 @!p1 $0x0  }
0x14: {  	s2 =	sld [smem:$0x3F83];
	s0 =	simm.s32 @p1 $0x1  }
0x15: {  	[smem:$0x3FA0] =	sst s0;
	s0 =	simm.s32 @!p2 $0x0  }
0x16: {  	s3 =	sld [smem:$0x3FDB];
	s0 =	simm.s32 @p2 $0x1  }
0x17: {  	s4 =	simm.s32 $0x1BF5;
	[smem:$0x3FA2] =	sst s0  }
0x18: {  	s0 =	sld [smem:$0x3F85];
	_ =	swait.ge [sflag:s4], $0x0  }
0x19: {  	s7 =	sld [smem:$0x3F86]  }
0x1a: {  	s8 =	sadd.s32 $0xFFFFE003, lr  }
0x1b: {  	s9 =	sadd.s32 $0xFFFFFEF7, lr;
	s5 =	simm.s32 $0xFFFFFFFF;
	p2 =	slt.u32 s8, $0xFFFFF086  }
0x1c: {  	p1 =	slt.u32 s9, $0xF7A;
	s5 =	simm.s32 @!p2 $0x0  }
0x1d: {  	s5 =	simm.s32 @p1 $0x1;
	p0 =	seq.s32 s7, s2  }
0x1e: {  	s7 =	smul.u32 @!p0 $0xF7A, s2;
	p2 =	seq.s32 @!p0 s5, $0x0  }
0x1f: {  	s9 =	smul.u32 $0xF7A, s1;
	s8 =	simm.s32 @!p0 $0x1BF5;
	p2 =	por !p2, p0  }
0x20: {  	[sflag:s8] =	ssyncset.s32 @!p0 $0xFFFFF086;
	s6 =	sadd.s32 @!p0 s3, s7;
	s7 =	simm.s32 @!p0 $0x108  }
0x21: {  	s3 =	sadd.s32 s3, s9;
	s6 =	sadd.s32 @!p0 $0x88, s6;
	s7 =	simm.s32 @p2 $0x1082  }
0x22: {  	[simem:s7], [sflag:s8] =	dma.local @!p0 [hbm:s6], $0xF7A  }
0x23: {  	s9 =	sor.u32 $0xD0000000, s2;
	s6 =	simm.s32 $0x108;
	_ =	swait.ge @!p0 [sflag:s8], $0x0  }
0x24: {  	s3 =	sadd.s32 $0x88, s3;
	s6 =	simm.s32 @!p1 $0x1082;
	[sflag:s4] =	ssyncset.s32 $0xFFFFF086  }
0x25: {  	[simem:s6], [sflag:s4] =	dma.local [hbm:s3], $0xF7A  }
0x26: {  	[smem:$0x3F86] =	sst s1;
	(tag) =	ssettag s2;
	_ =	strace s9  }
0x27: {  	s1 =	sld [smem:$0x3F96]  }
0x28: {  	s2 =	sld [smem:$0x3F97]  }
0x29: {  	s4 =	sld [smem:$0x3F99]  }
0x2a: {  	p0 =	seq.s32 s5, $0x0;
	s5 =	sld [smem:$0x3F9A]  }
0x2b: {  	s6 =	sld [smem:$0x3F9B]  }
0x2c: {  	s7 =	sld [smem:$0x3F9C]  }
0x2d: {  	s3 =	simm.s32 $0x108;
	s8 =	sld [smem:$0x3F9D]  }
0x2e: {  	s3 =	simm.s32 @!p0 $0x1082;
	s9 =	sld [smem:$0x3F9E]  }
0x2f: {  	lr =	sadd.s32 s0, s3;
	s0 =	sld [smem:$0x3F95]  }
0x30: {  	s3 =	sld [smem:$0x3F98]  }
0x31: {  	[smem:$0x3FA1] =	sst s10  }
0x32: {  	s10 =	sld [smem:$0x3F9F];
	_ =	sdelay $0x3  }
0x33: {  	p0 =	seq.s32 s10, $0x1;
	s10 =	sld [smem:$0x3FA1];
	_ =	sdelay $0x3  }
0x34: {  	[smem:$0x3FA1] =	sst s10  }
0x35: {  	s10 =	sld [smem:$0x3FA0];
	_ =	sdelay $0x3  }
0x36: {  	p1 =	seq.s32 s10, $0x1;
	s10 =	sld [smem:$0x3FA1];
	_ =	sdelay $0x3  }
0x37: {  	[smem:$0x3FA1] =	sst s10  }
0x38: {  	s10 =	sld [smem:$0x3FA2]  }
0x39: {  	_ = 	snop;
	(pc) =	sbr.ind lr, $3  }
0x3a: {  	_ = 	snop  }
0x3b: {  	_ = 	snop  }
0x3c: {  	p2 =	seq.s32 s10, $0x1;
	s10 =	sld [smem:$0x3FA1]  }
0x3d: {  	_ =	shalt  }
0x3e: {  	_ =	shalt  }
0x3f: {  	_ =	shalt  }
0x40: {  	_ =	shalt  }
0x41: {  	_ =	shalt  }
0x42: {  	_ =	shalt  }
0x43: {  	_ =	shalt  }
0x44: {  	_ =	shalt  }
0x45: {  	_ =	shalt  }
0x46: {  	_ =	shalt  }
0x47: {  	_ =	shalt  }
0x48: {  	_ =	shalt  }
0x49: {  	_ =	shalt  }
0x4a: {  	_ =	shalt  }
0x4b: {  	_ =	shalt  }
0x4c: {  	_ =	shalt  }
0x4d: {  	_ =	shalt  }
0x4e: {  	_ =	shalt  }
0x4f: {  	_ =	shalt  }
0x50: {  	_ =	shalt  }
0x51: {  	_ =	shalt  }
0x52: {  	_ =	shalt  }
0x53: {  	_ =	shalt  }
0x54: {  	_ =	shalt  }
0x55: {  	_ =	shalt  }
0x56: {  	_ =	shalt  }
0x57: {  	_ =	shalt  }
0x58: {  	_ =	shalt  }
0x59: {  	_ =	shalt  }
0x5a: {  	_ =	shalt  }
0x5b: {  	_ =	shalt  }
0x5c: {  	_ =	shalt  }
0x5d: {  	_ =	shalt  }
0x5e: {  	_ =	shalt  }
0x5f: {  	_ =	shalt  }
0x60: {  	_ =	shalt  }
0x61: {  	_ =	shalt  }
0x62: {  	_ =	shalt  }
0x63: {  	_ =	shalt  }
0x64: {  	_ =	shalt  }
0x65: {  	_ =	shalt  }
0x66: {  	_ =	shalt  }
0x67: {  	_ =	shalt  }
0x68: {  	_ =	shalt  }
0x69: {  	_ =	shalt  }
0x6a: {  	_ =	shalt  }
0x6b: {  	_ =	shalt  }
0x6c: {  	_ =	shalt  }
0x6d: {  	_ =	shalt  }
0x6e: {  	_ =	shalt  }
0x6f: {  	_ =	shalt  }
0x70: {  	_ =	shalt  }
0x71: {  	_ =	shalt  }
0x72: {  	_ =	shalt  }
0x73: {  	_ =	shalt  }
0x74: {  	_ =	shalt  }
0x75: {  	_ =	shalt  }
0x76: {  	_ =	shalt  }
0x77: {  	_ =	shalt  }
0x78: {  	_ =	shalt  }
0x79: {  	_ =	shalt  }
0x7a: {  	_ =	shalt  }
0x7b: {  	_ =	shalt  }
0x7c: {  	_ =	shalt  }
0x7d: {  	_ =	shalt  }
0x7e: {  	_ =	shalt  }
0x7f: {  	_ =	shalt  }
0x80: {  	_ =	shalt  }
0x81: {  	_ =	shalt  }
0x82: {  	_ =	shalt  }
0x83: {  	_ =	shalt  }
0x84: {  	_ =	shalt  }
0x85: {  	_ =	shalt  }
0x86: {  	_ =	shalt  }
0x87: {  	_ =	shalt  }
.Lfunc_end0:
.L_simem_size_0:
called_computation_lowered:
.L_overlay_start_0:
0x88: {  	s2 =	sld [smem:$0x3FD9]  }
0x89: {  	s3 =	sld [smem:$0x3FFE];
	_ =	sdelay $0x1  }
0x8a: {  	s1 =	srdreg.scid  }
0x8b: {  	s0 =	sand.u32 $0x1, s1  }
0x8c: {  	s17 =	sshll.u32 s0, $0xA;
	s2 =	sadd.s32 s3, s2  }
0x8d: {  	s2 =	sadd.s32 s2, s17  }
0x8e: {  	[smem:$0x3FAD] =	sst s2  }
0x8f: {  	_ = 	snop  }
0x90: {  	s2 =	sld [smem:$0x3FC9]  }
0x91: {  	s18 =	sld [smem:$0x3FD0];
	(tm) =	ssettm $0x1  }
0x92: {  	s4 =	sld [smem:$0x3FFB];
	_ =	sdelay $0x3  }
0x93: {  	_ =	strace s4  }
0x94: {  	s4 =	sld [smem:$0x3FFC];
	_ =	sdelay $0x3  }
0x95: {  	_ =	strace s4  }
0x96: {  	s4 =	sld [smem:$0x3FFD];
	_ =	sdelay $0x3  }
0x97: {  	_ =	strace s4  }
0x98: {  	_ =	strace $0x8FFFFFFF  }
0x99: {  	s19 =	sld [smem:$0x3FDB];
	_ =	sdelay $0x1  }
0x9a: {  	s5 =	simm.s32 $_scs_section_size  }
0x9b: {  	s6 =	simm.s32 $_size__tile_overlayer_lowered;
	s7 =	simm.s32 $_tile_overlayer_lowered  }
0x9c: {  	s22 =	simm.s32 $0x1BFF;
	s21 =	sshll.u32 s7, $0x1;
	s4 =	sadd.s32 s5, s19  }
0x9d: {  	s8 =	simm.s32 $0x0;
	s20 =	sshll.u32 s6, $0x1;
	s6 =	sadd.s32 s21, s4  }
0x9e: {  	[timem:s8], [sflag:s22] =	dma.local [hbm:s6], s20  }
0x9f: {  	_ =	swait.ge [sflag:s22], s20  }
0xa0: {  	s5 =	ssub.s32 $0x0, s20;
	[sflag:s22] =	ssyncset.done $0x0  }
0xa1: {  	[sflag:s22] =	ssyncadd.s32 s5;
	_ =	sdelay $0x1  }
0xa2: {  	s23 =	simm.s32 $0x1B8B  }
0xa3: {  	_ =	swait.ge [sflag:s23], $0x1  }
0xa4: {  	[sflag:s23] =	ssyncset.done $0x0  }
0xa5: {  	s25 =	simm.s32 $0x1B8E;
	s24 =	sld [smem:$0x3FFE];
	[sflag:s23] =	ssyncadd.s32 $0xFFFFFFFF  }
0xa6: {  	s26 =	simm.s32 $execute0_lowered;
	[smem:$0x3FD2] =	sst s25  }
0xa7: {  	s6 =	sshll.u32 s26, $0x1;
	_ =	strace $0x80000046;
	[dreg:$0x1] =	wrdreg $0xFFFFFFFF  }
0xa8: {  	s28 =	simm.s32 $_size_execute0_lowered;
	s4 =	sadd.s32 s4, s6;
	[dreg:$0x0] =	wrdreg $0x0  }
0xa9: {  	s6 =	sshll.u32 s28, $0x1;
	[dreg:$0x2] =	wrdreg s4  }
0xaa: {  	[dreg:$0x3] =	wrdreg s6  }
0xab: {  	[dreg:$0x4] =	wrdreg $0xC0  }
0xac: {  	_ =	task [dreg:s8], $0x5FFFF  }
0xad: {  	[dreg:$0x1] =	wrdreg $0xFFFFFFFF  }
0xae: {  	[dreg:$0x0] =	wrdreg $0x60  }
0xaf: {  	[dreg:$0x2] =	wrdreg s2  }
0xb0: {  	[dreg:$0x3] =	wrdreg s18  }
0xb1: {  	[dreg:$0x4] =	wrdreg s24  }
0xb2: {  	[dreg:$0x5] =	wrdreg $0xB6000  }
0xb3: {  	[dreg:$0x6] =	wrdreg $0x9  }
0xb4: {  	_ =	task.clear_ibuf [dreg:s8], $0x7FFFF;
	_ =	strace $0x90000046  }
0xb5: {  	s29 =	simm.s32 $0x9;
	_ =	strace $0x80000048  }
0xb6: {  	_ =	swait.ge [sflag:s29], $0x1  }
0xb7: {  	[sflag:s29] =	ssyncadd.s32 $0xFFFFFFFF  }
0xb8: {  	_ =	strace $0x90000048  }
0xb9: {  	_ =	sfence  }
0xba: {  	s30 =	sld [smem:$0x0];
	_ =	sdelay $0x2  }
0xbb: {  	s31 =	sshll.u32 s1, $0xD;
	s1 =	sshrl.u32 s1, $0x2  }
0xbc: {  	s3 =	sand.u32 $0x4000, s31;
	s1 =	sadd.s32 s1, s30  }
0xbd: {  	s0 =	sor.u32 s3, s0;
	s1 =	sshll.u32 s1, $0x11  }
0xbe: {  	s0 =	sor.u32 s1, s0  }
0xbf: {  	s0 =	sadd.s32 $0x8F2B, s0  }
0xc0: {  	[sflag:s0] =	ssyncadd.remote.s32 $0x1  }
0xc1: {  	_ =	sfence.sel $0xFFFF  }
0xc2: {  	[dreg:$0x0] =	wrdreg $0xFFFFFFFF;
	(pc) =	sbr.abs _section_cstart, $3  }
0xc3: {  	[dreg:$0x1] =	wrdreg $0xFFFFFFFF  }
0xc4: {  	_ =	task.clear_ibuf [dreg:s8], $0x2FFFF;
	_ =	strace $0x9FFFFFFF  }
0xc5: {  	(tm) =	ssettm $0x7FFFFFFF  }
tec
execute0_lowered:
.L_overlay_start_1:
0x0: {  	(tag) =	ssettag $0x1  }
0x1: {  	s1 =	rddreg [dreg:$0x0]  }
0x2: {  	s2 =	rddreg [dreg:$0x1]  }
0x3: {  	s3 =	srdreg.scid;
	s11 =	stileid.u32  }
0x4: {  	s0 =	rddreg [dreg:$0x2];
	s3 =	sand.u32 $0x1, s3;
	s8 =	smul.u32 $0x280, s11  }
0x5: {  	s4 =	rddreg [dreg:$0x3];
	s5 =	simm.s32 $0x0;
	s9 =	smul.u32 $0x2800, s3  }
0x6: {  	[smem:$0x7FF] =	sst s5;
	s7 =	sadd.s32 $0x9E5A00, s0;
	s17 =	sshll.u32 s3, $0x4  }
0x7: {  	s10 =	smul.u32 $0x50000, s11;
	s8 =	sadd.s32 s8, s9;
	s9 =	sor.u32 s11, s17  }
0x8: {  	s6 =	sadd.s32 $0x3A00, s0;
	_ =	strace $0x80000047;
	s12 =	smul.u32 $0x2800, s9  }
0x9: {  	s19 =	sshrl.u32 s10, $0x2;
	s8 =	sshll.u32 s8, $0x4;
	s9 =	smul.u32 $0x28000, s9  }
0xa: {  	s0 =	sadd.s32 s8, s0;
	s8 =	sadd.s32 s19, s4;
	s20 =	sshrl.u32 s12, $0x3  }
0xb: {  	s21 =	sor.u32 $0x50, s12;
	s9 =	sadd.s32 s7, s9;
	[dreg:$0x5] =	wrdreg s8  }
0xc: {  	s15 =	sor.u32 $0xA0, s12;
	s11 =	sadd.s32 $0xDC80, s0;
	[dreg:$0xa] =	wrdreg s9  }
0xd: {  	s16 =	sor.u32 $0xF0, s12;
	s12 =	sadd.s32 $0xDF00, s0;
	[dreg:$0xd] =	wrdreg s11  }
0xe: {  	s3 =	ssub.s32 $0x2, s3;
	s14 =	sadd.s32 $0xE400, s0;
	[dreg:$0xe] =	wrdreg s12  }
0xf: {  	s18 =	sshrl.u32 s3, $0x1;
	s17 =	sadd.s32 $0xE680, s0;
	[dreg:$0x10] =	wrdreg s14  }
0x10: {  	s3 =	ssub.s32 s3, s18;
	s18 =	sadd.s32 $0xE900, s0;
	[dreg:$0x11] =	wrdreg s17  }
0x11: {  	s19 =	sadd.s32 $0xEB80, s0;
	[dreg:$0x12] =	wrdreg s18  }
0x12: {  	s13 =	sadd.s32 s2, s20;
	[dreg:$0x13] =	wrdreg s19  }
0x13: {  	s10 =	sadd.s32 s6, s20;
	[dreg:$0x6] =	wrdreg s13  }
0x14: {  	s22 =	sshrl.u32 s21, $0x3;
	s20 =	sadd.s32 $0xEE00, s0;
	[dreg:$0x7] =	wrdreg s10  }
0x15: {  	s24 =	sshll.u32 s21, $0x4;
	s21 =	sadd.s32 $0xF080, s0;
	[dreg:$0x14] =	wrdreg s20  }
0x16: {  	s9 =	smax.u32 s3, $0x1;
	[dreg:$0x15] =	wrdreg s21  }
0x17: {  	s11 =	sadd.s32 $0x5000, s8;
	[dreg:$0x1c] =	wrdreg s9  }
0x18: {  	s12 =	sadd.s32 $0x6400, s8;
	[smem:$0x7F2] =	sst s11  }
0x19: {  	s14 =	sadd.s32 $0x8C00, s8;
	[smem:$0x7F3] =	sst s12  }
0x1a: {  	s17 =	sadd.s32 $0xA000, s8;
	[smem:$0x7F5] =	sst s14  }
0x1b: {  	s18 =	sadd.s32 $0xB400, s8;
	[smem:$0x7F6] =	sst s17  }
0x1c: {  	s19 =	sadd.s32 $0xC800, s8;
	[smem:$0x7F7] =	sst s18  }
0x1d: {  	s23 =	sadd.s32 s2, s22;
	[smem:$0x7F8] =	sst s19  }
0x1e: {  	s25 =	sadd.s32 s6, s22;
	[dreg:$0x8] =	wrdreg s23  }
0x1f: {  	s26 =	sadd.s32 s7, s24;
	[dreg:$0x9] =	wrdreg s25  }
0x20: {  	s10 =	sadd.s32 $0xDA00, s0;
	[dreg:$0xb] =	wrdreg s26  }
0x21: {  	s13 =	sadd.s32 $0xE180, s0;
	[dreg:$0xc] =	wrdreg s10  }
0x22: {  	s28 =	simm.s32 $0xA200;
	s22 =	sadd.s32 $0xF300, s0;
	[dreg:$0xf] =	wrdreg s13  }
0x23: {  	s29 =	simm.s32 $0x7;
	s24 =	sadd.s32 $0xF800, s0;
	[dreg:$0x16] =	wrdreg s22  }
0x24: {  	s30 =	simm.s32 $0x100;
	s20 =	sadd.s32 $0xDC00, s8;
	[dreg:$0x18] =	wrdreg s24  }
0x25: {  	s31 =	simm.s32 $0x80;
	s21 =	sadd.s32 $0xF000, s8;
	[smem:$0x7F9] =	sst s20  }
0x26: {  	s3 =	simm.s32 $0x5200;
	s23 =	sadd.s32 $0xF580, s0;
	[smem:$0x7FA] =	sst s21  }
0x27: {  	s9 =	simm.s32 $0x7A00;
	s25 =	sadd.s32 $0xFA80, s0;
	[dreg:$0x17] =	wrdreg s23  }
0x28: {  	s11 =	simm.s32 $0x50;
	s26 =	sadd.s32 $0xFD00, s0;
	[dreg:$0x19] =	wrdreg s25  }
0x29: {  	s12 =	simm.s32 $0x200;
	s0 =	sadd.s32 $0xFF80, s0;
	[dreg:$0x1a] =	wrdreg s26  }
0x2a: {  	s14 =	simm.s32 $0x3;
	s10 =	sadd.s32 $0x3C00, s8;
	[dreg:$0x1b] =	wrdreg s0  }
0x2b: {  	s17 =	simm.s32 $0x2;
	s13 =	sadd.s32 $0x7800, s8;
	[dreg:$0x1f] =	wrdreg s10  }
0x2c: {  	s18 =	simm.s32 $0x2A00;
	s22 =	sadd.s32 $0x10400, s8;
	[smem:$0x7F4] =	sst s13  }
0x2d: {  	s19 =	simm.s32 $0x6;
	s24 =	sadd.s32 $0x1400, s8;
	[smem:$0x7FB] =	sst s22  }
0x2e: {  	s20 =	simm.s32 $0x4;
	s23 =	sadd.s32 $0x11800, s8;
	[dreg:$0x1d] =	wrdreg s24  }
0x2f: {  	s21 =	simm.s32 $0x0;
	s26 =	sadd.s32 $0x12C00, s8;
	[smem:$0x7FC] =	sst s23  }
0x30: {  	s25 =	sadd.s32 $0x2800, s8;
	s0 =	simm.s32 $0x180;
	[smem:$0x7FD] =	sst s26  }
0x31: {  	v0 =	vimm.f32 $0.0e+00;
	s10 =	simm.s32 $0x1;
	s13 =	simm.s32 $0x5;
	[dreg:$0x1e] =	wrdreg s25  }
.LBB2_1:
0x32: {  	s22 =	simm.s32 $0x0;
	s23 =	simm.s32 $0x200  }
.LBB2_2:
0x33: {  	p0 =	sne.s32 s23, $0x4E00;
	[tilespmem:s22+$0xA270] =	vst v0  }
0x34: {  	[tilespmem:s22+$0xA200] =	vst v0  }
0x35: {  	[tilespmem:s22+$0xA210] =	vst v0  }
.Ltmp0:
0x36: {  	[tilespmem:s22+$0xA220] =	vst v0;
	(pc) =	sbr.rel @p0 .LBB2_2-.Ltmp0, $4  }
0x37: {  	[tilespmem:s22+$0xA230] =	vst v0  }
0x38: {  	[tilespmem:s22+$0xA240] =	vst v0  }
0x39: {  	[tilespmem:s22+$0xA250] =	vst v0  }
0x3a: {  	[tilespmem:s22+$0xA260] =	vst v0;
	s22 =	sshra.s32 s23, $0x2;
	s23 =	sadd.s32 $0x200, s23  }
0x3b: {  	[tilespmem:s22+$0xA270] =	vst v0  }
0x3c: {  	[tilespmem:s22+$0xA200] =	vst v0  }
0x3d: {  	[tilespmem:s22+$0xA210] =	vst v0  }
0x3e: {  	[tilespmem:s22+$0xA220] =	vst v0  }
0x3f: {  	[tilespmem:s22+$0xA230] =	vst v0  }
0x40: {  	[tilespmem:s22+$0xA240] =	vst v0  }
0x41: {  	[tilespmem:s22+$0xA250] =	vst v0  }
0x42: {  	[tilespmem:s22+$0xA260] =	vst v0  }
0x43: {  	[spmem:s8] =	stream.linear.scatter [tilespmem:s28], [sflag:$0x7], $0x1400, $0x38;
	[tilespmem:$0x1F600] =	vst v63  }
0x44: {  	_ =	swait.ge [sflag:s29], $0x1400  }
0x45: {  	[sflag:s29] =	ssyncset.done $0x0  }
0x46: {  	[sflag:s29] =	ssyncadd.s32 $0xFFFFEC00  }
0x47: {  	[spmem:s24] =	stream.linear.scatter [tilespmem:s28], [sflag:$0x7], $0x1400, $0x38;
	[tilespmem:$0x1F600] =	vst v63  }
0x48: {  	_ =	swait.ge [sflag:s29], $0x1400  }
0x49: {  	[sflag:s29] =	ssyncset.done $0x0  }
0x4a: {  	[sflag:s29] =	ssyncadd.s32 $0xFFFFEC00  }
0x4b: {  	[spmem:s25] =	stream.linear.scatter [tilespmem:s28], [sflag:$0x7], $0x1400, $0x38;
	[tilespmem:$0x1F600] =	vst v63  }
0x4c: {  	_ =	swait.ge [sflag:s29], $0x1400  }
0x4d: {  	[sflag:s29] =	ssyncset.done $0x0  }
0x4e: {  	s22 =	rddreg [dreg:$0x1f];
	[sflag:s29] =	ssyncadd.s32 $0xFFFFEC00  }
0x4f: {  	[spmem:s22] =	stream.linear.scatter [tilespmem:s28], [sflag:$0x7], $0x1400, $0x38;
	[tilespmem:$0x1F600] =	vst v63  }
0x50: {  	_ =	swait.ge [sflag:s29], $0x1400  }
0x51: {  	s23 =	sld [smem:$0x7F2]  }
0x52: {  	[sflag:s29] =	ssyncset.done $0x0  }
0x53: {  	[sflag:s29] =	ssyncadd.s32 $0xFFFFEC00  }
0x54: {  	[spmem:s23] =	stream.linear.scatter [tilespmem:s28], [sflag:$0x7], $0x1400, $0x38;
	[tilespmem:$0x1F600] =	vst v63  }
0x55: {  	_ =	swait.ge [sflag:s29], $0x1400  }
0x56: {  	s24 =	sld [smem:$0x7F3]  }
0x57: {  	[sflag:s29] =	ssyncset.done $0x0  }
0x58: {  	[sflag:s29] =	ssyncadd.s32 $0xFFFFEC00  }
0x59: {  	[spmem:s24] =	stream.linear.scatter [tilespmem:s28], [sflag:$0x7], $0x1400, $0x38;
	[tilespmem:$0x1F600] =	vst v63  }
0x5a: {  	_ =	swait.ge [sflag:s29], $0x1400  }
0x5b: {  	s25 =	sld [smem:$0x7F4]  }
0x5c: {  	[sflag:s29] =	ssyncset.done $0x0  }
0x5d: {  	[sflag:s29] =	ssyncadd.s32 $0xFFFFEC00  }
0x5e: {  	[spmem:s25] =	stream.linear.scatter [tilespmem:s28], [sflag:$0x7], $0x1400, $0x38;
	[tilespmem:$0x1F600] =	vst v63  }
0x5f: {  	_ =	swait.ge [sflag:s29], $0x1400  }
0x60: {  	s26 =	sld [smem:$0x7F5]  }
0x61: {  	[sflag:s29] =	ssyncset.done $0x0  }
0x62: {  	[sflag:s29] =	ssyncadd.s32 $0xFFFFEC00  }
0x63: {  	[spmem:s26] =	stream.linear.scatter [tilespmem:s28], [sflag:$0x7], $0x1400, $0x38;
	[tilespmem:$0x1F600] =	vst v63  }
0x64: {  	_ =	swait.ge [sflag:s29], $0x1400  }
0x65: {  	s22 =	sld [smem:$0x7F6]  }
0x66: {  	[sflag:s29] =	ssyncset.done $0x0  }
0x67: {  	[sflag:s29] =	ssyncadd.s32 $0xFFFFEC00  }
0x68: {  	[spmem:s22] =	stream.linear.scatter [tilespmem:s28], [sflag:$0x7], $0x1400, $0x38;
	[tilespmem:$0x1F600] =	vst v63  }
0x69: {  	_ =	swait.ge [sflag:s29], $0x1400  }
0x6a: {  	s23 =	sld [smem:$0x7F7]  }
0x6b: {  	[sflag:s29] =	ssyncset.done $0x0  }
0x6c: {  	[sflag:s29] =	ssyncadd.s32 $0xFFFFEC00  }
0x6d: {  	[spmem:s23] =	stream.linear.scatter [tilespmem:s28], [sflag:$0x7], $0x1400, $0x38;
	[tilespmem:$0x1F600] =	vst v63  }
0x6e: {  	_ =	swait.ge [sflag:s29], $0x1400  }
0x6f: {  	s24 =	sld [smem:$0x7F8]  }
0x70: {  	[sflag:s29] =	ssyncset.done $0x0  }
0x71: {  	[sflag:s29] =	ssyncadd.s32 $0xFFFFEC00  }
0x72: {  	[spmem:s24] =	stream.linear.scatter [tilespmem:s28], [sflag:$0x7], $0x1400, $0x38;
	[tilespmem:$0x1F600] =	vst v63  }
0x73: {  	_ =	swait.ge [sflag:s29], $0x1400  }
0x74: {  	s25 =	sld [smem:$0x7F9]  }
0x75: {  	[sflag:s29] =	ssyncset.done $0x0  }
0x76: {  	[sflag:s29] =	ssyncadd.s32 $0xFFFFEC00  }
0x77: {  	[spmem:s25] =	stream.linear.scatter [tilespmem:s28], [sflag:$0x7], $0x1400, $0x38;
	[tilespmem:$0x1F600] =	vst v63  }
0x78: {  	_ =	swait.ge [sflag:s29], $0x1400  }
0x79: {  	s26 =	sld [smem:$0x7FA]  }
0x7a: {  	[sflag:s29] =	ssyncset.done $0x0  }
0x7b: {  	[sflag:s29] =	ssyncadd.s32 $0xFFFFEC00  }
0x7c: {  	[spmem:s26] =	stream.linear.scatter [tilespmem:s28], [sflag:$0x7], $0x1400, $0x38;
	[tilespmem:$0x1F600] =	vst v63  }
0x7d: {  	_ =	swait.ge [sflag:s29], $0x1400  }
0x7e: {  	s22 =	sld [smem:$0x7FB]  }
0x7f: {  	[sflag:s29] =	ssyncset.done $0x0  }
0x80: {  	[sflag:s29] =	ssyncadd.s32 $0xFFFFEC00  }
0x81: {  	[spmem:s22] =	stream.linear.scatter [tilespmem:s28], [sflag:$0x7], $0x1400, $0x38;
	[tilespmem:$0x1F600] =	vst v63  }
0x82: {  	_ =	swait.ge [sflag:s29], $0x1400  }
0x83: {  	s23 =	sld [smem:$0x7FC]  }
0x84: {  	[sflag:s29] =	ssyncset.done $0x0  }
0x85: {  	[sflag:s29] =	ssyncadd.s32 $0xFFFFEC00  }
0x86: {  	[spmem:s23] =	stream.linear.scatter [tilespmem:s28], [sflag:$0x7], $0x1400, $0x38;
	[tilespmem:$0x1F600] =	vst v63  }
0x87: {  	_ =	swait.ge [sflag:s29], $0x1400  }
0x88: {  	s24 =	sld [smem:$0x7FD]  }
0x89: {  	[sflag:s29] =	ssyncset.done $0x0  }
0x8a: {  	[sflag:s29] =	ssyncadd.s32 $0xFFFFEC00  }
0x8b: {  	[spmem:s24] =	stream.linear.scatter [tilespmem:s28], [sflag:$0x7], $0x1400, $0x38;
	[tilespmem:$0x1F600] =	vst v63  }
0x8c: {  	_ =	swait.ge [sflag:s29], $0x1400  }
0x8d: {  	[sflag:s29] =	ssyncset.done $0x0  }
0x8e: {  	[sflag:s29] =	ssyncadd.s32 $0xFFFFEC00  }
0x8f: {  	[bflag:$0x0] =	sbarrier.arrive $0xFFFF  }
0x90: {  	s22 =	simm.s32 $0x0;
	s25 =	rddreg [dreg:$0x6]  }
0x91: {  	[tilespmem:s22], [sflag:$0x1] =	stream.linear.gather [hbm4b:s25+s22], $0x50, $0x38;
	[tilespmem:$0x1F600] =	vst v63  }
0x92: {  	s26 =	rddreg [dreg:$0x7]  }
0x93: {  	[tilespmem:s30], [sflag:$0x1] =	stream.linear.gather [hbm4b:s26+s22], $0x50, $0x38;
	[tilespmem:$0x1F600] =	vst v63  }
0x94: {  	s23 =	rddreg [dreg:$0x8]  }
0x95: {  	[tilespmem:s31], [sflag:$0x2] =	stream.linear.gather [hbm4b:s23+s22], $0x50, $0x38;
	[tilespmem:$0x1F600] =	vst v63  }
0x96: {  	s24 =	rddreg [dreg:$0x9]  }
0x97: {  	[tilespmem:s0], [sflag:$0x2] =	stream.linear.gather [hbm4b:s24+s22], $0x50, $0x38;
	[tilespmem:$0x1F600] =	vst v63  }
0x98: {  	s25 =	rddreg [dreg:$0xa]  }
0x99: {  	[tilespmem:s3], [sflag:$0x3] =	stream.linear.gather [hbm4b:s25+s22], $0x2800, $0x38;
	[tilespmem:$0x1F600] =	vst v63  }
0x9a: {  	s26 =	rddreg [dreg:$0xb]  }
0x9b: {  	[tilespmem:s9], [sflag:$0x4] =	stream.linear.gather [hbm4b:s26+s22], $0x2800, $0x38;
	[tilespmem:$0x1F600] =	vst v63  }
0x9c: {  	_ =	swait.ge [sflag:s10], $0x50  }
0x9d: {  	[sflag:s10] =	ssyncset.done $0x0  }
0x9e: {  	[sflag:s10] =	ssyncadd.s32 $0xFFFFFFB0  }
0x9f: {  	_ =	swait.ge [sflag:s10], $0x50  }
0xa0: {  	[sflag:s10] =	ssyncset.done $0x0  }
0xa1: {  	[sflag:s10] =	ssyncadd.s32 $0xFFFFFFB0  }
0xa2: {  	[tilespmem:s12], [sflag:$0x5] =	stream.indirect.gather [hbm4b:s1+s11], $0x80, s22, s11, $0xb8;
	[tilespmem:$0x1F600] =	vst v63  }
.LBB2_4:
0xa3: {  	_ =	swait.ge [sflag:s13], $0x2800  }
0xa4: {  	[sflag:s13] =	ssyncset.done $0x0  }
0xa5: {  	[sflag:s13] =	ssyncadd.s32 $0xFFFFD800  }
0xa6: {  	_ =	swait.ge [sflag:s14], $0x2800  }
0xa7: {  	[sflag:s14] =	ssyncset.done $0x0  }
0xa8: {  	[sflag:s14] =	ssyncadd.s32 $0xFFFFD800  }
0xa9: {  	_ =	swait.ge [sflag:s17], $0x50  }
0xaa: {  	[sflag:s17] =	ssyncset.done $0x0  }
0xab: {  	[sflag:s17] =	ssyncadd.s32 $0xFFFFFFB0  }
0xac: {  	_ =	swait.ge [sflag:s17], $0x50  }
0xad: {  	[sflag:s17] =	ssyncset.done $0x0  }
0xae: {  	s24 =	simm.s32 $0x0;
	[sflag:s17] =	ssyncadd.s32 $0xFFFFFFB0  }
0xaf: {  	[tilespmem:s18], [sflag:$0x6] =	stream.indirect.gather [hbm4b:s1+s11], $0x80, s31, s11, $0xb8;
	[tilespmem:$0x1F600] =	vst v63  }
0xb0: {  	v7 =	vld [tilespmem:s24+$0x5200]  }
0xb1: {  	v12 =	vld [tilespmem:s24+$0x5210]  }
0xb2: {  	v6 =	vld [tilespmem:s24+$0x5220]  }
0xb3: {  	v5 =	vld [tilespmem:s24+$0x5230]  }
0xb4: {  	v4 =	vld [tilespmem:s24+$0x5240]  }
0xb5: {  	v3 =	vld [tilespmem:s24+$0x5250]  }
0xb6: {  	v2 =	vld [tilespmem:s24+$0x5260]  }
0xb7: {  	v1 =	vld [tilespmem:s24+$0x5270]  }
0xb8: {  	v13 =	vld [tilespmem:s24+$0x200]  }
0xb9: {  	v14 =	vld [tilespmem:s24+$0x210]  }
0xba: {  	v11 =	vld [tilespmem:s24+$0x220]  }
0xbb: {  	v10 =	vld [tilespmem:s24+$0x230]  }
0xbc: {  	v9 =	vld [tilespmem:s24+$0x240]  }
0xbd: {  	v8 =	vld [tilespmem:s24+$0x250];
	v13 =	vadd.f32 v7, v13  }
0xbe: {  	s23 =	simm.s32 $0x200;
	v12 =	vadd.f32 v12, v14;
	v7 =	vld [tilespmem:s24+$0x260]  }
.LBB2_5:
0xbf: {  	s25 =	sshra.s32 s23, $0x2;
	p0 =	sne.s32 s23, $0x9E00;
	v13 =	vmax.f32 v13, $0.0e+00;
	v6 =	vadd.f32 v6, v11;
	v11 =	vld [tilespmem:s24+$0x270]  }
0xc0: {  	v14 =	vld [tilespmem:s25+$0x5200];
	[tilespmem:s24+$0x200] =	vst v13;
	v12 =	vmax.f32 v12, $0.0e+00;
	v5 =	vadd.f32 v5, v10  }
0xc1: {  	v15 =	vld [tilespmem:s25+$0x5210];
	[tilespmem:s24+$0x210] =	vst v12;
	v10 =	vmax.f32 v6, $0.0e+00;
	v4 =	vadd.f32 v4, v9  }
0xc2: {  	v6 =	vld [tilespmem:s25+$0x5220];
	[tilespmem:s24+$0x220] =	vst v10;
	v9 =	vmax.f32 v5, $0.0e+00;
	v3 =	vadd.f32 v3, v8  }
0xc3: {  	v5 =	vld [tilespmem:s25+$0x5230];
	[tilespmem:s24+$0x230] =	vst v9;
	v8 =	vmax.f32 v4, $0.0e+00;
	v2 =	vadd.f32 v2, v7  }
0xc4: {  	v4 =	vld [tilespmem:s25+$0x5240];
	[tilespmem:s24+$0x240] =	vst v8;
	v7 =	vmax.f32 v3, $0.0e+00;
	v1 =	vadd.f32 v1, v11  }
0xc5: {  	v3 =	vld [tilespmem:s25+$0x5250];
	[tilespmem:s24+$0x250] =	vst v7;
	v7 =	vmax.f32 v2, $0.0e+00  }
0xc6: {  	v2 =	vld [tilespmem:s25+$0x5260];
	[tilespmem:s24+$0x260] =	vst v7;
	v7 =	vmax.f32 v1, $0.0e+00  }
0xc7: {  	v1 =	vld [tilespmem:s25+$0x5270];
	[tilespmem:s24+$0x270] =	vst v7;
	s24 =	smov.u32 s25  }
0xc8: {  	v7 =	vld [tilespmem:s24+$0x200]  }
0xc9: {  	v12 =	vld [tilespmem:s24+$0x210]  }
.Ltmp1:
0xca: {  	v11 =	vld [tilespmem:s24+$0x220];
	(pc) =	sbr.rel @p0 .LBB2_5-.Ltmp1, $4  }
0xcb: {  	v10 =	vld [tilespmem:s24+$0x230]  }
0xcc: {  	v9 =	vld [tilespmem:s24+$0x240]  }
0xcd: {  	v13 =	vadd.f32 v14, v7;
	v8 =	vld [tilespmem:s24+$0x250]  }
0xce: {  	s23 =	sadd.s32 $0x200, s23;
	v12 =	vadd.f32 v15, v12;
	v7 =	vld [tilespmem:s24+$0x260]  }
0xcf: {  	v13 =	vmax.f32 v13, $0.0e+00;
	v6 =	vadd.f32 v6, v11;
	v11 =	vld [tilespmem:s24+$0x270]  }
0xd0: {  	[tilespmem:s24+$0x200] =	vst v13;
	v12 =	vmax.f32 v12, $0.0e+00;
	v5 =	vadd.f32 v5, v10  }
0xd1: {  	[tilespmem:s24+$0x210] =	vst v12;
	v6 =	vmax.f32 v6, $0.0e+00;
	v4 =	vadd.f32 v4, v9  }
0xd2: {  	[tilespmem:s24+$0x220] =	vst v6;
	v5 =	vmax.f32 v5, $0.0e+00;
	v3 =	vadd.f32 v3, v8  }
0xd3: {  	[tilespmem:s24+$0x230] =	vst v5;
	v4 =	vmax.f32 v4, $0.0e+00;
	v2 =	vadd.f32 v2, v7  }
0xd4: {  	[tilespmem:s24+$0x240] =	vst v4;
	v3 =	vmax.f32 v3, $0.0e+00;
	v1 =	vadd.f32 v1, v11  }
0xd5: {  	s23 =	sshll.u32 s22, $0x1;
	[tilespmem:s24+$0x250] =	vst v3;
	v2 =	vmax.f32 v2, $0.0e+00  }
0xd6: {  	s25 =	smin.u32 s23, $0x7D;
	[tilespmem:s24+$0x260] =	vst v2;
	v1 =	vmax.f32 v1, $0.0e+00  }
0xd7: {  	s26 =	smul.u32 $0x50, s25;
	[tilespmem:s24+$0x270] =	vst v1  }
0xd8: {  	[spmem:s4] =	stream.indirect.scatter.add.f32 [tilespmem:s12], [sflag:$0x7], $0x80, s30, s11, $0xb8;
	[tilespmem:$0x1F600] =	vst v63  }
0xd9: {  	s24 =	sadd.s32 s26, s15;
	_ =	swait.ge [sflag:s29], $0x2800  }
0xda: {  	s25 =	sshrl.u32 s24, $0x3;
	[sflag:s29] =	ssyncset.done $0x0  }
0xdb: {  	s8 =	simm.s32 $0x0;
	s26 =	sadd.s32 s2, s25;
	[sflag:s29] =	ssyncadd.s32 $0xFFFFD800  }
0xdc: {  	[tilespmem:s8], [sflag:$0x1] =	stream.linear.gather [hbm4b:s26+s8], $0x50, $0x38;
	[tilespmem:$0x1F600] =	vst v63  }
0xdd: {  	s24 =	sshll.u32 s24, $0x4;
	s25 =	sadd.s32 s6, s25  }
0xde: {  	[tilespmem:s30], [sflag:$0x1] =	stream.linear.gather [hbm4b:s25+s8], $0x50, $0x38;
	[tilespmem:$0x1F600] =	vst v63  }
0xdf: {  	s24 =	sadd.s32 s7, s24  }
0xe0: {  	[tilespmem:s3], [sflag:$0x3] =	stream.linear.gather [hbm4b:s24+s8], $0x2800, $0x38;
	[tilespmem:$0x1F600] =	vst v63  }
0xe1: {  	_ =	swait.ge [sflag:s19], $0x2800  }
0xe2: {  	[sflag:s19] =	ssyncset.done $0x0  }
0xe3: {  	[sflag:s19] =	ssyncadd.s32 $0xFFFFD800  }
0xe4: {  	_ =	swait.ge [sflag:s20], $0x2800  }
0xe5: {  	[sflag:s20] =	ssyncset.done $0x0  }
0xe6: {  	[sflag:s20] =	ssyncadd.s32 $0xFFFFD800  }
0xe7: {  	_ =	swait.ge [sflag:s10], $0x50  }
0xe8: {  	[sflag:s10] =	ssyncset.done $0x0  }
0xe9: {  	[sflag:s10] =	ssyncadd.s32 $0xFFFFFFB0  }
0xea: {  	_ =	swait.ge [sflag:s10], $0x50  }
0xeb: {  	[sflag:s10] =	ssyncset.done $0x0  }
0xec: {  	s24 =	simm.s32 $0x0;
	[sflag:s10] =	ssyncadd.s32 $0xFFFFFFB0  }
0xed: {  	[tilespmem:s12], [sflag:$0x5] =	stream.indirect.gather [hbm4b:s1+s11], $0x80, s8, s11, $0xb8;
	[tilespmem:$0x1F600] =	vst v63  }
0xee: {  	v7 =	vld [tilespmem:s24+$0x7A00]  }
0xef: {  	v12 =	vld [tilespmem:s24+$0x7A10]  }
0xf0: {  	v6 =	vld [tilespmem:s24+$0x7A20]  }
0xf1: {  	v5 =	vld [tilespmem:s24+$0x7A30]  }
0xf2: {  	v4 =	vld [tilespmem:s24+$0x7A40]  }
0xf3: {  	v3 =	vld [tilespmem:s24+$0x7A50]  }
0xf4: {  	v2 =	vld [tilespmem:s24+$0x7A60]  }
0xf5: {  	v1 =	vld [tilespmem:s24+$0x7A70]  }
0xf6: {  	v13 =	vld [tilespmem:s24+$0x2A00]  }
0xf7: {  	v14 =	vld [tilespmem:s24+$0x2A10]  }
0xf8: {  	v11 =	vld [tilespmem:s24+$0x2A20]  }
0xf9: {  	v10 =	vld [tilespmem:s24+$0x2A30]  }
0xfa: {  	v9 =	vld [tilespmem:s24+$0x2A40]  }
0xfb: {  	v8 =	vld [tilespmem:s24+$0x2A50];
	v13 =	vadd.f32 v7, v13  }
0xfc: {  	s25 =	simm.s32 $0x200;
	v12 =	vadd.f32 v12, v14;
	v7 =	vld [tilespmem:s24+$0x2A60]  }
.LBB2_7:
0xfd: {  	s8 =	sshra.s32 s25, $0x2;
	p0 =	sne.s32 s25, $0x9E00;
	v13 =	vmax.f32 v13, $0.0e+00;
	v6 =	vadd.f32 v6, v11;
	v11 =	vld [tilespmem:s24+$0x2A70]  }
0xfe: {  	v14 =	vld [tilespmem:s8+$0x7A00];
	[tilespmem:s24+$0x2A00] =	vst v13;
	v12 =	vmax.f32 v12, $0.0e+00;
	v5 =	vadd.f32 v5, v10  }
0xff: {  	v15 =	vld [tilespmem:s8+$0x7A10];
	[tilespmem:s24+$0x2A10] =	vst v12;
	v10 =	vmax.f32 v6, $0.0e+00;
	v4 =	vadd.f32 v4, v9  }
0x100: {  	v6 =	vld [tilespmem:s8+$0x7A20];
	[tilespmem:s24+$0x2A20] =	vst v10;
	v9 =	vmax.f32 v5, $0.0e+00;
	v3 =	vadd.f32 v3, v8  }
0x101: {  	v5 =	vld [tilespmem:s8+$0x7A30];
	[tilespmem:s24+$0x2A30] =	vst v9;
	v8 =	vmax.f32 v4, $0.0e+00;
	v2 =	vadd.f32 v2, v7  }
0x102: {  	v4 =	vld [tilespmem:s8+$0x7A40];
	[tilespmem:s24+$0x2A40] =	vst v8;
	v7 =	vmax.f32 v3, $0.0e+00;
	v1 =	vadd.f32 v1, v11  }
0x103: {  	v3 =	vld [tilespmem:s8+$0x7A50];
	[tilespmem:s24+$0x2A50] =	vst v7;
	v7 =	vmax.f32 v2, $0.0e+00  }
0x104: {  	v2 =	vld [tilespmem:s8+$0x7A60];
	[tilespmem:s24+$0x2A60] =	vst v7;
	v7 =	vmax.f32 v1, $0.0e+00  }
0x105: {  	v1 =	vld [tilespmem:s8+$0x7A70];
	[tilespmem:s24+$0x2A70] =	vst v7;
	s24 =	smov.u32 s8  }
0x106: {  	v7 =	vld [tilespmem:s24+$0x2A00]  }
0x107: {  	v12 =	vld [tilespmem:s24+$0x2A10]  }
.Ltmp2:
0x108: {  	v11 =	vld [tilespmem:s24+$0x2A20];
	(pc) =	sbr.rel @p0 .LBB2_7-.Ltmp2, $4  }
0x109: {  	v10 =	vld [tilespmem:s24+$0x2A30]  }
0x10a: {  	v9 =	vld [tilespmem:s24+$0x2A40]  }
0x10b: {  	v13 =	vadd.f32 v14, v7;
	v8 =	vld [tilespmem:s24+$0x2A50]  }
0x10c: {  	s25 =	sadd.s32 $0x200, s25;
	v12 =	vadd.f32 v15, v12;
	v7 =	vld [tilespmem:s24+$0x2A60]  }
0x10d: {  	v13 =	vmax.f32 v13, $0.0e+00;
	v6 =	vadd.f32 v6, v11;
	v63 =	vld [tilespmem:s24+$0x2A70]  }
0x10e: {  	[tilespmem:s24+$0x2A00] =	vst v13;
	v12 =	vmax.f32 v12, $0.0e+00;
	v5 =	vadd.f32 v5, v10  }
0x10f: {  	[tilespmem:s24+$0x2A10] =	vst v12;
	v6 =	vmax.f32 v6, $0.0e+00;
	v4 =	vadd.f32 v4, v9  }
0x110: {  	[tilespmem:s24+$0x2A20] =	vst v6;
	v5 =	vmax.f32 v5, $0.0e+00;
	v3 =	vadd.f32 v3, v8  }
0x111: {  	[tilespmem:s24+$0x2A30] =	vst v5;
	v4 =	vmax.f32 v4, $0.0e+00;
	v2 =	vadd.f32 v2, v7  }
0x112: {  	[tilespmem:s24+$0x2A40] =	vst v4;
	v3 =	vmax.f32 v3, $0.0e+00;
	v1 =	vadd.f32 v1, v63  }
0x113: {  	[tilespmem:s24+$0x2A50] =	vst v3;
	v2 =	vmax.f32 v2, $0.0e+00  }
0x114: {  	s8 =	smin.u32 s23, $0x7C;
	[tilespmem:s24+$0x2A60] =	vst v2;
	v1 =	vmax.f32 v1, $0.0e+00  }
0x115: {  	s8 =	smul.u32 $0x50, s8;
	[tilespmem:s24+$0x2A70] =	vst v1  }
0x116: {  	[spmem:s4] =	stream.indirect.scatter.add.f32 [tilespmem:s18], [sflag:$0x7], $0x80, s0, s11, $0xb8;
	[tilespmem:$0x1F600] =	vst v63  }
0x117: {  	s8 =	sadd.s32 s8, s16;
	_ =	swait.ge [sflag:s29], $0x2800  }
0x118: {  	s22 =	sadd.s32 $0x1, s22;
	s25 =	sshrl.u32 s8, $0x3;
	[sflag:s29] =	ssyncset.done $0x0  }
0x119: {  	p0 =	sne.s32 s22, $0x40;
	s26 =	sadd.s32 s2, s25;
	[sflag:s29] =	ssyncadd.s32 $0xFFFFD800  }
0x11a: {  	[tilespmem:s31], [sflag:$0x2] =	stream.linear.gather [hbm4b:s26+s5], $0x50, $0x38;
	[tilespmem:$0x1F600] =	vst v63  }
.Ltmp3:
0x11b: {  	_ = 	snop;
	(pc) =	sbr.rel @p0 .LBB2_4-.Ltmp3, $4  }
0x11c: {  	s8 =	sshll.u32 s8, $0x4;
	s23 =	sadd.s32 s6, s25  }
0x11d: {  	[tilespmem:s0], [sflag:$0x2] =	stream.linear.gather [hbm4b:s23+s5], $0x50, $0x38;
	[tilespmem:$0x1F600] =	vst v63  }
0x11e: {  	s8 =	sadd.s32 s7, s8  }
0x11f: {  	[tilespmem:s9], [sflag:$0x4] =	stream.linear.gather [hbm4b:s8+s5], $0x2800, $0x38;
	[tilespmem:$0x1F600] =	vst v63  }
0x120: {  	_ =	swait.ge [sflag:s13], $0x2800  }
0x121: {  	[sflag:s13] =	ssyncset.done $0x0  }
0x122: {  	[sflag:s13] =	ssyncadd.s32 $0xFFFFD800  }
0x123: {  	_ =	swait.ge [sflag:s17], $0x50  }
0x124: {  	[sflag:s17] =	ssyncset.done $0x0  }
0x125: {  	[sflag:s17] =	ssyncadd.s32 $0xFFFFFFB0  }
0x126: {  	_ =	swait.ge [sflag:s17], $0x50  }
0x127: {  	[sflag:s17] =	ssyncset.done $0x0  }
0x128: {  	[sflag:s17] =	ssyncadd.s32 $0xFFFFFFB0  }
0x129: {  	_ =	swait.ge [sflag:s14], $0x2800  }
0x12a: {  	[sflag:s14] =	ssyncset.done $0x0  }
0x12b: {  	[sflag:s14] =	ssyncadd.s32 $0xFFFFD800  }
0x12c: {  	_ =	swait.ge [sflag:s20], $0x2800  }
0x12d: {  	[sflag:s20] =	ssyncset.done $0x0  }
0x12e: {  	[sflag:s20] =	ssyncadd.s32 $0xFFFFD800  }
0x12f: {  	[bflag:$0x0] =	sbarrier.arrive $0xFFFF  }
0x130: {  	s8 =	rddreg [dreg:$0x5]  }
0x131: {  	[tilespmem:s28], [sflag:$0x7] =	stream.linear.gather [spmem:s8], $0x1400, $0x38;
	[tilespmem:$0x1F600] =	vst v63  }
0x132: {  	_ =	swait.ge [sflag:s29], $0x1400  }
0x133: {  	[sflag:s29] =	ssyncset.done $0x0  }
0x134: {  	s22 =	rddreg [dreg:$0xc];
	[sflag:s29] =	ssyncadd.s32 $0xFFFFEC00  }
0x135: {  	[hbm4b:s22+s5] =	stream.linear.scatter [tilespmem:s28], [sflag:$0x7], $0x1400, $0x38;
	[tilespmem:$0x1F600] =	vst v63  }
0x136: {  	_ =	swait.ge [sflag:s29], $0x1400  }
0x137: {  	[sflag:s29] =	ssyncset.done $0x0  }
0x138: {  	s24 =	rddreg [dreg:$0x1d];
	[sflag:s29] =	ssyncadd.s32 $0xFFFFEC00  }
0x139: {  	[tilespmem:s28], [sflag:$0x7] =	stream.linear.gather [spmem:s24], $0x1400, $0x38;
	[tilespmem:$0x1F600] =	vst v63  }
0x13a: {  	_ =	swait.ge [sflag:s29], $0x1400  }
0x13b: {  	[sflag:s29] =	ssyncset.done $0x0  }
0x13c: {  	s26 =	rddreg [dreg:$0xd];
	[sflag:s29] =	ssyncadd.s32 $0xFFFFEC00  }
0x13d: {  	[hbm4b:s26+s5] =	stream.linear.scatter [tilespmem:s28], [sflag:$0x7], $0x1400, $0x38;
	[tilespmem:$0x1F600] =	vst v63  }
0x13e: {  	_ =	swait.ge [sflag:s29], $0x1400  }
0x13f: {  	[sflag:s29] =	ssyncset.done $0x0  }
0x140: {  	s25 =	rddreg [dreg:$0x1e];
	[sflag:s29] =	ssyncadd.s32 $0xFFFFEC00  }
0x141: {  	[tilespmem:s28], [sflag:$0x7] =	stream.linear.gather [spmem:s25], $0x1400, $0x38;
	[tilespmem:$0x1F600] =	vst v63  }
0x142: {  	_ =	swait.ge [sflag:s29], $0x1400  }
0x143: {  	[sflag:s29] =	ssyncset.done $0x0  }
0x144: {  	s23 =	rddreg [dreg:$0xe];
	[sflag:s29] =	ssyncadd.s32 $0xFFFFEC00  }
0x145: {  	[hbm4b:s23+s5] =	stream.linear.scatter [tilespmem:s28], [sflag:$0x7], $0x1400, $0x38;
	[tilespmem:$0x1F600] =	vst v63  }
0x146: {  	_ =	swait.ge [sflag:s29], $0x1400  }
0x147: {  	[sflag:s29] =	ssyncset.done $0x0  }
0x148: {  	s26 =	rddreg [dreg:$0x1f];
	[sflag:s29] =	ssyncadd.s32 $0xFFFFEC00  }
0x149: {  	[tilespmem:s28], [sflag:$0x7] =	stream.linear.gather [spmem:s26], $0x1400, $0x38;
	[tilespmem:$0x1F600] =	vst v63  }
0x14a: {  	_ =	swait.ge [sflag:s29], $0x1400  }
0x14b: {  	[sflag:s29] =	ssyncset.done $0x0  }
0x14c: {  	s23 =	rddreg [dreg:$0xf];
	[sflag:s29] =	ssyncadd.s32 $0xFFFFEC00  }
0x14d: {  	[hbm4b:s23+s5] =	stream.linear.scatter [tilespmem:s28], [sflag:$0x7], $0x1400, $0x38;
	[tilespmem:$0x1F600] =	vst v63  }
0x14e: {  	_ =	swait.ge [sflag:s29], $0x1400  }
0x14f: {  	s26 =	sld [smem:$0x7F2]  }
0x150: {  	[sflag:s29] =	ssyncset.done $0x0  }
0x151: {  	[sflag:s29] =	ssyncadd.s32 $0xFFFFEC00  }
0x152: {  	[tilespmem:s28], [sflag:$0x7] =	stream.linear.gather [spmem:s26], $0x1400, $0x38;
	[tilespmem:$0x1F600] =	vst v63  }
0x153: {  	_ =	swait.ge [sflag:s29], $0x1400  }
0x154: {  	[sflag:s29] =	ssyncset.done $0x0  }
0x155: {  	s23 =	rddreg [dreg:$0x10];
	[sflag:s29] =	ssyncadd.s32 $0xFFFFEC00  }
0x156: {  	[hbm4b:s23+s5] =	stream.linear.scatter [tilespmem:s28], [sflag:$0x7], $0x1400, $0x38;
	[tilespmem:$0x1F600] =	vst v63  }
0x157: {  	_ =	swait.ge [sflag:s29], $0x1400  }
0x158: {  	s26 =	sld [smem:$0x7F3]  }
0x159: {  	[sflag:s29] =	ssyncset.done $0x0  }
0x15a: {  	[sflag:s29] =	ssyncadd.s32 $0xFFFFEC00  }
0x15b: {  	[tilespmem:s28], [sflag:$0x7] =	stream.linear.gather [spmem:s26], $0x1400, $0x38;
	[tilespmem:$0x1F600] =	vst v63  }
0x15c: {  	_ =	swait.ge [sflag:s29], $0x1400  }
0x15d: {  	[sflag:s29] =	ssyncset.done $0x0  }
0x15e: {  	s23 =	rddreg [dreg:$0x11];
	[sflag:s29] =	ssyncadd.s32 $0xFFFFEC00  }
0x15f: {  	[hbm4b:s23+s5] =	stream.linear.scatter [tilespmem:s28], [sflag:$0x7], $0x1400, $0x38;
	[tilespmem:$0x1F600] =	vst v63  }
0x160: {  	_ =	swait.ge [sflag:s29], $0x1400  }
0x161: {  	s26 =	sld [smem:$0x7F4]  }
0x162: {  	[sflag:s29] =	ssyncset.done $0x0  }
0x163: {  	[sflag:s29] =	ssyncadd.s32 $0xFFFFEC00  }
0x164: {  	[tilespmem:s28], [sflag:$0x7] =	stream.linear.gather [spmem:s26], $0x1400, $0x38;
	[tilespmem:$0x1F600] =	vst v63  }
0x165: {  	_ =	swait.ge [sflag:s29], $0x1400  }
0x166: {  	[sflag:s29] =	ssyncset.done $0x0  }
0x167: {  	s23 =	rddreg [dreg:$0x12];
	[sflag:s29] =	ssyncadd.s32 $0xFFFFEC00  }
0x168: {  	[hbm4b:s23+s5] =	stream.linear.scatter [tilespmem:s28], [sflag:$0x7], $0x1400, $0x38;
	[tilespmem:$0x1F600] =	vst v63  }
0x169: {  	_ =	swait.ge [sflag:s29], $0x1400  }
0x16a: {  	s26 =	sld [smem:$0x7F5]  }
0x16b: {  	[sflag:s29] =	ssyncset.done $0x0  }
0x16c: {  	[sflag:s29] =	ssyncadd.s32 $0xFFFFEC00  }
0x16d: {  	[tilespmem:s28], [sflag:$0x7] =	stream.linear.gather [spmem:s26], $0x1400, $0x38;
	[tilespmem:$0x1F600] =	vst v63  }
0x16e: {  	_ =	swait.ge [sflag:s29], $0x1400  }
0x16f: {  	[sflag:s29] =	ssyncset.done $0x0  }
0x170: {  	s23 =	rddreg [dreg:$0x13];
	[sflag:s29] =	ssyncadd.s32 $0xFFFFEC00  }
0x171: {  	[hbm4b:s23+s5] =	stream.linear.scatter [tilespmem:s28], [sflag:$0x7], $0x1400, $0x38;
	[tilespmem:$0x1F600] =	vst v63  }
0x172: {  	_ =	swait.ge [sflag:s29], $0x1400  }
0x173: {  	s26 =	sld [smem:$0x7F6]  }
0x174: {  	[sflag:s29] =	ssyncset.done $0x0  }
0x175: {  	[sflag:s29] =	ssyncadd.s32 $0xFFFFEC00  }
0x176: {  	[tilespmem:s28], [sflag:$0x7] =	stream.linear.gather [spmem:s26], $0x1400, $0x38;
	[tilespmem:$0x1F600] =	vst v63  }
0x177: {  	_ =	swait.ge [sflag:s29], $0x1400  }
0x178: {  	[sflag:s29] =	ssyncset.done $0x0  }
0x179: {  	s23 =	rddreg [dreg:$0x14];
	[sflag:s29] =	ssyncadd.s32 $0xFFFFEC00  }
0x17a: {  	[hbm4b:s23+s5] =	stream.linear.scatter [tilespmem:s28], [sflag:$0x7], $0x1400, $0x38;
	[tilespmem:$0x1F600] =	vst v63  }
0x17b: {  	_ =	swait.ge [sflag:s29], $0x1400  }
0x17c: {  	s26 =	sld [smem:$0x7F7]  }
0x17d: {  	[sflag:s29] =	ssyncset.done $0x0  }
0x17e: {  	[sflag:s29] =	ssyncadd.s32 $0xFFFFEC00  }
0x17f: {  	[tilespmem:s28], [sflag:$0x7] =	stream.linear.gather [spmem:s26], $0x1400, $0x38;
	[tilespmem:$0x1F600] =	vst v63  }
0x180: {  	_ =	swait.ge [sflag:s29], $0x1400  }
0x181: {  	[sflag:s29] =	ssyncset.done $0x0  }
0x182: {  	s23 =	rddreg [dreg:$0x15];
	[sflag:s29] =	ssyncadd.s32 $0xFFFFEC00  }
0x183: {  	[hbm4b:s23+s5] =	stream.linear.scatter [tilespmem:s28], [sflag:$0x7], $0x1400, $0x38;
	[tilespmem:$0x1F600] =	vst v63  }
0x184: {  	_ =	swait.ge [sflag:s29], $0x1400  }
0x185: {  	s26 =	sld [smem:$0x7F8]  }
0x186: {  	[sflag:s29] =	ssyncset.done $0x0  }
0x187: {  	[sflag:s29] =	ssyncadd.s32 $0xFFFFEC00  }
0x188: {  	[tilespmem:s28], [sflag:$0x7] =	stream.linear.gather [spmem:s26], $0x1400, $0x38;
	[tilespmem:$0x1F600] =	vst v63  }
0x189: {  	_ =	swait.ge [sflag:s29], $0x1400  }
0x18a: {  	[sflag:s29] =	ssyncset.done $0x0  }
0x18b: {  	s23 =	rddreg [dreg:$0x16];
	[sflag:s29] =	ssyncadd.s32 $0xFFFFEC00  }
0x18c: {  	[hbm4b:s23+s5] =	stream.linear.scatter [tilespmem:s28], [sflag:$0x7], $0x1400, $0x38;
	[tilespmem:$0x1F600] =	vst v63  }
0x18d: {  	_ =	swait.ge [sflag:s29], $0x1400  }
0x18e: {  	s26 =	sld [smem:$0x7F9]  }
0x18f: {  	[sflag:s29] =	ssyncset.done $0x0  }
0x190: {  	[sflag:s29] =	ssyncadd.s32 $0xFFFFEC00  }
0x191: {  	[tilespmem:s28], [sflag:$0x7] =	stream.linear.gather [spmem:s26], $0x1400, $0x38;
	[tilespmem:$0x1F600] =	vst v63  }
0x192: {  	_ =	swait.ge [sflag:s29], $0x1400  }
0x193: {  	[sflag:s29] =	ssyncset.done $0x0  }
0x194: {  	s23 =	rddreg [dreg:$0x17];
	[sflag:s29] =	ssyncadd.s32 $0xFFFFEC00  }
0x195: {  	[hbm4b:s23+s5] =	stream.linear.scatter [tilespmem:s28], [sflag:$0x7], $0x1400, $0x38;
	[tilespmem:$0x1F600] =	vst v63  }
0x196: {  	_ =	swait.ge [sflag:s29], $0x1400  }
0x197: {  	s26 =	sld [smem:$0x7FA]  }
0x198: {  	[sflag:s29] =	ssyncset.done $0x0  }
0x199: {  	[sflag:s29] =	ssyncadd.s32 $0xFFFFEC00  }
0x19a: {  	[tilespmem:s28], [sflag:$0x7] =	stream.linear.gather [spmem:s26], $0x1400, $0x38;
	[tilespmem:$0x1F600] =	vst v63  }
0x19b: {  	_ =	swait.ge [sflag:s29], $0x1400  }
0x19c: {  	[sflag:s29] =	ssyncset.done $0x0  }
0x19d: {  	s23 =	rddreg [dreg:$0x18];
	[sflag:s29] =	ssyncadd.s32 $0xFFFFEC00  }
0x19e: {  	[hbm4b:s23+s5] =	stream.linear.scatter [tilespmem:s28], [sflag:$0x7], $0x1400, $0x38;
	[tilespmem:$0x1F600] =	vst v63  }
0x19f: {  	_ =	swait.ge [sflag:s29], $0x1400  }
0x1a0: {  	s26 =	sld [smem:$0x7FB]  }
0x1a1: {  	[sflag:s29] =	ssyncset.done $0x0  }
0x1a2: {  	[sflag:s29] =	ssyncadd.s32 $0xFFFFEC00  }
0x1a3: {  	[tilespmem:s28], [sflag:$0x7] =	stream.linear.gather [spmem:s26], $0x1400, $0x38;
	[tilespmem:$0x1F600] =	vst v63  }
0x1a4: {  	_ =	swait.ge [sflag:s29], $0x1400  }
0x1a5: {  	[sflag:s29] =	ssyncset.done $0x0  }
0x1a6: {  	s23 =	rddreg [dreg:$0x19];
	[sflag:s29] =	ssyncadd.s32 $0xFFFFEC00  }
0x1a7: {  	[hbm4b:s23+s5] =	stream.linear.scatter [tilespmem:s28], [sflag:$0x7], $0x1400, $0x38;
	[tilespmem:$0x1F600] =	vst v63  }
0x1a8: {  	_ =	swait.ge [sflag:s29], $0x1400  }
0x1a9: {  	s26 =	sld [smem:$0x7FC]  }
0x1aa: {  	[sflag:s29] =	ssyncset.done $0x0  }
0x1ab: {  	[sflag:s29] =	ssyncadd.s32 $0xFFFFEC00  }
0x1ac: {  	[tilespmem:s28], [sflag:$0x7] =	stream.linear.gather [spmem:s26], $0x1400, $0x38;
	[tilespmem:$0x1F600] =	vst v63  }
0x1ad: {  	_ =	swait.ge [sflag:s29], $0x1400  }
0x1ae: {  	[sflag:s29] =	ssyncset.done $0x0  }
0x1af: {  	s23 =	rddreg [dreg:$0x1a];
	[sflag:s29] =	ssyncadd.s32 $0xFFFFEC00  }
0x1b0: {  	[hbm4b:s23+s5] =	stream.linear.scatter [tilespmem:s28], [sflag:$0x7], $0x1400, $0x38;
	[tilespmem:$0x1F600] =	vst v63  }
0x1b1: {  	_ =	swait.ge [sflag:s29], $0x1400  }
0x1b2: {  	s26 =	sld [smem:$0x7FD]  }
0x1b3: {  	[sflag:s29] =	ssyncset.done $0x0  }
0x1b4: {  	[sflag:s29] =	ssyncadd.s32 $0xFFFFEC00  }
0x1b5: {  	[tilespmem:s28], [sflag:$0x7] =	stream.linear.gather [spmem:s26], $0x1400, $0x38;
	[tilespmem:$0x1F600] =	vst v63  }
0x1b6: {  	_ =	swait.ge [sflag:s29], $0x1400  }
0x1b7: {  	[sflag:s29] =	ssyncset.done $0x0  }
0x1b8: {  	s23 =	rddreg [dreg:$0x1b];
	[sflag:s29] =	ssyncadd.s32 $0xFFFFEC00  }
0x1b9: {  	[hbm4b:s23+s5] =	stream.linear.scatter [tilespmem:s28], [sflag:$0x7], $0x1400, $0x38;
	[tilespmem:$0x1F600] =	vst v63  }
0x1ba: {  	_ =	swait.ge [sflag:s29], $0x1400  }
0x1bb: {  	s21 =	sadd.s32 $0x1, s21;
	s26 =	rddreg [dreg:$0x1c]  }
0x1bc: {  	p0 =	sne.s32 s21, s26  }
.Ltmp4:
0x1bd: {  	_ = 	snop;
	(pc) =	sbr.rel @p0 .LBB2_1-.Ltmp4, $3  }
0x1be: {  	_ =	sdelay $0x1  }
0x1bf: {  	[sflag:s29] =	ssyncset.done $0x0  }
0x1c0: {  	[sflag:s29] =	ssyncadd.s32 $0xFFFFEC00  }
0x1c1: {  	_ =	sfence.sel $0x180000  }
0x1c2: {  	[bflag:$0x0] =	sbarrier.arrive $0xFFFF  }
0x1c3: {  	_ =	strace $0x90000047  }
0x1c4: {  	s0 =	stileid.u32;
	[bflag:$0x2] =	sbarrier.arrive $0xFFFF  }
0x1c5: {  	p0 =	sne.s32 s0, $0x0;
	s0 =	rddreg [dreg:$0x4]  }
0x1c6: {  	s0 =	sadd.s32 @!p0 $0x100000, s0  }
0x1c7: {  	[sflag:s0] =	ssyncadd.tile.s32 @!p0 $0x1;
	_ =	shalt  }
.Lfunc_end2:
_tile_overlayer_lowered:
.L_overlay_start_2:
0x1c8: {  	(tag) =	ssettag $0x2  }
0x1c9: {  	s0 =	rddreg [dreg:$0x0];
	s2 =	stileid.u32  }
0x1ca: {  	s1 =	rddreg [dreg:$0x1];
	p0 =	sne.s32 s2, $0x0  }
0x1cb: {  	s3 =	rddreg [dreg:$0x2];
	[bflag:$0x3] =	sbarrier.arrive $0xFFFF;
	s2 =	simm.s32 @!p0 $0x1C07  }
0x1cc: {  	[timem:s3], [sflag:s2] =	dma.local @!p0 [hbm:s0], s1  }
0x1cd: {  	s0 =	simm.s32 @!p0 $0x7  }
0x1ce: {  	_ =	swait.ge @!p0 [sflag:s0], s1  }
0x1cf: {  	s1 =	ssub.s32 @!p0 $0x0, s1;
	[sflag:s0] =	ssyncset.done @!p0 $0x0  }
0x1d0: {  	[sflag:s0] =	ssyncadd.s32 @!p0 s1  }
0x1d1: {  	[bflag:$0x3] =	sbarrier.arrive $0xFFFF  }
0x1d2: {  	_ =	shalt  }

</sc_bundles>
